<compile_context>
chip_gen: v7x
topology: tpu7x:2x2x1
jax: 0.10.2.dev20260603
libtpu: 0.0.44.dev20260713+nightly
codegen_flags: <defaults>
</compile_context>

<pallas_src>
import dataclasses
import functools

import jax
import jax.numpy as jnp
from jax import lax
from jax.experimental import pallas as pl
from jax.experimental.pallas import tpu as pltpu
from jax.experimental.pallas import tpu_sc as plsc

N = 100000
D = 128
H = 64
G = 1024

NW = 32
K = 80
TPW = 40
RPW = TPW * K
NCH = NW * RPW
C = 1
N_PAD = C * NCH
NBUF = 8
SBLK = 3200
GA = 1040
DEN_R = 16


def _score_kernel(x_ref, w1_ref, b1_ref, w2_ref, b2_ref, ex_ref, e_ref):
    x = x_ref[...]
    w2 = w2_ref[...]
    b2 = b2_ref[0, 0]
    m = jnp.sum(jnp.abs(w2)) + jnp.abs(b2)
    h = jnp.tanh(
        jnp.dot(x, w1_ref[...], preferred_element_type=jnp.float32)
        + b1_ref[...]
    )
    s_col = jnp.sum(h * w2, axis=1, keepdims=True) + b2
    ex_ref[...] = x * jnp.exp(s_col - m)
    s_row = lax.dot_general(
        w2, h, (((1,), (1,)), ((), ())),
        preferred_element_type=jnp.float32) + b2
    e_ref[...] = jnp.exp(s_row - m).reshape(1, 1, SBLK)


def _final_kernel(*refs):
    out_ref = refs[-1]
    p_refs = refs[:C]
    d_refs = refs[C:2 * C]
    num = sum(p[0] + p[1] for p in p_refs)[0:G, :]
    den = sum(d[0] + d[1] for d in d_refs)[0:G, :]
    out_ref[...] = jnp.where(den > 0.0, num / den, 0.0)


@functools.lru_cache(maxsize=None)
def _make_scatter_kernel():
    mesh = plsc.VectorSubcoreMesh(core_axis_name="c", subcore_axis_name="s")
    cp = pltpu.CompilerParams()
    if "needs_layout_passes" in pltpu.CompilerParams.__dataclass_fields__:
        cp = dataclasses.replace(cp, needs_layout_passes=False)

    @functools.partial(
        pl.kernel,
        compiler_params=cp,
        out_type=(
            jax.ShapeDtypeStruct((2, GA, D), jnp.float32),
            jax.ShapeDtypeStruct((2, GA, D), jnp.float32),
        ),
        mesh=mesh,
        scratch_types=[
            pltpu.VMEM((NBUF, K, D), jnp.float32),
            pltpu.VMEM((TPW, K), jnp.int32),
            pltpu.VMEM((RPW,), jnp.float32),
            pltpu.VMEM((DEN_R, D), jnp.float32),
            pltpu.VMEM((DEN_R, D), jnp.float32),
            pltpu.VMEM_SHARED((GA, D), jnp.float32),
            pltpu.VMEM_SHARED((DEN_R, D), jnp.float32),
            pltpu.SemaphoreType.DMA,
            pltpu.SemaphoreType.DMA((4,)),
            pltpu.SemaphoreType.DMA((4,)),
        ],
    )
    def scatter(ex_hbm, idx_hbm, e_hbm, zeros_hbm, num_out, den_out,
                buf, idx_v, e_v, den_l, den_m, acc, den_s,
                sem, lsem, ssem):
        cid = lax.axis_index("c")
        sid = lax.axis_index("s")
        wid = cid * 16 + sid

        @pl.when(sid == 0)
        def _():
            pltpu.sync_copy(zeros_hbm, acc)
            pltpu.sync_copy(zeros_hbm.at[pl.ds(0, DEN_R)], den_s)

        pltpu.sync_copy(idx_hbm.at[wid], idx_v)
        pltpu.sync_copy(e_hbm.at[wid], e_v)

        zero16 = jnp.zeros((16,), jnp.float32)
        for r in range(DEN_R):
            for c in range(D // 16):
                den_l[r, pl.ds(c * 16, 16)] = zero16

        plsc.subcore_barrier()

        base = wid * RPW

        def load_copy(t):
            return pltpu.make_async_copy(
                ex_hbm.at[pl.ds(base + t * K, K)], buf.at[t % NBUF],
                lsem.at[t % 4])

        def scat_copy(t):
            return pltpu.make_async_copy(
                buf.at[t % NBUF], acc.at[idx_v.at[t]], ssem.at[t % 4])

        def load_start(t):
            load_copy(t).start()

        def load_wait(t):
            load_copy(t).wait()

        for t in range(4):
            load_start(t)

        @pl.loop(0, TPW // 2)
        def _(pp):
            for t in (2 * pp, 2 * pp + 1):
                load_wait(t)

                @pl.when(pp >= 2)
                def _():
                    scat_copy(t - 4).wait()

                scat_copy(t).start(add=True)

                @pl.when(pp < TPW // 2 - 2)
                def _():
                    load_start(t + 4)

        for q in range(4):
            scat_copy(TPW - 4 + q).wait()

        @pl.loop(0, RPW // 16)
        def _(i):
            e16 = e_v[pl.ds(i * 16, 16)]
            t = i // (K // 16)
            lane = (i % (K // 16)) * 16
            idx16 = idx_v[t, pl.ds(lane, 16)]
            hi = lax.shift_right_logical(idx16, 7)
            lo = lax.bitwise_and(idx16, 127)
            plsc.addupdate_scatter(den_l, [hi, lo], e16)

        rows16 = lax.iota(jnp.int32, 16)
        pltpu.sync_copy(den_l, den_s.at[rows16], add=True)
        plsc.subcore_barrier()

        pltpu.sync_copy(
            acc.at[pl.ds(sid * 64, 64)],
            num_out.at[cid, pl.ds(sid * 64, 64)],
        )

        @pl.when(sid == 0)
        def _():
            pltpu.sync_copy(
                acc.at[pl.ds(1024, GA - 1024)],
                num_out.at[cid, pl.ds(1024, GA - 1024)],
            )

        pltpu.sync_copy(den_s, den_m)

        lanes16 = lax.iota(jnp.int32, 16)

        def bcast_16rows(g0, buf_row0):
            v = den_m[g0 // 128, pl.ds((g0 % 128) // 16 * 16, 16)]
            for r in range(16):
                oh = (lanes16 == r).astype(jnp.float32)
                row = jnp.full((16,), jnp.sum(v * oh), jnp.float32)
                for cc in range(D // 16):
                    buf[0, buf_row0 + r, pl.ds(cc * 16, 16)] = row

        sbase = sid * 64

        @pl.loop(0, 4)
        def _(q):
            bcast_16rows(sbase + q * 16, q * 16)

        pltpu.sync_copy(
            buf.at[0, pl.ds(0, 64)],
            den_out.at[cid, pl.ds(sid * 64, 64)],
        )

        @pl.when(sid == 0)
        def _():
            bcast_16rows(1024, 0)
            pltpu.sync_copy(
                buf.at[0, pl.ds(0, GA - 1024)],
                den_out.at[cid, pl.ds(1024, GA - 1024)],
            )

    return scatter


def kernel(x, batch_idx, W1, b1, W2, b2):
    idx4 = jnp.pad(batch_idx.astype(jnp.int32), (0, N_PAD - N),
                   constant_values=G).reshape(C, NW, TPW, K)
    w2t = W2.reshape(1, H)
    w2b = jnp.tile(W2, (1, D))
    b1r = b1.reshape(1, H)
    b2r = b2.reshape(1, 1)
    zeros = jnp.zeros((GA, D), jnp.float32)

    num_p = []
    den_p = []
    for c in range(C):
        nblk = NCH // SBLK
        ex, e_rows = pl.pallas_call(
            _score_kernel,
            grid=(nblk,),
            in_specs=[
                pl.BlockSpec((SBLK, D), lambda i, c=c: (i + c * nblk, 0)),
                pl.BlockSpec((D, H), lambda i: (0, 0)),
                pl.BlockSpec((1, H), lambda i: (0, 0)),
                pl.BlockSpec((1, H), lambda i: (0, 0)),
                pl.BlockSpec((1, 1), lambda i: (0, 0)),
            ],
            out_specs=[
                pl.BlockSpec((SBLK, D), lambda i: (i, 0)),
                pl.BlockSpec((1, 1, SBLK), lambda i: (i, 0, 0)),
            ],
            out_shape=[
                jax.ShapeDtypeStruct((NCH, D), jnp.float32),
                jax.ShapeDtypeStruct((nblk, 1, SBLK), jnp.float32),
            ],
        )(x, W1, b1r, w2t, b2r)
        e_rows = e_rows.reshape(NW, RPW)
        np_c, dp_c = _make_scatter_kernel()(ex, idx4[c], e_rows, zeros)
        num_p.append(np_c)
        den_p.append(dp_c)

    pooled = pl.pallas_call(
        _final_kernel,
        grid=(1,),
        in_specs=[pl.BlockSpec((2, GA, D), lambda i: (0, 0, 0))] * (2 * C),
        out_specs=pl.BlockSpec((G, D), lambda i: (0, 0)),
        out_shape=jax.ShapeDtypeStruct((G, D), jnp.float32),
    )(*num_p, *den_p)
    return pooled

# --- scband reference (transcript-rebuilt; emitter-appended) ---
"""Pipeline reference for scband-global-attention-pool-7576322310464 (READ-ONLY COPY).

The authoritative reference and input builder live on the scoring server;
editing this copy changes nothing except your own understanding.
"""

import jax, jax.numpy as jnp
import numpy as np

N = 100000
D = 128
H = D // 2
G = 1024

def setup_inputs(seed: int = 0) -> dict:
    key = jax.random.key(seed)
    k1, k2, k3, k4 = jax.random.split(key, 4)
    x = jax.random.normal(k1, (N, D), dtype=jnp.float32)
    batch_idx = jnp.sort(jax.random.randint(k2, (N,), 0, G, dtype=jnp.int64))
    W1 = jax.random.normal(k3, (D, H), dtype=jnp.float32) * (D ** -0.5)
    b1 = jnp.zeros((H,), dtype=jnp.float32)
    W2 = jax.random.normal(k4, (H, 1), dtype=jnp.float32) * (H ** -0.5)
    b2 = jnp.zeros((1,), dtype=jnp.float32)
    return {"x": x, "batch_idx": batch_idx, "W1": W1, "b1": b1, "W2": W2, "b2": b2}

def reference(x, batch_idx, W1, b1, W2, b2):
    # attention_net: Linear(D, D//2) -> Tanh -> Linear(D//2, 1)
    s = jnp.tanh(x @ W1 + b1) @ W2 + b2          # [N, 1]
    s = s[:, 0]                                   # [N]
    # segment softmax over batch_idx
    seg_max = jax.ops.segment_max(s, batch_idx, num_segments=G)
    e = jnp.exp(s - seg_max[batch_idx])
    denom = jax.ops.segment_sum(e, batch_idx, num_segments=G)
    attn_w = e / denom[batch_idx]                 # [N]
    weighted_x = x * attn_w[:, None]              # [N, D]
    pooled = jax.ops.segment_sum(weighted_x, batch_idx, num_segments=G)  # [G, D]
    return pooled

if __name__ == "__main__":
    import jax
    _d = setup_inputs()
    print(jax.jit(kernel)(*tuple(_d.values())))

</pallas_src>

<mosaic_0001>
#map = affine_map<(d0, d1) -> (0, 0)>
#map1 = affine_map<(d0, d1) -> (0, 0, 0)>
module attributes {stable_mosaic.version = 14 : i64} {
  func.func @scatter(%arg0: i32, %arg1: i32, %arg2: memref<102400x128xf32, #tpu.memory_space<hbm>>, %arg3: memref<32x40x80xi32, #tpu.memory_space<hbm>>, %arg4: memref<32x3200xf32, #tpu.memory_space<hbm>>, %arg5: memref<1040x128xf32, #tpu.memory_space<hbm>>, %arg6: memref<2x1040x128xf32, #tpu.memory_space<hbm>>, %arg7: memref<2x1040x128xf32, #tpu.memory_space<hbm>>, %arg8: memref<8x80x128xf32, #tpu.memory_space<vmem>>, %arg9: memref<40x80xi32, #tpu.memory_space<vmem>>, %arg10: memref<3200xf32, #tpu.memory_space<vmem>>, %arg11: memref<16x128xf32, #tpu.memory_space<vmem>>, %arg12: memref<16x128xf32, #tpu.memory_space<vmem>>, %arg13: memref<1040x128xf32, #tpu.memory_space<vmem_shared>>, %arg14: memref<16x128xf32, #tpu.memory_space<vmem_shared>>, %arg15: memref<!tpu.dma_semaphore, #tpu.memory_space<semaphore_mem>>, %arg16: memref<4x!tpu.dma_semaphore, #tpu.memory_space<semaphore_mem>>, %arg17: memref<4x!tpu.dma_semaphore, #tpu.memory_space<semaphore_mem>>) attributes {dimension_semantics = [#tpu.dimension_semantics<core_parallel>, #tpu.dimension_semantics<subcore_parallel>], iteration_bounds = array<i64: 2, 16>, scalar_prefetch = 0 : i64, scratch_operands = 10 : i64, tpu.core_type = #tpu.core_type<sc_vector_subcore>, window_params = [{transform_indices = #map}, {transform_indices = #map1}, {transform_indices = #map}, {transform_indices = #map}, {transform_indices = #map1}, {transform_indices = #map1}]} {
    %mul3A = arith.constant 16 : i32
    %mul3A_0 = arith.muli %arg0, %mul3A : i32
    %add3A = arith.addi %mul3A_0, %arg1 : i32
    %eq3A = arith.constant 0 : i32
    %eq3A_1 = arith.cmpi eq, %arg1, %eq3A : i32
    %convert_element_type3A = arith.extui %eq3A_1 : i1 to i32
    %cond3A = arith.constant 0 : i32
    %cond3A_2 = arith.cmpi ne, %convert_element_type3A, %cond3A : i32
    scf.if %cond3A_2 {
      "tpu.region"() ({
        %run_scoped3A_681 = tpu.sem_alloc : memref<!tpu.dma_semaphore, #tpu.memory_space<semaphore_mem>>
        tpu.enqueue_dma source(%arg5 : memref<1040x128xf32, #tpu.memory_space<hbm>>) target(%arg13 : memref<1040x128xf32, #tpu.memory_space<vmem_shared>>) target_semaphore(%run_scoped3A_681 : memref<!tpu.dma_semaphore, #tpu.memory_space<semaphore_mem>>)
        tpu.wait_dma2 semaphore(%run_scoped3A_681 : memref<!tpu.dma_semaphore, #tpu.memory_space<semaphore_mem>>) src(%arg5 : memref<1040x128xf32, #tpu.memory_space<hbm>>) dst(%arg13 : memref<1040x128xf32, #tpu.memory_space<vmem_shared>>)
        tpu.yield
      }) : () -> ()
      "tpu.region"() ({
        %run_scoped3A_681 = tpu.sem_alloc : memref<!tpu.dma_semaphore, #tpu.memory_space<semaphore_mem>>
        %dma_start3A_682 = arith.constant 0 : i32
        %dma_start3A_683 = arith.constant 0 : i32
        %dma_start3A_684 = tpu.memref_slice %arg5[%dma_start3A_682, %dma_start3A_683] : memref<1040x128xf32, #tpu.memory_space<hbm>> -> memref<16x128xf32, #tpu.memory_space<hbm>>
        tpu.enqueue_dma source(%dma_start3A_684 : memref<16x128xf32, #tpu.memory_space<hbm>>) target(%arg14 : memref<16x128xf32, #tpu.memory_space<vmem_shared>>) target_semaphore(%run_scoped3A_681 : memref<!tpu.dma_semaphore, #tpu.memory_space<semaphore_mem>>)
        %dma_wait3A_685 = arith.constant 0 : i32
        %dma_wait3A_686 = arith.constant 0 : i32
        %dma_wait3A_687 = tpu.memref_slice %arg5[%dma_wait3A_685, %dma_wait3A_686] : memref<1040x128xf32, #tpu.memory_space<hbm>> -> memref<16x128xf32, #tpu.memory_space<hbm>>
        tpu.wait_dma2 semaphore(%run_scoped3A_681 : memref<!tpu.dma_semaphore, #tpu.memory_space<semaphore_mem>>) src(%dma_wait3A_687 : memref<16x128xf32, #tpu.memory_space<hbm>>) dst(%arg14 : memref<16x128xf32, #tpu.memory_space<vmem_shared>>)
        tpu.yield
      }) : () -> ()
    } else {
    }
    "tpu.region"() ({
      %run_scoped3A_681 = tpu.sem_alloc : memref<!tpu.dma_semaphore, #tpu.memory_space<semaphore_mem>>
      %dma_start3A_682 = arith.constant 0 : i32
      %dma_start3A_683 = arith.constant 0 : i32
      %dma_start3A_684 = tpu.memref_slice %arg3[%add3A, %dma_start3A_682, %dma_start3A_683] : memref<32x40x80xi32, #tpu.memory_space<hbm>> -> memref<1x40x80xi32, #tpu.memory_space<hbm>>
      %dma_start3A_685 = tpu.memref_squeeze %dma_start3A_684 : memref<1x40x80xi32, #tpu.memory_space<hbm>> -> memref<40x80xi32, #tpu.memory_space<hbm>>
      %dma_start3A_686 = arith.constant 0 : i32
      %dma_start3A_687 = arith.constant 0 : i32
      %dma_start3A_688 = tpu.memref_slice %arg3[%add3A, %dma_start3A_686, %dma_start3A_687] : memref<32x40x80xi32, #tpu.memory_space<hbm>> -> memref<1x40x80xi32, #tpu.memory_space<hbm>>
      %dma_start3A_689 = tpu.memref_squeeze %dma_start3A_688 : memref<1x40x80xi32, #tpu.memory_space<hbm>> -> memref<40x80xi32, #tpu.memory_space<hbm>>
      tpu.enqueue_dma source(%dma_start3A_689 : memref<40x80xi32, #tpu.memory_space<hbm>>) target(%arg9 : memref<40x80xi32, #tpu.memory_space<vmem>>) target_semaphore(%run_scoped3A_681 : memref<!tpu.dma_semaphore, #tpu.memory_space<semaphore_mem>>)
      %dma_wait3A_690 = arith.constant 0 : i32
      %dma_wait3A_691 = arith.constant 0 : i32
      %dma_wait3A_692 = tpu.memref_slice %arg3[%add3A, %dma_wait3A_690, %dma_wait3A_691] : memref<32x40x80xi32, #tpu.memory_space<hbm>> -> memref<1x40x80xi32, #tpu.memory_space<hbm>>
      %dma_wait3A_693 = tpu.memref_squeeze %dma_wait3A_692 : memref<1x40x80xi32, #tpu.memory_space<hbm>> -> memref<40x80xi32, #tpu.memory_space<hbm>>
      %dma_wait3A_694 = arith.constant 0 : i32
      %dma_wait3A_695 = arith.constant 0 : i32
      %dma_wait3A_696 = tpu.memref_slice %arg3[%add3A, %dma_wait3A_694, %dma_wait3A_695] : memref<32x40x80xi32, #tpu.memory_space<hbm>> -> memref<1x40x80xi32, #tpu.memory_space<hbm>>
      %dma_wait3A_697 = tpu.memref_squeeze %dma_wait3A_696 : memref<1x40x80xi32, #tpu.memory_space<hbm>> -> memref<40x80xi32, #tpu.memory_space<hbm>>
      tpu.wait_dma2 semaphore(%run_scoped3A_681 : memref<!tpu.dma_semaphore, #tpu.memory_space<semaphore_mem>>) src(%dma_wait3A_697 : memref<40x80xi32, #tpu.memory_space<hbm>>) dst(%arg9 : memref<40x80xi32, #tpu.memory_space<vmem>>)
      tpu.yield
    }) : () -> ()
    "tpu.region"() ({
      %run_scoped3A_681 = tpu.sem_alloc : memref<!tpu.dma_semaphore, #tpu.memory_space<semaphore_mem>>
      %dma_start3A_682 = arith.constant 0 : i32
      %dma_start3A_683 = tpu.memref_slice %arg4[%add3A, %dma_start3A_682] : memref<32x3200xf32, #tpu.memory_space<hbm>> -> memref<1x3200xf32, #tpu.memory_space<hbm>>
      %dma_start3A_684 = tpu.memref_squeeze %dma_start3A_683 : memref<1x3200xf32, #tpu.memory_space<hbm>> -> memref<3200xf32, #tpu.memory_space<hbm>>
      %dma_start3A_685 = arith.constant 0 : i32
      %dma_start3A_686 = tpu.memref_slice %arg4[%add3A, %dma_start3A_685] : memref<32x3200xf32, #tpu.memory_space<hbm>> -> memref<1x3200xf32, #tpu.memory_space<hbm>>
      %dma_start3A_687 = tpu.memref_squeeze %dma_start3A_686 : memref<1x3200xf32, #tpu.memory_space<hbm>> -> memref<3200xf32, #tpu.memory_space<hbm>>
      tpu.enqueue_dma source(%dma_start3A_687 : memref<3200xf32, #tpu.memory_space<hbm>>) target(%arg10 : memref<3200xf32, #tpu.memory_space<vmem>>) target_semaphore(%run_scoped3A_681 : memref<!tpu.dma_semaphore, #tpu.memory_space<semaphore_mem>>)
      %dma_wait3A_688 = arith.constant 0 : i32
      %dma_wait3A_689 = tpu.memref_slice %arg4[%add3A, %dma_wait3A_688] : memref<32x3200xf32, #tpu.memory_space<hbm>> -> memref<1x3200xf32, #tpu.memory_space<hbm>>
      %dma_wait3A_690 = tpu.memref_squeeze %dma_wait3A_689 : memref<1x3200xf32, #tpu.memory_space<hbm>> -> memref<3200xf32, #tpu.memory_space<hbm>>
      %dma_wait3A_691 = arith.constant 0 : i32
      %dma_wait3A_692 = tpu.memref_slice %arg4[%add3A, %dma_wait3A_691] : memref<32x3200xf32, #tpu.memory_space<hbm>> -> memref<1x3200xf32, #tpu.memory_space<hbm>>
      %dma_wait3A_693 = tpu.memref_squeeze %dma_wait3A_692 : memref<1x3200xf32, #tpu.memory_space<hbm>> -> memref<3200xf32, #tpu.memory_space<hbm>>
      tpu.wait_dma2 semaphore(%run_scoped3A_681 : memref<!tpu.dma_semaphore, #tpu.memory_space<semaphore_mem>>) src(%dma_wait3A_693 : memref<3200xf32, #tpu.memory_space<hbm>>) dst(%arg10 : memref<3200xf32, #tpu.memory_space<vmem>>)
      tpu.yield
    }) : () -> ()
    %broadcast_in_dim3A = arith.constant 0.000000e+00 : f32
    %broadcast_in_dim3A_3 = vector.broadcast %broadcast_in_dim3A : f32 to vector<16xf32>
    %swap3A = arith.constant 0 : i32
    %swap3A_4 = arith.index_cast %swap3A : i32 to index
    %swap3A_5 = arith.constant 0 : index
    %swap3A_6 = tpu.vector_load %arg11[%swap3A_4, %swap3A_5] {strides = array<i32>} : memref<16x128xf32, #tpu.memory_space<vmem>>, vector<16xf32>,
    tpu.vector_store %arg11[%swap3A_4, %swap3A_5], %broadcast_in_dim3A_3 {strides = array<i32>} : memref<16x128xf32, #tpu.memory_space<vmem>>, vector<16xf32>,
    %swap3A_7 = arith.constant 0 : i32
    %swap3A_8 = arith.index_cast %swap3A_7 : i32 to index
    %swap3A_9 = arith.constant 16 : index
    %swap3A_10 = tpu.vector_load %arg11[%swap3A_8, %swap3A_9] {strides = array<i32>} : memref<16x128xf32, #tpu.memory_space<vmem>>, vector<16xf32>,
    tpu.vector_store %arg11[%swap3A_8, %swap3A_9], %broadcast_in_dim3A_3 {strides = array<i32>} : memref<16x128xf32, #tpu.memory_space<vmem>>, vector<16xf32>,
    %swap3A_11 = arith.constant 0 : i32
    %swap3A_12 = arith.index_cast %swap3A_11 : i32 to index
    %swap3A_13 = arith.constant 32 : index
    %swap3A_14 = tpu.vector_load %arg11[%swap3A_12, %swap3A_13] {strides = array<i32>} : memref<16x128xf32, #tpu.memory_space<vmem>>, vector<16xf32>,
    tpu.vector_store %arg11[%swap3A_12, %swap3A_13], %broadcast_in_dim3A_3 {strides = array<i32>} : memref<16x128xf32, #tpu.memory_space<vmem>>, vector<16xf32>,
    %swap3A_15 = arith.constant 0 : i32
    %swap3A_16 = arith.index_cast %swap3A_15 : i32 to index
    %swap3A_17 = arith.constant 48 : index
    %swap3A_18 = tpu.vector_load %arg11[%swap3A_16, %swap3A_17] {strides = array<i32>} : memref<16x128xf32, #tpu.memory_space<vmem>>, vector<16xf32>,
    tpu.vector_store %arg11[%swap3A_16, %swap3A_17], %broadcast_in_dim3A_3 {strides = array<i32>} : memref<16x128xf32, #tpu.memory_space<vmem>>, vector<16xf32>,
    %swap3A_19 = arith.constant 0 : i32
    %swap3A_20 = arith.index_cast %swap3A_19 : i32 to index
    %swap3A_21 = arith.constant 64 : index
    %swap3A_22 = tpu.vector_load %arg11[%swap3A_20, %swap3A_21] {strides = array<i32>} : memref<16x128xf32, #tpu.memory_space<vmem>>, vector<16xf32>,
    tpu.vector_store %arg11[%swap3A_20, %swap3A_21], %broadcast_in_dim3A_3 {strides = array<i32>} : memref<16x128xf32, #tpu.memory_space<vmem>>, vector<16xf32>,
    %swap3A_23 = arith.constant 0 : i32
    %swap3A_24 = arith.index_cast %swap3A_23 : i32 to index
    %swap3A_25 = arith.constant 80 : index
    %swap3A_26 = tpu.vector_load %arg11[%swap3A_24, %swap3A_25] {strides = array<i32>} : memref<16x128xf32, #tpu.memory_space<vmem>>, vector<16xf32>,
    tpu.vector_store %arg11[%swap3A_24, %swap3A_25], %broadcast_in_dim3A_3 {strides = array<i32>} : memref<16x128xf32, #tpu.memory_space<vmem>>, vector<16xf32>,
    %swap3A_27 = arith.constant 0 : i32
    %swap3A_28 = arith.index_cast %swap3A_27 : i32 to index
    %swap3A_29 = arith.constant 96 : index
    %swap3A_30 = tpu.vector_load %arg11[%swap3A_28, %swap3A_29] {strides = array<i32>} : memref<16x128xf32, #tpu.memory_space<vmem>>, vector<16xf32>,
    tpu.vector_store %arg11[%swap3A_28, %swap3A_29], %broadcast_in_dim3A_3 {strides = array<i32>} : memref<16x128xf32, #tpu.memory_space<vmem>>, vector<16xf32>,
    %swap3A_31 = arith.constant 0 : i32
    %swap3A_32 = arith.index_cast %swap3A_31 : i32 to index
    %swap3A_33 = arith.constant 112 : index
    %swap3A_34 = tpu.vector_load %arg11[%swap3A_32, %swap3A_33] {strides = array<i32>} : memref<16x128xf32, #tpu.memory_space<vmem>>, vector<16xf32>,
    tpu.vector_store %arg11[%swap3A_32, %swap3A_33], %broadcast_in_dim3A_3 {strides = array<i32>} : memref<16x128xf32, #tpu.memory_space<vmem>>, vector<16xf32>,
    %swap3A_35 = arith.constant 1 : i32
    %swap3A_36 = arith.index_cast %swap3A_35 : i32 to index
    %swap3A_37 = arith.constant 0 : index
    %swap3A_38 = tpu.vector_load %arg11[%swap3A_36, %swap3A_37] {strides = array<i32>} : memref<16x128xf32, #tpu.memory_space<vmem>>, vector<16xf32>,
    tpu.vector_store %arg11[%swap3A_36, %swap3A_37], %broadcast_in_dim3A_3 {strides = array<i32>} : memref<16x128xf32, #tpu.memory_space<vmem>>, vector<16xf32>,
    %swap3A_39 = arith.constant 1 : i32
    %swap3A_40 = arith.index_cast %swap3A_39 : i32 to index
    %swap3A_41 = arith.constant 16 : index
    %swap3A_42 = tpu.vector_load %arg11[%swap3A_40, %swap3A_41] {strides = array<i32>} : memref<16x128xf32, #tpu.memory_space<vmem>>, vector<16xf32>,
    tpu.vector_store %arg11[%swap3A_40, %swap3A_41], %broadcast_in_dim3A_3 {strides = array<i32>} : memref<16x128xf32, #tpu.memory_space<vmem>>, vector<16xf32>,
    %swap3A_43 = arith.constant 1 : i32
    %swap3A_44 = arith.index_cast %swap3A_43 : i32 to index
    %swap3A_45 = arith.constant 32 : index
    %swap3A_46 = tpu.vector_load %arg11[%swap3A_44, %swap3A_45] {strides = array<i32>} : memref<16x128xf32, #tpu.memory_space<vmem>>, vector<16xf32>,
    tpu.vector_store %arg11[%swap3A_44, %swap3A_45], %broadcast_in_dim3A_3 {strides = array<i32>} : memref<16x128xf32, #tpu.memory_space<vmem>>, vector<16xf32>,
    %swap3A_47 = arith.constant 1 : i32
    %swap3A_48 = arith.index_cast %swap3A_47 : i32 to index
    %swap3A_49 = arith.constant 48 : index
    %swap3A_50 = tpu.vector_load %arg11[%swap3A_48, %swap3A_49] {strides = array<i32>} : memref<16x128xf32, #tpu.memory_space<vmem>>, vector<16xf32>,
    tpu.vector_store %arg11[%swap3A_48, %swap3A_49], %broadcast_in_dim3A_3 {strides = array<i32>} : memref<16x128xf32, #tpu.memory_space<vmem>>, vector<16xf32>,
    %swap3A_51 = arith.constant 1 : i32
    %swap3A_52 = arith.index_cast %swap3A_51 : i32 to index
    %swap3A_53 = arith.constant 64 : index
    %swap3A_54 = tpu.vector_load %arg11[%swap3A_52, %swap3A_53] {strides = array<i32>} : memref<16x128xf32, #tpu.memory_space<vmem>>, vector<16xf32>,
    tpu.vector_store %arg11[%swap3A_52, %swap3A_53], %broadcast_in_dim3A_3 {strides = array<i32>} : memref<16x128xf32, #tpu.memory_space<vmem>>, vector<16xf32>,
    %swap3A_55 = arith.constant 1 : i32
    %swap3A_56 = arith.index_cast %swap3A_55 : i32 to index
    %swap3A_57 = arith.constant 80 : index
    %swap3A_58 = tpu.vector_load %arg11[%swap3A_56, %swap3A_57] {strides = array<i32>} : memref<16x128xf32, #tpu.memory_space<vmem>>, vector<16xf32>,
    tpu.vector_store %arg11[%swap3A_56, %swap3A_57], %broadcast_in_dim3A_3 {strides = array<i32>} : memref<16x128xf32, #tpu.memory_space<vmem>>, vector<16xf32>,
    %swap3A_59 = arith.constant 1 : i32
    %swap3A_60 = arith.index_cast %swap3A_59 : i32 to index
    %swap3A_61 = arith.constant 96 : index
    %swap3A_62 = tpu.vector_load %arg11[%swap3A_60, %swap3A_61] {strides = array<i32>} : memref<16x128xf32, #tpu.memory_space<vmem>>, vector<16xf32>,
    tpu.vector_store %arg11[%swap3A_60, %swap3A_61], %broadcast_in_dim3A_3 {strides = array<i32>} : memref<16x128xf32, #tpu.memory_space<vmem>>, vector<16xf32>,
    %swap3A_63 = arith.constant 1 : i32
    %swap3A_64 = arith.index_cast %swap3A_63 : i32 to index
    %swap3A_65 = arith.constant 112 : index
    %swap3A_66 = tpu.vector_load %arg11[%swap3A_64, %swap3A_65] {strides = array<i32>} : memref<16x128xf32, #tpu.memory_space<vmem>>, vector<16xf32>,
    tpu.vector_store %arg11[%swap3A_64, %swap3A_65], %broadcast_in_dim3A_3 {strides = array<i32>} : memref<16x128xf32, #tpu.memory_space<vmem>>, vector<16xf32>,
    %swap3A_67 = arith.constant 2 : i32
    %swap3A_68 = arith.index_cast %swap3A_67 : i32 to index
    %swap3A_69 = arith.constant 0 : index
    %swap3A_70 = tpu.vector_load %arg11[%swap3A_68, %swap3A_69] {strides = array<i32>} : memref<16x128xf32, #tpu.memory_space<vmem>>, vector<16xf32>,
    tpu.vector_store %arg11[%swap3A_68, %swap3A_69], %broadcast_in_dim3A_3 {strides = array<i32>} : memref<16x128xf32, #tpu.memory_space<vmem>>, vector<16xf32>,
    %swap3A_71 = arith.constant 2 : i32
    %swap3A_72 = arith.index_cast %swap3A_71 : i32 to index
    %swap3A_73 = arith.constant 16 : index
    %swap3A_74 = tpu.vector_load %arg11[%swap3A_72, %swap3A_73] {strides = array<i32>} : memref<16x128xf32, #tpu.memory_space<vmem>>, vector<16xf32>,
    tpu.vector_store %arg11[%swap3A_72, %swap3A_73], %broadcast_in_dim3A_3 {strides = array<i32>} : memref<16x128xf32, #tpu.memory_space<vmem>>, vector<16xf32>,
    %swap3A_75 = arith.constant 2 : i32
    %swap3A_76 = arith.index_cast %swap3A_75 : i32 to index
    %swap3A_77 = arith.constant 32 : index
    %swap3A_78 = tpu.vector_load %arg11[%swap3A_76, %swap3A_77] {strides = array<i32>} : memref<16x128xf32, #tpu.memory_space<vmem>>, vector<16xf32>,
    tpu.vector_store %arg11[%swap3A_76, %swap3A_77], %broadcast_in_dim3A_3 {strides = array<i32>} : memref<16x128xf32, #tpu.memory_space<vmem>>, vector<16xf32>,
    %swap3A_79 = arith.constant 2 : i32
    %swap3A_80 = arith.index_cast %swap3A_79 : i32 to index
    %swap3A_81 = arith.constant 48 : index
    %swap3A_82 = tpu.vector_load %arg11[%swap3A_80, %swap3A_81] {strides = array<i32>} : memref<16x128xf32, #tpu.memory_space<vmem>>, vector<16xf32>,
    tpu.vector_store %arg11[%swap3A_80, %swap3A_81], %broadcast_in_dim3A_3 {strides = array<i32>} : memref<16x128xf32, #tpu.memory_space<vmem>>, vector<16xf32>,
    %swap3A_83 = arith.constant 2 : i32
    %swap3A_84 = arith.index_cast %swap3A_83 : i32 to index
    %swap3A_85 = arith.constant 64 : index
    %swap3A_86 = tpu.vector_load %arg11[%swap3A_84, %swap3A_85] {strides = array<i32>} : memref<16x128xf32, #tpu.memory_space<vmem>>, vector<16xf32>,
    tpu.vector_store %arg11[%swap3A_84, %swap3A_85], %broadcast_in_dim3A_3 {strides = array<i32>} : memref<16x128xf32, #tpu.memory_space<vmem>>, vector<16xf32>,
    %swap3A_87 = arith.constant 2 : i32
    %swap3A_88 = arith.index_cast %swap3A_87 : i32 to index
    %swap3A_89 = arith.constant 80 : index
    %swap3A_90 = tpu.vector_load %arg11[%swap3A_88, %swap3A_89] {strides = array<i32>} : memref<16x128xf32, #tpu.memory_space<vmem>>, vector<16xf32>,
    tpu.vector_store %arg11[%swap3A_88, %swap3A_89], %broadcast_in_dim3A_3 {strides = array<i32>} : memref<16x128xf32, #tpu.memory_space<vmem>>, vector<16xf32>,
    %swap3A_91 = arith.constant 2 : i32
    %swap3A_92 = arith.index_cast %swap3A_91 : i32 to index
    %swap3A_93 = arith.constant 96 : index
    %swap3A_94 = tpu.vector_load %arg11[%swap3A_92, %swap3A_93] {strides = array<i32>} : memref<16x128xf32, #tpu.memory_space<vmem>>, vector<16xf32>,
    tpu.vector_store %arg11[%swap3A_92, %swap3A_93], %broadcast_in_dim3A_3 {strides = array<i32>} : memref<16x128xf32, #tpu.memory_space<vmem>>, vector<16xf32>,
    %swap3A_95 = arith.constant 2 : i32
    %swap3A_96 = arith.index_cast %swap3A_95 : i32 to index
    %swap3A_97 = arith.constant 112 : index
    %swap3A_98 = tpu.vector_load %arg11[%swap3A_96, %swap3A_97] {strides = array<i32>} : memref<16x128xf32, #tpu.memory_space<vmem>>, vector<16xf32>,
    tpu.vector_store %arg11[%swap3A_96, %swap3A_97], %broadcast_in_dim3A_3 {strides = array<i32>} : memref<16x128xf32, #tpu.memory_space<vmem>>, vector<16xf32>,
    %swap3A_99 = arith.constant 3 : i32
    %swap3A_100 = arith.index_cast %swap3A_99 : i32 to index
    %swap3A_101 = arith.constant 0 : index
    %swap3A_102 = tpu.vector_load %arg11[%swap3A_100, %swap3A_101] {strides = array<i32>} : memref<16x128xf32, #tpu.memory_space<vmem>>, vector<16xf32>,
    tpu.vector_store %arg11[%swap3A_100, %swap3A_101], %broadcast_in_dim3A_3 {strides = array<i32>} : memref<16x128xf32, #tpu.memory_space<vmem>>, vector<16xf32>,
    %swap3A_103 = arith.constant 3 : i32
    %swap3A_104 = arith.index_cast %swap3A_103 : i32 to index
    %swap3A_105 = arith.constant 16 : index
    %swap3A_106 = tpu.vector_load %arg11[%swap3A_104, %swap3A_105] {strides = array<i32>} : memref<16x128xf32, #tpu.memory_space<vmem>>, vector<16xf32>,
    tpu.vector_store %arg11[%swap3A_104, %swap3A_105], %broadcast_in_dim3A_3 {strides = array<i32>} : memref<16x128xf32, #tpu.memory_space<vmem>>, vector<16xf32>,
    %swap3A_107 = arith.constant 3 : i32
    %swap3A_108 = arith.index_cast %swap3A_107 : i32 to index
    %swap3A_109 = arith.constant 32 : index
    %swap3A_110 = tpu.vector_load %arg11[%swap3A_108, %swap3A_109] {strides = array<i32>} : memref<16x128xf32, #tpu.memory_space<vmem>>, vector<16xf32>,
    tpu.vector_store %arg11[%swap3A_108, %swap3A_109], %broadcast_in_dim3A_3 {strides = array<i32>} : memref<16x128xf32, #tpu.memory_space<vmem>>, vector<16xf32>,
    %swap3A_111 = arith.constant 3 : i32
    %swap3A_112 = arith.index_cast %swap3A_111 : i32 to index
    %swap3A_113 = arith.constant 48 : index
    %swap3A_114 = tpu.vector_load %arg11[%swap3A_112, %swap3A_113] {strides = array<i32>} : memref<16x128xf32, #tpu.memory_space<vmem>>, vector<16xf32>,
    tpu.vector_store %arg11[%swap3A_112, %swap3A_113], %broadcast_in_dim3A_3 {strides = array<i32>} : memref<16x128xf32, #tpu.memory_space<vmem>>, vector<16xf32>,
    %swap3A_115 = arith.constant 3 : i32
    %swap3A_116 = arith.index_cast %swap3A_115 : i32 to index
    %swap3A_117 = arith.constant 64 : index
    %swap3A_118 = tpu.vector_load %arg11[%swap3A_116, %swap3A_117] {strides = array<i32>} : memref<16x128xf32, #tpu.memory_space<vmem>>, vector<16xf32>,
    tpu.vector_store %arg11[%swap3A_116, %swap3A_117], %broadcast_in_dim3A_3 {strides = array<i32>} : memref<16x128xf32, #tpu.memory_space<vmem>>, vector<16xf32>,
    %swap3A_119 = arith.constant 3 : i32
    %swap3A_120 = arith.index_cast %swap3A_119 : i32 to index
    %swap3A_121 = arith.constant 80 : index
    %swap3A_122 = tpu.vector_load %arg11[%swap3A_120, %swap3A_121] {strides = array<i32>} : memref<16x128xf32, #tpu.memory_space<vmem>>, vector<16xf32>,
    tpu.vector_store %arg11[%swap3A_120, %swap3A_121], %broadcast_in_dim3A_3 {strides = array<i32>} : memref<16x128xf32, #tpu.memory_space<vmem>>, vector<16xf32>,
    %swap3A_123 = arith.constant 3 : i32
    %swap3A_124 = arith.index_cast %swap3A_123 : i32 to index
    %swap3A_125 = arith.constant 96 : index
    %swap3A_126 = tpu.vector_load %arg11[%swap3A_124, %swap3A_125] {strides = array<i32>} : memref<16x128xf32, #tpu.memory_space<vmem>>, vector<16xf32>,
    tpu.vector_store %arg11[%swap3A_124, %swap3A_125], %broadcast_in_dim3A_3 {strides = array<i32>} : memref<16x128xf32, #tpu.memory_space<vmem>>, vector<16xf32>,
    %swap3A_127 = arith.constant 3 : i32
    %swap3A_128 = arith.index_cast %swap3A_127 : i32 to index
    %swap3A_129 = arith.constant 112 : index
    %swap3A_130 = tpu.vector_load %arg11[%swap3A_128, %swap3A_129] {strides = array<i32>} : memref<16x128xf32, #tpu.memory_space<vmem>>, vector<16xf32>,
    tpu.vector_store %arg11[%swap3A_128, %swap3A_129], %broadcast_in_dim3A_3 {strides = array<i32>} : memref<16x128xf32, #tpu.memory_space<vmem>>, vector<16xf32>,
    %swap3A_131 = arith.constant 4 : i32
    %swap3A_132 = arith.index_cast %swap3A_131 : i32 to index
    %swap3A_133 = arith.constant 0 : index
    %swap3A_134 = tpu.vector_load %arg11[%swap3A_132, %swap3A_133] {strides = array<i32>} : memref<16x128xf32, #tpu.memory_space<vmem>>, vector<16xf32>,
    tpu.vector_store %arg11[%swap3A_132, %swap3A_133], %broadcast_in_dim3A_3 {strides = array<i32>} : memref<16x128xf32, #tpu.memory_space<vmem>>, vector<16xf32>,
    %swap3A_135 = arith.constant 4 : i32
    %swap3A_136 = arith.index_cast %swap3A_135 : i32 to index
    %swap3A_137 = arith.constant 16 : index
    %swap3A_138 = tpu.vector_load %arg11[%swap3A_136, %swap3A_137] {strides = array<i32>} : memref<16x128xf32, #tpu.memory_space<vmem>>, vector<16xf32>,
    tpu.vector_store %arg11[%swap3A_136, %swap3A_137], %broadcast_in_dim3A_3 {strides = array<i32>} : memref<16x128xf32, #tpu.memory_space<vmem>>, vector<16xf32>,
    %swap3A_139 = arith.constant 4 : i32
    %swap3A_140 = arith.index_cast %swap3A_139 : i32 to index
    %swap3A_141 = arith.constant 32 : index
    %swap3A_142 = tpu.vector_load %arg11[%swap3A_140, %swap3A_141] {strides = array<i32>} : memref<16x128xf32, #tpu.memory_space<vmem>>, vector<16xf32>,
    tpu.vector_store %arg11[%swap3A_140, %swap3A_141], %broadcast_in_dim3A_3 {strides = array<i32>} : memref<16x128xf32, #tpu.memory_space<vmem>>, vector<16xf32>,
    %swap3A_143 = arith.constant 4 : i32
    %swap3A_144 = arith.index_cast %swap3A_143 : i32 to index
    %swap3A_145 = arith.constant 48 : index
    %swap3A_146 = tpu.vector_load %arg11[%swap3A_144, %swap3A_145] {strides = array<i32>} : memref<16x128xf32, #tpu.memory_space<vmem>>, vector<16xf32>,
    tpu.vector_store %arg11[%swap3A_144, %swap3A_145], %broadcast_in_dim3A_3 {strides = array<i32>} : memref<16x128xf32, #tpu.memory_space<vmem>>, vector<16xf32>,
    %swap3A_147 = arith.constant 4 : i32
    %swap3A_148 = arith.index_cast %swap3A_147 : i32 to index
    %swap3A_149 = arith.constant 64 : index
    %swap3A_150 = tpu.vector_load %arg11[%swap3A_148, %swap3A_149] {strides = array<i32>} : memref<16x128xf32, #tpu.memory_space<vmem>>, vector<16xf32>,
    tpu.vector_store %arg11[%swap3A_148, %swap3A_149], %broadcast_in_dim3A_3 {strides = array<i32>} : memref<16x128xf32, #tpu.memory_space<vmem>>, vector<16xf32>,
    %swap3A_151 = arith.constant 4 : i32
    %swap3A_152 = arith.index_cast %swap3A_151 : i32 to index
    %swap3A_153 = arith.constant 80 : index
    %swap3A_154 = tpu.vector_load %arg11[%swap3A_152, %swap3A_153] {strides = array<i32>} : memref<16x128xf32, #tpu.memory_space<vmem>>, vector<16xf32>,
    tpu.vector_store %arg11[%swap3A_152, %swap3A_153], %broadcast_in_dim3A_3 {strides = array<i32>} : memref<16x128xf32, #tpu.memory_space<vmem>>, vector<16xf32>,
    %swap3A_155 = arith.constant 4 : i32
    %swap3A_156 = arith.index_cast %swap3A_155 : i32 to index
    %swap3A_157 = arith.constant 96 : index
    %swap3A_158 = tpu.vector_load %arg11[%swap3A_156, %swap3A_157] {strides = array<i32>} : memref<16x128xf32, #tpu.memory_space<vmem>>, vector<16xf32>,
    tpu.vector_store %arg11[%swap3A_156, %swap3A_157], %broadcast_in_dim3A_3 {strides = array<i32>} : memref<16x128xf32, #tpu.memory_space<vmem>>, vector<16xf32>,
    %swap3A_159 = arith.constant 4 : i32
    %swap3A_160 = arith.index_cast %swap3A_159 : i32 to index
    %swap3A_161 = arith.constant 112 : index
    %swap3A_162 = tpu.vector_load %arg11[%swap3A_160, %swap3A_161] {strides = array<i32>} : memref<16x128xf32, #tpu.memory_space<vmem>>, vector<16xf32>,
    tpu.vector_store %arg11[%swap3A_160, %swap3A_161], %broadcast_in_dim3A_3 {strides = array<i32>} : memref<16x128xf32, #tpu.memory_space<vmem>>, vector<16xf32>,
    %swap3A_163 = arith.constant 5 : i32
    %swap3A_164 = arith.index_cast %swap3A_163 : i32 to index
    %swap3A_165 = arith.constant 0 : index
    %swap3A_166 = tpu.vector_load %arg11[%swap3A_164, %swap3A_165] {strides = array<i32>} : memref<16x128xf32, #tpu.memory_space<vmem>>, vector<16xf32>,
    tpu.vector_store %arg11[%swap3A_164, %swap3A_165], %broadcast_in_dim3A_3 {strides = array<i32>} : memref<16x128xf32, #tpu.memory_space<vmem>>, vector<16xf32>,
    %swap3A_167 = arith.constant 5 : i32
    %swap3A_168 = arith.index_cast %swap3A_167 : i32 to index
    %swap3A_169 = arith.constant 16 : index
    %swap3A_170 = tpu.vector_load %arg11[%swap3A_168, %swap3A_169] {strides = array<i32>} : memref<16x128xf32, #tpu.memory_space<vmem>>, vector<16xf32>,
    tpu.vector_store %arg11[%swap3A_168, %swap3A_169], %broadcast_in_dim3A_3 {strides = array<i32>} : memref<16x128xf32, #tpu.memory_space<vmem>>, vector<16xf32>,
    %swap3A_171 = arith.constant 5 : i32
    %swap3A_172 = arith.index_cast %swap3A_171 : i32 to index
    %swap3A_173 = arith.constant 32 : index
    %swap3A_174 = tpu.vector_load %arg11[%swap3A_172, %swap3A_173] {strides = array<i32>} : memref<16x128xf32, #tpu.memory_space<vmem>>, vector<16xf32>,
    tpu.vector_store %arg11[%swap3A_172, %swap3A_173], %broadcast_in_dim3A_3 {strides = array<i32>} : memref<16x128xf32, #tpu.memory_space<vmem>>, vector<16xf32>,
    %swap3A_175 = arith.constant 5 : i32
    %swap3A_176 = arith.index_cast %swap3A_175 : i32 to index
    %swap3A_177 = arith.constant 48 : index
    %swap3A_178 = tpu.vector_load %arg11[%swap3A_176, %swap3A_177] {strides = array<i32>} : memref<16x128xf32, #tpu.memory_space<vmem>>, vector<16xf32>,
    tpu.vector_store %arg11[%swap3A_176, %swap3A_177], %broadcast_in_dim3A_3 {strides = array<i32>} : memref<16x128xf32, #tpu.memory_space<vmem>>, vector<16xf32>,
    %swap3A_179 = arith.constant 5 : i32
    %swap3A_180 = arith.index_cast %swap3A_179 : i32 to index
    %swap3A_181 = arith.constant 64 : index
    %swap3A_182 = tpu.vector_load %arg11[%swap3A_180, %swap3A_181] {strides = array<i32>} : memref<16x128xf32, #tpu.memory_space<vmem>>, vector<16xf32>,
    tpu.vector_store %arg11[%swap3A_180, %swap3A_181], %broadcast_in_dim3A_3 {strides = array<i32>} : memref<16x128xf32, #tpu.memory_space<vmem>>, vector<16xf32>,
    %swap3A_183 = arith.constant 5 : i32
    %swap3A_184 = arith.index_cast %swap3A_183 : i32 to index
    %swap3A_185 = arith.constant 80 : index
    %swap3A_186 = tpu.vector_load %arg11[%swap3A_184, %swap3A_185] {strides = array<i32>} : memref<16x128xf32, #tpu.memory_space<vmem>>, vector<16xf32>,
    tpu.vector_store %arg11[%swap3A_184, %swap3A_185], %broadcast_in_dim3A_3 {strides = array<i32>} : memref<16x128xf32, #tpu.memory_space<vmem>>, vector<16xf32>,
    %swap3A_187 = arith.constant 5 : i32
    %swap3A_188 = arith.index_cast %swap3A_187 : i32 to index
    %swap3A_189 = arith.constant 96 : index
    %swap3A_190 = tpu.vector_load %arg11[%swap3A_188, %swap3A_189] {strides = array<i32>} : memref<16x128xf32, #tpu.memory_space<vmem>>, vector<16xf32>,
    tpu.vector_store %arg11[%swap3A_188, %swap3A_189], %broadcast_in_dim3A_3 {strides = array<i32>} : memref<16x128xf32, #tpu.memory_space<vmem>>, vector<16xf32>,
    %swap3A_191 = arith.constant 5 : i32
    %swap3A_192 = arith.index_cast %swap3A_191 : i32 to index
    %swap3A_193 = arith.constant 112 : index
    %swap3A_194 = tpu.vector_load %arg11[%swap3A_192, %swap3A_193] {strides = array<i32>} : memref<16x128xf32, #tpu.memory_space<vmem>>, vector<16xf32>,
    tpu.vector_store %arg11[%swap3A_192, %swap3A_193], %broadcast_in_dim3A_3 {strides = array<i32>} : memref<16x128xf32, #tpu.memory_space<vmem>>, vector<16xf32>,
    %swap3A_195 = arith.constant 6 : i32
    %swap3A_196 = arith.index_cast %swap3A_195 : i32 to index
    %swap3A_197 = arith.constant 0 : index
    %swap3A_198 = tpu.vector_load %arg11[%swap3A_196, %swap3A_197] {strides = array<i32>} : memref<16x128xf32, #tpu.memory_space<vmem>>, vector<16xf32>,
    tpu.vector_store %arg11[%swap3A_196, %swap3A_197], %broadcast_in_dim3A_3 {strides = array<i32>} : memref<16x128xf32, #tpu.memory_space<vmem>>, vector<16xf32>,
    %swap3A_199 = arith.constant 6 : i32
    %swap3A_200 = arith.index_cast %swap3A_199 : i32 to index
    %swap3A_201 = arith.constant 16 : index
    %swap3A_202 = tpu.vector_load %arg11[%swap3A_200, %swap3A_201] {strides = array<i32>} : memref<16x128xf32, #tpu.memory_space<vmem>>, vector<16xf32>,
    tpu.vector_store %arg11[%swap3A_200, %swap3A_201], %broadcast_in_dim3A_3 {strides = array<i32>} : memref<16x128xf32, #tpu.memory_space<vmem>>, vector<16xf32>,
    %swap3A_203 = arith.constant 6 : i32
    %swap3A_204 = arith.index_cast %swap3A_203 : i32 to index
    %swap3A_205 = arith.constant 32 : index
    %swap3A_206 = tpu.vector_load %arg11[%swap3A_204, %swap3A_205] {strides = array<i32>} : memref<16x128xf32, #tpu.memory_space<vmem>>, vector<16xf32>,
    tpu.vector_store %arg11[%swap3A_204, %swap3A_205], %broadcast_in_dim3A_3 {strides = array<i32>} : memref<16x128xf32, #tpu.memory_space<vmem>>, vector<16xf32>,
    %swap3A_207 = arith.constant 6 : i32
    %swap3A_208 = arith.index_cast %swap3A_207 : i32 to index
    %swap3A_209 = arith.constant 48 : index
    %swap3A_210 = tpu.vector_load %arg11[%swap3A_208, %swap3A_209] {strides = array<i32>} : memref<16x128xf32, #tpu.memory_space<vmem>>, vector<16xf32>,
    tpu.vector_store %arg11[%swap3A_208, %swap3A_209], %broadcast_in_dim3A_3 {strides = array<i32>} : memref<16x128xf32, #tpu.memory_space<vmem>>, vector<16xf32>,
    %swap3A_211 = arith.constant 6 : i32
    %swap3A_212 = arith.index_cast %swap3A_211 : i32 to index
    %swap3A_213 = arith.constant 64 : index
    %swap3A_214 = tpu.vector_load %arg11[%swap3A_212, %swap3A_213] {strides = array<i32>} : memref<16x128xf32, #tpu.memory_space<vmem>>, vector<16xf32>,
    tpu.vector_store %arg11[%swap3A_212, %swap3A_213], %broadcast_in_dim3A_3 {strides = array<i32>} : memref<16x128xf32, #tpu.memory_space<vmem>>, vector<16xf32>,
    %swap3A_215 = arith.constant 6 : i32
    %swap3A_216 = arith.index_cast %swap3A_215 : i32 to index
    %swap3A_217 = arith.constant 80 : index
    %swap3A_218 = tpu.vector_load %arg11[%swap3A_216, %swap3A_217] {strides = array<i32>} : memref<16x128xf32, #tpu.memory_space<vmem>>, vector<16xf32>,
    tpu.vector_store %arg11[%swap3A_216, %swap3A_217], %broadcast_in_dim3A_3 {strides = array<i32>} : memref<16x128xf32, #tpu.memory_space<vmem>>, vector<16xf32>,
    %swap3A_219 = arith.constant 6 : i32
    %swap3A_220 = arith.index_cast %swap3A_219 : i32 to index
    %swap3A_221 = arith.constant 96 : index
    %swap3A_222 = tpu.vector_load %arg11[%swap3A_220, %swap3A_221] {strides = array<i32>} : memref<16x128xf32, #tpu.memory_space<vmem>>, vector<16xf32>,
    tpu.vector_store %arg11[%swap3A_220, %swap3A_221], %broadcast_in_dim3A_3 {strides = array<i32>} : memref<16x128xf32, #tpu.memory_space<vmem>>, vector<16xf32>,
    %swap3A_223 = arith.constant 6 : i32
    %swap3A_224 = arith.index_cast %swap3A_223 : i32 to index
    %swap3A_225 = arith.constant 112 : index
    %swap3A_226 = tpu.vector_load %arg11[%swap3A_224, %swap3A_225] {strides = array<i32>} : memref<16x128xf32, #tpu.memory_space<vmem>>, vector<16xf32>,
    tpu.vector_store %arg11[%swap3A_224, %swap3A_225], %broadcast_in_dim3A_3 {strides = array<i32>} : memref<16x128xf32, #tpu.memory_space<vmem>>, vector<16xf32>,
    %swap3A_227 = arith.constant 7 : i32
    %swap3A_228 = arith.index_cast %swap3A_227 : i32 to index
    %swap3A_229 = arith.constant 0 : index
    %swap3A_230 = tpu.vector_load %arg11[%swap3A_228, %swap3A_229] {strides = array<i32>} : memref<16x128xf32, #tpu.memory_space<vmem>>, vector<16xf32>,
    tpu.vector_store %arg11[%swap3A_228, %swap3A_229], %broadcast_in_dim3A_3 {strides = array<i32>} : memref<16x128xf32, #tpu.memory_space<vmem>>, vector<16xf32>,
    %swap3A_231 = arith.constant 7 : i32
    %swap3A_232 = arith.index_cast %swap3A_231 : i32 to index
    %swap3A_233 = arith.constant 16 : index
    %swap3A_234 = tpu.vector_load %arg11[%swap3A_232, %swap3A_233] {strides = array<i32>} : memref<16x128xf32, #tpu.memory_space<vmem>>, vector<16xf32>,
    tpu.vector_store %arg11[%swap3A_232, %swap3A_233], %broadcast_in_dim3A_3 {strides = array<i32>} : memref<16x128xf32, #tpu.memory_space<vmem>>, vector<16xf32>,
    %swap3A_235 = arith.constant 7 : i32
    %swap3A_236 = arith.index_cast %swap3A_235 : i32 to index
    %swap3A_237 = arith.constant 32 : index
    %swap3A_238 = tpu.vector_load %arg11[%swap3A_236, %swap3A_237] {strides = array<i32>} : memref<16x128xf32, #tpu.memory_space<vmem>>, vector<16xf32>,
    tpu.vector_store %arg11[%swap3A_236, %swap3A_237], %broadcast_in_dim3A_3 {strides = array<i32>} : memref<16x128xf32, #tpu.memory_space<vmem>>, vector<16xf32>,
    %swap3A_239 = arith.constant 7 : i32
    %swap3A_240 = arith.index_cast %swap3A_239 : i32 to index
    %swap3A_241 = arith.constant 48 : index
    %swap3A_242 = tpu.vector_load %arg11[%swap3A_240, %swap3A_241] {strides = array<i32>} : memref<16x128xf32, #tpu.memory_space<vmem>>, vector<16xf32>,
    tpu.vector_store %arg11[%swap3A_240, %swap3A_241], %broadcast_in_dim3A_3 {strides = array<i32>} : memref<16x128xf32, #tpu.memory_space<vmem>>, vector<16xf32>,
    %swap3A_243 = arith.constant 7 : i32
    %swap3A_244 = arith.index_cast %swap3A_243 : i32 to index
    %swap3A_245 = arith.constant 64 : index
    %swap3A_246 = tpu.vector_load %arg11[%swap3A_244, %swap3A_245] {strides = array<i32>} : memref<16x128xf32, #tpu.memory_space<vmem>>, vector<16xf32>,
    tpu.vector_store %arg11[%swap3A_244, %swap3A_245], %broadcast_in_dim3A_3 {strides = array<i32>} : memref<16x128xf32, #tpu.memory_space<vmem>>, vector<16xf32>,
    %swap3A_247 = arith.constant 7 : i32
    %swap3A_248 = arith.index_cast %swap3A_247 : i32 to index
    %swap3A_249 = arith.constant 80 : index
    %swap3A_250 = tpu.vector_load %arg11[%swap3A_248, %swap3A_249] {strides = array<i32>} : memref<16x128xf32, #tpu.memory_space<vmem>>, vector<16xf32>,
    tpu.vector_store %arg11[%swap3A_248, %swap3A_249], %broadcast_in_dim3A_3 {strides = array<i32>} : memref<16x128xf32, #tpu.memory_space<vmem>>, vector<16xf32>,
    %swap3A_251 = arith.constant 7 : i32
    %swap3A_252 = arith.index_cast %swap3A_251 : i32 to index
    %swap3A_253 = arith.constant 96 : index
    %swap3A_254 = tpu.vector_load %arg11[%swap3A_252, %swap3A_253] {strides = array<i32>} : memref<16x128xf32, #tpu.memory_space<vmem>>, vector<16xf32>,
    tpu.vector_store %arg11[%swap3A_252, %swap3A_253], %broadcast_in_dim3A_3 {strides = array<i32>} : memref<16x128xf32, #tpu.memory_space<vmem>>, vector<16xf32>,
    %swap3A_255 = arith.constant 7 : i32
    %swap3A_256 = arith.index_cast %swap3A_255 : i32 to index
    %swap3A_257 = arith.constant 112 : index
    %swap3A_258 = tpu.vector_load %arg11[%swap3A_256, %swap3A_257] {strides = array<i32>} : memref<16x128xf32, #tpu.memory_space<vmem>>, vector<16xf32>,
    tpu.vector_store %arg11[%swap3A_256, %swap3A_257], %broadcast_in_dim3A_3 {strides = array<i32>} : memref<16x128xf32, #tpu.memory_space<vmem>>, vector<16xf32>,
    %swap3A_259 = arith.constant 8 : i32
    %swap3A_260 = arith.index_cast %swap3A_259 : i32 to index
    %swap3A_261 = arith.constant 0 : index
    %swap3A_262 = tpu.vector_load %arg11[%swap3A_260, %swap3A_261] {strides = array<i32>} : memref<16x128xf32, #tpu.memory_space<vmem>>, vector<16xf32>,
    tpu.vector_store %arg11[%swap3A_260, %swap3A_261], %broadcast_in_dim3A_3 {strides = array<i32>} : memref<16x128xf32, #tpu.memory_space<vmem>>, vector<16xf32>,
    %swap3A_263 = arith.constant 8 : i32
    %swap3A_264 = arith.index_cast %swap3A_263 : i32 to index
    %swap3A_265 = arith.constant 16 : index
    %swap3A_266 = tpu.vector_load %arg11[%swap3A_264, %swap3A_265] {strides = array<i32>} : memref<16x128xf32, #tpu.memory_space<vmem>>, vector<16xf32>,
    tpu.vector_store %arg11[%swap3A_264, %swap3A_265], %broadcast_in_dim3A_3 {strides = array<i32>} : memref<16x128xf32, #tpu.memory_space<vmem>>, vector<16xf32>,
    %swap3A_267 = arith.constant 8 : i32
    %swap3A_268 = arith.index_cast %swap3A_267 : i32 to index
    %swap3A_269 = arith.constant 32 : index
    %swap3A_270 = tpu.vector_load %arg11[%swap3A_268, %swap3A_269] {strides = array<i32>} : memref<16x128xf32, #tpu.memory_space<vmem>>, vector<16xf32>,
    tpu.vector_store %arg11[%swap3A_268, %swap3A_269], %broadcast_in_dim3A_3 {strides = array<i32>} : memref<16x128xf32, #tpu.memory_space<vmem>>, vector<16xf32>,
    %swap3A_271 = arith.constant 8 : i32
    %swap3A_272 = arith.index_cast %swap3A_271 : i32 to index
    %swap3A_273 = arith.constant 48 : index
    %swap3A_274 = tpu.vector_load %arg11[%swap3A_272, %swap3A_273] {strides = array<i32>} : memref<16x128xf32, #tpu.memory_space<vmem>>, vector<16xf32>,
    tpu.vector_store %arg11[%swap3A_272, %swap3A_273], %broadcast_in_dim3A_3 {strides = array<i32>} : memref<16x128xf32, #tpu.memory_space<vmem>>, vector<16xf32>,
    %swap3A_275 = arith.constant 8 : i32
    %swap3A_276 = arith.index_cast %swap3A_275 : i32 to index
    %swap3A_277 = arith.constant 64 : index
    %swap3A_278 = tpu.vector_load %arg11[%swap3A_276, %swap3A_277] {strides = array<i32>} : memref<16x128xf32, #tpu.memory_space<vmem>>, vector<16xf32>,
    tpu.vector_store %arg11[%swap3A_276, %swap3A_277], %broadcast_in_dim3A_3 {strides = array<i32>} : memref<16x128xf32, #tpu.memory_space<vmem>>, vector<16xf32>,
    %swap3A_279 = arith.constant 8 : i32
    %swap3A_280 = arith.index_cast %swap3A_279 : i32 to index
    %swap3A_281 = arith.constant 80 : index
    %swap3A_282 = tpu.vector_load %arg11[%swap3A_280, %swap3A_281] {strides = array<i32>} : memref<16x128xf32, #tpu.memory_space<vmem>>, vector<16xf32>,
    tpu.vector_store %arg11[%swap3A_280, %swap3A_281], %broadcast_in_dim3A_3 {strides = array<i32>} : memref<16x128xf32, #tpu.memory_space<vmem>>, vector<16xf32>,
    %swap3A_283 = arith.constant 8 : i32
    %swap3A_284 = arith.index_cast %swap3A_283 : i32 to index
    %swap3A_285 = arith.constant 96 : index
    %swap3A_286 = tpu.vector_load %arg11[%swap3A_284, %swap3A_285] {strides = array<i32>} : memref<16x128xf32, #tpu.memory_space<vmem>>, vector<16xf32>,
    tpu.vector_store %arg11[%swap3A_284, %swap3A_285], %broadcast_in_dim3A_3 {strides = array<i32>} : memref<16x128xf32, #tpu.memory_space<vmem>>, vector<16xf32>,
    %swap3A_287 = arith.constant 8 : i32
    %swap3A_288 = arith.index_cast %swap3A_287 : i32 to index
    %swap3A_289 = arith.constant 112 : index
    %swap3A_290 = tpu.vector_load %arg11[%swap3A_288, %swap3A_289] {strides = array<i32>} : memref<16x128xf32, #tpu.memory_space<vmem>>, vector<16xf32>,
    tpu.vector_store %arg11[%swap3A_288, %swap3A_289], %broadcast_in_dim3A_3 {strides = array<i32>} : memref<16x128xf32, #tpu.memory_space<vmem>>, vector<16xf32>,
    %swap3A_291 = arith.constant 9 : i32
    %swap3A_292 = arith.index_cast %swap3A_291 : i32 to index
    %swap3A_293 = arith.constant 0 : index
    %swap3A_294 = tpu.vector_load %arg11[%swap3A_292, %swap3A_293] {strides = array<i32>} : memref<16x128xf32, #tpu.memory_space<vmem>>, vector<16xf32>,
    tpu.vector_store %arg11[%swap3A_292, %swap3A_293], %broadcast_in_dim3A_3 {strides = array<i32>} : memref<16x128xf32, #tpu.memory_space<vmem>>, vector<16xf32>,
    %swap3A_295 = arith.constant 9 : i32
    %swap3A_296 = arith.index_cast %swap3A_295 : i32 to index
    %swap3A_297 = arith.constant 16 : index
    %swap3A_298 = tpu.vector_load %arg11[%swap3A_296, %swap3A_297] {strides = array<i32>} : memref<16x128xf32, #tpu.memory_space<vmem>>, vector<16xf32>,
    tpu.vector_store %arg11[%swap3A_296, %swap3A_297], %broadcast_in_dim3A_3 {strides = array<i32>} : memref<16x128xf32, #tpu.memory_space<vmem>>, vector<16xf32>,
    %swap3A_299 = arith.constant 9 : i32
    %swap3A_300 = arith.index_cast %swap3A_299 : i32 to index
    %swap3A_301 = arith.constant 32 : index
    %swap3A_302 = tpu.vector_load %arg11[%swap3A_300, %swap3A_301] {strides = array<i32>} : memref<16x128xf32, #tpu.memory_space<vmem>>, vector<16xf32>,
    tpu.vector_store %arg11[%swap3A_300, %swap3A_301], %broadcast_in_dim3A_3 {strides = array<i32>} : memref<16x128xf32, #tpu.memory_space<vmem>>, vector<16xf32>,
    %swap3A_303 = arith.constant 9 : i32
    %swap3A_304 = arith.index_cast %swap3A_303 : i32 to index
    %swap3A_305 = arith.constant 48 : index
    %swap3A_306 = tpu.vector_load %arg11[%swap3A_304, %swap3A_305] {strides = array<i32>} : memref<16x128xf32, #tpu.memory_space<vmem>>, vector<16xf32>,
    tpu.vector_store %arg11[%swap3A_304, %swap3A_305], %broadcast_in_dim3A_3 {strides = array<i32>} : memref<16x128xf32, #tpu.memory_space<vmem>>, vector<16xf32>,
    %swap3A_307 = arith.constant 9 : i32
    %swap3A_308 = arith.index_cast %swap3A_307 : i32 to index
    %swap3A_309 = arith.constant 64 : index
    %swap3A_310 = tpu.vector_load %arg11[%swap3A_308, %swap3A_309] {strides = array<i32>} : memref<16x128xf32, #tpu.memory_space<vmem>>, vector<16xf32>,
    tpu.vector_store %arg11[%swap3A_308, %swap3A_309], %broadcast_in_dim3A_3 {strides = array<i32>} : memref<16x128xf32, #tpu.memory_space<vmem>>, vector<16xf32>,
    %swap3A_311 = arith.constant 9 : i32
    %swap3A_312 = arith.index_cast %swap3A_311 : i32 to index
    %swap3A_313 = arith.constant 80 : index
    %swap3A_314 = tpu.vector_load %arg11[%swap3A_312, %swap3A_313] {strides = array<i32>} : memref<16x128xf32, #tpu.memory_space<vmem>>, vector<16xf32>,
    tpu.vector_store %arg11[%swap3A_312, %swap3A_313], %broadcast_in_dim3A_3 {strides = array<i32>} : memref<16x128xf32, #tpu.memory_space<vmem>>, vector<16xf32>,
    %swap3A_315 = arith.constant 9 : i32
    %swap3A_316 = arith.index_cast %swap3A_315 : i32 to index
    %swap3A_317 = arith.constant 96 : index
    %swap3A_318 = tpu.vector_load %arg11[%swap3A_316, %swap3A_317] {strides = array<i32>} : memref<16x128xf32, #tpu.memory_space<vmem>>, vector<16xf32>,
    tpu.vector_store %arg11[%swap3A_316, %swap3A_317], %broadcast_in_dim3A_3 {strides = array<i32>} : memref<16x128xf32, #tpu.memory_space<vmem>>, vector<16xf32>,
    %swap3A_319 = arith.constant 9 : i32
    %swap3A_320 = arith.index_cast %swap3A_319 : i32 to index
    %swap3A_321 = arith.constant 112 : index
    %swap3A_322 = tpu.vector_load %arg11[%swap3A_320, %swap3A_321] {strides = array<i32>} : memref<16x128xf32, #tpu.memory_space<vmem>>, vector<16xf32>,
    tpu.vector_store %arg11[%swap3A_320, %swap3A_321], %broadcast_in_dim3A_3 {strides = array<i32>} : memref<16x128xf32, #tpu.memory_space<vmem>>, vector<16xf32>,
    %swap3A_323 = arith.constant 10 : i32
    %swap3A_324 = arith.index_cast %swap3A_323 : i32 to index
    %swap3A_325 = arith.constant 0 : index
    %swap3A_326 = tpu.vector_load %arg11[%swap3A_324, %swap3A_325] {strides = array<i32>} : memref<16x128xf32, #tpu.memory_space<vmem>>, vector<16xf32>,
    tpu.vector_store %arg11[%swap3A_324, %swap3A_325], %broadcast_in_dim3A_3 {strides = array<i32>} : memref<16x128xf32, #tpu.memory_space<vmem>>, vector<16xf32>,
    %swap3A_327 = arith.constant 10 : i32
    %swap3A_328 = arith.index_cast %swap3A_327 : i32 to index
    %swap3A_329 = arith.constant 16 : index
    %swap3A_330 = tpu.vector_load %arg11[%swap3A_328, %swap3A_329] {strides = array<i32>} : memref<16x128xf32, #tpu.memory_space<vmem>>, vector<16xf32>,
    tpu.vector_store %arg11[%swap3A_328, %swap3A_329], %broadcast_in_dim3A_3 {strides = array<i32>} : memref<16x128xf32, #tpu.memory_space<vmem>>, vector<16xf32>,
    %swap3A_331 = arith.constant 10 : i32
    %swap3A_332 = arith.index_cast %swap3A_331 : i32 to index
    %swap3A_333 = arith.constant 32 : index
    %swap3A_334 = tpu.vector_load %arg11[%swap3A_332, %swap3A_333] {strides = array<i32>} : memref<16x128xf32, #tpu.memory_space<vmem>>, vector<16xf32>,
    tpu.vector_store %arg11[%swap3A_332, %swap3A_333], %broadcast_in_dim3A_3 {strides = array<i32>} : memref<16x128xf32, #tpu.memory_space<vmem>>, vector<16xf32>,
    %swap3A_335 = arith.constant 10 : i32
    %swap3A_336 = arith.index_cast %swap3A_335 : i32 to index
    %swap3A_337 = arith.constant 48 : index
    %swap3A_338 = tpu.vector_load %arg11[%swap3A_336, %swap3A_337] {strides = array<i32>} : memref<16x128xf32, #tpu.memory_space<vmem>>, vector<16xf32>,
    tpu.vector_store %arg11[%swap3A_336, %swap3A_337], %broadcast_in_dim3A_3 {strides = array<i32>} : memref<16x128xf32, #tpu.memory_space<vmem>>, vector<16xf32>,
    %swap3A_339 = arith.constant 10 : i32
    %swap3A_340 = arith.index_cast %swap3A_339 : i32 to index
    %swap3A_341 = arith.constant 64 : index
    %swap3A_342 = tpu.vector_load %arg11[%swap3A_340, %swap3A_341] {strides = array<i32>} : memref<16x128xf32, #tpu.memory_space<vmem>>, vector<16xf32>,
    tpu.vector_store %arg11[%swap3A_340, %swap3A_341], %broadcast_in_dim3A_3 {strides = array<i32>} : memref<16x128xf32, #tpu.memory_space<vmem>>, vector<16xf32>,
    %swap3A_343 = arith.constant 10 : i32
    %swap3A_344 = arith.index_cast %swap3A_343 : i32 to index
    %swap3A_345 = arith.constant 80 : index
    %swap3A_346 = tpu.vector_load %arg11[%swap3A_344, %swap3A_345] {strides = array<i32>} : memref<16x128xf32, #tpu.memory_space<vmem>>, vector<16xf32>,
    tpu.vector_store %arg11[%swap3A_344, %swap3A_345], %broadcast_in_dim3A_3 {strides = array<i32>} : memref<16x128xf32, #tpu.memory_space<vmem>>, vector<16xf32>,
    %swap3A_347 = arith.constant 10 : i32
    %swap3A_348 = arith.index_cast %swap3A_347 : i32 to index
    %swap3A_349 = arith.constant 96 : index
    %swap3A_350 = tpu.vector_load %arg11[%swap3A_348, %swap3A_349] {strides = array<i32>} : memref<16x128xf32, #tpu.memory_space<vmem>>, vector<16xf32>,
    tpu.vector_store %arg11[%swap3A_348, %swap3A_349], %broadcast_in_dim3A_3 {strides = array<i32>} : memref<16x128xf32, #tpu.memory_space<vmem>>, vector<16xf32>,
    %swap3A_351 = arith.constant 10 : i32
    %swap3A_352 = arith.index_cast %swap3A_351 : i32 to index
    %swap3A_353 = arith.constant 112 : index
    %swap3A_354 = tpu.vector_load %arg11[%swap3A_352, %swap3A_353] {strides = array<i32>} : memref<16x128xf32, #tpu.memory_space<vmem>>, vector<16xf32>,
    tpu.vector_store %arg11[%swap3A_352, %swap3A_353], %broadcast_in_dim3A_3 {strides = array<i32>} : memref<16x128xf32, #tpu.memory_space<vmem>>, vector<16xf32>,
    %swap3A_355 = arith.constant 11 : i32
    %swap3A_356 = arith.index_cast %swap3A_355 : i32 to index
    %swap3A_357 = arith.constant 0 : index
    %swap3A_358 = tpu.vector_load %arg11[%swap3A_356, %swap3A_357] {strides = array<i32>} : memref<16x128xf32, #tpu.memory_space<vmem>>, vector<16xf32>,
    tpu.vector_store %arg11[%swap3A_356, %swap3A_357], %broadcast_in_dim3A_3 {strides = array<i32>} : memref<16x128xf32, #tpu.memory_space<vmem>>, vector<16xf32>,
    %swap3A_359 = arith.constant 11 : i32
    %swap3A_360 = arith.index_cast %swap3A_359 : i32 to index
    %swap3A_361 = arith.constant 16 : index
    %swap3A_362 = tpu.vector_load %arg11[%swap3A_360, %swap3A_361] {strides = array<i32>} : memref<16x128xf32, #tpu.memory_space<vmem>>, vector<16xf32>,
    tpu.vector_store %arg11[%swap3A_360, %swap3A_361], %broadcast_in_dim3A_3 {strides = array<i32>} : memref<16x128xf32, #tpu.memory_space<vmem>>, vector<16xf32>,
    %swap3A_363 = arith.constant 11 : i32
    %swap3A_364 = arith.index_cast %swap3A_363 : i32 to index
    %swap3A_365 = arith.constant 32 : index
    %swap3A_366 = tpu.vector_load %arg11[%swap3A_364, %swap3A_365] {strides = array<i32>} : memref<16x128xf32, #tpu.memory_space<vmem>>, vector<16xf32>,
    tpu.vector_store %arg11[%swap3A_364, %swap3A_365], %broadcast_in_dim3A_3 {strides = array<i32>} : memref<16x128xf32, #tpu.memory_space<vmem>>, vector<16xf32>,
    %swap3A_367 = arith.constant 11 : i32
    %swap3A_368 = arith.index_cast %swap3A_367 : i32 to index
    %swap3A_369 = arith.constant 48 : index
    %swap3A_370 = tpu.vector_load %arg11[%swap3A_368, %swap3A_369] {strides = array<i32>} : memref<16x128xf32, #tpu.memory_space<vmem>>, vector<16xf32>,
    tpu.vector_store %arg11[%swap3A_368, %swap3A_369], %broadcast_in_dim3A_3 {strides = array<i32>} : memref<16x128xf32, #tpu.memory_space<vmem>>, vector<16xf32>,
    %swap3A_371 = arith.constant 11 : i32
    %swap3A_372 = arith.index_cast %swap3A_371 : i32 to index
    %swap3A_373 = arith.constant 64 : index
    %swap3A_374 = tpu.vector_load %arg11[%swap3A_372, %swap3A_373] {strides = array<i32>} : memref<16x128xf32, #tpu.memory_space<vmem>>, vector<16xf32>,
    tpu.vector_store %arg11[%swap3A_372, %swap3A_373], %broadcast_in_dim3A_3 {strides = array<i32>} : memref<16x128xf32, #tpu.memory_space<vmem>>, vector<16xf32>,
    %swap3A_375 = arith.constant 11 : i32
    %swap3A_376 = arith.index_cast %swap3A_375 : i32 to index
    %swap3A_377 = arith.constant 80 : index
    %swap3A_378 = tpu.vector_load %arg11[%swap3A_376, %swap3A_377] {strides = array<i32>} : memref<16x128xf32, #tpu.memory_space<vmem>>, vector<16xf32>,
    tpu.vector_store %arg11[%swap3A_376, %swap3A_377], %broadcast_in_dim3A_3 {strides = array<i32>} : memref<16x128xf32, #tpu.memory_space<vmem>>, vector<16xf32>,
    %swap3A_379 = arith.constant 11 : i32
    %swap3A_380 = arith.index_cast %swap3A_379 : i32 to index
    %swap3A_381 = arith.constant 96 : index
    %swap3A_382 = tpu.vector_load %arg11[%swap3A_380, %swap3A_381] {strides = array<i32>} : memref<16x128xf32, #tpu.memory_space<vmem>>, vector<16xf32>,
    tpu.vector_store %arg11[%swap3A_380, %swap3A_381], %broadcast_in_dim3A_3 {strides = array<i32>} : memref<16x128xf32, #tpu.memory_space<vmem>>, vector<16xf32>,
    %swap3A_383 = arith.constant 11 : i32
    %swap3A_384 = arith.index_cast %swap3A_383 : i32 to index
    %swap3A_385 = arith.constant 112 : index
    %swap3A_386 = tpu.vector_load %arg11[%swap3A_384, %swap3A_385] {strides = array<i32>} : memref<16x128xf32, #tpu.memory_space<vmem>>, vector<16xf32>,
    tpu.vector_store %arg11[%swap3A_384, %swap3A_385], %broadcast_in_dim3A_3 {strides = array<i32>} : memref<16x128xf32, #tpu.memory_space<vmem>>, vector<16xf32>,
    %swap3A_387 = arith.constant 12 : i32
    %swap3A_388 = arith.index_cast %swap3A_387 : i32 to index
    %swap3A_389 = arith.constant 0 : index
    %swap3A_390 = tpu.vector_load %arg11[%swap3A_388, %swap3A_389] {strides = array<i32>} : memref<16x128xf32, #tpu.memory_space<vmem>>, vector<16xf32>,
    tpu.vector_store %arg11[%swap3A_388, %swap3A_389], %broadcast_in_dim3A_3 {strides = array<i32>} : memref<16x128xf32, #tpu.memory_space<vmem>>, vector<16xf32>,
    %swap3A_391 = arith.constant 12 : i32
    %swap3A_392 = arith.index_cast %swap3A_391 : i32 to index
    %swap3A_393 = arith.constant 16 : index
    %swap3A_394 = tpu.vector_load %arg11[%swap3A_392, %swap3A_393] {strides = array<i32>} : memref<16x128xf32, #tpu.memory_space<vmem>>, vector<16xf32>,
    tpu.vector_store %arg11[%swap3A_392, %swap3A_393], %broadcast_in_dim3A_3 {strides = array<i32>} : memref<16x128xf32, #tpu.memory_space<vmem>>, vector<16xf32>,
    %swap3A_395 = arith.constant 12 : i32
    %swap3A_396 = arith.index_cast %swap3A_395 : i32 to index
    %swap3A_397 = arith.constant 32 : index
    %swap3A_398 = tpu.vector_load %arg11[%swap3A_396, %swap3A_397] {strides = array<i32>} : memref<16x128xf32, #tpu.memory_space<vmem>>, vector<16xf32>,
    tpu.vector_store %arg11[%swap3A_396, %swap3A_397], %broadcast_in_dim3A_3 {strides = array<i32>} : memref<16x128xf32, #tpu.memory_space<vmem>>, vector<16xf32>,
    %swap3A_399 = arith.constant 12 : i32
    %swap3A_400 = arith.index_cast %swap3A_399 : i32 to index
    %swap3A_401 = arith.constant 48 : index
    %swap3A_402 = tpu.vector_load %arg11[%swap3A_400, %swap3A_401] {strides = array<i32>} : memref<16x128xf32, #tpu.memory_space<vmem>>, vector<16xf32>,
    tpu.vector_store %arg11[%swap3A_400, %swap3A_401], %broadcast_in_dim3A_3 {strides = array<i32>} : memref<16x128xf32, #tpu.memory_space<vmem>>, vector<16xf32>,
    %swap3A_403 = arith.constant 12 : i32
    %swap3A_404 = arith.index_cast %swap3A_403 : i32 to index
    %swap3A_405 = arith.constant 64 : index
    %swap3A_406 = tpu.vector_load %arg11[%swap3A_404, %swap3A_405] {strides = array<i32>} : memref<16x128xf32, #tpu.memory_space<vmem>>, vector<16xf32>,
    tpu.vector_store %arg11[%swap3A_404, %swap3A_405], %broadcast_in_dim3A_3 {strides = array<i32>} : memref<16x128xf32, #tpu.memory_space<vmem>>, vector<16xf32>,
    %swap3A_407 = arith.constant 12 : i32
    %swap3A_408 = arith.index_cast %swap3A_407 : i32 to index
    %swap3A_409 = arith.constant 80 : index
    %swap3A_410 = tpu.vector_load %arg11[%swap3A_408, %swap3A_409] {strides = array<i32>} : memref<16x128xf32, #tpu.memory_space<vmem>>, vector<16xf32>,
    tpu.vector_store %arg11[%swap3A_408, %swap3A_409], %broadcast_in_dim3A_3 {strides = array<i32>} : memref<16x128xf32, #tpu.memory_space<vmem>>, vector<16xf32>,
    %swap3A_411 = arith.constant 12 : i32
    %swap3A_412 = arith.index_cast %swap3A_411 : i32 to index
    %swap3A_413 = arith.constant 96 : index
    %swap3A_414 = tpu.vector_load %arg11[%swap3A_412, %swap3A_413] {strides = array<i32>} : memref<16x128xf32, #tpu.memory_space<vmem>>, vector<16xf32>,
    tpu.vector_store %arg11[%swap3A_412, %swap3A_413], %broadcast_in_dim3A_3 {strides = array<i32>} : memref<16x128xf32, #tpu.memory_space<vmem>>, vector<16xf32>,
    %swap3A_415 = arith.constant 12 : i32
    %swap3A_416 = arith.index_cast %swap3A_415 : i32 to index
    %swap3A_417 = arith.constant 112 : index
    %swap3A_418 = tpu.vector_load %arg11[%swap3A_416, %swap3A_417] {strides = array<i32>} : memref<16x128xf32, #tpu.memory_space<vmem>>, vector<16xf32>,
    tpu.vector_store %arg11[%swap3A_416, %swap3A_417], %broadcast_in_dim3A_3 {strides = array<i32>} : memref<16x128xf32, #tpu.memory_space<vmem>>, vector<16xf32>,
    %swap3A_419 = arith.constant 13 : i32
    %swap3A_420 = arith.index_cast %swap3A_419 : i32 to index
    %swap3A_421 = arith.constant 0 : index
    %swap3A_422 = tpu.vector_load %arg11[%swap3A_420, %swap3A_421] {strides = array<i32>} : memref<16x128xf32, #tpu.memory_space<vmem>>, vector<16xf32>,
    tpu.vector_store %arg11[%swap3A_420, %swap3A_421], %broadcast_in_dim3A_3 {strides = array<i32>} : memref<16x128xf32, #tpu.memory_space<vmem>>, vector<16xf32>,
    %swap3A_423 = arith.constant 13 : i32
    %swap3A_424 = arith.index_cast %swap3A_423 : i32 to index
    %swap3A_425 = arith.constant 16 : index
    %swap3A_426 = tpu.vector_load %arg11[%swap3A_424, %swap3A_425] {strides = array<i32>} : memref<16x128xf32, #tpu.memory_space<vmem>>, vector<16xf32>,
    tpu.vector_store %arg11[%swap3A_424, %swap3A_425], %broadcast_in_dim3A_3 {strides = array<i32>} : memref<16x128xf32, #tpu.memory_space<vmem>>, vector<16xf32>,
    %swap3A_427 = arith.constant 13 : i32
    %swap3A_428 = arith.index_cast %swap3A_427 : i32 to index
    %swap3A_429 = arith.constant 32 : index
    %swap3A_430 = tpu.vector_load %arg11[%swap3A_428, %swap3A_429] {strides = array<i32>} : memref<16x128xf32, #tpu.memory_space<vmem>>, vector<16xf32>,
    tpu.vector_store %arg11[%swap3A_428, %swap3A_429], %broadcast_in_dim3A_3 {strides = array<i32>} : memref<16x128xf32, #tpu.memory_space<vmem>>, vector<16xf32>,
    %swap3A_431 = arith.constant 13 : i32
    %swap3A_432 = arith.index_cast %swap3A_431 : i32 to index
    %swap3A_433 = arith.constant 48 : index
    %swap3A_434 = tpu.vector_load %arg11[%swap3A_432, %swap3A_433] {strides = array<i32>} : memref<16x128xf32, #tpu.memory_space<vmem>>, vector<16xf32>,
    tpu.vector_store %arg11[%swap3A_432, %swap3A_433], %broadcast_in_dim3A_3 {strides = array<i32>} : memref<16x128xf32, #tpu.memory_space<vmem>>, vector<16xf32>,
    %swap3A_435 = arith.constant 13 : i32
    %swap3A_436 = arith.index_cast %swap3A_435 : i32 to index
    %swap3A_437 = arith.constant 64 : index
    %swap3A_438 = tpu.vector_load %arg11[%swap3A_436, %swap3A_437] {strides = array<i32>} : memref<16x128xf32, #tpu.memory_space<vmem>>, vector<16xf32>,
    tpu.vector_store %arg11[%swap3A_436, %swap3A_437], %broadcast_in_dim3A_3 {strides = array<i32>} : memref<16x128xf32, #tpu.memory_space<vmem>>, vector<16xf32>,
    %swap3A_439 = arith.constant 13 : i32
    %swap3A_440 = arith.index_cast %swap3A_439 : i32 to index
    %swap3A_441 = arith.constant 80 : index
    %swap3A_442 = tpu.vector_load %arg11[%swap3A_440, %swap3A_441] {strides = array<i32>} : memref<16x128xf32, #tpu.memory_space<vmem>>, vector<16xf32>,
    tpu.vector_store %arg11[%swap3A_440, %swap3A_441], %broadcast_in_dim3A_3 {strides = array<i32>} : memref<16x128xf32, #tpu.memory_space<vmem>>, vector<16xf32>,
    %swap3A_443 = arith.constant 13 : i32
    %swap3A_444 = arith.index_cast %swap3A_443 : i32 to index
    %swap3A_445 = arith.constant 96 : index
    %swap3A_446 = tpu.vector_load %arg11[%swap3A_444, %swap3A_445] {strides = array<i32>} : memref<16x128xf32, #tpu.memory_space<vmem>>, vector<16xf32>,
    tpu.vector_store %arg11[%swap3A_444, %swap3A_445], %broadcast_in_dim3A_3 {strides = array<i32>} : memref<16x128xf32, #tpu.memory_space<vmem>>, vector<16xf32>,
    %swap3A_447 = arith.constant 13 : i32
    %swap3A_448 = arith.index_cast %swap3A_447 : i32 to index
    %swap3A_449 = arith.constant 112 : index
    %swap3A_450 = tpu.vector_load %arg11[%swap3A_448, %swap3A_449] {strides = array<i32>} : memref<16x128xf32, #tpu.memory_space<vmem>>, vector<16xf32>,
    tpu.vector_store %arg11[%swap3A_448, %swap3A_449], %broadcast_in_dim3A_3 {strides = array<i32>} : memref<16x128xf32, #tpu.memory_space<vmem>>, vector<16xf32>,
    %swap3A_451 = arith.constant 14 : i32
    %swap3A_452 = arith.index_cast %swap3A_451 : i32 to index
    %swap3A_453 = arith.constant 0 : index
    %swap3A_454 = tpu.vector_load %arg11[%swap3A_452, %swap3A_453] {strides = array<i32>} : memref<16x128xf32, #tpu.memory_space<vmem>>, vector<16xf32>,
    tpu.vector_store %arg11[%swap3A_452, %swap3A_453], %broadcast_in_dim3A_3 {strides = array<i32>} : memref<16x128xf32, #tpu.memory_space<vmem>>, vector<16xf32>,
    %swap3A_455 = arith.constant 14 : i32
    %swap3A_456 = arith.index_cast %swap3A_455 : i32 to index
    %swap3A_457 = arith.constant 16 : index
    %swap3A_458 = tpu.vector_load %arg11[%swap3A_456, %swap3A_457] {strides = array<i32>} : memref<16x128xf32, #tpu.memory_space<vmem>>, vector<16xf32>,
    tpu.vector_store %arg11[%swap3A_456, %swap3A_457], %broadcast_in_dim3A_3 {strides = array<i32>} : memref<16x128xf32, #tpu.memory_space<vmem>>, vector<16xf32>,
    %swap3A_459 = arith.constant 14 : i32
    %swap3A_460 = arith.index_cast %swap3A_459 : i32 to index
    %swap3A_461 = arith.constant 32 : index
    %swap3A_462 = tpu.vector_load %arg11[%swap3A_460, %swap3A_461] {strides = array<i32>} : memref<16x128xf32, #tpu.memory_space<vmem>>, vector<16xf32>,
    tpu.vector_store %arg11[%swap3A_460, %swap3A_461], %broadcast_in_dim3A_3 {strides = array<i32>} : memref<16x128xf32, #tpu.memory_space<vmem>>, vector<16xf32>,
    %swap3A_463 = arith.constant 14 : i32
    %swap3A_464 = arith.index_cast %swap3A_463 : i32 to index
    %swap3A_465 = arith.constant 48 : index
    %swap3A_466 = tpu.vector_load %arg11[%swap3A_464, %swap3A_465] {strides = array<i32>} : memref<16x128xf32, #tpu.memory_space<vmem>>, vector<16xf32>,
    tpu.vector_store %arg11[%swap3A_464, %swap3A_465], %broadcast_in_dim3A_3 {strides = array<i32>} : memref<16x128xf32, #tpu.memory_space<vmem>>, vector<16xf32>,
    %swap3A_467 = arith.constant 14 : i32
    %swap3A_468 = arith.index_cast %swap3A_467 : i32 to index
    %swap3A_469 = arith.constant 64 : index
    %swap3A_470 = tpu.vector_load %arg11[%swap3A_468, %swap3A_469] {strides = array<i32>} : memref<16x128xf32, #tpu.memory_space<vmem>>, vector<16xf32>,
    tpu.vector_store %arg11[%swap3A_468, %swap3A_469], %broadcast_in_dim3A_3 {strides = array<i32>} : memref<16x128xf32, #tpu.memory_space<vmem>>, vector<16xf32>,
    %swap3A_471 = arith.constant 14 : i32
    %swap3A_472 = arith.index_cast %swap3A_471 : i32 to index
    %swap3A_473 = arith.constant 80 : index
    %swap3A_474 = tpu.vector_load %arg11[%swap3A_472, %swap3A_473] {strides = array<i32>} : memref<16x128xf32, #tpu.memory_space<vmem>>, vector<16xf32>,
    tpu.vector_store %arg11[%swap3A_472, %swap3A_473], %broadcast_in_dim3A_3 {strides = array<i32>} : memref<16x128xf32, #tpu.memory_space<vmem>>, vector<16xf32>,
    %swap3A_475 = arith.constant 14 : i32
    %swap3A_476 = arith.index_cast %swap3A_475 : i32 to index
    %swap3A_477 = arith.constant 96 : index
    %swap3A_478 = tpu.vector_load %arg11[%swap3A_476, %swap3A_477] {strides = array<i32>} : memref<16x128xf32, #tpu.memory_space<vmem>>, vector<16xf32>,
    tpu.vector_store %arg11[%swap3A_476, %swap3A_477], %broadcast_in_dim3A_3 {strides = array<i32>} : memref<16x128xf32, #tpu.memory_space<vmem>>, vector<16xf32>,
    %swap3A_479 = arith.constant 14 : i32
    %swap3A_480 = arith.index_cast %swap3A_479 : i32 to index
    %swap3A_481 = arith.constant 112 : index
    %swap3A_482 = tpu.vector_load %arg11[%swap3A_480, %swap3A_481] {strides = array<i32>} : memref<16x128xf32, #tpu.memory_space<vmem>>, vector<16xf32>,
    tpu.vector_store %arg11[%swap3A_480, %swap3A_481], %broadcast_in_dim3A_3 {strides = array<i32>} : memref<16x128xf32, #tpu.memory_space<vmem>>, vector<16xf32>,
    %swap3A_483 = arith.constant 15 : i32
    %swap3A_484 = arith.index_cast %swap3A_483 : i32 to index
    %swap3A_485 = arith.constant 0 : index
    %swap3A_486 = tpu.vector_load %arg11[%swap3A_484, %swap3A_485] {strides = array<i32>} : memref<16x128xf32, #tpu.memory_space<vmem>>, vector<16xf32>,
    tpu.vector_store %arg11[%swap3A_484, %swap3A_485], %broadcast_in_dim3A_3 {strides = array<i32>} : memref<16x128xf32, #tpu.memory_space<vmem>>, vector<16xf32>,
    %swap3A_487 = arith.constant 15 : i32
    %swap3A_488 = arith.index_cast %swap3A_487 : i32 to index
    %swap3A_489 = arith.constant 16 : index
    %swap3A_490 = tpu.vector_load %arg11[%swap3A_488, %swap3A_489] {strides = array<i32>} : memref<16x128xf32, #tpu.memory_space<vmem>>, vector<16xf32>,
    tpu.vector_store %arg11[%swap3A_488, %swap3A_489], %broadcast_in_dim3A_3 {strides = array<i32>} : memref<16x128xf32, #tpu.memory_space<vmem>>, vector<16xf32>,
    %swap3A_491 = arith.constant 15 : i32
    %swap3A_492 = arith.index_cast %swap3A_491 : i32 to index
    %swap3A_493 = arith.constant 32 : index
    %swap3A_494 = tpu.vector_load %arg11[%swap3A_492, %swap3A_493] {strides = array<i32>} : memref<16x128xf32, #tpu.memory_space<vmem>>, vector<16xf32>,
    tpu.vector_store %arg11[%swap3A_492, %swap3A_493], %broadcast_in_dim3A_3 {strides = array<i32>} : memref<16x128xf32, #tpu.memory_space<vmem>>, vector<16xf32>,
    %swap3A_495 = arith.constant 15 : i32
    %swap3A_496 = arith.index_cast %swap3A_495 : i32 to index
    %swap3A_497 = arith.constant 48 : index
    %swap3A_498 = tpu.vector_load %arg11[%swap3A_496, %swap3A_497] {strides = array<i32>} : memref<16x128xf32, #tpu.memory_space<vmem>>, vector<16xf32>,
    tpu.vector_store %arg11[%swap3A_496, %swap3A_497], %broadcast_in_dim3A_3 {strides = array<i32>} : memref<16x128xf32, #tpu.memory_space<vmem>>, vector<16xf32>,
    %swap3A_499 = arith.constant 15 : i32
    %swap3A_500 = arith.index_cast %swap3A_499 : i32 to index
    %swap3A_501 = arith.constant 64 : index
    %swap3A_502 = tpu.vector_load %arg11[%swap3A_500, %swap3A_501] {strides = array<i32>} : memref<16x128xf32, #tpu.memory_space<vmem>>, vector<16xf32>,
    tpu.vector_store %arg11[%swap3A_500, %swap3A_501], %broadcast_in_dim3A_3 {strides = array<i32>} : memref<16x128xf32, #tpu.memory_space<vmem>>, vector<16xf32>,
    %swap3A_503 = arith.constant 15 : i32
    %swap3A_504 = arith.index_cast %swap3A_503 : i32 to index
    %swap3A_505 = arith.constant 80 : index
    %swap3A_506 = tpu.vector_load %arg11[%swap3A_504, %swap3A_505] {strides = array<i32>} : memref<16x128xf32, #tpu.memory_space<vmem>>, vector<16xf32>,
    tpu.vector_store %arg11[%swap3A_504, %swap3A_505], %broadcast_in_dim3A_3 {strides = array<i32>} : memref<16x128xf32, #tpu.memory_space<vmem>>, vector<16xf32>,
    %swap3A_507 = arith.constant 15 : i32
    %swap3A_508 = arith.index_cast %swap3A_507 : i32 to index
    %swap3A_509 = arith.constant 96 : index
    %swap3A_510 = tpu.vector_load %arg11[%swap3A_508, %swap3A_509] {strides = array<i32>} : memref<16x128xf32, #tpu.memory_space<vmem>>, vector<16xf32>,
    tpu.vector_store %arg11[%swap3A_508, %swap3A_509], %broadcast_in_dim3A_3 {strides = array<i32>} : memref<16x128xf32, #tpu.memory_space<vmem>>, vector<16xf32>,
    %swap3A_511 = arith.constant 15 : i32
    %swap3A_512 = arith.index_cast %swap3A_511 : i32 to index
    %swap3A_513 = arith.constant 112 : index
    %swap3A_514 = tpu.vector_load %arg11[%swap3A_512, %swap3A_513] {strides = array<i32>} : memref<16x128xf32, #tpu.memory_space<vmem>>, vector<16xf32>,
    tpu.vector_store %arg11[%swap3A_512, %swap3A_513], %broadcast_in_dim3A_3 {strides = array<i32>} : memref<16x128xf32, #tpu.memory_space<vmem>>, vector<16xf32>,
    %barrier3A = arith.constant 0 : index
    tpu.barrier barrier_id(%barrier3A)
    %mul3A_515 = arith.constant 3200 : i32
    %mul3A_516 = arith.muli %add3A, %mul3A_515 : i32
    %add3A_517 = arith.constant 0 : i32
    %add3A_518 = arith.addi %mul3A_516, %add3A_517 : i32
    %dma_start3A = arith.constant 0 : i32
    %dma_start3A_519 = arith.constant 0 : i32
    %dma_start3A_520 = arith.constant 0 : i32
    %dma_start3A_521 = arith.constant 0 : i32
    %dma_start3A_522 = tpu.memref_slice %arg8[%dma_start3A, %dma_start3A_520, %dma_start3A_521] : memref<8x80x128xf32, #tpu.memory_space<vmem>> -> memref<1x80x128xf32, #tpu.memory_space<vmem>>
    %dma_start3A_523 = tpu.memref_squeeze %dma_start3A_522 : memref<1x80x128xf32, #tpu.memory_space<vmem>> -> memref<80x128xf32, #tpu.memory_space<vmem>>
    %dma_start3A_524 = arith.constant 0 : i32
    %dma_start3A_525 = tpu.memref_slice %arg2[%add3A_518, %dma_start3A_524] : memref<102400x128xf32, #tpu.memory_space<hbm>> -> memref<80x128xf32, #tpu.memory_space<hbm>>
    %dma_start3A_526 = tpu.memref_slice %arg16[%dma_start3A_519] : memref<4x!tpu.dma_semaphore, #tpu.memory_space<semaphore_mem>> -> memref<1x!tpu.dma_semaphore, #tpu.memory_space<semaphore_mem>>
    %dma_start3A_527 = tpu.memref_squeeze %dma_start3A_526 : memref<1x!tpu.dma_semaphore, #tpu.memory_space<semaphore_mem>> -> memref<!tpu.dma_semaphore, #tpu.memory_space<semaphore_mem>>
    %dma_start3A_528 = arith.constant 0 : i32
    %dma_start3A_529 = arith.constant 0 : i32
    %dma_start3A_530 = tpu.memref_slice %arg8[%dma_start3A, %dma_start3A_528, %dma_start3A_529] : memref<8x80x128xf32, #tpu.memory_space<vmem>> -> memref<1x80x128xf32, #tpu.memory_space<vmem>>
    %dma_start3A_531 = tpu.memref_squeeze %dma_start3A_530 : memref<1x80x128xf32, #tpu.memory_space<vmem>> -> memref<80x128xf32, #tpu.memory_space<vmem>>
    %dma_start3A_532 = arith.constant 0 : i32
    %dma_start3A_533 = tpu.memref_slice %arg2[%add3A_518, %dma_start3A_532] : memref<102400x128xf32, #tpu.memory_space<hbm>> -> memref<80x128xf32, #tpu.memory_space<hbm>>
    tpu.enqueue_dma source(%dma_start3A_533 : memref<80x128xf32, #tpu.memory_space<hbm>>) target(%dma_start3A_531 : memref<80x128xf32, #tpu.memory_space<vmem>>) target_semaphore(%dma_start3A_527 : memref<!tpu.dma_semaphore, #tpu.memory_space<semaphore_mem>>)
    %add3A_534 = arith.constant 80 : i32
    %add3A_535 = arith.addi %mul3A_516, %add3A_534 : i32
    %dma_start3A_536 = arith.constant 1 : i32
    %dma_start3A_537 = arith.constant 1 : i32
    %dma_start3A_538 = arith.constant 0 : i32
    %dma_start3A_539 = arith.constant 0 : i32
    %dma_start3A_540 = tpu.memref_slice %arg8[%dma_start3A_536, %dma_start3A_538, %dma_start3A_539] : memref<8x80x128xf32, #tpu.memory_space<vmem>> -> memref<1x80x128xf32, #tpu.memory_space<vmem>>
    %dma_start3A_541 = tpu.memref_squeeze %dma_start3A_540 : memref<1x80x128xf32, #tpu.memory_space<vmem>> -> memref<80x128xf32, #tpu.memory_space<vmem>>
    %dma_start3A_542 = arith.constant 0 : i32
    %dma_start3A_543 = tpu.memref_slice %arg2[%add3A_535, %dma_start3A_542] : memref<102400x128xf32, #tpu.memory_space<hbm>> -> memref<80x128xf32, #tpu.memory_space<hbm>>
    %dma_start3A_544 = tpu.memref_slice %arg16[%dma_start3A_537] : memref<4x!tpu.dma_semaphore, #tpu.memory_space<semaphore_mem>> -> memref<1x!tpu.dma_semaphore, #tpu.memory_space<semaphore_mem>>
    %dma_start3A_545 = tpu.memref_squeeze %dma_start3A_544 : memref<1x!tpu.dma_semaphore, #tpu.memory_space<semaphore_mem>> -> memref<!tpu.dma_semaphore, #tpu.memory_space<semaphore_mem>>
    %dma_start3A_546 = arith.constant 0 : i32
    %dma_start3A_547 = arith.constant 0 : i32
    %dma_start3A_548 = tpu.memref_slice %arg8[%dma_start3A_536, %dma_start3A_546, %dma_start3A_547] : memref<8x80x128xf32, #tpu.memory_space<vmem>> -> memref<1x80x128xf32, #tpu.memory_space<vmem>>
    %dma_start3A_549 = tpu.memref_squeeze %dma_start3A_548 : memref<1x80x128xf32, #tpu.memory_space<vmem>> -> memref<80x128xf32, #tpu.memory_space<vmem>>
    %dma_start3A_550 = arith.constant 0 : i32
    %dma_start3A_551 = tpu.memref_slice %arg2[%add3A_535, %dma_start3A_550] : memref<102400x128xf32, #tpu.memory_space<hbm>> -> memref<80x128xf32, #tpu.memory_space<hbm>>
    tpu.enqueue_dma source(%dma_start3A_551 : memref<80x128xf32, #tpu.memory_space<hbm>>) target(%dma_start3A_549 : memref<80x128xf32, #tpu.memory_space<vmem>>) target_semaphore(%dma_start3A_545 : memref<!tpu.dma_semaphore, #tpu.memory_space<semaphore_mem>>)
    %add3A_552 = arith.constant 160 : i32
    %add3A_553 = arith.addi %mul3A_516, %add3A_552 : i32
    %dma_start3A_554 = arith.constant 2 : i32
    %dma_start3A_555 = arith.constant 2 : i32
    %dma_start3A_556 = arith.constant 0 : i32
    %dma_start3A_557 = arith.constant 0 : i32
    %dma_start3A_558 = tpu.memref_slice %arg8[%dma_start3A_554, %dma_start3A_556, %dma_start3A_557] : memref<8x80x128xf32, #tpu.memory_space<vmem>> -> memref<1x80x128xf32, #tpu.memory_space<vmem>>
    %dma_start3A_559 = tpu.memref_squeeze %dma_start3A_558 : memref<1x80x128xf32, #tpu.memory_space<vmem>> -> memref<80x128xf32, #tpu.memory_space<vmem>>
    %dma_start3A_560 = arith.constant 0 : i32
    %dma_start3A_561 = tpu.memref_slice %arg2[%add3A_553, %dma_start3A_560] : memref<102400x128xf32, #tpu.memory_space<hbm>> -> memref<80x128xf32, #tpu.memory_space<hbm>>
    %dma_start3A_562 = tpu.memref_slice %arg16[%dma_start3A_555] : memref<4x!tpu.dma_semaphore, #tpu.memory_space<semaphore_mem>> -> memref<1x!tpu.dma_semaphore, #tpu.memory_space<semaphore_mem>>
    %dma_start3A_563 = tpu.memref_squeeze %dma_start3A_562 : memref<1x!tpu.dma_semaphore, #tpu.memory_space<semaphore_mem>> -> memref<!tpu.dma_semaphore, #tpu.memory_space<semaphore_mem>>
    %dma_start3A_564 = arith.constant 0 : i32
    %dma_start3A_565 = arith.constant 0 : i32
    %dma_start3A_566 = tpu.memref_slice %arg8[%dma_start3A_554, %dma_start3A_564, %dma_start3A_565] : memref<8x80x128xf32, #tpu.memory_space<vmem>> -> memref<1x80x128xf32, #tpu.memory_space<vmem>>
    %dma_start3A_567 = tpu.memref_squeeze %dma_start3A_566 : memref<1x80x128xf32, #tpu.memory_space<vmem>> -> memref<80x128xf32, #tpu.memory_space<vmem>>
    %dma_start3A_568 = arith.constant 0 : i32
    %dma_start3A_569 = tpu.memref_slice %arg2[%add3A_553, %dma_start3A_568] : memref<102400x128xf32, #tpu.memory_space<hbm>> -> memref<80x128xf32, #tpu.memory_space<hbm>>
    tpu.enqueue_dma source(%dma_start3A_569 : memref<80x128xf32, #tpu.memory_space<hbm>>) target(%dma_start3A_567 : memref<80x128xf32, #tpu.memory_space<vmem>>) target_semaphore(%dma_start3A_563 : memref<!tpu.dma_semaphore, #tpu.memory_space<semaphore_mem>>)
    %add3A_570 = arith.constant 240 : i32
    %add3A_571 = arith.addi %mul3A_516, %add3A_570 : i32
    %dma_start3A_572 = arith.constant 3 : i32
    %dma_start3A_573 = arith.constant 3 : i32
    %dma_start3A_574 = arith.constant 0 : i32
    %dma_start3A_575 = arith.constant 0 : i32
    %dma_start3A_576 = tpu.memref_slice %arg8[%dma_start3A_572, %dma_start3A_574, %dma_start3A_575] : memref<8x80x128xf32, #tpu.memory_space<vmem>> -> memref<1x80x128xf32, #tpu.memory_space<vmem>>
    %dma_start3A_577 = tpu.memref_squeeze %dma_start3A_576 : memref<1x80x128xf32, #tpu.memory_space<vmem>> -> memref<80x128xf32, #tpu.memory_space<vmem>>
    %dma_start3A_578 = arith.constant 0 : i32
    %dma_start3A_579 = tpu.memref_slice %arg2[%add3A_571, %dma_start3A_578] : memref<102400x128xf32, #tpu.memory_space<hbm>> -> memref<80x128xf32, #tpu.memory_space<hbm>>
    %dma_start3A_580 = tpu.memref_slice %arg16[%dma_start3A_573] : memref<4x!tpu.dma_semaphore, #tpu.memory_space<semaphore_mem>> -> memref<1x!tpu.dma_semaphore, #tpu.memory_space<semaphore_mem>>
    %dma_start3A_581 = tpu.memref_squeeze %dma_start3A_580 : memref<1x!tpu.dma_semaphore, #tpu.memory_space<semaphore_mem>> -> memref<!tpu.dma_semaphore, #tpu.memory_space<semaphore_mem>>
    %dma_start3A_582 = arith.constant 0 : i32
    %dma_start3A_583 = arith.constant 0 : i32
    %dma_start3A_584 = tpu.memref_slice %arg8[%dma_start3A_572, %dma_start3A_582, %dma_start3A_583] : memref<8x80x128xf32, #tpu.memory_space<vmem>> -> memref<1x80x128xf32, #tpu.memory_space<vmem>>
    %dma_start3A_585 = tpu.memref_squeeze %dma_start3A_584 : memref<1x80x128xf32, #tpu.memory_space<vmem>> -> memref<80x128xf32, #tpu.memory_space<vmem>>
    %dma_start3A_586 = arith.constant 0 : i32
    %dma_start3A_587 = tpu.memref_slice %arg2[%add3A_571, %dma_start3A_586] : memref<102400x128xf32, #tpu.memory_space<hbm>> -> memref<80x128xf32, #tpu.memory_space<hbm>>
    tpu.enqueue_dma source(%dma_start3A_587 : memref<80x128xf32, #tpu.memory_space<hbm>>) target(%dma_start3A_585 : memref<80x128xf32, #tpu.memory_space<vmem>>) target_semaphore(%dma_start3A_581 : memref<!tpu.dma_semaphore, #tpu.memory_space<semaphore_mem>>)
    %scan3A = arith.constant 0 : i32
    %scan3A_588 = arith.constant 20 : i32
    %scan3A_589 = arith.addi %scan3A, %scan3A_588 : i32
    %scan3A_590 = arith.constant 1 : i32
    scf.for %scan3A_681 = %scan3A to %scan3A_589 step %scan3A_590  : i32 {
      %mul3A_682 = arith.constant 1 : i32
      %mul3A_683 = arith.muli %scan3A_681, %mul3A_682 : i32
      %add3A_684 = arith.constant 0 : i32
      %add3A_685 = arith.addi %add3A_684, %mul3A_683 : i32
      %mul3A_686 = arith.constant 2 : i32
      %mul3A_687 = arith.muli %mul3A_686, %add3A_685 : i32
      %mul3A_688 = arith.constant 2 : i32
      %mul3A_689 = arith.muli %mul3A_688, %add3A_685 : i32
      %add3A_690 = arith.constant 1 : i32
      %add3A_691 = arith.addi %mul3A_689, %add3A_690 : i32
      %mul3A_692 = arith.constant 80 : i32
      %mul3A_693 = arith.muli %mul3A_687, %mul3A_692 : i32
      %add3A_694 = arith.addi %mul3A_516, %mul3A_693 : i32
      %jit3A = arith.constant 8 : i32
      %eq3A_695 = arith.constant 0 : i32
      %eq3A_696 = arith.cmpi eq, %jit3A, %eq3A_695 : i32
      %jit3A_697 = arith.constant 1 : i32
      %select_n3A = arith.select %eq3A_696, %jit3A_697, %jit3A : i32
      %rem3A = arith.remsi %mul3A_687, %select_n3A : i32
      %ne3A = arith.constant 0 : i32
      %ne3A_698 = arith.cmpi ne, %rem3A, %ne3A : i32
      %lt3A = arith.constant 0 : i32
      %lt3A_699 = arith.cmpi slt, %rem3A, %lt3A : i32
      %lt3A_700 = arith.constant 0 : i32
      %lt3A_701 = arith.cmpi slt, %select_n3A, %lt3A_700 : i32
      %ne3A_702 = arith.xori %lt3A_699, %lt3A_701 : i1
      %and3A = arith.andi %ne3A_702, %ne3A_698 : i1
      %add3A_703 = arith.addi %rem3A, %select_n3A : i32
      %select_n3A_704 = arith.select %and3A, %add3A_703, %rem3A : i32
      %jit3A_705 = arith.constant 4 : i32
      %eq3A_706 = arith.constant 0 : i32
      %eq3A_707 = arith.cmpi eq, %jit3A_705, %eq3A_706 : i32
      %jit3A_708 = arith.constant 1 : i32
      %select_n3A_709 = arith.select %eq3A_707, %jit3A_708, %jit3A_705 : i32
      %rem3A_710 = arith.remsi %mul3A_687, %select_n3A_709 : i32
      %ne3A_711 = arith.constant 0 : i32
      %ne3A_712 = arith.cmpi ne, %rem3A_710, %ne3A_711 : i32
      %lt3A_713 = arith.constant 0 : i32
      %lt3A_714 = arith.cmpi slt, %rem3A_710, %lt3A_713 : i32
      %lt3A_715 = arith.constant 0 : i32
      %lt3A_716 = arith.cmpi slt, %select_n3A_709, %lt3A_715 : i32
      %ne3A_717 = arith.xori %lt3A_714, %lt3A_716 : i1
      %and3A_718 = arith.andi %ne3A_717, %ne3A_712 : i1
      %add3A_719 = arith.addi %rem3A_710, %select_n3A_709 : i32
      %select_n3A_720 = arith.select %and3A_718, %add3A_719, %rem3A_710 : i32
      %dma_wait3A_721 = arith.constant 0 : i32
      %dma_wait3A_722 = arith.constant 0 : i32
      %dma_wait3A_723 = tpu.memref_slice %arg8[%select_n3A_704, %dma_wait3A_721, %dma_wait3A_722] : memref<8x80x128xf32, #tpu.memory_space<vmem>> -> memref<1x80x128xf32, #tpu.memory_space<vmem>>
      %dma_wait3A_724 = tpu.memref_squeeze %dma_wait3A_723 : memref<1x80x128xf32, #tpu.memory_space<vmem>> -> memref<80x128xf32, #tpu.memory_space<vmem>>
      %dma_wait3A_725 = arith.constant 0 : i32
      %dma_wait3A_726 = tpu.memref_slice %arg2[%add3A_694, %dma_wait3A_725] : memref<102400x128xf32, #tpu.memory_space<hbm>> -> memref<80x128xf32, #tpu.memory_space<hbm>>
      %dma_wait3A_727 = tpu.memref_slice %arg16[%select_n3A_720] : memref<4x!tpu.dma_semaphore, #tpu.memory_space<semaphore_mem>> -> memref<1x!tpu.dma_semaphore, #tpu.memory_space<semaphore_mem>>
      %dma_wait3A_728 = tpu.memref_squeeze %dma_wait3A_727 : memref<1x!tpu.dma_semaphore, #tpu.memory_space<semaphore_mem>> -> memref<!tpu.dma_semaphore, #tpu.memory_space<semaphore_mem>>
      %dma_wait3A_729 = arith.constant 0 : i32
      %dma_wait3A_730 = arith.constant 0 : i32
      %dma_wait3A_731 = tpu.memref_slice %arg8[%select_n3A_704, %dma_wait3A_729, %dma_wait3A_730] : memref<8x80x128xf32, #tpu.memory_space<vmem>> -> memref<1x80x128xf32, #tpu.memory_space<vmem>>
      %dma_wait3A_732 = tpu.memref_squeeze %dma_wait3A_731 : memref<1x80x128xf32, #tpu.memory_space<vmem>> -> memref<80x128xf32, #tpu.memory_space<vmem>>
      %dma_wait3A_733 = arith.constant 0 : i32
      %dma_wait3A_734 = tpu.memref_slice %arg2[%add3A_694, %dma_wait3A_733] : memref<102400x128xf32, #tpu.memory_space<hbm>> -> memref<80x128xf32, #tpu.memory_space<hbm>>
      tpu.wait_dma2 semaphore(%dma_wait3A_728 : memref<!tpu.dma_semaphore, #tpu.memory_space<semaphore_mem>>) src(%dma_wait3A_734 : memref<80x128xf32, #tpu.memory_space<hbm>>) dst(%dma_wait3A_732 : memref<80x128xf32, #tpu.memory_space<vmem>>)
      %ge3A = arith.constant 2 : i32
      %ge3A_735 = arith.cmpi sge, %add3A_685, %ge3A : i32
      %convert_element_type3A_736 = arith.extui %ge3A_735 : i1 to i32
      %cond3A_737 = arith.constant 0 : i32
      %cond3A_738 = arith.cmpi ne, %convert_element_type3A_736, %cond3A_737 : i32
      scf.if %cond3A_738 {
        %sub3A = arith.constant 4 : i32
        %sub3A_891 = arith.subi %mul3A_687, %sub3A : i32
        %jit3A_892 = arith.constant 8 : i32
        %eq3A_893 = arith.constant 0 : i32
        %eq3A_894 = arith.cmpi eq, %jit3A_892, %eq3A_893 : i32
        %jit3A_895 = arith.constant 1 : i32
        %select_n3A_896 = arith.select %eq3A_894, %jit3A_895, %jit3A_892 : i32
        %rem3A_897 = arith.remsi %sub3A_891, %select_n3A_896 : i32
        %ne3A_898 = arith.constant 0 : i32
        %ne3A_899 = arith.cmpi ne, %rem3A_897, %ne3A_898 : i32
        %lt3A_900 = arith.constant 0 : i32
        %lt3A_901 = arith.cmpi slt, %rem3A_897, %lt3A_900 : i32
        %lt3A_902 = arith.constant 0 : i32
        %lt3A_903 = arith.cmpi slt, %select_n3A_896, %lt3A_902 : i32
        %ne3A_904 = arith.xori %lt3A_901, %lt3A_903 : i1
        %and3A_905 = arith.andi %ne3A_904, %ne3A_899 : i1
        %add3A_906 = arith.addi %rem3A_897, %select_n3A_896 : i32
        %select_n3A_907 = arith.select %and3A_905, %add3A_906, %rem3A_897 : i32
        %jit3A_908 = arith.constant 4 : i32
        %eq3A_909 = arith.constant 0 : i32
        %eq3A_910 = arith.cmpi eq, %jit3A_908, %eq3A_909 : i32
        %jit3A_911 = arith.constant 1 : i32
        %select_n3A_912 = arith.select %eq3A_910, %jit3A_911, %jit3A_908 : i32
        %rem3A_913 = arith.remsi %sub3A_891, %select_n3A_912 : i32
        %ne3A_914 = arith.constant 0 : i32
        %ne3A_915 = arith.cmpi ne, %rem3A_913, %ne3A_914 : i32
        %lt3A_916 = arith.constant 0 : i32
        %lt3A_917 = arith.cmpi slt, %rem3A_913, %lt3A_916 : i32
        %lt3A_918 = arith.constant 0 : i32
        %lt3A_919 = arith.cmpi slt, %select_n3A_912, %lt3A_918 : i32
        %ne3A_920 = arith.xori %lt3A_917, %lt3A_919 : i1
        %and3A_921 = arith.andi %ne3A_920, %ne3A_915 : i1
        %add3A_922 = arith.addi %rem3A_913, %select_n3A_912 : i32
        %select_n3A_923 = arith.select %and3A_921, %add3A_922, %rem3A_913 : i32
        %dma_wait3A_924 = arith.constant 0 : i32
        %dma_wait3A_925 = arith.constant 0 : i32
        %dma_wait3A_926 = tpu.memref_slice %arg8[%select_n3A_907, %dma_wait3A_924, %dma_wait3A_925] : memref<8x80x128xf32, #tpu.memory_space<vmem>> -> memref<1x80x128xf32, #tpu.memory_space<vmem>>
        %dma_wait3A_927 = tpu.memref_squeeze %dma_wait3A_926 : memref<1x80x128xf32, #tpu.memory_space<vmem>> -> memref<80x128xf32, #tpu.memory_space<vmem>>
        %dma_wait3A_928 = arith.constant 0 : i32
        %dma_wait3A_929 = tpu.memref_slice %arg9[%sub3A_891, %dma_wait3A_928] : memref<40x80xi32, #tpu.memory_space<vmem>> -> memref<1x80xi32, #tpu.memory_space<vmem>>
        %dma_wait3A_930 = tpu.memref_squeeze %dma_wait3A_929 : memref<1x80xi32, #tpu.memory_space<vmem>> -> memref<80xi32, #tpu.memory_space<vmem>>
        %dma_wait3A_931 = arith.constant 0 : i32
        %dma_wait3A_932 = arith.constant 0 : i32
        %dma_wait3A_933 = tpu.memref_slice %arg13[%dma_wait3A_931, %dma_wait3A_932] : memref<1040x128xf32, #tpu.memory_space<vmem_shared>> -> memref<1040x128xf32, #tpu.memory_space<vmem_shared>>
        %dma_wait3A_934 = tpu.memref_slice %arg17[%select_n3A_923] : memref<4x!tpu.dma_semaphore, #tpu.memory_space<semaphore_mem>> -> memref<1x!tpu.dma_semaphore, #tpu.memory_space<semaphore_mem>>
        %dma_wait3A_935 = tpu.memref_squeeze %dma_wait3A_934 : memref<1x!tpu.dma_semaphore, #tpu.memory_space<semaphore_mem>> -> memref<!tpu.dma_semaphore, #tpu.memory_space<semaphore_mem>>
        tpu.wait_indirect_dma semaphore(%dma_wait3A_935 : memref<!tpu.dma_semaphore, #tpu.memory_space<semaphore_mem>>) src(%dma_wait3A_927 : memref<80x128xf32, #tpu.memory_space<vmem>>) dst(%dma_wait3A_933 : memref<1040x128xf32, #tpu.memory_space<vmem_shared>>)
      } else {
      }
      %jit3A_739 = arith.constant 8 : i32
      %eq3A_740 = arith.constant 0 : i32
      %eq3A_741 = arith.cmpi eq, %jit3A_739, %eq3A_740 : i32
      %jit3A_742 = arith.constant 1 : i32
      %select_n3A_743 = arith.select %eq3A_741, %jit3A_742, %jit3A_739 : i32
      %rem3A_744 = arith.remsi %mul3A_687, %select_n3A_743 : i32
      %ne3A_745 = arith.constant 0 : i32
      %ne3A_746 = arith.cmpi ne, %rem3A_744, %ne3A_745 : i32
      %lt3A_747 = arith.constant 0 : i32
      %lt3A_748 = arith.cmpi slt, %rem3A_744, %lt3A_747 : i32
      %lt3A_749 = arith.constant 0 : i32
      %lt3A_750 = arith.cmpi slt, %select_n3A_743, %lt3A_749 : i32
      %ne3A_751 = arith.xori %lt3A_748, %lt3A_750 : i1
      %and3A_752 = arith.andi %ne3A_751, %ne3A_746 : i1
      %add3A_753 = arith.addi %rem3A_744, %select_n3A_743 : i32
      %select_n3A_754 = arith.select %and3A_752, %add3A_753, %rem3A_744 : i32
      %jit3A_755 = arith.constant 4 : i32
      %eq3A_756 = arith.constant 0 : i32
      %eq3A_757 = arith.cmpi eq, %jit3A_755, %eq3A_756 : i32
      %jit3A_758 = arith.constant 1 : i32
      %select_n3A_759 = arith.select %eq3A_757, %jit3A_758, %jit3A_755 : i32
      %rem3A_760 = arith.remsi %mul3A_687, %select_n3A_759 : i32
      %ne3A_761 = arith.constant 0 : i32
      %ne3A_762 = arith.cmpi ne, %rem3A_760, %ne3A_761 : i32
      %lt3A_763 = arith.constant 0 : i32
      %lt3A_764 = arith.cmpi slt, %rem3A_760, %lt3A_763 : i32
      %lt3A_765 = arith.constant 0 : i32
      %lt3A_766 = arith.cmpi slt, %select_n3A_759, %lt3A_765 : i32
      %ne3A_767 = arith.xori %lt3A_764, %lt3A_766 : i1
      %and3A_768 = arith.andi %ne3A_767, %ne3A_762 : i1
      %add3A_769 = arith.addi %rem3A_760, %select_n3A_759 : i32
      %select_n3A_770 = arith.select %and3A_768, %add3A_769, %rem3A_760 : i32
      %dma_start3A_771 = arith.constant 0 : i32
      %dma_start3A_772 = arith.constant 0 : i32
      %dma_start3A_773 = tpu.memref_slice %arg8[%select_n3A_754, %dma_start3A_771, %dma_start3A_772] : memref<8x80x128xf32, #tpu.memory_space<vmem>> -> memref<1x80x128xf32, #tpu.memory_space<vmem>>
      %dma_start3A_774 = tpu.memref_squeeze %dma_start3A_773 : memref<1x80x128xf32, #tpu.memory_space<vmem>> -> memref<80x128xf32, #tpu.memory_space<vmem>>
      %dma_start3A_775 = arith.constant 0 : i32
      %dma_start3A_776 = tpu.memref_slice %arg9[%mul3A_687, %dma_start3A_775] : memref<40x80xi32, #tpu.memory_space<vmem>> -> memref<1x80xi32, #tpu.memory_space<vmem>>
      %dma_start3A_777 = tpu.memref_squeeze %dma_start3A_776 : memref<1x80xi32, #tpu.memory_space<vmem>> -> memref<80xi32, #tpu.memory_space<vmem>>
      %dma_start3A_778 = arith.constant 0 : i32
      %dma_start3A_779 = arith.constant 0 : i32
      %dma_start3A_780 = tpu.memref_slice %arg13[%dma_start3A_778, %dma_start3A_779] : memref<1040x128xf32, #tpu.memory_space<vmem_shared>> -> memref<1040x128xf32, #tpu.memory_space<vmem_shared>>
      %dma_start3A_781 = tpu.memref_slice %arg17[%select_n3A_770] : memref<4x!tpu.dma_semaphore, #tpu.memory_space<semaphore_mem>> -> memref<1x!tpu.dma_semaphore, #tpu.memory_space<semaphore_mem>>
      %dma_start3A_782 = tpu.memref_squeeze %dma_start3A_781 : memref<1x!tpu.dma_semaphore, #tpu.memory_space<semaphore_mem>> -> memref<!tpu.dma_semaphore, #tpu.memory_space<semaphore_mem>>
      tpu.enqueue_indirect_dma source(%dma_start3A_774 : memref<80x128xf32, #tpu.memory_space<vmem>>) target(%dma_start3A_780 : memref<1040x128xf32, #tpu.memory_space<vmem_shared>>) offsets(%dma_start3A_777 : memref<80xi32, #tpu.memory_space<vmem>>) semaphore(%dma_start3A_782 : memref<!tpu.dma_semaphore, #tpu.memory_space<semaphore_mem>>) {add = true}
      %lt3A_783 = arith.constant 18 : i32
      %lt3A_784 = arith.cmpi slt, %add3A_685, %lt3A_783 : i32
      %convert_element_type3A_785 = arith.extui %lt3A_784 : i1 to i32
      %cond3A_786 = arith.constant 0 : i32
      %cond3A_787 = arith.cmpi ne, %convert_element_type3A_785, %cond3A_786 : i32
      scf.if %cond3A_787 {
        %add3A_891 = arith.constant 4 : i32
        %add3A_892 = arith.addi %mul3A_687, %add3A_891 : i32
        %mul3A_893 = arith.constant 80 : i32
        %mul3A_894 = arith.muli %add3A_892, %mul3A_893 : i32
        %add3A_895 = arith.addi %mul3A_516, %mul3A_894 : i32
        %jit3A_896 = arith.constant 8 : i32
        %eq3A_897 = arith.constant 0 : i32
        %eq3A_898 = arith.cmpi eq, %jit3A_896, %eq3A_897 : i32
        %jit3A_899 = arith.constant 1 : i32
        %select_n3A_900 = arith.select %eq3A_898, %jit3A_899, %jit3A_896 : i32
        %rem3A_901 = arith.remsi %add3A_892, %select_n3A_900 : i32
        %ne3A_902 = arith.constant 0 : i32
        %ne3A_903 = arith.cmpi ne, %rem3A_901, %ne3A_902 : i32
        %lt3A_904 = arith.constant 0 : i32
        %lt3A_905 = arith.cmpi slt, %rem3A_901, %lt3A_904 : i32
        %lt3A_906 = arith.constant 0 : i32
        %lt3A_907 = arith.cmpi slt, %select_n3A_900, %lt3A_906 : i32
        %ne3A_908 = arith.xori %lt3A_905, %lt3A_907 : i1
        %and3A_909 = arith.andi %ne3A_908, %ne3A_903 : i1
        %add3A_910 = arith.addi %rem3A_901, %select_n3A_900 : i32
        %select_n3A_911 = arith.select %and3A_909, %add3A_910, %rem3A_901 : i32
        %jit3A_912 = arith.constant 4 : i32
        %eq3A_913 = arith.constant 0 : i32
        %eq3A_914 = arith.cmpi eq, %jit3A_912, %eq3A_913 : i32
        %jit3A_915 = arith.constant 1 : i32
        %select_n3A_916 = arith.select %eq3A_914, %jit3A_915, %jit3A_912 : i32
        %rem3A_917 = arith.remsi %add3A_892, %select_n3A_916 : i32
        %ne3A_918 = arith.constant 0 : i32
        %ne3A_919 = arith.cmpi ne, %rem3A_917, %ne3A_918 : i32
        %lt3A_920 = arith.constant 0 : i32
        %lt3A_921 = arith.cmpi slt, %rem3A_917, %lt3A_920 : i32
        %lt3A_922 = arith.constant 0 : i32
        %lt3A_923 = arith.cmpi slt, %select_n3A_916, %lt3A_922 : i32
        %ne3A_924 = arith.xori %lt3A_921, %lt3A_923 : i1
        %and3A_925 = arith.andi %ne3A_924, %ne3A_919 : i1
        %add3A_926 = arith.addi %rem3A_917, %select_n3A_916 : i32
        %select_n3A_927 = arith.select %and3A_925, %add3A_926, %rem3A_917 : i32
        %dma_start3A_928 = arith.constant 0 : i32
        %dma_start3A_929 = arith.constant 0 : i32
        %dma_start3A_930 = tpu.memref_slice %arg8[%select_n3A_911, %dma_start3A_928, %dma_start3A_929] : memref<8x80x128xf32, #tpu.memory_space<vmem>> -> memref<1x80x128xf32, #tpu.memory_space<vmem>>
        %dma_start3A_931 = tpu.memref_squeeze %dma_start3A_930 : memref<1x80x128xf32, #tpu.memory_space<vmem>> -> memref<80x128xf32, #tpu.memory_space<vmem>>
        %dma_start3A_932 = arith.constant 0 : i32
        %dma_start3A_933 = tpu.memref_slice %arg2[%add3A_895, %dma_start3A_932] : memref<102400x128xf32, #tpu.memory_space<hbm>> -> memref<80x128xf32, #tpu.memory_space<hbm>>
        %dma_start3A_934 = tpu.memref_slice %arg16[%select_n3A_927] : memref<4x!tpu.dma_semaphore, #tpu.memory_space<semaphore_mem>> -> memref<1x!tpu.dma_semaphore, #tpu.memory_space<semaphore_mem>>
        %dma_start3A_935 = tpu.memref_squeeze %dma_start3A_934 : memref<1x!tpu.dma_semaphore, #tpu.memory_space<semaphore_mem>> -> memref<!tpu.dma_semaphore, #tpu.memory_space<semaphore_mem>>
        %dma_start3A_936 = arith.constant 0 : i32
        %dma_start3A_937 = arith.constant 0 : i32
        %dma_start3A_938 = tpu.memref_slice %arg8[%select_n3A_911, %dma_start3A_936, %dma_start3A_937] : memref<8x80x128xf32, #tpu.memory_space<vmem>> -> memref<1x80x128xf32, #tpu.memory_space<vmem>>
        %dma_start3A_939 = tpu.memref_squeeze %dma_start3A_938 : memref<1x80x128xf32, #tpu.memory_space<vmem>> -> memref<80x128xf32, #tpu.memory_space<vmem>>
        %dma_start3A_940 = arith.constant 0 : i32
        %dma_start3A_941 = tpu.memref_slice %arg2[%add3A_895, %dma_start3A_940] : memref<102400x128xf32, #tpu.memory_space<hbm>> -> memref<80x128xf32, #tpu.memory_space<hbm>>
        tpu.enqueue_dma source(%dma_start3A_941 : memref<80x128xf32, #tpu.memory_space<hbm>>) target(%dma_start3A_939 : memref<80x128xf32, #tpu.memory_space<vmem>>) target_semaphore(%dma_start3A_935 : memref<!tpu.dma_semaphore, #tpu.memory_space<semaphore_mem>>)
      } else {
      }
      %mul3A_788 = arith.constant 80 : i32
      %mul3A_789 = arith.muli %add3A_691, %mul3A_788 : i32
      %add3A_790 = arith.addi %mul3A_516, %mul3A_789 : i32
      %jit3A_791 = arith.constant 8 : i32
      %eq3A_792 = arith.constant 0 : i32
      %eq3A_793 = arith.cmpi eq, %jit3A_791, %eq3A_792 : i32
      %jit3A_794 = arith.constant 1 : i32
      %select_n3A_795 = arith.select %eq3A_793, %jit3A_794, %jit3A_791 : i32
      %rem3A_796 = arith.remsi %add3A_691, %select_n3A_795 : i32
      %ne3A_797 = arith.constant 0 : i32
      %ne3A_798 = arith.cmpi ne, %rem3A_796, %ne3A_797 : i32
      %lt3A_799 = arith.constant 0 : i32
      %lt3A_800 = arith.cmpi slt, %rem3A_796, %lt3A_799 : i32
      %lt3A_801 = arith.constant 0 : i32
      %lt3A_802 = arith.cmpi slt, %select_n3A_795, %lt3A_801 : i32
      %ne3A_803 = arith.xori %lt3A_800, %lt3A_802 : i1
      %and3A_804 = arith.andi %ne3A_803, %ne3A_798 : i1
      %add3A_805 = arith.addi %rem3A_796, %select_n3A_795 : i32
      %select_n3A_806 = arith.select %and3A_804, %add3A_805, %rem3A_796 : i32
      %jit3A_807 = arith.constant 4 : i32
      %eq3A_808 = arith.constant 0 : i32
      %eq3A_809 = arith.cmpi eq, %jit3A_807, %eq3A_808 : i32
      %jit3A_810 = arith.constant 1 : i32
      %select_n3A_811 = arith.select %eq3A_809, %jit3A_810, %jit3A_807 : i32
      %rem3A_812 = arith.remsi %add3A_691, %select_n3A_811 : i32
      %ne3A_813 = arith.constant 0 : i32
      %ne3A_814 = arith.cmpi ne, %rem3A_812, %ne3A_813 : i32
      %lt3A_815 = arith.constant 0 : i32
      %lt3A_816 = arith.cmpi slt, %rem3A_812, %lt3A_815 : i32
      %lt3A_817 = arith.constant 0 : i32
      %lt3A_818 = arith.cmpi slt, %select_n3A_811, %lt3A_817 : i32
      %ne3A_819 = arith.xori %lt3A_816, %lt3A_818 : i1
      %and3A_820 = arith.andi %ne3A_819, %ne3A_814 : i1
      %add3A_821 = arith.addi %rem3A_812, %select_n3A_811 : i32
      %select_n3A_822 = arith.select %and3A_820, %add3A_821, %rem3A_812 : i32
      %dma_wait3A_823 = arith.constant 0 : i32
      %dma_wait3A_824 = arith.constant 0 : i32
      %dma_wait3A_825 = tpu.memref_slice %arg8[%select_n3A_806, %dma_wait3A_823, %dma_wait3A_824] : memref<8x80x128xf32, #tpu.memory_space<vmem>> -> memref<1x80x128xf32, #tpu.memory_space<vmem>>
      %dma_wait3A_826 = tpu.memref_squeeze %dma_wait3A_825 : memref<1x80x128xf32, #tpu.memory_space<vmem>> -> memref<80x128xf32, #tpu.memory_space<vmem>>
      %dma_wait3A_827 = arith.constant 0 : i32
      %dma_wait3A_828 = tpu.memref_slice %arg2[%add3A_790, %dma_wait3A_827] : memref<102400x128xf32, #tpu.memory_space<hbm>> -> memref<80x128xf32, #tpu.memory_space<hbm>>
      %dma_wait3A_829 = tpu.memref_slice %arg16[%select_n3A_822] : memref<4x!tpu.dma_semaphore, #tpu.memory_space<semaphore_mem>> -> memref<1x!tpu.dma_semaphore, #tpu.memory_space<semaphore_mem>>
      %dma_wait3A_830 = tpu.memref_squeeze %dma_wait3A_829 : memref<1x!tpu.dma_semaphore, #tpu.memory_space<semaphore_mem>> -> memref<!tpu.dma_semaphore, #tpu.memory_space<semaphore_mem>>
      %dma_wait3A_831 = arith.constant 0 : i32
      %dma_wait3A_832 = arith.constant 0 : i32
      %dma_wait3A_833 = tpu.memref_slice %arg8[%select_n3A_806, %dma_wait3A_831, %dma_wait3A_832] : memref<8x80x128xf32, #tpu.memory_space<vmem>> -> memref<1x80x128xf32, #tpu.memory_space<vmem>>
      %dma_wait3A_834 = tpu.memref_squeeze %dma_wait3A_833 : memref<1x80x128xf32, #tpu.memory_space<vmem>> -> memref<80x128xf32, #tpu.memory_space<vmem>>
      %dma_wait3A_835 = arith.constant 0 : i32
      %dma_wait3A_836 = tpu.memref_slice %arg2[%add3A_790, %dma_wait3A_835] : memref<102400x128xf32, #tpu.memory_space<hbm>> -> memref<80x128xf32, #tpu.memory_space<hbm>>
      tpu.wait_dma2 semaphore(%dma_wait3A_830 : memref<!tpu.dma_semaphore, #tpu.memory_space<semaphore_mem>>) src(%dma_wait3A_836 : memref<80x128xf32, #tpu.memory_space<hbm>>) dst(%dma_wait3A_834 : memref<80x128xf32, #tpu.memory_space<vmem>>)
      %ge3A_837 = arith.constant 2 : i32
      %ge3A_838 = arith.cmpi sge, %add3A_685, %ge3A_837 : i32
      %convert_element_type3A_839 = arith.extui %ge3A_838 : i1 to i32
      %cond3A_840 = arith.constant 0 : i32
      %cond3A_841 = arith.cmpi ne, %convert_element_type3A_839, %cond3A_840 : i32
      scf.if %cond3A_841 {
        %sub3A = arith.constant 4 : i32
        %sub3A_891 = arith.subi %add3A_691, %sub3A : i32
        %jit3A_892 = arith.constant 8 : i32
        %eq3A_893 = arith.constant 0 : i32
        %eq3A_894 = arith.cmpi eq, %jit3A_892, %eq3A_893 : i32
        %jit3A_895 = arith.constant 1 : i32
        %select_n3A_896 = arith.select %eq3A_894, %jit3A_895, %jit3A_892 : i32
        %rem3A_897 = arith.remsi %sub3A_891, %select_n3A_896 : i32
        %ne3A_898 = arith.constant 0 : i32
        %ne3A_899 = arith.cmpi ne, %rem3A_897, %ne3A_898 : i32
        %lt3A_900 = arith.constant 0 : i32
        %lt3A_901 = arith.cmpi slt, %rem3A_897, %lt3A_900 : i32
        %lt3A_902 = arith.constant 0 : i32
        %lt3A_903 = arith.cmpi slt, %select_n3A_896, %lt3A_902 : i32
        %ne3A_904 = arith.xori %lt3A_901, %lt3A_903 : i1
        %and3A_905 = arith.andi %ne3A_904, %ne3A_899 : i1
        %add3A_906 = arith.addi %rem3A_897, %select_n3A_896 : i32
        %select_n3A_907 = arith.select %and3A_905, %add3A_906, %rem3A_897 : i32
        %jit3A_908 = arith.constant 4 : i32
        %eq3A_909 = arith.constant 0 : i32
        %eq3A_910 = arith.cmpi eq, %jit3A_908, %eq3A_909 : i32
        %jit3A_911 = arith.constant 1 : i32
        %select_n3A_912 = arith.select %eq3A_910, %jit3A_911, %jit3A_908 : i32
        %rem3A_913 = arith.remsi %sub3A_891, %select_n3A_912 : i32
        %ne3A_914 = arith.constant 0 : i32
        %ne3A_915 = arith.cmpi ne, %rem3A_913, %ne3A_914 : i32
        %lt3A_916 = arith.constant 0 : i32
        %lt3A_917 = arith.cmpi slt, %rem3A_913, %lt3A_916 : i32
        %lt3A_918 = arith.constant 0 : i32
        %lt3A_919 = arith.cmpi slt, %select_n3A_912, %lt3A_918 : i32
        %ne3A_920 = arith.xori %lt3A_917, %lt3A_919 : i1
        %and3A_921 = arith.andi %ne3A_920, %ne3A_915 : i1
        %add3A_922 = arith.addi %rem3A_913, %select_n3A_912 : i32
        %select_n3A_923 = arith.select %and3A_921, %add3A_922, %rem3A_913 : i32
        %dma_wait3A_924 = arith.constant 0 : i32
        %dma_wait3A_925 = arith.constant 0 : i32
        %dma_wait3A_926 = tpu.memref_slice %arg8[%select_n3A_907, %dma_wait3A_924, %dma_wait3A_925] : memref<8x80x128xf32, #tpu.memory_space<vmem>> -> memref<1x80x128xf32, #tpu.memory_space<vmem>>
        %dma_wait3A_927 = tpu.memref_squeeze %dma_wait3A_926 : memref<1x80x128xf32, #tpu.memory_space<vmem>> -> memref<80x128xf32, #tpu.memory_space<vmem>>
        %dma_wait3A_928 = arith.constant 0 : i32
        %dma_wait3A_929 = tpu.memref_slice %arg9[%sub3A_891, %dma_wait3A_928] : memref<40x80xi32, #tpu.memory_space<vmem>> -> memref<1x80xi32, #tpu.memory_space<vmem>>
        %dma_wait3A_930 = tpu.memref_squeeze %dma_wait3A_929 : memref<1x80xi32, #tpu.memory_space<vmem>> -> memref<80xi32, #tpu.memory_space<vmem>>
        %dma_wait3A_931 = arith.constant 0 : i32
        %dma_wait3A_932 = arith.constant 0 : i32
        %dma_wait3A_933 = tpu.memref_slice %arg13[%dma_wait3A_931, %dma_wait3A_932] : memref<1040x128xf32, #tpu.memory_space<vmem_shared>> -> memref<1040x128xf32, #tpu.memory_space<vmem_shared>>
        %dma_wait3A_934 = tpu.memref_slice %arg17[%select_n3A_923] : memref<4x!tpu.dma_semaphore, #tpu.memory_space<semaphore_mem>> -> memref<1x!tpu.dma_semaphore, #tpu.memory_space<semaphore_mem>>
        %dma_wait3A_935 = tpu.memref_squeeze %dma_wait3A_934 : memref<1x!tpu.dma_semaphore, #tpu.memory_space<semaphore_mem>> -> memref<!tpu.dma_semaphore, #tpu.memory_space<semaphore_mem>>
        tpu.wait_indirect_dma semaphore(%dma_wait3A_935 : memref<!tpu.dma_semaphore, #tpu.memory_space<semaphore_mem>>) src(%dma_wait3A_927 : memref<80x128xf32, #tpu.memory_space<vmem>>) dst(%dma_wait3A_933 : memref<1040x128xf32, #tpu.memory_space<vmem_shared>>)
      } else {
      }
      %jit3A_842 = arith.constant 8 : i32
      %eq3A_843 = arith.constant 0 : i32
      %eq3A_844 = arith.cmpi eq, %jit3A_842, %eq3A_843 : i32
      %jit3A_845 = arith.constant 1 : i32
      %select_n3A_846 = arith.select %eq3A_844, %jit3A_845, %jit3A_842 : i32
      %rem3A_847 = arith.remsi %add3A_691, %select_n3A_846 : i32
      %ne3A_848 = arith.constant 0 : i32
      %ne3A_849 = arith.cmpi ne, %rem3A_847, %ne3A_848 : i32
      %lt3A_850 = arith.constant 0 : i32
      %lt3A_851 = arith.cmpi slt, %rem3A_847, %lt3A_850 : i32
      %lt3A_852 = arith.constant 0 : i32
      %lt3A_853 = arith.cmpi slt, %select_n3A_846, %lt3A_852 : i32
      %ne3A_854 = arith.xori %lt3A_851, %lt3A_853 : i1
      %and3A_855 = arith.andi %ne3A_854, %ne3A_849 : i1
      %add3A_856 = arith.addi %rem3A_847, %select_n3A_846 : i32
      %select_n3A_857 = arith.select %and3A_855, %add3A_856, %rem3A_847 : i32
      %jit3A_858 = arith.constant 4 : i32
      %eq3A_859 = arith.constant 0 : i32
      %eq3A_860 = arith.cmpi eq, %jit3A_858, %eq3A_859 : i32
      %jit3A_861 = arith.constant 1 : i32
      %select_n3A_862 = arith.select %eq3A_860, %jit3A_861, %jit3A_858 : i32
      %rem3A_863 = arith.remsi %add3A_691, %select_n3A_862 : i32
      %ne3A_864 = arith.constant 0 : i32
      %ne3A_865 = arith.cmpi ne, %rem3A_863, %ne3A_864 : i32
      %lt3A_866 = arith.constant 0 : i32
      %lt3A_867 = arith.cmpi slt, %rem3A_863, %lt3A_866 : i32
      %lt3A_868 = arith.constant 0 : i32
      %lt3A_869 = arith.cmpi slt, %select_n3A_862, %lt3A_868 : i32
      %ne3A_870 = arith.xori %lt3A_867, %lt3A_869 : i1
      %and3A_871 = arith.andi %ne3A_870, %ne3A_865 : i1
      %add3A_872 = arith.addi %rem3A_863, %select_n3A_862 : i32
      %select_n3A_873 = arith.select %and3A_871, %add3A_872, %rem3A_863 : i32
      %dma_start3A_874 = arith.constant 0 : i32
      %dma_start3A_875 = arith.constant 0 : i32
      %dma_start3A_876 = tpu.memref_slice %arg8[%select_n3A_857, %dma_start3A_874, %dma_start3A_875] : memref<8x80x128xf32, #tpu.memory_space<vmem>> -> memref<1x80x128xf32, #tpu.memory_space<vmem>>
      %dma_start3A_877 = tpu.memref_squeeze %dma_start3A_876 : memref<1x80x128xf32, #tpu.memory_space<vmem>> -> memref<80x128xf32, #tpu.memory_space<vmem>>
      %dma_start3A_878 = arith.constant 0 : i32
      %dma_start3A_879 = tpu.memref_slice %arg9[%add3A_691, %dma_start3A_878] : memref<40x80xi32, #tpu.memory_space<vmem>> -> memref<1x80xi32, #tpu.memory_space<vmem>>
      %dma_start3A_880 = tpu.memref_squeeze %dma_start3A_879 : memref<1x80xi32, #tpu.memory_space<vmem>> -> memref<80xi32, #tpu.memory_space<vmem>>
      %dma_start3A_881 = arith.constant 0 : i32
      %dma_start3A_882 = arith.constant 0 : i32
      %dma_start3A_883 = tpu.memref_slice %arg13[%dma_start3A_881, %dma_start3A_882] : memref<1040x128xf32, #tpu.memory_space<vmem_shared>> -> memref<1040x128xf32, #tpu.memory_space<vmem_shared>>
      %dma_start3A_884 = tpu.memref_slice %arg17[%select_n3A_873] : memref<4x!tpu.dma_semaphore, #tpu.memory_space<semaphore_mem>> -> memref<1x!tpu.dma_semaphore, #tpu.memory_space<semaphore_mem>>
      %dma_start3A_885 = tpu.memref_squeeze %dma_start3A_884 : memref<1x!tpu.dma_semaphore, #tpu.memory_space<semaphore_mem>> -> memref<!tpu.dma_semaphore, #tpu.memory_space<semaphore_mem>>
      tpu.enqueue_indirect_dma source(%dma_start3A_877 : memref<80x128xf32, #tpu.memory_space<vmem>>) target(%dma_start3A_883 : memref<1040x128xf32, #tpu.memory_space<vmem_shared>>) offsets(%dma_start3A_880 : memref<80xi32, #tpu.memory_space<vmem>>) semaphore(%dma_start3A_885 : memref<!tpu.dma_semaphore, #tpu.memory_space<semaphore_mem>>) {add = true}
      %lt3A_886 = arith.constant 18 : i32
      %lt3A_887 = arith.cmpi slt, %add3A_685, %lt3A_886 : i32
      %convert_element_type3A_888 = arith.extui %lt3A_887 : i1 to i32
      %cond3A_889 = arith.constant 0 : i32
      %cond3A_890 = arith.cmpi ne, %convert_element_type3A_888, %cond3A_889 : i32
      scf.if %cond3A_890 {
        %add3A_891 = arith.constant 4 : i32
        %add3A_892 = arith.addi %add3A_691, %add3A_891 : i32
        %mul3A_893 = arith.constant 80 : i32
        %mul3A_894 = arith.muli %add3A_892, %mul3A_893 : i32
        %add3A_895 = arith.addi %mul3A_516, %mul3A_894 : i32
        %jit3A_896 = arith.constant 8 : i32
        %eq3A_897 = arith.constant 0 : i32
        %eq3A_898 = arith.cmpi eq, %jit3A_896, %eq3A_897 : i32
        %jit3A_899 = arith.constant 1 : i32
        %select_n3A_900 = arith.select %eq3A_898, %jit3A_899, %jit3A_896 : i32
        %rem3A_901 = arith.remsi %add3A_892, %select_n3A_900 : i32
        %ne3A_902 = arith.constant 0 : i32
        %ne3A_903 = arith.cmpi ne, %rem3A_901, %ne3A_902 : i32
        %lt3A_904 = arith.constant 0 : i32
        %lt3A_905 = arith.cmpi slt, %rem3A_901, %lt3A_904 : i32
        %lt3A_906 = arith.constant 0 : i32
        %lt3A_907 = arith.cmpi slt, %select_n3A_900, %lt3A_906 : i32
        %ne3A_908 = arith.xori %lt3A_905, %lt3A_907 : i1
        %and3A_909 = arith.andi %ne3A_908, %ne3A_903 : i1
        %add3A_910 = arith.addi %rem3A_901, %select_n3A_900 : i32
        %select_n3A_911 = arith.select %and3A_909, %add3A_910, %rem3A_901 : i32
        %jit3A_912 = arith.constant 4 : i32
        %eq3A_913 = arith.constant 0 : i32
        %eq3A_914 = arith.cmpi eq, %jit3A_912, %eq3A_913 : i32
        %jit3A_915 = arith.constant 1 : i32
        %select_n3A_916 = arith.select %eq3A_914, %jit3A_915, %jit3A_912 : i32
        %rem3A_917 = arith.remsi %add3A_892, %select_n3A_916 : i32
        %ne3A_918 = arith.constant 0 : i32
        %ne3A_919 = arith.cmpi ne, %rem3A_917, %ne3A_918 : i32
        %lt3A_920 = arith.constant 0 : i32
        %lt3A_921 = arith.cmpi slt, %rem3A_917, %lt3A_920 : i32
        %lt3A_922 = arith.constant 0 : i32
        %lt3A_923 = arith.cmpi slt, %select_n3A_916, %lt3A_922 : i32
        %ne3A_924 = arith.xori %lt3A_921, %lt3A_923 : i1
        %and3A_925 = arith.andi %ne3A_924, %ne3A_919 : i1
        %add3A_926 = arith.addi %rem3A_917, %select_n3A_916 : i32
        %select_n3A_927 = arith.select %and3A_925, %add3A_926, %rem3A_917 : i32
        %dma_start3A_928 = arith.constant 0 : i32
        %dma_start3A_929 = arith.constant 0 : i32
        %dma_start3A_930 = tpu.memref_slice %arg8[%select_n3A_911, %dma_start3A_928, %dma_start3A_929] : memref<8x80x128xf32, #tpu.memory_space<vmem>> -> memref<1x80x128xf32, #tpu.memory_space<vmem>>
        %dma_start3A_931 = tpu.memref_squeeze %dma_start3A_930 : memref<1x80x128xf32, #tpu.memory_space<vmem>> -> memref<80x128xf32, #tpu.memory_space<vmem>>
        %dma_start3A_932 = arith.constant 0 : i32
        %dma_start3A_933 = tpu.memref_slice %arg2[%add3A_895, %dma_start3A_932] : memref<102400x128xf32, #tpu.memory_space<hbm>> -> memref<80x128xf32, #tpu.memory_space<hbm>>
        %dma_start3A_934 = tpu.memref_slice %arg16[%select_n3A_927] : memref<4x!tpu.dma_semaphore, #tpu.memory_space<semaphore_mem>> -> memref<1x!tpu.dma_semaphore, #tpu.memory_space<semaphore_mem>>
        %dma_start3A_935 = tpu.memref_squeeze %dma_start3A_934 : memref<1x!tpu.dma_semaphore, #tpu.memory_space<semaphore_mem>> -> memref<!tpu.dma_semaphore, #tpu.memory_space<semaphore_mem>>
        %dma_start3A_936 = arith.constant 0 : i32
        %dma_start3A_937 = arith.constant 0 : i32
        %dma_start3A_938 = tpu.memref_slice %arg8[%select_n3A_911, %dma_start3A_936, %dma_start3A_937] : memref<8x80x128xf32, #tpu.memory_space<vmem>> -> memref<1x80x128xf32, #tpu.memory_space<vmem>>
        %dma_start3A_939 = tpu.memref_squeeze %dma_start3A_938 : memref<1x80x128xf32, #tpu.memory_space<vmem>> -> memref<80x128xf32, #tpu.memory_space<vmem>>
        %dma_start3A_940 = arith.constant 0 : i32
        %dma_start3A_941 = tpu.memref_slice %arg2[%add3A_895, %dma_start3A_940] : memref<102400x128xf32, #tpu.memory_space<hbm>> -> memref<80x128xf32, #tpu.memory_space<hbm>>
        tpu.enqueue_dma source(%dma_start3A_941 : memref<80x128xf32, #tpu.memory_space<hbm>>) target(%dma_start3A_939 : memref<80x128xf32, #tpu.memory_space<vmem>>) target_semaphore(%dma_start3A_935 : memref<!tpu.dma_semaphore, #tpu.memory_space<semaphore_mem>>)
      } else {
      }
    }
    %scan3A_591 = arith.constant 20 : i32
    %dma_wait3A = arith.constant 4 : i32
    %dma_wait3A_592 = arith.constant 36 : i32
    %dma_wait3A_593 = arith.constant 0 : i32
    %dma_wait3A_594 = arith.constant 0 : i32
    %dma_wait3A_595 = arith.constant 0 : i32
    %dma_wait3A_596 = tpu.memref_slice %arg8[%dma_wait3A, %dma_wait3A_594, %dma_wait3A_595] : memref<8x80x128xf32, #tpu.memory_space<vmem>> -> memref<1x80x128xf32, #tpu.memory_space<vmem>>
    %dma_wait3A_597 = tpu.memref_squeeze %dma_wait3A_596 : memref<1x80x128xf32, #tpu.memory_space<vmem>> -> memref<80x128xf32, #tpu.memory_space<vmem>>
    %dma_wait3A_598 = arith.constant 0 : i32
    %dma_wait3A_599 = tpu.memref_slice %arg9[%dma_wait3A_592, %dma_wait3A_598] : memref<40x80xi32, #tpu.memory_space<vmem>> -> memref<1x80xi32, #tpu.memory_space<vmem>>
    %dma_wait3A_600 = tpu.memref_squeeze %dma_wait3A_599 : memref<1x80xi32, #tpu.memory_space<vmem>> -> memref<80xi32, #tpu.memory_space<vmem>>
    %dma_wait3A_601 = arith.constant 0 : i32
    %dma_wait3A_602 = arith.constant 0 : i32
    %dma_wait3A_603 = tpu.memref_slice %arg13[%dma_wait3A_601, %dma_wait3A_602] : memref<1040x128xf32, #tpu.memory_space<vmem_shared>> -> memref<1040x128xf32, #tpu.memory_space<vmem_shared>>
    %dma_wait3A_604 = tpu.memref_slice %arg17[%dma_wait3A_593] : memref<4x!tpu.dma_semaphore, #tpu.memory_space<semaphore_mem>> -> memref<1x!tpu.dma_semaphore, #tpu.memory_space<semaphore_mem>>
    %dma_wait3A_605 = tpu.memref_squeeze %dma_wait3A_604 : memref<1x!tpu.dma_semaphore, #tpu.memory_space<semaphore_mem>> -> memref<!tpu.dma_semaphore, #tpu.memory_space<semaphore_mem>>
    tpu.wait_indirect_dma semaphore(%dma_wait3A_605 : memref<!tpu.dma_semaphore, #tpu.memory_space<semaphore_mem>>) src(%dma_wait3A_597 : memref<80x128xf32, #tpu.memory_space<vmem>>) dst(%dma_wait3A_603 : memref<1040x128xf32, #tpu.memory_space<vmem_shared>>)
    %dma_wait3A_606 = arith.constant 5 : i32
    %dma_wait3A_607 = arith.constant 37 : i32
    %dma_wait3A_608 = arith.constant 1 : i32
    %dma_wait3A_609 = arith.constant 0 : i32
    %dma_wait3A_610 = arith.constant 0 : i32
    %dma_wait3A_611 = tpu.memref_slice %arg8[%dma_wait3A_606, %dma_wait3A_609, %dma_wait3A_610] : memref<8x80x128xf32, #tpu.memory_space<vmem>> -> memref<1x80x128xf32, #tpu.memory_space<vmem>>
    %dma_wait3A_612 = tpu.memref_squeeze %dma_wait3A_611 : memref<1x80x128xf32, #tpu.memory_space<vmem>> -> memref<80x128xf32, #tpu.memory_space<vmem>>
    %dma_wait3A_613 = arith.constant 0 : i32
    %dma_wait3A_614 = tpu.memref_slice %arg9[%dma_wait3A_607, %dma_wait3A_613] : memref<40x80xi32, #tpu.memory_space<vmem>> -> memref<1x80xi32, #tpu.memory_space<vmem>>
    %dma_wait3A_615 = tpu.memref_squeeze %dma_wait3A_614 : memref<1x80xi32, #tpu.memory_space<vmem>> -> memref<80xi32, #tpu.memory_space<vmem>>
    %dma_wait3A_616 = arith.constant 0 : i32
    %dma_wait3A_617 = arith.constant 0 : i32
    %dma_wait3A_618 = tpu.memref_slice %arg13[%dma_wait3A_616, %dma_wait3A_617] : memref<1040x128xf32, #tpu.memory_space<vmem_shared>> -> memref<1040x128xf32, #tpu.memory_space<vmem_shared>>
    %dma_wait3A_619 = tpu.memref_slice %arg17[%dma_wait3A_608] : memref<4x!tpu.dma_semaphore, #tpu.memory_space<semaphore_mem>> -> memref<1x!tpu.dma_semaphore, #tpu.memory_space<semaphore_mem>>
    %dma_wait3A_620 = tpu.memref_squeeze %dma_wait3A_619 : memref<1x!tpu.dma_semaphore, #tpu.memory_space<semaphore_mem>> -> memref<!tpu.dma_semaphore, #tpu.memory_space<semaphore_mem>>
    tpu.wait_indirect_dma semaphore(%dma_wait3A_620 : memref<!tpu.dma_semaphore, #tpu.memory_space<semaphore_mem>>) src(%dma_wait3A_612 : memref<80x128xf32, #tpu.memory_space<vmem>>) dst(%dma_wait3A_618 : memref<1040x128xf32, #tpu.memory_space<vmem_shared>>)
    %dma_wait3A_621 = arith.constant 6 : i32
    %dma_wait3A_622 = arith.constant 38 : i32
    %dma_wait3A_623 = arith.constant 2 : i32
    %dma_wait3A_624 = arith.constant 0 : i32
    %dma_wait3A_625 = arith.constant 0 : i32
    %dma_wait3A_626 = tpu.memref_slice %arg8[%dma_wait3A_621, %dma_wait3A_624, %dma_wait3A_625] : memref<8x80x128xf32, #tpu.memory_space<vmem>> -> memref<1x80x128xf32, #tpu.memory_space<vmem>>
    %dma_wait3A_627 = tpu.memref_squeeze %dma_wait3A_626 : memref<1x80x128xf32, #tpu.memory_space<vmem>> -> memref<80x128xf32, #tpu.memory_space<vmem>>
    %dma_wait3A_628 = arith.constant 0 : i32
    %dma_wait3A_629 = tpu.memref_slice %arg9[%dma_wait3A_622, %dma_wait3A_628] : memref<40x80xi32, #tpu.memory_space<vmem>> -> memref<1x80xi32, #tpu.memory_space<vmem>>
    %dma_wait3A_630 = tpu.memref_squeeze %dma_wait3A_629 : memref<1x80xi32, #tpu.memory_space<vmem>> -> memref<80xi32, #tpu.memory_space<vmem>>
    %dma_wait3A_631 = arith.constant 0 : i32
    %dma_wait3A_632 = arith.constant 0 : i32
    %dma_wait3A_633 = tpu.memref_slice %arg13[%dma_wait3A_631, %dma_wait3A_632] : memref<1040x128xf32, #tpu.memory_space<vmem_shared>> -> memref<1040x128xf32, #tpu.memory_space<vmem_shared>>
    %dma_wait3A_634 = tpu.memref_slice %arg17[%dma_wait3A_623] : memref<4x!tpu.dma_semaphore, #tpu.memory_space<semaphore_mem>> -> memref<1x!tpu.dma_semaphore, #tpu.memory_space<semaphore_mem>>
    %dma_wait3A_635 = tpu.memref_squeeze %dma_wait3A_634 : memref<1x!tpu.dma_semaphore, #tpu.memory_space<semaphore_mem>> -> memref<!tpu.dma_semaphore, #tpu.memory_space<semaphore_mem>>
    tpu.wait_indirect_dma semaphore(%dma_wait3A_635 : memref<!tpu.dma_semaphore, #tpu.memory_space<semaphore_mem>>) src(%dma_wait3A_627 : memref<80x128xf32, #tpu.memory_space<vmem>>) dst(%dma_wait3A_633 : memref<1040x128xf32, #tpu.memory_space<vmem_shared>>)
    %dma_wait3A_636 = arith.constant 7 : i32
    %dma_wait3A_637 = arith.constant 39 : i32
    %dma_wait3A_638 = arith.constant 3 : i32
    %dma_wait3A_639 = arith.constant 0 : i32
    %dma_wait3A_640 = arith.constant 0 : i32
    %dma_wait3A_641 = tpu.memref_slice %arg8[%dma_wait3A_636, %dma_wait3A_639, %dma_wait3A_640] : memref<8x80x128xf32, #tpu.memory_space<vmem>> -> memref<1x80x128xf32, #tpu.memory_space<vmem>>
    %dma_wait3A_642 = tpu.memref_squeeze %dma_wait3A_641 : memref<1x80x128xf32, #tpu.memory_space<vmem>> -> memref<80x128xf32, #tpu.memory_space<vmem>>
    %dma_wait3A_643 = arith.constant 0 : i32
    %dma_wait3A_644 = tpu.memref_slice %arg9[%dma_wait3A_637, %dma_wait3A_643] : memref<40x80xi32, #tpu.memory_space<vmem>> -> memref<1x80xi32, #tpu.memory_space<vmem>>
    %dma_wait3A_645 = tpu.memref_squeeze %dma_wait3A_644 : memref<1x80xi32, #tpu.memory_space<vmem>> -> memref<80xi32, #tpu.memory_space<vmem>>
    %dma_wait3A_646 = arith.constant 0 : i32
    %dma_wait3A_647 = arith.constant 0 : i32
    %dma_wait3A_648 = tpu.memref_slice %arg13[%dma_wait3A_646, %dma_wait3A_647] : memref<1040x128xf32, #tpu.memory_space<vmem_shared>> -> memref<1040x128xf32, #tpu.memory_space<vmem_shared>>
    %dma_wait3A_649 = tpu.memref_slice %arg17[%dma_wait3A_638] : memref<4x!tpu.dma_semaphore, #tpu.memory_space<semaphore_mem>> -> memref<1x!tpu.dma_semaphore, #tpu.memory_space<semaphore_mem>>
    %dma_wait3A_650 = tpu.memref_squeeze %dma_wait3A_649 : memref<1x!tpu.dma_semaphore, #tpu.memory_space<semaphore_mem>> -> memref<!tpu.dma_semaphore, #tpu.memory_space<semaphore_mem>>
    tpu.wait_indirect_dma semaphore(%dma_wait3A_650 : memref<!tpu.dma_semaphore, #tpu.memory_space<semaphore_mem>>) src(%dma_wait3A_642 : memref<80x128xf32, #tpu.memory_space<vmem>>) dst(%dma_wait3A_648 : memref<1040x128xf32, #tpu.memory_space<vmem_shared>>)
    %scan3A_651 = arith.constant 0 : i32
    %scan3A_652 = arith.constant 200 : i32
    %scan3A_653 = arith.addi %scan3A_651, %scan3A_652 : i32
    %scan3A_654 = arith.constant 1 : i32
    scf.for %scan3A_681 = %scan3A_651 to %scan3A_653 step %scan3A_654  : i32 {
      %mul3A_682 = arith.constant 1 : i32
      %mul3A_683 = arith.muli %scan3A_681, %mul3A_682 : i32
      %add3A_684 = arith.constant 0 : i32
      %add3A_685 = arith.addi %add3A_684, %mul3A_683 : i32
      %mul3A_686 = arith.constant 16 : i32
      %mul3A_687 = arith.muli %add3A_685, %mul3A_686 : i32
      %get3A = arith.index_cast %mul3A_687 : i32 to index
      %get3A_688 = tpu.vector_load %arg10[%get3A] {strides = array<i32>} : memref<3200xf32, #tpu.memory_space<vmem>>, vector<16xf32>,
      %jit3A = arith.constant 5 : i32
      %div3A = arith.divsi %add3A_685, %jit3A : i32
      %sign3A = arith.constant 0 : i32
      %sign3A_689 = arith.cmpi sgt, %add3A_685, %sign3A : i32
      %sign3A_690 = arith.extui %sign3A_689 : i1 to i32
      %sign3A_691 = arith.constant 0 : i32
      %sign3A_692 = arith.cmpi slt, %add3A_685, %sign3A_691 : i32
      %sign3A_693 = arith.extui %sign3A_692 : i1 to i32
      %sign3A_694 = arith.subi %sign3A_690, %sign3A_693 : i32
      %sign3A_695 = arith.constant 0 : i32
      %sign3A_696 = arith.cmpi sgt, %jit3A, %sign3A_695 : i32
      %sign3A_697 = arith.extui %sign3A_696 : i1 to i32
      %sign3A_698 = arith.constant 0 : i32
      %sign3A_699 = arith.cmpi slt, %jit3A, %sign3A_698 : i32
      %sign3A_700 = arith.extui %sign3A_699 : i1 to i32
      %sign3A_701 = arith.subi %sign3A_697, %sign3A_700 : i32
      %ne3A = arith.cmpi ne, %sign3A_694, %sign3A_701 : i32
      %rem3A = arith.remsi %add3A_685, %jit3A : i32
      %ne3A_702 = arith.constant 0 : i32
      %ne3A_703 = arith.cmpi ne, %rem3A, %ne3A_702 : i32
      %and3A = arith.andi %ne3A, %ne3A_703 : i1
      %sub3A = arith.constant 1 : i32
      %sub3A_704 = arith.subi %div3A, %sub3A : i32
      %select_n3A = arith.select %and3A, %sub3A_704, %div3A : i32
      %jit3A_705 = arith.constant 5 : i32
      %eq3A_706 = arith.constant 0 : i32
      %eq3A_707 = arith.cmpi eq, %jit3A_705, %eq3A_706 : i32
      %jit3A_708 = arith.constant 1 : i32
      %select_n3A_709 = arith.select %eq3A_707, %jit3A_708, %jit3A_705 : i32
      %rem3A_710 = arith.remsi %add3A_685, %select_n3A_709 : i32
      %ne3A_711 = arith.constant 0 : i32
      %ne3A_712 = arith.cmpi ne, %rem3A_710, %ne3A_711 : i32
      %lt3A = arith.constant 0 : i32
      %lt3A_713 = arith.cmpi slt, %rem3A_710, %lt3A : i32
      %lt3A_714 = arith.constant 0 : i32
      %lt3A_715 = arith.cmpi slt, %select_n3A_709, %lt3A_714 : i32
      %ne3A_716 = arith.xori %lt3A_713, %lt3A_715 : i1
      %and3A_717 = arith.andi %ne3A_716, %ne3A_712 : i1
      %add3A_718 = arith.addi %rem3A_710, %select_n3A_709 : i32
      %select_n3A_719 = arith.select %and3A_717, %add3A_718, %rem3A_710 : i32
      %mul3A_720 = arith.constant 16 : i32
      %mul3A_721 = arith.muli %select_n3A_719, %mul3A_720 : i32
      %get3A_722 = arith.index_cast %select_n3A : i32 to index
      %get3A_723 = arith.index_cast %mul3A_721 : i32 to index
      %get3A_724 = tpu.vector_load %arg9[%get3A_722, %get3A_723] {strides = array<i32>} : memref<40x80xi32, #tpu.memory_space<vmem>>, vector<16xi32>,
      %shift_right_logical3A = arith.constant 7 : i32
      %shift_right_logical3A_725 = vector.broadcast %shift_right_logical3A : i32 to vector<16xi32>
      %shift_right_logical3A_726 = arith.shrui %get3A_724, %shift_right_logical3A_725 : vector<16xi32>
      %and3A_727 = arith.constant 127 : i32
      %and3A_728 = vector.broadcast %and3A_727 : i32 to vector<16xi32>
      %and3A_729 = arith.andi %get3A_724, %and3A_728 : vector<16xi32>
      tpu.vector_store_idx %arg11[%shift_right_logical3A_726, %and3A_729], %get3A_688 {add = true} : memref<16x128xf32, #tpu.memory_space<vmem>>[vector<16xi32>, vector<16xi32>], vector<16xf32>,
    }
    %scan3A_655 = arith.constant 200 : i32
    %iota3A = tpu.iota {dimensions = array<i32: 0>} : vector<16xi32>
    "tpu.region"() ({
      %run_scoped3A_681 = tpu.sem_alloc : memref<!tpu.dma_semaphore, #tpu.memory_space<semaphore_mem>>
      %dma_start3A_682 = arith.constant 0 : i32
      %dma_start3A_683 = arith.constant 0 : i32
      %dma_start3A_684 = tpu.memref_slice %arg14[%dma_start3A_682, %dma_start3A_683] : memref<16x128xf32, #tpu.memory_space<vmem_shared>> -> memref<16x128xf32, #tpu.memory_space<vmem_shared>>
      tpu.enqueue_indirect_dma source(%arg11 : memref<16x128xf32, #tpu.memory_space<vmem>>) target(%dma_start3A_684 : memref<16x128xf32, #tpu.memory_space<vmem_shared>>) offsets(%iota3A : vector<16xi32>) semaphore(%run_scoped3A_681 : memref<!tpu.dma_semaphore, #tpu.memory_space<semaphore_mem>>) {add = true}
      %dma_wait3A_685 = arith.constant 0 : i32
      %dma_wait3A_686 = arith.constant 0 : i32
      %dma_wait3A_687 = tpu.memref_slice %arg14[%dma_wait3A_685, %dma_wait3A_686] : memref<16x128xf32, #tpu.memory_space<vmem_shared>> -> memref<16x128xf32, #tpu.memory_space<vmem_shared>>
      tpu.wait_indirect_dma semaphore(%run_scoped3A_681 : memref<!tpu.dma_semaphore, #tpu.memory_space<semaphore_mem>>) src(%arg11 : memref<16x128xf32, #tpu.memory_space<vmem>>) dst(%dma_wait3A_687 : memref<16x128xf32, #tpu.memory_space<vmem_shared>>)
      tpu.yield
    }) : () -> ()
    %barrier3A_656 = arith.constant 0 : index
    tpu.barrier barrier_id(%barrier3A_656)
    %mul3A_657 = arith.constant 64 : i32
    %mul3A_658 = arith.muli %arg1, %mul3A_657 : i32
    %mul3A_659 = arith.constant 64 : i32
    %mul3A_660 = arith.muli %arg1, %mul3A_659 : i32
    "tpu.region"() ({
      %run_scoped3A_681 = tpu.sem_alloc : memref<!tpu.dma_semaphore, #tpu.memory_space<semaphore_mem>>
      %dma_start3A_682 = arith.constant 0 : i32
      %dma_start3A_683 = tpu.memref_slice %arg6[%arg0, %mul3A_660, %dma_start3A_682] : memref<2x1040x128xf32, #tpu.memory_space<hbm>> -> memref<1x64x128xf32, #tpu.memory_space<hbm>>
      %dma_start3A_684 = tpu.memref_squeeze %dma_start3A_683 : memref<1x64x128xf32, #tpu.memory_space<hbm>> -> memref<64x128xf32, #tpu.memory_space<hbm>>
      %dma_start3A_685 = arith.constant 0 : i32
      %dma_start3A_686 = tpu.memref_slice %arg13[%mul3A_658, %dma_start3A_685] : memref<1040x128xf32, #tpu.memory_space<vmem_shared>> -> memref<64x128xf32, #tpu.memory_space<vmem_shared>>
      tpu.enqueue_dma source(%dma_start3A_686 : memref<64x128xf32, #tpu.memory_space<vmem_shared>>) target(%dma_start3A_684 : memref<64x128xf32, #tpu.memory_space<hbm>>) target_semaphore(%run_scoped3A_681 : memref<!tpu.dma_semaphore, #tpu.memory_space<semaphore_mem>>)
      %dma_wait3A_687 = arith.constant 0 : i32
      %dma_wait3A_688 = tpu.memref_slice %arg6[%arg0, %mul3A_660, %dma_wait3A_687] : memref<2x1040x128xf32, #tpu.memory_space<hbm>> -> memref<1x64x128xf32, #tpu.memory_space<hbm>>
      %dma_wait3A_689 = tpu.memref_squeeze %dma_wait3A_688 : memref<1x64x128xf32, #tpu.memory_space<hbm>> -> memref<64x128xf32, #tpu.memory_space<hbm>>
      %dma_wait3A_690 = arith.constant 0 : i32
      %dma_wait3A_691 = tpu.memref_slice %arg13[%mul3A_658, %dma_wait3A_690] : memref<1040x128xf32, #tpu.memory_space<vmem_shared>> -> memref<64x128xf32, #tpu.memory_space<vmem_shared>>
      tpu.wait_dma2 semaphore(%run_scoped3A_681 : memref<!tpu.dma_semaphore, #tpu.memory_space<semaphore_mem>>) src(%dma_wait3A_691 : memref<64x128xf32, #tpu.memory_space<vmem_shared>>) dst(%dma_wait3A_689 : memref<64x128xf32, #tpu.memory_space<hbm>>)
      tpu.yield
    }) : () -> ()
    %eq3A_661 = arith.constant 0 : i32
    %eq3A_662 = arith.cmpi eq, %arg1, %eq3A_661 : i32
    %convert_element_type3A_663 = arith.extui %eq3A_662 : i1 to i32
    %cond3A_664 = arith.constant 0 : i32
    %cond3A_665 = arith.cmpi ne, %convert_element_type3A_663, %cond3A_664 : i32
    scf.if %cond3A_665 {
      "tpu.region"() ({
        %run_scoped3A_681 = tpu.sem_alloc : memref<!tpu.dma_semaphore, #tpu.memory_space<semaphore_mem>>
        %dma_start3A_682 = arith.constant 1024 : i32
        %dma_start3A_683 = arith.constant 0 : i32
        %dma_start3A_684 = tpu.memref_slice %arg6[%arg0, %dma_start3A_682, %dma_start3A_683] : memref<2x1040x128xf32, #tpu.memory_space<hbm>> -> memref<1x16x128xf32, #tpu.memory_space<hbm>>
        %dma_start3A_685 = tpu.memref_squeeze %dma_start3A_684 : memref<1x16x128xf32, #tpu.memory_space<hbm>> -> memref<16x128xf32, #tpu.memory_space<hbm>>
        %dma_start3A_686 = arith.constant 1024 : i32
        %dma_start3A_687 = arith.constant 0 : i32
        %dma_start3A_688 = tpu.memref_slice %arg13[%dma_start3A_686, %dma_start3A_687] : memref<1040x128xf32, #tpu.memory_space<vmem_shared>> -> memref<16x128xf32, #tpu.memory_space<vmem_shared>>
        tpu.enqueue_dma source(%dma_start3A_688 : memref<16x128xf32, #tpu.memory_space<vmem_shared>>) target(%dma_start3A_685 : memref<16x128xf32, #tpu.memory_space<hbm>>) target_semaphore(%run_scoped3A_681 : memref<!tpu.dma_semaphore, #tpu.memory_space<semaphore_mem>>)
        %dma_wait3A_689 = arith.constant 1024 : i32
        %dma_wait3A_690 = arith.constant 0 : i32
        %dma_wait3A_691 = tpu.memref_slice %arg6[%arg0, %dma_wait3A_689, %dma_wait3A_690] : memref<2x1040x128xf32, #tpu.memory_space<hbm>> -> memref<1x16x128xf32, #tpu.memory_space<hbm>>
        %dma_wait3A_692 = tpu.memref_squeeze %dma_wait3A_691 : memref<1x16x128xf32, #tpu.memory_space<hbm>> -> memref<16x128xf32, #tpu.memory_space<hbm>>
        %dma_wait3A_693 = arith.constant 1024 : i32
        %dma_wait3A_694 = arith.constant 0 : i32
        %dma_wait3A_695 = tpu.memref_slice %arg13[%dma_wait3A_693, %dma_wait3A_694] : memref<1040x128xf32, #tpu.memory_space<vmem_shared>> -> memref<16x128xf32, #tpu.memory_space<vmem_shared>>
        tpu.wait_dma2 semaphore(%run_scoped3A_681 : memref<!tpu.dma_semaphore, #tpu.memory_space<semaphore_mem>>) src(%dma_wait3A_695 : memref<16x128xf32, #tpu.memory_space<vmem_shared>>) dst(%dma_wait3A_692 : memref<16x128xf32, #tpu.memory_space<hbm>>)
        tpu.yield
      }) : () -> ()
    } else {
    }
    "tpu.region"() ({
      %run_scoped3A_681 = tpu.sem_alloc : memref<!tpu.dma_semaphore, #tpu.memory_space<semaphore_mem>>
      tpu.enqueue_dma source(%arg14 : memref<16x128xf32, #tpu.memory_space<vmem_shared>>) target(%arg12 : memref<16x128xf32, #tpu.memory_space<vmem>>) target_semaphore(%run_scoped3A_681 : memref<!tpu.dma_semaphore, #tpu.memory_space<semaphore_mem>>)
      tpu.wait_dma2 semaphore(%run_scoped3A_681 : memref<!tpu.dma_semaphore, #tpu.memory_space<semaphore_mem>>) src(%arg14 : memref<16x128xf32, #tpu.memory_space<vmem_shared>>) dst(%arg12 : memref<16x128xf32, #tpu.memory_space<vmem>>)
      tpu.yield
    }) : () -> ()
    %iota3A_666 = tpu.iota {dimensions = array<i32: 0>} : vector<16xi32>
    %mul3A_667 = arith.constant 64 : i32
    %mul3A_668 = arith.muli %arg1, %mul3A_667 : i32
    %scan3A_669 = arith.constant 0 : i32
    %scan3A_670 = arith.constant 4 : i32
    %scan3A_671 = arith.addi %scan3A_669, %scan3A_670 : i32
    %scan3A_672 = arith.constant 1 : i32
    scf.for %scan3A_681 = %scan3A_669 to %scan3A_671 step %scan3A_672  : i32 {
      %mul3A_682 = arith.constant 1 : i32
      %mul3A_683 = arith.muli %scan3A_681, %mul3A_682 : i32
      %add3A_684 = arith.constant 0 : i32
      %add3A_685 = arith.addi %add3A_684, %mul3A_683 : i32
      %mul3A_686 = arith.constant 16 : i32
      %mul3A_687 = arith.muli %add3A_685, %mul3A_686 : i32
      %add3A_688 = arith.addi %mul3A_668, %mul3A_687 : i32
      %mul3A_689 = arith.constant 16 : i32
      %mul3A_690 = arith.muli %add3A_685, %mul3A_689 : i32
      %jit3A = arith.constant 128 : i32
      %div3A = arith.divsi %add3A_688, %jit3A : i32
      %sign3A = arith.constant 0 : i32
      %sign3A_691 = arith.cmpi sgt, %add3A_688, %sign3A : i32
      %sign3A_692 = arith.extui %sign3A_691 : i1 to i32
      %sign3A_693 = arith.constant 0 : i32
      %sign3A_694 = arith.cmpi slt, %add3A_688, %sign3A_693 : i32
      %sign3A_695 = arith.extui %sign3A_694 : i1 to i32
      %sign3A_696 = arith.subi %sign3A_692, %sign3A_695 : i32
      %sign3A_697 = arith.constant 0 : i32
      %sign3A_698 = arith.cmpi sgt, %jit3A, %sign3A_697 : i32
      %sign3A_699 = arith.extui %sign3A_698 : i1 to i32
      %sign3A_700 = arith.constant 0 : i32
      %sign3A_701 = arith.cmpi slt, %jit3A, %sign3A_700 : i32
      %sign3A_702 = arith.extui %sign3A_701 : i1 to i32
      %sign3A_703 = arith.subi %sign3A_699, %sign3A_702 : i32
      %ne3A = arith.cmpi ne, %sign3A_696, %sign3A_703 : i32
      %rem3A = arith.remsi %add3A_688, %jit3A : i32
      %ne3A_704 = arith.constant 0 : i32
      %ne3A_705 = arith.cmpi ne, %rem3A, %ne3A_704 : i32
      %and3A = arith.andi %ne3A, %ne3A_705 : i1
      %sub3A = arith.constant 1 : i32
      %sub3A_706 = arith.subi %div3A, %sub3A : i32
      %select_n3A = arith.select %and3A, %sub3A_706, %div3A : i32
      %jit3A_707 = arith.constant 128 : i32
      %eq3A_708 = arith.constant 0 : i32
      %eq3A_709 = arith.cmpi eq, %jit3A_707, %eq3A_708 : i32
      %jit3A_710 = arith.constant 1 : i32
      %select_n3A_711 = arith.select %eq3A_709, %jit3A_710, %jit3A_707 : i32
      %rem3A_712 = arith.remsi %add3A_688, %select_n3A_711 : i32
      %ne3A_713 = arith.constant 0 : i32
      %ne3A_714 = arith.cmpi ne, %rem3A_712, %ne3A_713 : i32
      %lt3A = arith.constant 0 : i32
      %lt3A_715 = arith.cmpi slt, %rem3A_712, %lt3A : i32
      %lt3A_716 = arith.constant 0 : i32
      %lt3A_717 = arith.cmpi slt, %select_n3A_711, %lt3A_716 : i32
      %ne3A_718 = arith.xori %lt3A_715, %lt3A_717 : i1
      %and3A_719 = arith.andi %ne3A_718, %ne3A_714 : i1
      %add3A_720 = arith.addi %rem3A_712, %select_n3A_711 : i32
      %select_n3A_721 = arith.select %and3A_719, %add3A_720, %rem3A_712 : i32
      %jit3A_722 = arith.constant 16 : i32
      %div3A_723 = arith.divsi %select_n3A_721, %jit3A_722 : i32
      %sign3A_724 = arith.constant 0 : i32
      %sign3A_725 = arith.cmpi sgt, %select_n3A_721, %sign3A_724 : i32
      %sign3A_726 = arith.extui %sign3A_725 : i1 to i32
      %sign3A_727 = arith.constant 0 : i32
      %sign3A_728 = arith.cmpi slt, %select_n3A_721, %sign3A_727 : i32
      %sign3A_729 = arith.extui %sign3A_728 : i1 to i32
      %sign3A_730 = arith.subi %sign3A_726, %sign3A_729 : i32
      %sign3A_731 = arith.constant 0 : i32
      %sign3A_732 = arith.cmpi sgt, %jit3A_722, %sign3A_731 : i32
      %sign3A_733 = arith.extui %sign3A_732 : i1 to i32
      %sign3A_734 = arith.constant 0 : i32
      %sign3A_735 = arith.cmpi slt, %jit3A_722, %sign3A_734 : i32
      %sign3A_736 = arith.extui %sign3A_735 : i1 to i32
      %sign3A_737 = arith.subi %sign3A_733, %sign3A_736 : i32
      %ne3A_738 = arith.cmpi ne, %sign3A_730, %sign3A_737 : i32
      %rem3A_739 = arith.remsi %select_n3A_721, %jit3A_722 : i32
      %ne3A_740 = arith.constant 0 : i32
      %ne3A_741 = arith.cmpi ne, %rem3A_739, %ne3A_740 : i32
      %and3A_742 = arith.andi %ne3A_738, %ne3A_741 : i1
      %sub3A_743 = arith.constant 1 : i32
      %sub3A_744 = arith.subi %div3A_723, %sub3A_743 : i32
      %select_n3A_745 = arith.select %and3A_742, %sub3A_744, %div3A_723 : i32
      %mul3A_746 = arith.constant 16 : i32
      %mul3A_747 = arith.muli %select_n3A_745, %mul3A_746 : i32
      %get3A = arith.index_cast %select_n3A : i32 to index
      %get3A_748 = arith.index_cast %mul3A_747 : i32 to index
      %get3A_749 = tpu.vector_load %arg12[%get3A, %get3A_748] {strides = array<i32>} : memref<16x128xf32, #tpu.memory_space<vmem>>, vector<16xf32>,
      %eq3A_750 = arith.constant 0 : i32
      %eq3A_751 = vector.broadcast %eq3A_750 : i32 to vector<16xi32>
      %eq3A_752 = arith.cmpi eq, %iota3A_666, %eq3A_751 : vector<16xi32>
      %convert_element_type3A_753 = arith.extui %eq3A_752 : vector<16xi1> to vector<16xi32>
      %convert_element_type3A_754 = arith.sitofp %convert_element_type3A_753 : vector<16xi32> to vector<16xf32>
      %mul3A_755 = arith.mulf %get3A_749, %convert_element_type3A_754 : vector<16xf32>
      %reduce_sum3A = arith.constant true
      %reduce_sum3A_756 = vector.broadcast %reduce_sum3A : i1 to vector<16xi1>
      %reduce_sum3A_757 = tpu.scan <sum>, %mul3A_755 masked %reduce_sum3A_756 : vector<16xf32>, vector<16xi1> -> vector<16xf32>
      %reduce_sum3A_758 = vector.extract %reduce_sum3A_757[15] : f32 from vector<16xf32>
      %broadcast_in_dim3A_759 = vector.broadcast %reduce_sum3A_758 : f32 to vector<16xf32>
      %add3A_760 = arith.constant 0 : i32
      %add3A_761 = arith.addi %mul3A_690, %add3A_760 : i32
      %swap3A_762 = arith.constant 0 : i32
      %swap3A_763 = arith.index_cast %swap3A_762 : i32 to index
      %swap3A_764 = arith.index_cast %add3A_761 : i32 to index
      %swap3A_765 = arith.constant 0 : index
      %swap3A_766 = tpu.vector_load %arg8[%swap3A_763, %swap3A_764, %swap3A_765] {strides = array<i32>} : memref<8x80x128xf32, #tpu.memory_space<vmem>>, vector<16xf32>,
      tpu.vector_store %arg8[%swap3A_763, %swap3A_764, %swap3A_765], %broadcast_in_dim3A_759 {strides = array<i32>} : memref<8x80x128xf32, #tpu.memory_space<vmem>>, vector<16xf32>,
      %add3A_767 = arith.constant 0 : i32
      %add3A_768 = arith.addi %mul3A_690, %add3A_767 : i32
      %swap3A_769 = arith.constant 0 : i32
      %swap3A_770 = arith.index_cast %swap3A_769 : i32 to index
      %swap3A_771 = arith.index_cast %add3A_768 : i32 to index
      %swap3A_772 = arith.constant 16 : index
      %swap3A_773 = tpu.vector_load %arg8[%swap3A_770, %swap3A_771, %swap3A_772] {strides = array<i32>} : memref<8x80x128xf32, #tpu.memory_space<vmem>>, vector<16xf32>,
      tpu.vector_store %arg8[%swap3A_770, %swap3A_771, %swap3A_772], %broadcast_in_dim3A_759 {strides = array<i32>} : memref<8x80x128xf32, #tpu.memory_space<vmem>>, vector<16xf32>,
      %add3A_774 = arith.constant 0 : i32
      %add3A_775 = arith.addi %mul3A_690, %add3A_774 : i32
      %swap3A_776 = arith.constant 0 : i32
      %swap3A_777 = arith.index_cast %swap3A_776 : i32 to index
      %swap3A_778 = arith.index_cast %add3A_775 : i32 to index
      %swap3A_779 = arith.constant 32 : index
      %swap3A_780 = tpu.vector_load %arg8[%swap3A_777, %swap3A_778, %swap3A_779] {strides = array<i32>} : memref<8x80x128xf32, #tpu.memory_space<vmem>>, vector<16xf32>,
      tpu.vector_store %arg8[%swap3A_777, %swap3A_778, %swap3A_779], %broadcast_in_dim3A_759 {strides = array<i32>} : memref<8x80x128xf32, #tpu.memory_space<vmem>>, vector<16xf32>,
      %add3A_781 = arith.constant 0 : i32
      %add3A_782 = arith.addi %mul3A_690, %add3A_781 : i32
      %swap3A_783 = arith.constant 0 : i32
      %swap3A_784 = arith.index_cast %swap3A_783 : i32 to index
      %swap3A_785 = arith.index_cast %add3A_782 : i32 to index
      %swap3A_786 = arith.constant 48 : index
      %swap3A_787 = tpu.vector_load %arg8[%swap3A_784, %swap3A_785, %swap3A_786] {strides = array<i32>} : memref<8x80x128xf32, #tpu.memory_space<vmem>>, vector<16xf32>,
      tpu.vector_store %arg8[%swap3A_784, %swap3A_785, %swap3A_786], %broadcast_in_dim3A_759 {strides = array<i32>} : memref<8x80x128xf32, #tpu.memory_space<vmem>>, vector<16xf32>,
      %add3A_788 = arith.constant 0 : i32
      %add3A_789 = arith.addi %mul3A_690, %add3A_788 : i32
      %swap3A_790 = arith.constant 0 : i32
      %swap3A_791 = arith.index_cast %swap3A_790 : i32 to index
      %swap3A_792 = arith.index_cast %add3A_789 : i32 to index
      %swap3A_793 = arith.constant 64 : index
      %swap3A_794 = tpu.vector_load %arg8[%swap3A_791, %swap3A_792, %swap3A_793] {strides = array<i32>} : memref<8x80x128xf32, #tpu.memory_space<vmem>>, vector<16xf32>,
      tpu.vector_store %arg8[%swap3A_791, %swap3A_792, %swap3A_793], %broadcast_in_dim3A_759 {strides = array<i32>} : memref<8x80x128xf32, #tpu.memory_space<vmem>>, vector<16xf32>,
      %add3A_795 = arith.constant 0 : i32
      %add3A_796 = arith.addi %mul3A_690, %add3A_795 : i32
      %swap3A_797 = arith.constant 0 : i32
      %swap3A_798 = arith.index_cast %swap3A_797 : i32 to index
      %swap3A_799 = arith.index_cast %add3A_796 : i32 to index
      %swap3A_800 = arith.constant 80 : index
      %swap3A_801 = tpu.vector_load %arg8[%swap3A_798, %swap3A_799, %swap3A_800] {strides = array<i32>} : memref<8x80x128xf32, #tpu.memory_space<vmem>>, vector<16xf32>,
      tpu.vector_store %arg8[%swap3A_798, %swap3A_799, %swap3A_800], %broadcast_in_dim3A_759 {strides = array<i32>} : memref<8x80x128xf32, #tpu.memory_space<vmem>>, vector<16xf32>,
      %add3A_802 = arith.constant 0 : i32
      %add3A_803 = arith.addi %mul3A_690, %add3A_802 : i32
      %swap3A_804 = arith.constant 0 : i32
      %swap3A_805 = arith.index_cast %swap3A_804 : i32 to index
      %swap3A_806 = arith.index_cast %add3A_803 : i32 to index
      %swap3A_807 = arith.constant 96 : index
      %swap3A_808 = tpu.vector_load %arg8[%swap3A_805, %swap3A_806, %swap3A_807] {strides = array<i32>} : memref<8x80x128xf32, #tpu.memory_space<vmem>>, vector<16xf32>,
      tpu.vector_store %arg8[%swap3A_805, %swap3A_806, %swap3A_807], %broadcast_in_dim3A_759 {strides = array<i32>} : memref<8x80x128xf32, #tpu.memory_space<vmem>>, vector<16xf32>,
      %add3A_809 = arith.constant 0 : i32
      %add3A_810 = arith.addi %mul3A_690, %add3A_809 : i32
      %swap3A_811 = arith.constant 0 : i32
      %swap3A_812 = arith.index_cast %swap3A_811 : i32 to index
      %swap3A_813 = arith.index_cast %add3A_810 : i32 to index
      %swap3A_814 = arith.constant 112 : index
      %swap3A_815 = tpu.vector_load %arg8[%swap3A_812, %swap3A_813, %swap3A_814] {strides = array<i32>} : memref<8x80x128xf32, #tpu.memory_space<vmem>>, vector<16xf32>,
      tpu.vector_store %arg8[%swap3A_812, %swap3A_813, %swap3A_814], %broadcast_in_dim3A_759 {strides = array<i32>} : memref<8x80x128xf32, #tpu.memory_space<vmem>>, vector<16xf32>,
      %eq3A_816 = arith.constant 1 : i32
      %eq3A_817 = vector.broadcast %eq3A_816 : i32 to vector<16xi32>
      %eq3A_818 = arith.cmpi eq, %iota3A_666, %eq3A_817 : vector<16xi32>
      %convert_element_type3A_819 = arith.extui %eq3A_818 : vector<16xi1> to vector<16xi32>
      %convert_element_type3A_820 = arith.sitofp %convert_element_type3A_819 : vector<16xi32> to vector<16xf32>
      %mul3A_821 = arith.mulf %get3A_749, %convert_element_type3A_820 : vector<16xf32>
      %reduce_sum3A_822 = arith.constant true
      %reduce_sum3A_823 = vector.broadcast %reduce_sum3A_822 : i1 to vector<16xi1>
      %reduce_sum3A_824 = tpu.scan <sum>, %mul3A_821 masked %reduce_sum3A_823 : vector<16xf32>, vector<16xi1> -> vector<16xf32>
      %reduce_sum3A_825 = vector.extract %reduce_sum3A_824[15] : f32 from vector<16xf32>
      %broadcast_in_dim3A_826 = vector.broadcast %reduce_sum3A_825 : f32 to vector<16xf32>
      %add3A_827 = arith.constant 1 : i32
      %add3A_828 = arith.addi %mul3A_690, %add3A_827 : i32
      %swap3A_829 = arith.constant 0 : i32
      %swap3A_830 = arith.index_cast %swap3A_829 : i32 to index
      %swap3A_831 = arith.index_cast %add3A_828 : i32 to index
      %swap3A_832 = arith.constant 0 : index
      %swap3A_833 = tpu.vector_load %arg8[%swap3A_830, %swap3A_831, %swap3A_832] {strides = array<i32>} : memref<8x80x128xf32, #tpu.memory_space<vmem>>, vector<16xf32>,
      tpu.vector_store %arg8[%swap3A_830, %swap3A_831, %swap3A_832], %broadcast_in_dim3A_826 {strides = array<i32>} : memref<8x80x128xf32, #tpu.memory_space<vmem>>, vector<16xf32>,
      %add3A_834 = arith.constant 1 : i32
      %add3A_835 = arith.addi %mul3A_690, %add3A_834 : i32
      %swap3A_836 = arith.constant 0 : i32
      %swap3A_837 = arith.index_cast %swap3A_836 : i32 to index
      %swap3A_838 = arith.index_cast %add3A_835 : i32 to index
      %swap3A_839 = arith.constant 16 : index
      %swap3A_840 = tpu.vector_load %arg8[%swap3A_837, %swap3A_838, %swap3A_839] {strides = array<i32>} : memref<8x80x128xf32, #tpu.memory_space<vmem>>, vector<16xf32>,
      tpu.vector_store %arg8[%swap3A_837, %swap3A_838, %swap3A_839], %broadcast_in_dim3A_826 {strides = array<i32>} : memref<8x80x128xf32, #tpu.memory_space<vmem>>, vector<16xf32>,
      %add3A_841 = arith.constant 1 : i32
      %add3A_842 = arith.addi %mul3A_690, %add3A_841 : i32
      %swap3A_843 = arith.constant 0 : i32
      %swap3A_844 = arith.index_cast %swap3A_843 : i32 to index
      %swap3A_845 = arith.index_cast %add3A_842 : i32 to index
      %swap3A_846 = arith.constant 32 : index
      %swap3A_847 = tpu.vector_load %arg8[%swap3A_844, %swap3A_845, %swap3A_846] {strides = array<i32>} : memref<8x80x128xf32, #tpu.memory_space<vmem>>, vector<16xf32>,
      tpu.vector_store %arg8[%swap3A_844, %swap3A_845, %swap3A_846], %broadcast_in_dim3A_826 {strides = array<i32>} : memref<8x80x128xf32, #tpu.memory_space<vmem>>, vector<16xf32>,
      %add3A_848 = arith.constant 1 : i32
      %add3A_849 = arith.addi %mul3A_690, %add3A_848 : i32
      %swap3A_850 = arith.constant 0 : i32
      %swap3A_851 = arith.index_cast %swap3A_850 : i32 to index
      %swap3A_852 = arith.index_cast %add3A_849 : i32 to index
      %swap3A_853 = arith.constant 48 : index
      %swap3A_854 = tpu.vector_load %arg8[%swap3A_851, %swap3A_852, %swap3A_853] {strides = array<i32>} : memref<8x80x128xf32, #tpu.memory_space<vmem>>, vector<16xf32>,
      tpu.vector_store %arg8[%swap3A_851, %swap3A_852, %swap3A_853], %broadcast_in_dim3A_826 {strides = array<i32>} : memref<8x80x128xf32, #tpu.memory_space<vmem>>, vector<16xf32>,
      %add3A_855 = arith.constant 1 : i32
      %add3A_856 = arith.addi %mul3A_690, %add3A_855 : i32
      %swap3A_857 = arith.constant 0 : i32
      %swap3A_858 = arith.index_cast %swap3A_857 : i32 to index
      %swap3A_859 = arith.index_cast %add3A_856 : i32 to index
      %swap3A_860 = arith.constant 64 : index
      %swap3A_861 = tpu.vector_load %arg8[%swap3A_858, %swap3A_859, %swap3A_860] {strides = array<i32>} : memref<8x80x128xf32, #tpu.memory_space<vmem>>, vector<16xf32>,
      tpu.vector_store %arg8[%swap3A_858, %swap3A_859, %swap3A_860], %broadcast_in_dim3A_826 {strides = array<i32>} : memref<8x80x128xf32, #tpu.memory_space<vmem>>, vector<16xf32>,
      %add3A_862 = arith.constant 1 : i32
      %add3A_863 = arith.addi %mul3A_690, %add3A_862 : i32
      %swap3A_864 = arith.constant 0 : i32
      %swap3A_865 = arith.index_cast %swap3A_864 : i32 to index
      %swap3A_866 = arith.index_cast %add3A_863 : i32 to index
      %swap3A_867 = arith.constant 80 : index
      %swap3A_868 = tpu.vector_load %arg8[%swap3A_865, %swap3A_866, %swap3A_867] {strides = array<i32>} : memref<8x80x128xf32, #tpu.memory_space<vmem>>, vector<16xf32>,
      tpu.vector_store %arg8[%swap3A_865, %swap3A_866, %swap3A_867], %broadcast_in_dim3A_826 {strides = array<i32>} : memref<8x80x128xf32, #tpu.memory_space<vmem>>, vector<16xf32>,
      %add3A_869 = arith.constant 1 : i32
      %add3A_870 = arith.addi %mul3A_690, %add3A_869 : i32
      %swap3A_871 = arith.constant 0 : i32
      %swap3A_872 = arith.index_cast %swap3A_871 : i32 to index
      %swap3A_873 = arith.index_cast %add3A_870 : i32 to index
      %swap3A_874 = arith.constant 96 : index
      %swap3A_875 = tpu.vector_load %arg8[%swap3A_872, %swap3A_873, %swap3A_874] {strides = array<i32>} : memref<8x80x128xf32, #tpu.memory_space<vmem>>, vector<16xf32>,
      tpu.vector_store %arg8[%swap3A_872, %swap3A_873, %swap3A_874], %broadcast_in_dim3A_826 {strides = array<i32>} : memref<8x80x128xf32, #tpu.memory_space<vmem>>, vector<16xf32>,
      %add3A_876 = arith.constant 1 : i32
      %add3A_877 = arith.addi %mul3A_690, %add3A_876 : i32
      %swap3A_878 = arith.constant 0 : i32
      %swap3A_879 = arith.index_cast %swap3A_878 : i32 to index
      %swap3A_880 = arith.index_cast %add3A_877 : i32 to index
      %swap3A_881 = arith.constant 112 : index
      %swap3A_882 = tpu.vector_load %arg8[%swap3A_879, %swap3A_880, %swap3A_881] {strides = array<i32>} : memref<8x80x128xf32, #tpu.memory_space<vmem>>, vector<16xf32>,
      tpu.vector_store %arg8[%swap3A_879, %swap3A_880, %swap3A_881], %broadcast_in_dim3A_826 {strides = array<i32>} : memref<8x80x128xf32, #tpu.memory_space<vmem>>, vector<16xf32>,
      %eq3A_883 = arith.constant 2 : i32
      %eq3A_884 = vector.broadcast %eq3A_883 : i32 to vector<16xi32>
      %eq3A_885 = arith.cmpi eq, %iota3A_666, %eq3A_884 : vector<16xi32>
      %convert_element_type3A_886 = arith.extui %eq3A_885 : vector<16xi1> to vector<16xi32>
      %convert_element_type3A_887 = arith.sitofp %convert_element_type3A_886 : vector<16xi32> to vector<16xf32>
      %mul3A_888 = arith.mulf %get3A_749, %convert_element_type3A_887 : vector<16xf32>
      %reduce_sum3A_889 = arith.constant true
      %reduce_sum3A_890 = vector.broadcast %reduce_sum3A_889 : i1 to vector<16xi1>
      %reduce_sum3A_891 = tpu.scan <sum>, %mul3A_888 masked %reduce_sum3A_890 : vector<16xf32>, vector<16xi1> -> vector<16xf32>
      %reduce_sum3A_892 = vector.extract %reduce_sum3A_891[15] : f32 from vector<16xf32>
      %broadcast_in_dim3A_893 = vector.broadcast %reduce_sum3A_892 : f32 to vector<16xf32>
      %add3A_894 = arith.constant 2 : i32
      %add3A_895 = arith.addi %mul3A_690, %add3A_894 : i32
      %swap3A_896 = arith.constant 0 : i32
      %swap3A_897 = arith.index_cast %swap3A_896 : i32 to index
      %swap3A_898 = arith.index_cast %add3A_895 : i32 to index
      %swap3A_899 = arith.constant 0 : index
      %swap3A_900 = tpu.vector_load %arg8[%swap3A_897, %swap3A_898, %swap3A_899] {strides = array<i32>} : memref<8x80x128xf32, #tpu.memory_space<vmem>>, vector<16xf32>,
      tpu.vector_store %arg8[%swap3A_897, %swap3A_898, %swap3A_899], %broadcast_in_dim3A_893 {strides = array<i32>} : memref<8x80x128xf32, #tpu.memory_space<vmem>>, vector<16xf32>,
      %add3A_901 = arith.constant 2 : i32
      %add3A_902 = arith.addi %mul3A_690, %add3A_901 : i32
      %swap3A_903 = arith.constant 0 : i32
      %swap3A_904 = arith.index_cast %swap3A_903 : i32 to index
      %swap3A_905 = arith.index_cast %add3A_902 : i32 to index
      %swap3A_906 = arith.constant 16 : index
      %swap3A_907 = tpu.vector_load %arg8[%swap3A_904, %swap3A_905, %swap3A_906] {strides = array<i32>} : memref<8x80x128xf32, #tpu.memory_space<vmem>>, vector<16xf32>,
      tpu.vector_store %arg8[%swap3A_904, %swap3A_905, %swap3A_906], %broadcast_in_dim3A_893 {strides = array<i32>} : memref<8x80x128xf32, #tpu.memory_space<vmem>>, vector<16xf32>,
      %add3A_908 = arith.constant 2 : i32
      %add3A_909 = arith.addi %mul3A_690, %add3A_908 : i32
      %swap3A_910 = arith.constant 0 : i32
      %swap3A_911 = arith.index_cast %swap3A_910 : i32 to index
      %swap3A_912 = arith.index_cast %add3A_909 : i32 to index
      %swap3A_913 = arith.constant 32 : index
      %swap3A_914 = tpu.vector_load %arg8[%swap3A_911, %swap3A_912, %swap3A_913] {strides = array<i32>} : memref<8x80x128xf32, #tpu.memory_space<vmem>>, vector<16xf32>,
      tpu.vector_store %arg8[%swap3A_911, %swap3A_912, %swap3A_913], %broadcast_in_dim3A_893 {strides = array<i32>} : memref<8x80x128xf32, #tpu.memory_space<vmem>>, vector<16xf32>,
      %add3A_915 = arith.constant 2 : i32
      %add3A_916 = arith.addi %mul3A_690, %add3A_915 : i32
      %swap3A_917 = arith.constant 0 : i32
      %swap3A_918 = arith.index_cast %swap3A_917 : i32 to index
      %swap3A_919 = arith.index_cast %add3A_916 : i32 to index
      %swap3A_920 = arith.constant 48 : index
      %swap3A_921 = tpu.vector_load %arg8[%swap3A_918, %swap3A_919, %swap3A_920] {strides = array<i32>} : memref<8x80x128xf32, #tpu.memory_space<vmem>>, vector<16xf32>,
      tpu.vector_store %arg8[%swap3A_918, %swap3A_919, %swap3A_920], %broadcast_in_dim3A_893 {strides = array<i32>} : memref<8x80x128xf32, #tpu.memory_space<vmem>>, vector<16xf32>,
      %add3A_922 = arith.constant 2 : i32
      %add3A_923 = arith.addi %mul3A_690, %add3A_922 : i32
      %swap3A_924 = arith.constant 0 : i32
      %swap3A_925 = arith.index_cast %swap3A_924 : i32 to index
      %swap3A_926 = arith.index_cast %add3A_923 : i32 to index
      %swap3A_927 = arith.constant 64 : index
      %swap3A_928 = tpu.vector_load %arg8[%swap3A_925, %swap3A_926, %swap3A_927] {strides = array<i32>} : memref<8x80x128xf32, #tpu.memory_space<vmem>>, vector<16xf32>,
      tpu.vector_store %arg8[%swap3A_925, %swap3A_926, %swap3A_927], %broadcast_in_dim3A_893 {strides = array<i32>} : memref<8x80x128xf32, #tpu.memory_space<vmem>>, vector<16xf32>,
      %add3A_929 = arith.constant 2 : i32
      %add3A_930 = arith.addi %mul3A_690, %add3A_929 : i32
      %swap3A_931 = arith.constant 0 : i32
      %swap3A_932 = arith.index_cast %swap3A_931 : i32 to index
      %swap3A_933 = arith.index_cast %add3A_930 : i32 to index
      %swap3A_934 = arith.constant 80 : index
      %swap3A_935 = tpu.vector_load %arg8[%swap3A_932, %swap3A_933, %swap3A_934] {strides = array<i32>} : memref<8x80x128xf32, #tpu.memory_space<vmem>>, vector<16xf32>,
      tpu.vector_store %arg8[%swap3A_932, %swap3A_933, %swap3A_934], %broadcast_in_dim3A_893 {strides = array<i32>} : memref<8x80x128xf32, #tpu.memory_space<vmem>>, vector<16xf32>,
      %add3A_936 = arith.constant 2 : i32
      %add3A_937 = arith.addi %mul3A_690, %add3A_936 : i32
      %swap3A_938 = arith.constant 0 : i32
      %swap3A_939 = arith.index_cast %swap3A_938 : i32 to index
      %swap3A_940 = arith.index_cast %add3A_937 : i32 to index
      %swap3A_941 = arith.constant 96 : index
      %swap3A_942 = tpu.vector_load %arg8[%swap3A_939, %swap3A_940, %swap3A_941] {strides = array<i32>} : memref<8x80x128xf32, #tpu.memory_space<vmem>>, vector<16xf32>,
      tpu.vector_store %arg8[%swap3A_939, %swap3A_940, %swap3A_941], %broadcast_in_dim3A_893 {strides = array<i32>} : memref<8x80x128xf32, #tpu.memory_space<vmem>>, vector<16xf32>,
      %add3A_943 = arith.constant 2 : i32
      %add3A_944 = arith.addi %mul3A_690, %add3A_943 : i32
      %swap3A_945 = arith.constant 0 : i32
      %swap3A_946 = arith.index_cast %swap3A_945 : i32 to index
      %swap3A_947 = arith.index_cast %add3A_944 : i32 to index
      %swap3A_948 = arith.constant 112 : index
      %swap3A_949 = tpu.vector_load %arg8[%swap3A_946, %swap3A_947, %swap3A_948] {strides = array<i32>} : memref<8x80x128xf32, #tpu.memory_space<vmem>>, vector<16xf32>,
      tpu.vector_store %arg8[%swap3A_946, %swap3A_947, %swap3A_948], %broadcast_in_dim3A_893 {strides = array<i32>} : memref<8x80x128xf32, #tpu.memory_space<vmem>>, vector<16xf32>,
      %eq3A_950 = arith.constant 3 : i32
      %eq3A_951 = vector.broadcast %eq3A_950 : i32 to vector<16xi32>
      %eq3A_952 = arith.cmpi eq, %iota3A_666, %eq3A_951 : vector<16xi32>
      %convert_element_type3A_953 = arith.extui %eq3A_952 : vector<16xi1> to vector<16xi32>
      %convert_element_type3A_954 = arith.sitofp %convert_element_type3A_953 : vector<16xi32> to vector<16xf32>
      %mul3A_955 = arith.mulf %get3A_749, %convert_element_type3A_954 : vector<16xf32>
      %reduce_sum3A_956 = arith.constant true
      %reduce_sum3A_957 = vector.broadcast %reduce_sum3A_956 : i1 to vector<16xi1>
      %reduce_sum3A_958 = tpu.scan <sum>, %mul3A_955 masked %reduce_sum3A_957 : vector<16xf32>, vector<16xi1> -> vector<16xf32>
      %reduce_sum3A_959 = vector.extract %reduce_sum3A_958[15] : f32 from vector<16xf32>
      %broadcast_in_dim3A_960 = vector.broadcast %reduce_sum3A_959 : f32 to vector<16xf32>
      %add3A_961 = arith.constant 3 : i32
      %add3A_962 = arith.addi %mul3A_690, %add3A_961 : i32
      %swap3A_963 = arith.constant 0 : i32
      %swap3A_964 = arith.index_cast %swap3A_963 : i32 to index
      %swap3A_965 = arith.index_cast %add3A_962 : i32 to index
      %swap3A_966 = arith.constant 0 : index
      %swap3A_967 = tpu.vector_load %arg8[%swap3A_964, %swap3A_965, %swap3A_966] {strides = array<i32>} : memref<8x80x128xf32, #tpu.memory_space<vmem>>, vector<16xf32>,
      tpu.vector_store %arg8[%swap3A_964, %swap3A_965, %swap3A_966], %broadcast_in_dim3A_960 {strides = array<i32>} : memref<8x80x128xf32, #tpu.memory_space<vmem>>, vector<16xf32>,
      %add3A_968 = arith.constant 3 : i32
      %add3A_969 = arith.addi %mul3A_690, %add3A_968 : i32
      %swap3A_970 = arith.constant 0 : i32
      %swap3A_971 = arith.index_cast %swap3A_970 : i32 to index
      %swap3A_972 = arith.index_cast %add3A_969 : i32 to index
      %swap3A_973 = arith.constant 16 : index
      %swap3A_974 = tpu.vector_load %arg8[%swap3A_971, %swap3A_972, %swap3A_973] {strides = array<i32>} : memref<8x80x128xf32, #tpu.memory_space<vmem>>, vector<16xf32>,
      tpu.vector_store %arg8[%swap3A_971, %swap3A_972, %swap3A_973], %broadcast_in_dim3A_960 {strides = array<i32>} : memref<8x80x128xf32, #tpu.memory_space<vmem>>, vector<16xf32>,
      %add3A_975 = arith.constant 3 : i32
      %add3A_976 = arith.addi %mul3A_690, %add3A_975 : i32
      %swap3A_977 = arith.constant 0 : i32
      %swap3A_978 = arith.index_cast %swap3A_977 : i32 to index
      %swap3A_979 = arith.index_cast %add3A_976 : i32 to index
      %swap3A_980 = arith.constant 32 : index
      %swap3A_981 = tpu.vector_load %arg8[%swap3A_978, %swap3A_979, %swap3A_980] {strides = array<i32>} : memref<8x80x128xf32, #tpu.memory_space<vmem>>, vector<16xf32>,
      tpu.vector_store %arg8[%swap3A_978, %swap3A_979, %swap3A_980], %broadcast_in_dim3A_960 {strides = array<i32>} : memref<8x80x128xf32, #tpu.memory_space<vmem>>, vector<16xf32>,
      %add3A_982 = arith.constant 3 : i32
      %add3A_983 = arith.addi %mul3A_690, %add3A_982 : i32
      %swap3A_984 = arith.constant 0 : i32
      %swap3A_985 = arith.index_cast %swap3A_984 : i32 to index
      %swap3A_986 = arith.index_cast %add3A_983 : i32 to index
      %swap3A_987 = arith.constant 48 : index
      %swap3A_988 = tpu.vector_load %arg8[%swap3A_985, %swap3A_986, %swap3A_987] {strides = array<i32>} : memref<8x80x128xf32, #tpu.memory_space<vmem>>, vector<16xf32>,
      tpu.vector_store %arg8[%swap3A_985, %swap3A_986, %swap3A_987], %broadcast_in_dim3A_960 {strides = array<i32>} : memref<8x80x128xf32, #tpu.memory_space<vmem>>, vector<16xf32>,
      %add3A_989 = arith.constant 3 : i32
      %add3A_990 = arith.addi %mul3A_690, %add3A_989 : i32
      %swap3A_991 = arith.constant 0 : i32
      %swap3A_992 = arith.index_cast %swap3A_991 : i32 to index
      %swap3A_993 = arith.index_cast %add3A_990 : i32 to index
      %swap3A_994 = arith.constant 64 : index
      %swap3A_995 = tpu.vector_load %arg8[%swap3A_992, %swap3A_993, %swap3A_994] {strides = array<i32>} : memref<8x80x128xf32, #tpu.memory_space<vmem>>, vector<16xf32>,
      tpu.vector_store %arg8[%swap3A_992, %swap3A_993, %swap3A_994], %broadcast_in_dim3A_960 {strides = array<i32>} : memref<8x80x128xf32, #tpu.memory_space<vmem>>, vector<16xf32>,
      %add3A_996 = arith.constant 3 : i32
      %add3A_997 = arith.addi %mul3A_690, %add3A_996 : i32
      %swap3A_998 = arith.constant 0 : i32
      %swap3A_999 = arith.index_cast %swap3A_998 : i32 to index
      %swap3A_1000 = arith.index_cast %add3A_997 : i32 to index
      %swap3A_1001 = arith.constant 80 : index
      %swap3A_1002 = tpu.vector_load %arg8[%swap3A_999, %swap3A_1000, %swap3A_1001] {strides = array<i32>} : memref<8x80x128xf32, #tpu.memory_space<vmem>>, vector<16xf32>,
      tpu.vector_store %arg8[%swap3A_999, %swap3A_1000, %swap3A_1001], %broadcast_in_dim3A_960 {strides = array<i32>} : memref<8x80x128xf32, #tpu.memory_space<vmem>>, vector<16xf32>,
      %add3A_1003 = arith.constant 3 : i32
      %add3A_1004 = arith.addi %mul3A_690, %add3A_1003 : i32
      %swap3A_1005 = arith.constant 0 : i32
      %swap3A_1006 = arith.index_cast %swap3A_1005 : i32 to index
      %swap3A_1007 = arith.index_cast %add3A_1004 : i32 to index
      %swap3A_1008 = arith.constant 96 : index
      %swap3A_1009 = tpu.vector_load %arg8[%swap3A_1006, %swap3A_1007, %swap3A_1008] {strides = array<i32>} : memref<8x80x128xf32, #tpu.memory_space<vmem>>, vector<16xf32>,
      tpu.vector_store %arg8[%swap3A_1006, %swap3A_1007, %swap3A_1008], %broadcast_in_dim3A_960 {strides = array<i32>} : memref<8x80x128xf32, #tpu.memory_space<vmem>>, vector<16xf32>,
      %add3A_1010 = arith.constant 3 : i32
      %add3A_1011 = arith.addi %mul3A_690, %add3A_1010 : i32
      %swap3A_1012 = arith.constant 0 : i32
      %swap3A_1013 = arith.index_cast %swap3A_1012 : i32 to index
      %swap3A_1014 = arith.index_cast %add3A_1011 : i32 to index
      %swap3A_1015 = arith.constant 112 : index
      %swap3A_1016 = tpu.vector_load %arg8[%swap3A_1013, %swap3A_1014, %swap3A_1015] {strides = array<i32>} : memref<8x80x128xf32, #tpu.memory_space<vmem>>, vector<16xf32>,
      tpu.vector_store %arg8[%swap3A_1013, %swap3A_1014, %swap3A_1015], %broadcast_in_dim3A_960 {strides = array<i32>} : memref<8x80x128xf32, #tpu.memory_space<vmem>>, vector<16xf32>,
      %eq3A_1017 = arith.constant 4 : i32
      %eq3A_1018 = vector.broadcast %eq3A_1017 : i32 to vector<16xi32>
      %eq3A_1019 = arith.cmpi eq, %iota3A_666, %eq3A_1018 : vector<16xi32>
      %convert_element_type3A_1020 = arith.extui %eq3A_1019 : vector<16xi1> to vector<16xi32>
      %convert_element_type3A_1021 = arith.sitofp %convert_element_type3A_1020 : vector<16xi32> to vector<16xf32>
      %mul3A_1022 = arith.mulf %get3A_749, %convert_element_type3A_1021 : vector<16xf32>
      %reduce_sum3A_1023 = arith.constant true
      %reduce_sum3A_1024 = vector.broadcast %reduce_sum3A_1023 : i1 to vector<16xi1>
      %reduce_sum3A_1025 = tpu.scan <sum>, %mul3A_1022 masked %reduce_sum3A_1024 : vector<16xf32>, vector<16xi1> -> vector<16xf32>
      %reduce_sum3A_1026 = vector.extract %reduce_sum3A_1025[15] : f32 from vector<16xf32>
      %broadcast_in_dim3A_1027 = vector.broadcast %reduce_sum3A_1026 : f32 to vector<16xf32>
      %add3A_1028 = arith.constant 4 : i32
      %add3A_1029 = arith.addi %mul3A_690, %add3A_1028 : i32
      %swap3A_1030 = arith.constant 0 : i32
      %swap3A_1031 = arith.index_cast %swap3A_1030 : i32 to index
      %swap3A_1032 = arith.index_cast %add3A_1029 : i32 to index
      %swap3A_1033 = arith.constant 0 : index
      %swap3A_1034 = tpu.vector_load %arg8[%swap3A_1031, %swap3A_1032, %swap3A_1033] {strides = array<i32>} : memref<8x80x128xf32, #tpu.memory_space<vmem>>, vector<16xf32>,
      tpu.vector_store %arg8[%swap3A_1031, %swap3A_1032, %swap3A_1033], %broadcast_in_dim3A_1027 {strides = array<i32>} : memref<8x80x128xf32, #tpu.memory_space<vmem>>, vector<16xf32>,
      %add3A_1035 = arith.constant 4 : i32
      %add3A_1036 = arith.addi %mul3A_690, %add3A_1035 : i32
      %swap3A_1037 = arith.constant 0 : i32
      %swap3A_1038 = arith.index_cast %swap3A_1037 : i32 to index
      %swap3A_1039 = arith.index_cast %add3A_1036 : i32 to index
      %swap3A_1040 = arith.constant 16 : index
      %swap3A_1041 = tpu.vector_load %arg8[%swap3A_1038, %swap3A_1039, %swap3A_1040] {strides = array<i32>} : memref<8x80x128xf32, #tpu.memory_space<vmem>>, vector<16xf32>,
      tpu.vector_store %arg8[%swap3A_1038, %swap3A_1039, %swap3A_1040], %broadcast_in_dim3A_1027 {strides = array<i32>} : memref<8x80x128xf32, #tpu.memory_space<vmem>>, vector<16xf32>,
      %add3A_1042 = arith.constant 4 : i32
      %add3A_1043 = arith.addi %mul3A_690, %add3A_1042 : i32
      %swap3A_1044 = arith.constant 0 : i32
      %swap3A_1045 = arith.index_cast %swap3A_1044 : i32 to index
      %swap3A_1046 = arith.index_cast %add3A_1043 : i32 to index
      %swap3A_1047 = arith.constant 32 : index
      %swap3A_1048 = tpu.vector_load %arg8[%swap3A_1045, %swap3A_1046, %swap3A_1047] {strides = array<i32>} : memref<8x80x128xf32, #tpu.memory_space<vmem>>, vector<16xf32>,
      tpu.vector_store %arg8[%swap3A_1045, %swap3A_1046, %swap3A_1047], %broadcast_in_dim3A_1027 {strides = array<i32>} : memref<8x80x128xf32, #tpu.memory_space<vmem>>, vector<16xf32>,
      %add3A_1049 = arith.constant 4 : i32
      %add3A_1050 = arith.addi %mul3A_690, %add3A_1049 : i32
      %swap3A_1051 = arith.constant 0 : i32
      %swap3A_1052 = arith.index_cast %swap3A_1051 : i32 to index
      %swap3A_1053 = arith.index_cast %add3A_1050 : i32 to index
      %swap3A_1054 = arith.constant 48 : index
      %swap3A_1055 = tpu.vector_load %arg8[%swap3A_1052, %swap3A_1053, %swap3A_1054] {strides = array<i32>} : memref<8x80x128xf32, #tpu.memory_space<vmem>>, vector<16xf32>,
      tpu.vector_store %arg8[%swap3A_1052, %swap3A_1053, %swap3A_1054], %broadcast_in_dim3A_1027 {strides = array<i32>} : memref<8x80x128xf32, #tpu.memory_space<vmem>>, vector<16xf32>,
      %add3A_1056 = arith.constant 4 : i32
      %add3A_1057 = arith.addi %mul3A_690, %add3A_1056 : i32
      %swap3A_1058 = arith.constant 0 : i32
      %swap3A_1059 = arith.index_cast %swap3A_1058 : i32 to index
      %swap3A_1060 = arith.index_cast %add3A_1057 : i32 to index
      %swap3A_1061 = arith.constant 64 : index
      %swap3A_1062 = tpu.vector_load %arg8[%swap3A_1059, %swap3A_1060, %swap3A_1061] {strides = array<i32>} : memref<8x80x128xf32, #tpu.memory_space<vmem>>, vector<16xf32>,
      tpu.vector_store %arg8[%swap3A_1059, %swap3A_1060, %swap3A_1061], %broadcast_in_dim3A_1027 {strides = array<i32>} : memref<8x80x128xf32, #tpu.memory_space<vmem>>, vector<16xf32>,
      %add3A_1063 = arith.constant 4 : i32
      %add3A_1064 = arith.addi %mul3A_690, %add3A_1063 : i32
      %swap3A_1065 = arith.constant 0 : i32
      %swap3A_1066 = arith.index_cast %swap3A_1065 : i32 to index
      %swap3A_1067 = arith.index_cast %add3A_1064 : i32 to index
      %swap3A_1068 = arith.constant 80 : index
      %swap3A_1069 = tpu.vector_load %arg8[%swap3A_1066, %swap3A_1067, %swap3A_1068] {strides = array<i32>} : memref<8x80x128xf32, #tpu.memory_space<vmem>>, vector<16xf32>,
      tpu.vector_store %arg8[%swap3A_1066, %swap3A_1067, %swap3A_1068], %broadcast_in_dim3A_1027 {strides = array<i32>} : memref<8x80x128xf32, #tpu.memory_space<vmem>>, vector<16xf32>,
      %add3A_1070 = arith.constant 4 : i32
      %add3A_1071 = arith.addi %mul3A_690, %add3A_1070 : i32
      %swap3A_1072 = arith.constant 0 : i32
      %swap3A_1073 = arith.index_cast %swap3A_1072 : i32 to index
      %swap3A_1074 = arith.index_cast %add3A_1071 : i32 to index
      %swap3A_1075 = arith.constant 96 : index
      %swap3A_1076 = tpu.vector_load %arg8[%swap3A_1073, %swap3A_1074, %swap3A_1075] {strides = array<i32>} : memref<8x80x128xf32, #tpu.memory_space<vmem>>, vector<16xf32>,
      tpu.vector_store %arg8[%swap3A_1073, %swap3A_1074, %swap3A_1075], %broadcast_in_dim3A_1027 {strides = array<i32>} : memref<8x80x128xf32, #tpu.memory_space<vmem>>, vector<16xf32>,
      %add3A_1077 = arith.constant 4 : i32
      %add3A_1078 = arith.addi %mul3A_690, %add3A_1077 : i32
      %swap3A_1079 = arith.constant 0 : i32
      %swap3A_1080 = arith.index_cast %swap3A_1079 : i32 to index
      %swap3A_1081 = arith.index_cast %add3A_1078 : i32 to index
      %swap3A_1082 = arith.constant 112 : index
      %swap3A_1083 = tpu.vector_load %arg8[%swap3A_1080, %swap3A_1081, %swap3A_1082] {strides = array<i32>} : memref<8x80x128xf32, #tpu.memory_space<vmem>>, vector<16xf32>,
      tpu.vector_store %arg8[%swap3A_1080, %swap3A_1081, %swap3A_1082], %broadcast_in_dim3A_1027 {strides = array<i32>} : memref<8x80x128xf32, #tpu.memory_space<vmem>>, vector<16xf32>,
      %eq3A_1084 = arith.constant 5 : i32
      %eq3A_1085 = vector.broadcast %eq3A_1084 : i32 to vector<16xi32>
      %eq3A_1086 = arith.cmpi eq, %iota3A_666, %eq3A_1085 : vector<16xi32>
      %convert_element_type3A_1087 = arith.extui %eq3A_1086 : vector<16xi1> to vector<16xi32>
      %convert_element_type3A_1088 = arith.sitofp %convert_element_type3A_1087 : vector<16xi32> to vector<16xf32>
      %mul3A_1089 = arith.mulf %get3A_749, %convert_element_type3A_1088 : vector<16xf32>
      %reduce_sum3A_1090 = arith.constant true
      %reduce_sum3A_1091 = vector.broadcast %reduce_sum3A_1090 : i1 to vector<16xi1>
      %reduce_sum3A_1092 = tpu.scan <sum>, %mul3A_1089 masked %reduce_sum3A_1091 : vector<16xf32>, vector<16xi1> -> vector<16xf32>
      %reduce_sum3A_1093 = vector.extract %reduce_sum3A_1092[15] : f32 from vector<16xf32>
      %broadcast_in_dim3A_1094 = vector.broadcast %reduce_sum3A_1093 : f32 to vector<16xf32>
      %add3A_1095 = arith.constant 5 : i32
      %add3A_1096 = arith.addi %mul3A_690, %add3A_1095 : i32
      %swap3A_1097 = arith.constant 0 : i32
      %swap3A_1098 = arith.index_cast %swap3A_1097 : i32 to index
      %swap3A_1099 = arith.index_cast %add3A_1096 : i32 to index
      %swap3A_1100 = arith.constant 0 : index
      %swap3A_1101 = tpu.vector_load %arg8[%swap3A_1098, %swap3A_1099, %swap3A_1100] {strides = array<i32>} : memref<8x80x128xf32, #tpu.memory_space<vmem>>, vector<16xf32>,
      tpu.vector_store %arg8[%swap3A_1098, %swap3A_1099, %swap3A_1100], %broadcast_in_dim3A_1094 {strides = array<i32>} : memref<8x80x128xf32, #tpu.memory_space<vmem>>, vector<16xf32>,
      %add3A_1102 = arith.constant 5 : i32
      %add3A_1103 = arith.addi %mul3A_690, %add3A_1102 : i32
      %swap3A_1104 = arith.constant 0 : i32
      %swap3A_1105 = arith.index_cast %swap3A_1104 : i32 to index
      %swap3A_1106 = arith.index_cast %add3A_1103 : i32 to index
      %swap3A_1107 = arith.constant 16 : index
      %swap3A_1108 = tpu.vector_load %arg8[%swap3A_1105, %swap3A_1106, %swap3A_1107] {strides = array<i32>} : memref<8x80x128xf32, #tpu.memory_space<vmem>>, vector<16xf32>,
      tpu.vector_store %arg8[%swap3A_1105, %swap3A_1106, %swap3A_1107], %broadcast_in_dim3A_1094 {strides = array<i32>} : memref<8x80x128xf32, #tpu.memory_space<vmem>>, vector<16xf32>,
      %add3A_1109 = arith.constant 5 : i32
      %add3A_1110 = arith.addi %mul3A_690, %add3A_1109 : i32
      %swap3A_1111 = arith.constant 0 : i32
      %swap3A_1112 = arith.index_cast %swap3A_1111 : i32 to index
      %swap3A_1113 = arith.index_cast %add3A_1110 : i32 to index
      %swap3A_1114 = arith.constant 32 : index
      %swap3A_1115 = tpu.vector_load %arg8[%swap3A_1112, %swap3A_1113, %swap3A_1114] {strides = array<i32>} : memref<8x80x128xf32, #tpu.memory_space<vmem>>, vector<16xf32>,
      tpu.vector_store %arg8[%swap3A_1112, %swap3A_1113, %swap3A_1114], %broadcast_in_dim3A_1094 {strides = array<i32>} : memref<8x80x128xf32, #tpu.memory_space<vmem>>, vector<16xf32>,
      %add3A_1116 = arith.constant 5 : i32
      %add3A_1117 = arith.addi %mul3A_690, %add3A_1116 : i32
      %swap3A_1118 = arith.constant 0 : i32
      %swap3A_1119 = arith.index_cast %swap3A_1118 : i32 to index
      %swap3A_1120 = arith.index_cast %add3A_1117 : i32 to index
      %swap3A_1121 = arith.constant 48 : index
      %swap3A_1122 = tpu.vector_load %arg8[%swap3A_1119, %swap3A_1120, %swap3A_1121] {strides = array<i32>} : memref<8x80x128xf32, #tpu.memory_space<vmem>>, vector<16xf32>,
      tpu.vector_store %arg8[%swap3A_1119, %swap3A_1120, %swap3A_1121], %broadcast_in_dim3A_1094 {strides = array<i32>} : memref<8x80x128xf32, #tpu.memory_space<vmem>>, vector<16xf32>,
      %add3A_1123 = arith.constant 5 : i32
      %add3A_1124 = arith.addi %mul3A_690, %add3A_1123 : i32
      %swap3A_1125 = arith.constant 0 : i32
      %swap3A_1126 = arith.index_cast %swap3A_1125 : i32 to index
      %swap3A_1127 = arith.index_cast %add3A_1124 : i32 to index
      %swap3A_1128 = arith.constant 64 : index
      %swap3A_1129 = tpu.vector_load %arg8[%swap3A_1126, %swap3A_1127, %swap3A_1128] {strides = array<i32>} : memref<8x80x128xf32, #tpu.memory_space<vmem>>, vector<16xf32>,
      tpu.vector_store %arg8[%swap3A_1126, %swap3A_1127, %swap3A_1128], %broadcast_in_dim3A_1094 {strides = array<i32>} : memref<8x80x128xf32, #tpu.memory_space<vmem>>, vector<16xf32>,
      %add3A_1130 = arith.constant 5 : i32
      %add3A_1131 = arith.addi %mul3A_690, %add3A_1130 : i32
      %swap3A_1132 = arith.constant 0 : i32
      %swap3A_1133 = arith.index_cast %swap3A_1132 : i32 to index
      %swap3A_1134 = arith.index_cast %add3A_1131 : i32 to index
      %swap3A_1135 = arith.constant 80 : index
      %swap3A_1136 = tpu.vector_load %arg8[%swap3A_1133, %swap3A_1134, %swap3A_1135] {strides = array<i32>} : memref<8x80x128xf32, #tpu.memory_space<vmem>>, vector<16xf32>,
      tpu.vector_store %arg8[%swap3A_1133, %swap3A_1134, %swap3A_1135], %broadcast_in_dim3A_1094 {strides = array<i32>} : memref<8x80x128xf32, #tpu.memory_space<vmem>>, vector<16xf32>,
      %add3A_1137 = arith.constant 5 : i32
      %add3A_1138 = arith.addi %mul3A_690, %add3A_1137 : i32
      %swap3A_1139 = arith.constant 0 : i32
      %swap3A_1140 = arith.index_cast %swap3A_1139 : i32 to index
      %swap3A_1141 = arith.index_cast %add3A_1138 : i32 to index
      %swap3A_1142 = arith.constant 96 : index
      %swap3A_1143 = tpu.vector_load %arg8[%swap3A_1140, %swap3A_1141, %swap3A_1142] {strides = array<i32>} : memref<8x80x128xf32, #tpu.memory_space<vmem>>, vector<16xf32>,
      tpu.vector_store %arg8[%swap3A_1140, %swap3A_1141, %swap3A_1142], %broadcast_in_dim3A_1094 {strides = array<i32>} : memref<8x80x128xf32, #tpu.memory_space<vmem>>, vector<16xf32>,
      %add3A_1144 = arith.constant 5 : i32
      %add3A_1145 = arith.addi %mul3A_690, %add3A_1144 : i32
      %swap3A_1146 = arith.constant 0 : i32
      %swap3A_1147 = arith.index_cast %swap3A_1146 : i32 to index
      %swap3A_1148 = arith.index_cast %add3A_1145 : i32 to index
      %swap3A_1149 = arith.constant 112 : index
      %swap3A_1150 = tpu.vector_load %arg8[%swap3A_1147, %swap3A_1148, %swap3A_1149] {strides = array<i32>} : memref<8x80x128xf32, #tpu.memory_space<vmem>>, vector<16xf32>,
      tpu.vector_store %arg8[%swap3A_1147, %swap3A_1148, %swap3A_1149], %broadcast_in_dim3A_1094 {strides = array<i32>} : memref<8x80x128xf32, #tpu.memory_space<vmem>>, vector<16xf32>,
      %eq3A_1151 = arith.constant 6 : i32
      %eq3A_1152 = vector.broadcast %eq3A_1151 : i32 to vector<16xi32>
      %eq3A_1153 = arith.cmpi eq, %iota3A_666, %eq3A_1152 : vector<16xi32>
      %convert_element_type3A_1154 = arith.extui %eq3A_1153 : vector<16xi1> to vector<16xi32>
      %convert_element_type3A_1155 = arith.sitofp %convert_element_type3A_1154 : vector<16xi32> to vector<16xf32>
      %mul3A_1156 = arith.mulf %get3A_749, %convert_element_type3A_1155 : vector<16xf32>
      %reduce_sum3A_1157 = arith.constant true
      %reduce_sum3A_1158 = vector.broadcast %reduce_sum3A_1157 : i1 to vector<16xi1>
      %reduce_sum3A_1159 = tpu.scan <sum>, %mul3A_1156 masked %reduce_sum3A_1158 : vector<16xf32>, vector<16xi1> -> vector<16xf32>
      %reduce_sum3A_1160 = vector.extract %reduce_sum3A_1159[15] : f32 from vector<16xf32>
      %broadcast_in_dim3A_1161 = vector.broadcast %reduce_sum3A_1160 : f32 to vector<16xf32>
      %add3A_1162 = arith.constant 6 : i32
      %add3A_1163 = arith.addi %mul3A_690, %add3A_1162 : i32
      %swap3A_1164 = arith.constant 0 : i32
      %swap3A_1165 = arith.index_cast %swap3A_1164 : i32 to index
      %swap3A_1166 = arith.index_cast %add3A_1163 : i32 to index
      %swap3A_1167 = arith.constant 0 : index
      %swap3A_1168 = tpu.vector_load %arg8[%swap3A_1165, %swap3A_1166, %swap3A_1167] {strides = array<i32>} : memref<8x80x128xf32, #tpu.memory_space<vmem>>, vector<16xf32>,
      tpu.vector_store %arg8[%swap3A_1165, %swap3A_1166, %swap3A_1167], %broadcast_in_dim3A_1161 {strides = array<i32>} : memref<8x80x128xf32, #tpu.memory_space<vmem>>, vector<16xf32>,
      %add3A_1169 = arith.constant 6 : i32
      %add3A_1170 = arith.addi %mul3A_690, %add3A_1169 : i32
      %swap3A_1171 = arith.constant 0 : i32
      %swap3A_1172 = arith.index_cast %swap3A_1171 : i32 to index
      %swap3A_1173 = arith.index_cast %add3A_1170 : i32 to index
      %swap3A_1174 = arith.constant 16 : index
      %swap3A_1175 = tpu.vector_load %arg8[%swap3A_1172, %swap3A_1173, %swap3A_1174] {strides = array<i32>} : memref<8x80x128xf32, #tpu.memory_space<vmem>>, vector<16xf32>,
      tpu.vector_store %arg8[%swap3A_1172, %swap3A_1173, %swap3A_1174], %broadcast_in_dim3A_1161 {strides = array<i32>} : memref<8x80x128xf32, #tpu.memory_space<vmem>>, vector<16xf32>,
      %add3A_1176 = arith.constant 6 : i32
      %add3A_1177 = arith.addi %mul3A_690, %add3A_1176 : i32
      %swap3A_1178 = arith.constant 0 : i32
      %swap3A_1179 = arith.index_cast %swap3A_1178 : i32 to index
      %swap3A_1180 = arith.index_cast %add3A_1177 : i32 to index
      %swap3A_1181 = arith.constant 32 : index
      %swap3A_1182 = tpu.vector_load %arg8[%swap3A_1179, %swap3A_1180, %swap3A_1181] {strides = array<i32>} : memref<8x80x128xf32, #tpu.memory_space<vmem>>, vector<16xf32>,
      tpu.vector_store %arg8[%swap3A_1179, %swap3A_1180, %swap3A_1181], %broadcast_in_dim3A_1161 {strides = array<i32>} : memref<8x80x128xf32, #tpu.memory_space<vmem>>, vector<16xf32>,
      %add3A_1183 = arith.constant 6 : i32
      %add3A_1184 = arith.addi %mul3A_690, %add3A_1183 : i32
      %swap3A_1185 = arith.constant 0 : i32
      %swap3A_1186 = arith.index_cast %swap3A_1185 : i32 to index
      %swap3A_1187 = arith.index_cast %add3A_1184 : i32 to index
      %swap3A_1188 = arith.constant 48 : index
      %swap3A_1189 = tpu.vector_load %arg8[%swap3A_1186, %swap3A_1187, %swap3A_1188] {strides = array<i32>} : memref<8x80x128xf32, #tpu.memory_space<vmem>>, vector<16xf32>,
      tpu.vector_store %arg8[%swap3A_1186, %swap3A_1187, %swap3A_1188], %broadcast_in_dim3A_1161 {strides = array<i32>} : memref<8x80x128xf32, #tpu.memory_space<vmem>>, vector<16xf32>,
      %add3A_1190 = arith.constant 6 : i32
      %add3A_1191 = arith.addi %mul3A_690, %add3A_1190 : i32
      %swap3A_1192 = arith.constant 0 : i32
      %swap3A_1193 = arith.index_cast %swap3A_1192 : i32 to index
      %swap3A_1194 = arith.index_cast %add3A_1191 : i32 to index
      %swap3A_1195 = arith.constant 64 : index
      %swap3A_1196 = tpu.vector_load %arg8[%swap3A_1193, %swap3A_1194, %swap3A_1195] {strides = array<i32>} : memref<8x80x128xf32, #tpu.memory_space<vmem>>, vector<16xf32>,
      tpu.vector_store %arg8[%swap3A_1193, %swap3A_1194, %swap3A_1195], %broadcast_in_dim3A_1161 {strides = array<i32>} : memref<8x80x128xf32, #tpu.memory_space<vmem>>, vector<16xf32>,
      %add3A_1197 = arith.constant 6 : i32
      %add3A_1198 = arith.addi %mul3A_690, %add3A_1197 : i32
      %swap3A_1199 = arith.constant 0 : i32
      %swap3A_1200 = arith.index_cast %swap3A_1199 : i32 to index
      %swap3A_1201 = arith.index_cast %add3A_1198 : i32 to index
      %swap3A_1202 = arith.constant 80 : index
      %swap3A_1203 = tpu.vector_load %arg8[%swap3A_1200, %swap3A_1201, %swap3A_1202] {strides = array<i32>} : memref<8x80x128xf32, #tpu.memory_space<vmem>>, vector<16xf32>,
      tpu.vector_store %arg8[%swap3A_1200, %swap3A_1201, %swap3A_1202], %broadcast_in_dim3A_1161 {strides = array<i32>} : memref<8x80x128xf32, #tpu.memory_space<vmem>>, vector<16xf32>,
      %add3A_1204 = arith.constant 6 : i32
      %add3A_1205 = arith.addi %mul3A_690, %add3A_1204 : i32
      %swap3A_1206 = arith.constant 0 : i32
      %swap3A_1207 = arith.index_cast %swap3A_1206 : i32 to index
      %swap3A_1208 = arith.index_cast %add3A_1205 : i32 to index
      %swap3A_1209 = arith.constant 96 : index
      %swap3A_1210 = tpu.vector_load %arg8[%swap3A_1207, %swap3A_1208, %swap3A_1209] {strides = array<i32>} : memref<8x80x128xf32, #tpu.memory_space<vmem>>, vector<16xf32>,
      tpu.vector_store %arg8[%swap3A_1207, %swap3A_1208, %swap3A_1209], %broadcast_in_dim3A_1161 {strides = array<i32>} : memref<8x80x128xf32, #tpu.memory_space<vmem>>, vector<16xf32>,
      %add3A_1211 = arith.constant 6 : i32
      %add3A_1212 = arith.addi %mul3A_690, %add3A_1211 : i32
      %swap3A_1213 = arith.constant 0 : i32
      %swap3A_1214 = arith.index_cast %swap3A_1213 : i32 to index
      %swap3A_1215 = arith.index_cast %add3A_1212 : i32 to index
      %swap3A_1216 = arith.constant 112 : index
      %swap3A_1217 = tpu.vector_load %arg8[%swap3A_1214, %swap3A_1215, %swap3A_1216] {strides = array<i32>} : memref<8x80x128xf32, #tpu.memory_space<vmem>>, vector<16xf32>,
      tpu.vector_store %arg8[%swap3A_1214, %swap3A_1215, %swap3A_1216], %broadcast_in_dim3A_1161 {strides = array<i32>} : memref<8x80x128xf32, #tpu.memory_space<vmem>>, vector<16xf32>,
      %eq3A_1218 = arith.constant 7 : i32
      %eq3A_1219 = vector.broadcast %eq3A_1218 : i32 to vector<16xi32>
      %eq3A_1220 = arith.cmpi eq, %iota3A_666, %eq3A_1219 : vector<16xi32>
      %convert_element_type3A_1221 = arith.extui %eq3A_1220 : vector<16xi1> to vector<16xi32>
      %convert_element_type3A_1222 = arith.sitofp %convert_element_type3A_1221 : vector<16xi32> to vector<16xf32>
      %mul3A_1223 = arith.mulf %get3A_749, %convert_element_type3A_1222 : vector<16xf32>
      %reduce_sum3A_1224 = arith.constant true
      %reduce_sum3A_1225 = vector.broadcast %reduce_sum3A_1224 : i1 to vector<16xi1>
      %reduce_sum3A_1226 = tpu.scan <sum>, %mul3A_1223 masked %reduce_sum3A_1225 : vector<16xf32>, vector<16xi1> -> vector<16xf32>
      %reduce_sum3A_1227 = vector.extract %reduce_sum3A_1226[15] : f32 from vector<16xf32>
      %broadcast_in_dim3A_1228 = vector.broadcast %reduce_sum3A_1227 : f32 to vector<16xf32>
      %add3A_1229 = arith.constant 7 : i32
      %add3A_1230 = arith.addi %mul3A_690, %add3A_1229 : i32
      %swap3A_1231 = arith.constant 0 : i32
      %swap3A_1232 = arith.index_cast %swap3A_1231 : i32 to index
      %swap3A_1233 = arith.index_cast %add3A_1230 : i32 to index
      %swap3A_1234 = arith.constant 0 : index
      %swap3A_1235 = tpu.vector_load %arg8[%swap3A_1232, %swap3A_1233, %swap3A_1234] {strides = array<i32>} : memref<8x80x128xf32, #tpu.memory_space<vmem>>, vector<16xf32>,
      tpu.vector_store %arg8[%swap3A_1232, %swap3A_1233, %swap3A_1234], %broadcast_in_dim3A_1228 {strides = array<i32>} : memref<8x80x128xf32, #tpu.memory_space<vmem>>, vector<16xf32>,
      %add3A_1236 = arith.constant 7 : i32
      %add3A_1237 = arith.addi %mul3A_690, %add3A_1236 : i32
      %swap3A_1238 = arith.constant 0 : i32
      %swap3A_1239 = arith.index_cast %swap3A_1238 : i32 to index
      %swap3A_1240 = arith.index_cast %add3A_1237 : i32 to index
      %swap3A_1241 = arith.constant 16 : index
      %swap3A_1242 = tpu.vector_load %arg8[%swap3A_1239, %swap3A_1240, %swap3A_1241] {strides = array<i32>} : memref<8x80x128xf32, #tpu.memory_space<vmem>>, vector<16xf32>,
      tpu.vector_store %arg8[%swap3A_1239, %swap3A_1240, %swap3A_1241], %broadcast_in_dim3A_1228 {strides = array<i32>} : memref<8x80x128xf32, #tpu.memory_space<vmem>>, vector<16xf32>,
      %add3A_1243 = arith.constant 7 : i32
      %add3A_1244 = arith.addi %mul3A_690, %add3A_1243 : i32
      %swap3A_1245 = arith.constant 0 : i32
      %swap3A_1246 = arith.index_cast %swap3A_1245 : i32 to index
      %swap3A_1247 = arith.index_cast %add3A_1244 : i32 to index
      %swap3A_1248 = arith.constant 32 : index
      %swap3A_1249 = tpu.vector_load %arg8[%swap3A_1246, %swap3A_1247, %swap3A_1248] {strides = array<i32>} : memref<8x80x128xf32, #tpu.memory_space<vmem>>, vector<16xf32>,
      tpu.vector_store %arg8[%swap3A_1246, %swap3A_1247, %swap3A_1248], %broadcast_in_dim3A_1228 {strides = array<i32>} : memref<8x80x128xf32, #tpu.memory_space<vmem>>, vector<16xf32>,
      %add3A_1250 = arith.constant 7 : i32
      %add3A_1251 = arith.addi %mul3A_690, %add3A_1250 : i32
      %swap3A_1252 = arith.constant 0 : i32
      %swap3A_1253 = arith.index_cast %swap3A_1252 : i32 to index
      %swap3A_1254 = arith.index_cast %add3A_1251 : i32 to index
      %swap3A_1255 = arith.constant 48 : index
      %swap3A_1256 = tpu.vector_load %arg8[%swap3A_1253, %swap3A_1254, %swap3A_1255] {strides = array<i32>} : memref<8x80x128xf32, #tpu.memory_space<vmem>>, vector<16xf32>,
      tpu.vector_store %arg8[%swap3A_1253, %swap3A_1254, %swap3A_1255], %broadcast_in_dim3A_1228 {strides = array<i32>} : memref<8x80x128xf32, #tpu.memory_space<vmem>>, vector<16xf32>,
      %add3A_1257 = arith.constant 7 : i32
      %add3A_1258 = arith.addi %mul3A_690, %add3A_1257 : i32
      %swap3A_1259 = arith.constant 0 : i32
      %swap3A_1260 = arith.index_cast %swap3A_1259 : i32 to index
      %swap3A_1261 = arith.index_cast %add3A_1258 : i32 to index
      %swap3A_1262 = arith.constant 64 : index
      %swap3A_1263 = tpu.vector_load %arg8[%swap3A_1260, %swap3A_1261, %swap3A_1262] {strides = array<i32>} : memref<8x80x128xf32, #tpu.memory_space<vmem>>, vector<16xf32>,
      tpu.vector_store %arg8[%swap3A_1260, %swap3A_1261, %swap3A_1262], %broadcast_in_dim3A_1228 {strides = array<i32>} : memref<8x80x128xf32, #tpu.memory_space<vmem>>, vector<16xf32>,
      %add3A_1264 = arith.constant 7 : i32
      %add3A_1265 = arith.addi %mul3A_690, %add3A_1264 : i32
      %swap3A_1266 = arith.constant 0 : i32
      %swap3A_1267 = arith.index_cast %swap3A_1266 : i32 to index
      %swap3A_1268 = arith.index_cast %add3A_1265 : i32 to index
      %swap3A_1269 = arith.constant 80 : index
      %swap3A_1270 = tpu.vector_load %arg8[%swap3A_1267, %swap3A_1268, %swap3A_1269] {strides = array<i32>} : memref<8x80x128xf32, #tpu.memory_space<vmem>>, vector<16xf32>,
      tpu.vector_store %arg8[%swap3A_1267, %swap3A_1268, %swap3A_1269], %broadcast_in_dim3A_1228 {strides = array<i32>} : memref<8x80x128xf32, #tpu.memory_space<vmem>>, vector<16xf32>,
      %add3A_1271 = arith.constant 7 : i32
      %add3A_1272 = arith.addi %mul3A_690, %add3A_1271 : i32
      %swap3A_1273 = arith.constant 0 : i32
      %swap3A_1274 = arith.index_cast %swap3A_1273 : i32 to index
      %swap3A_1275 = arith.index_cast %add3A_1272 : i32 to index
      %swap3A_1276 = arith.constant 96 : index
      %swap3A_1277 = tpu.vector_load %arg8[%swap3A_1274, %swap3A_1275, %swap3A_1276] {strides = array<i32>} : memref<8x80x128xf32, #tpu.memory_space<vmem>>, vector<16xf32>,
      tpu.vector_store %arg8[%swap3A_1274, %swap3A_1275, %swap3A_1276], %broadcast_in_dim3A_1228 {strides = array<i32>} : memref<8x80x128xf32, #tpu.memory_space<vmem>>, vector<16xf32>,
      %add3A_1278 = arith.constant 7 : i32
      %add3A_1279 = arith.addi %mul3A_690, %add3A_1278 : i32
      %swap3A_1280 = arith.constant 0 : i32
      %swap3A_1281 = arith.index_cast %swap3A_1280 : i32 to index
      %swap3A_1282 = arith.index_cast %add3A_1279 : i32 to index
      %swap3A_1283 = arith.constant 112 : index
      %swap3A_1284 = tpu.vector_load %arg8[%swap3A_1281, %swap3A_1282, %swap3A_1283] {strides = array<i32>} : memref<8x80x128xf32, #tpu.memory_space<vmem>>, vector<16xf32>,
      tpu.vector_store %arg8[%swap3A_1281, %swap3A_1282, %swap3A_1283], %broadcast_in_dim3A_1228 {strides = array<i32>} : memref<8x80x128xf32, #tpu.memory_space<vmem>>, vector<16xf32>,
      %eq3A_1285 = arith.constant 8 : i32
      %eq3A_1286 = vector.broadcast %eq3A_1285 : i32 to vector<16xi32>
      %eq3A_1287 = arith.cmpi eq, %iota3A_666, %eq3A_1286 : vector<16xi32>
      %convert_element_type3A_1288 = arith.extui %eq3A_1287 : vector<16xi1> to vector<16xi32>
      %convert_element_type3A_1289 = arith.sitofp %convert_element_type3A_1288 : vector<16xi32> to vector<16xf32>
      %mul3A_1290 = arith.mulf %get3A_749, %convert_element_type3A_1289 : vector<16xf32>
      %reduce_sum3A_1291 = arith.constant true
      %reduce_sum3A_1292 = vector.broadcast %reduce_sum3A_1291 : i1 to vector<16xi1>
      %reduce_sum3A_1293 = tpu.scan <sum>, %mul3A_1290 masked %reduce_sum3A_1292 : vector<16xf32>, vector<16xi1> -> vector<16xf32>
      %reduce_sum3A_1294 = vector.extract %reduce_sum3A_1293[15] : f32 from vector<16xf32>
      %broadcast_in_dim3A_1295 = vector.broadcast %reduce_sum3A_1294 : f32 to vector<16xf32>
      %add3A_1296 = arith.constant 8 : i32
      %add3A_1297 = arith.addi %mul3A_690, %add3A_1296 : i32
      %swap3A_1298 = arith.constant 0 : i32
      %swap3A_1299 = arith.index_cast %swap3A_1298 : i32 to index
      %swap3A_1300 = arith.index_cast %add3A_1297 : i32 to index
      %swap3A_1301 = arith.constant 0 : index
      %swap3A_1302 = tpu.vector_load %arg8[%swap3A_1299, %swap3A_1300, %swap3A_1301] {strides = array<i32>} : memref<8x80x128xf32, #tpu.memory_space<vmem>>, vector<16xf32>,
      tpu.vector_store %arg8[%swap3A_1299, %swap3A_1300, %swap3A_1301], %broadcast_in_dim3A_1295 {strides = array<i32>} : memref<8x80x128xf32, #tpu.memory_space<vmem>>, vector<16xf32>,
      %add3A_1303 = arith.constant 8 : i32
      %add3A_1304 = arith.addi %mul3A_690, %add3A_1303 : i32
      %swap3A_1305 = arith.constant 0 : i32
      %swap3A_1306 = arith.index_cast %swap3A_1305 : i32 to index
      %swap3A_1307 = arith.index_cast %add3A_1304 : i32 to index
      %swap3A_1308 = arith.constant 16 : index
      %swap3A_1309 = tpu.vector_load %arg8[%swap3A_1306, %swap3A_1307, %swap3A_1308] {strides = array<i32>} : memref<8x80x128xf32, #tpu.memory_space<vmem>>, vector<16xf32>,
      tpu.vector_store %arg8[%swap3A_1306, %swap3A_1307, %swap3A_1308], %broadcast_in_dim3A_1295 {strides = array<i32>} : memref<8x80x128xf32, #tpu.memory_space<vmem>>, vector<16xf32>,
      %add3A_1310 = arith.constant 8 : i32
      %add3A_1311 = arith.addi %mul3A_690, %add3A_1310 : i32
      %swap3A_1312 = arith.constant 0 : i32
      %swap3A_1313 = arith.index_cast %swap3A_1312 : i32 to index
      %swap3A_1314 = arith.index_cast %add3A_1311 : i32 to index
      %swap3A_1315 = arith.constant 32 : index
      %swap3A_1316 = tpu.vector_load %arg8[%swap3A_1313, %swap3A_1314, %swap3A_1315] {strides = array<i32>} : memref<8x80x128xf32, #tpu.memory_space<vmem>>, vector<16xf32>,
      tpu.vector_store %arg8[%swap3A_1313, %swap3A_1314, %swap3A_1315], %broadcast_in_dim3A_1295 {strides = array<i32>} : memref<8x80x128xf32, #tpu.memory_space<vmem>>, vector<16xf32>,
      %add3A_1317 = arith.constant 8 : i32
      %add3A_1318 = arith.addi %mul3A_690, %add3A_1317 : i32
      %swap3A_1319 = arith.constant 0 : i32
      %swap3A_1320 = arith.index_cast %swap3A_1319 : i32 to index
      %swap3A_1321 = arith.index_cast %add3A_1318 : i32 to index
      %swap3A_1322 = arith.constant 48 : index
      %swap3A_1323 = tpu.vector_load %arg8[%swap3A_1320, %swap3A_1321, %swap3A_1322] {strides = array<i32>} : memref<8x80x128xf32, #tpu.memory_space<vmem>>, vector<16xf32>,
      tpu.vector_store %arg8[%swap3A_1320, %swap3A_1321, %swap3A_1322], %broadcast_in_dim3A_1295 {strides = array<i32>} : memref<8x80x128xf32, #tpu.memory_space<vmem>>, vector<16xf32>,
      %add3A_1324 = arith.constant 8 : i32
      %add3A_1325 = arith.addi %mul3A_690, %add3A_1324 : i32
      %swap3A_1326 = arith.constant 0 : i32
      %swap3A_1327 = arith.index_cast %swap3A_1326 : i32 to index
      %swap3A_1328 = arith.index_cast %add3A_1325 : i32 to index
      %swap3A_1329 = arith.constant 64 : index
      %swap3A_1330 = tpu.vector_load %arg8[%swap3A_1327, %swap3A_1328, %swap3A_1329] {strides = array<i32>} : memref<8x80x128xf32, #tpu.memory_space<vmem>>, vector<16xf32>,
      tpu.vector_store %arg8[%swap3A_1327, %swap3A_1328, %swap3A_1329], %broadcast_in_dim3A_1295 {strides = array<i32>} : memref<8x80x128xf32, #tpu.memory_space<vmem>>, vector<16xf32>,
      %add3A_1331 = arith.constant 8 : i32
      %add3A_1332 = arith.addi %mul3A_690, %add3A_1331 : i32
      %swap3A_1333 = arith.constant 0 : i32
      %swap3A_1334 = arith.index_cast %swap3A_1333 : i32 to index
      %swap3A_1335 = arith.index_cast %add3A_1332 : i32 to index
      %swap3A_1336 = arith.constant 80 : index
      %swap3A_1337 = tpu.vector_load %arg8[%swap3A_1334, %swap3A_1335, %swap3A_1336] {strides = array<i32>} : memref<8x80x128xf32, #tpu.memory_space<vmem>>, vector<16xf32>,
      tpu.vector_store %arg8[%swap3A_1334, %swap3A_1335, %swap3A_1336], %broadcast_in_dim3A_1295 {strides = array<i32>} : memref<8x80x128xf32, #tpu.memory_space<vmem>>, vector<16xf32>,
      %add3A_1338 = arith.constant 8 : i32
      %add3A_1339 = arith.addi %mul3A_690, %add3A_1338 : i32
      %swap3A_1340 = arith.constant 0 : i32
      %swap3A_1341 = arith.index_cast %swap3A_1340 : i32 to index
      %swap3A_1342 = arith.index_cast %add3A_1339 : i32 to index
      %swap3A_1343 = arith.constant 96 : index
      %swap3A_1344 = tpu.vector_load %arg8[%swap3A_1341, %swap3A_1342, %swap3A_1343] {strides = array<i32>} : memref<8x80x128xf32, #tpu.memory_space<vmem>>, vector<16xf32>,
      tpu.vector_store %arg8[%swap3A_1341, %swap3A_1342, %swap3A_1343], %broadcast_in_dim3A_1295 {strides = array<i32>} : memref<8x80x128xf32, #tpu.memory_space<vmem>>, vector<16xf32>,
      %add3A_1345 = arith.constant 8 : i32
      %add3A_1346 = arith.addi %mul3A_690, %add3A_1345 : i32
      %swap3A_1347 = arith.constant 0 : i32
      %swap3A_1348 = arith.index_cast %swap3A_1347 : i32 to index
      %swap3A_1349 = arith.index_cast %add3A_1346 : i32 to index
      %swap3A_1350 = arith.constant 112 : index
      %swap3A_1351 = tpu.vector_load %arg8[%swap3A_1348, %swap3A_1349, %swap3A_1350] {strides = array<i32>} : memref<8x80x128xf32, #tpu.memory_space<vmem>>, vector<16xf32>,
      tpu.vector_store %arg8[%swap3A_1348, %swap3A_1349, %swap3A_1350], %broadcast_in_dim3A_1295 {strides = array<i32>} : memref<8x80x128xf32, #tpu.memory_space<vmem>>, vector<16xf32>,
      %eq3A_1352 = arith.constant 9 : i32
      %eq3A_1353 = vector.broadcast %eq3A_1352 : i32 to vector<16xi32>
      %eq3A_1354 = arith.cmpi eq, %iota3A_666, %eq3A_1353 : vector<16xi32>
      %convert_element_type3A_1355 = arith.extui %eq3A_1354 : vector<16xi1> to vector<16xi32>
      %convert_element_type3A_1356 = arith.sitofp %convert_element_type3A_1355 : vector<16xi32> to vector<16xf32>
      %mul3A_1357 = arith.mulf %get3A_749, %convert_element_type3A_1356 : vector<16xf32>
      %reduce_sum3A_1358 = arith.constant true
      %reduce_sum3A_1359 = vector.broadcast %reduce_sum3A_1358 : i1 to vector<16xi1>
      %reduce_sum3A_1360 = tpu.scan <sum>, %mul3A_1357 masked %reduce_sum3A_1359 : vector<16xf32>, vector<16xi1> -> vector<16xf32>
      %reduce_sum3A_1361 = vector.extract %reduce_sum3A_1360[15] : f32 from vector<16xf32>
      %broadcast_in_dim3A_1362 = vector.broadcast %reduce_sum3A_1361 : f32 to vector<16xf32>
      %add3A_1363 = arith.constant 9 : i32
      %add3A_1364 = arith.addi %mul3A_690, %add3A_1363 : i32
      %swap3A_1365 = arith.constant 0 : i32
      %swap3A_1366 = arith.index_cast %swap3A_1365 : i32 to index
      %swap3A_1367 = arith.index_cast %add3A_1364 : i32 to index
      %swap3A_1368 = arith.constant 0 : index
      %swap3A_1369 = tpu.vector_load %arg8[%swap3A_1366, %swap3A_1367, %swap3A_1368] {strides = array<i32>} : memref<8x80x128xf32, #tpu.memory_space<vmem>>, vector<16xf32>,
      tpu.vector_store %arg8[%swap3A_1366, %swap3A_1367, %swap3A_1368], %broadcast_in_dim3A_1362 {strides = array<i32>} : memref<8x80x128xf32, #tpu.memory_space<vmem>>, vector<16xf32>,
      %add3A_1370 = arith.constant 9 : i32
      %add3A_1371 = arith.addi %mul3A_690, %add3A_1370 : i32
      %swap3A_1372 = arith.constant 0 : i32
      %swap3A_1373 = arith.index_cast %swap3A_1372 : i32 to index
      %swap3A_1374 = arith.index_cast %add3A_1371 : i32 to index
      %swap3A_1375 = arith.constant 16 : index
      %swap3A_1376 = tpu.vector_load %arg8[%swap3A_1373, %swap3A_1374, %swap3A_1375] {strides = array<i32>} : memref<8x80x128xf32, #tpu.memory_space<vmem>>, vector<16xf32>,
      tpu.vector_store %arg8[%swap3A_1373, %swap3A_1374, %swap3A_1375], %broadcast_in_dim3A_1362 {strides = array<i32>} : memref<8x80x128xf32, #tpu.memory_space<vmem>>, vector<16xf32>,
      %add3A_1377 = arith.constant 9 : i32
      %add3A_1378 = arith.addi %mul3A_690, %add3A_1377 : i32
      %swap3A_1379 = arith.constant 0 : i32
      %swap3A_1380 = arith.index_cast %swap3A_1379 : i32 to index
      %swap3A_1381 = arith.index_cast %add3A_1378 : i32 to index
      %swap3A_1382 = arith.constant 32 : index
      %swap3A_1383 = tpu.vector_load %arg8[%swap3A_1380, %swap3A_1381, %swap3A_1382] {strides = array<i32>} : memref<8x80x128xf32, #tpu.memory_space<vmem>>, vector<16xf32>,
      tpu.vector_store %arg8[%swap3A_1380, %swap3A_1381, %swap3A_1382], %broadcast_in_dim3A_1362 {strides = array<i32>} : memref<8x80x128xf32, #tpu.memory_space<vmem>>, vector<16xf32>,
      %add3A_1384 = arith.constant 9 : i32
      %add3A_1385 = arith.addi %mul3A_690, %add3A_1384 : i32
      %swap3A_1386 = arith.constant 0 : i32
      %swap3A_1387 = arith.index_cast %swap3A_1386 : i32 to index
      %swap3A_1388 = arith.index_cast %add3A_1385 : i32 to index
      %swap3A_1389 = arith.constant 48 : index
      %swap3A_1390 = tpu.vector_load %arg8[%swap3A_1387, %swap3A_1388, %swap3A_1389] {strides = array<i32>} : memref<8x80x128xf32, #tpu.memory_space<vmem>>, vector<16xf32>,
      tpu.vector_store %arg8[%swap3A_1387, %swap3A_1388, %swap3A_1389], %broadcast_in_dim3A_1362 {strides = array<i32>} : memref<8x80x128xf32, #tpu.memory_space<vmem>>, vector<16xf32>,
      %add3A_1391 = arith.constant 9 : i32
      %add3A_1392 = arith.addi %mul3A_690, %add3A_1391 : i32
      %swap3A_1393 = arith.constant 0 : i32
      %swap3A_1394 = arith.index_cast %swap3A_1393 : i32 to index
      %swap3A_1395 = arith.index_cast %add3A_1392 : i32 to index
      %swap3A_1396 = arith.constant 64 : index
      %swap3A_1397 = tpu.vector_load %arg8[%swap3A_1394, %swap3A_1395, %swap3A_1396] {strides = array<i32>} : memref<8x80x128xf32, #tpu.memory_space<vmem>>, vector<16xf32>,
      tpu.vector_store %arg8[%swap3A_1394, %swap3A_1395, %swap3A_1396], %broadcast_in_dim3A_1362 {strides = array<i32>} : memref<8x80x128xf32, #tpu.memory_space<vmem>>, vector<16xf32>,
      %add3A_1398 = arith.constant 9 : i32
      %add3A_1399 = arith.addi %mul3A_690, %add3A_1398 : i32
      %swap3A_1400 = arith.constant 0 : i32
      %swap3A_1401 = arith.index_cast %swap3A_1400 : i32 to index
      %swap3A_1402 = arith.index_cast %add3A_1399 : i32 to index
      %swap3A_1403 = arith.constant 80 : index
      %swap3A_1404 = tpu.vector_load %arg8[%swap3A_1401, %swap3A_1402, %swap3A_1403] {strides = array<i32>} : memref<8x80x128xf32, #tpu.memory_space<vmem>>, vector<16xf32>,
      tpu.vector_store %arg8[%swap3A_1401, %swap3A_1402, %swap3A_1403], %broadcast_in_dim3A_1362 {strides = array<i32>} : memref<8x80x128xf32, #tpu.memory_space<vmem>>, vector<16xf32>,
      %add3A_1405 = arith.constant 9 : i32
      %add3A_1406 = arith.addi %mul3A_690, %add3A_1405 : i32
      %swap3A_1407 = arith.constant 0 : i32
      %swap3A_1408 = arith.index_cast %swap3A_1407 : i32 to index
      %swap3A_1409 = arith.index_cast %add3A_1406 : i32 to index
      %swap3A_1410 = arith.constant 96 : index
      %swap3A_1411 = tpu.vector_load %arg8[%swap3A_1408, %swap3A_1409, %swap3A_1410] {strides = array<i32>} : memref<8x80x128xf32, #tpu.memory_space<vmem>>, vector<16xf32>,
      tpu.vector_store %arg8[%swap3A_1408, %swap3A_1409, %swap3A_1410], %broadcast_in_dim3A_1362 {strides = array<i32>} : memref<8x80x128xf32, #tpu.memory_space<vmem>>, vector<16xf32>,
      %add3A_1412 = arith.constant 9 : i32
      %add3A_1413 = arith.addi %mul3A_690, %add3A_1412 : i32
      %swap3A_1414 = arith.constant 0 : i32
      %swap3A_1415 = arith.index_cast %swap3A_1414 : i32 to index
      %swap3A_1416 = arith.index_cast %add3A_1413 : i32 to index
      %swap3A_1417 = arith.constant 112 : index
      %swap3A_1418 = tpu.vector_load %arg8[%swap3A_1415, %swap3A_1416, %swap3A_1417] {strides = array<i32>} : memref<8x80x128xf32, #tpu.memory_space<vmem>>, vector<16xf32>,
      tpu.vector_store %arg8[%swap3A_1415, %swap3A_1416, %swap3A_1417], %broadcast_in_dim3A_1362 {strides = array<i32>} : memref<8x80x128xf32, #tpu.memory_space<vmem>>, vector<16xf32>,
      %eq3A_1419 = arith.constant 10 : i32
      %eq3A_1420 = vector.broadcast %eq3A_1419 : i32 to vector<16xi32>
      %eq3A_1421 = arith.cmpi eq, %iota3A_666, %eq3A_1420 : vector<16xi32>
      %convert_element_type3A_1422 = arith.extui %eq3A_1421 : vector<16xi1> to vector<16xi32>
      %convert_element_type3A_1423 = arith.sitofp %convert_element_type3A_1422 : vector<16xi32> to vector<16xf32>
      %mul3A_1424 = arith.mulf %get3A_749, %convert_element_type3A_1423 : vector<16xf32>
      %reduce_sum3A_1425 = arith.constant true
      %reduce_sum3A_1426 = vector.broadcast %reduce_sum3A_1425 : i1 to vector<16xi1>
      %reduce_sum3A_1427 = tpu.scan <sum>, %mul3A_1424 masked %reduce_sum3A_1426 : vector<16xf32>, vector<16xi1> -> vector<16xf32>
      %reduce_sum3A_1428 = vector.extract %reduce_sum3A_1427[15] : f32 from vector<16xf32>
      %broadcast_in_dim3A_1429 = vector.broadcast %reduce_sum3A_1428 : f32 to vector<16xf32>
      %add3A_1430 = arith.constant 10 : i32
      %add3A_1431 = arith.addi %mul3A_690, %add3A_1430 : i32
      %swap3A_1432 = arith.constant 0 : i32
      %swap3A_1433 = arith.index_cast %swap3A_1432 : i32 to index
      %swap3A_1434 = arith.index_cast %add3A_1431 : i32 to index
      %swap3A_1435 = arith.constant 0 : index
      %swap3A_1436 = tpu.vector_load %arg8[%swap3A_1433, %swap3A_1434, %swap3A_1435] {strides = array<i32>} : memref<8x80x128xf32, #tpu.memory_space<vmem>>, vector<16xf32>,
      tpu.vector_store %arg8[%swap3A_1433, %swap3A_1434, %swap3A_1435], %broadcast_in_dim3A_1429 {strides = array<i32>} : memref<8x80x128xf32, #tpu.memory_space<vmem>>, vector<16xf32>,
      %add3A_1437 = arith.constant 10 : i32
      %add3A_1438 = arith.addi %mul3A_690, %add3A_1437 : i32
      %swap3A_1439 = arith.constant 0 : i32
      %swap3A_1440 = arith.index_cast %swap3A_1439 : i32 to index
      %swap3A_1441 = arith.index_cast %add3A_1438 : i32 to index
      %swap3A_1442 = arith.constant 16 : index
      %swap3A_1443 = tpu.vector_load %arg8[%swap3A_1440, %swap3A_1441, %swap3A_1442] {strides = array<i32>} : memref<8x80x128xf32, #tpu.memory_space<vmem>>, vector<16xf32>,
      tpu.vector_store %arg8[%swap3A_1440, %swap3A_1441, %swap3A_1442], %broadcast_in_dim3A_1429 {strides = array<i32>} : memref<8x80x128xf32, #tpu.memory_space<vmem>>, vector<16xf32>,
      %add3A_1444 = arith.constant 10 : i32
      %add3A_1445 = arith.addi %mul3A_690, %add3A_1444 : i32
      %swap3A_1446 = arith.constant 0 : i32
      %swap3A_1447 = arith.index_cast %swap3A_1446 : i32 to index
      %swap3A_1448 = arith.index_cast %add3A_1445 : i32 to index
      %swap3A_1449 = arith.constant 32 : index
      %swap3A_1450 = tpu.vector_load %arg8[%swap3A_1447, %swap3A_1448, %swap3A_1449] {strides = array<i32>} : memref<8x80x128xf32, #tpu.memory_space<vmem>>, vector<16xf32>,
      tpu.vector_store %arg8[%swap3A_1447, %swap3A_1448, %swap3A_1449], %broadcast_in_dim3A_1429 {strides = array<i32>} : memref<8x80x128xf32, #tpu.memory_space<vmem>>, vector<16xf32>,
      %add3A_1451 = arith.constant 10 : i32
      %add3A_1452 = arith.addi %mul3A_690, %add3A_1451 : i32
      %swap3A_1453 = arith.constant 0 : i32
      %swap3A_1454 = arith.index_cast %swap3A_1453 : i32 to index
      %swap3A_1455 = arith.index_cast %add3A_1452 : i32 to index
      %swap3A_1456 = arith.constant 48 : index
      %swap3A_1457 = tpu.vector_load %arg8[%swap3A_1454, %swap3A_1455, %swap3A_1456] {strides = array<i32>} : memref<8x80x128xf32, #tpu.memory_space<vmem>>, vector<16xf32>,
      tpu.vector_store %arg8[%swap3A_1454, %swap3A_1455, %swap3A_1456], %broadcast_in_dim3A_1429 {strides = array<i32>} : memref<8x80x128xf32, #tpu.memory_space<vmem>>, vector<16xf32>,
      %add3A_1458 = arith.constant 10 : i32
      %add3A_1459 = arith.addi %mul3A_690, %add3A_1458 : i32
      %swap3A_1460 = arith.constant 0 : i32
      %swap3A_1461 = arith.index_cast %swap3A_1460 : i32 to index
      %swap3A_1462 = arith.index_cast %add3A_1459 : i32 to index
      %swap3A_1463 = arith.constant 64 : index
      %swap3A_1464 = tpu.vector_load %arg8[%swap3A_1461, %swap3A_1462, %swap3A_1463] {strides = array<i32>} : memref<8x80x128xf32, #tpu.memory_space<vmem>>, vector<16xf32>,
      tpu.vector_store %arg8[%swap3A_1461, %swap3A_1462, %swap3A_1463], %broadcast_in_dim3A_1429 {strides = array<i32>} : memref<8x80x128xf32, #tpu.memory_space<vmem>>, vector<16xf32>,
      %add3A_1465 = arith.constant 10 : i32
      %add3A_1466 = arith.addi %mul3A_690, %add3A_1465 : i32
      %swap3A_1467 = arith.constant 0 : i32
      %swap3A_1468 = arith.index_cast %swap3A_1467 : i32 to index
      %swap3A_1469 = arith.index_cast %add3A_1466 : i32 to index
      %swap3A_1470 = arith.constant 80 : index
      %swap3A_1471 = tpu.vector_load %arg8[%swap3A_1468, %swap3A_1469, %swap3A_1470] {strides = array<i32>} : memref<8x80x128xf32, #tpu.memory_space<vmem>>, vector<16xf32>,
      tpu.vector_store %arg8[%swap3A_1468, %swap3A_1469, %swap3A_1470], %broadcast_in_dim3A_1429 {strides = array<i32>} : memref<8x80x128xf32, #tpu.memory_space<vmem>>, vector<16xf32>,
      %add3A_1472 = arith.constant 10 : i32
      %add3A_1473 = arith.addi %mul3A_690, %add3A_1472 : i32
      %swap3A_1474 = arith.constant 0 : i32
      %swap3A_1475 = arith.index_cast %swap3A_1474 : i32 to index
      %swap3A_1476 = arith.index_cast %add3A_1473 : i32 to index
      %swap3A_1477 = arith.constant 96 : index
      %swap3A_1478 = tpu.vector_load %arg8[%swap3A_1475, %swap3A_1476, %swap3A_1477] {strides = array<i32>} : memref<8x80x128xf32, #tpu.memory_space<vmem>>, vector<16xf32>,
      tpu.vector_store %arg8[%swap3A_1475, %swap3A_1476, %swap3A_1477], %broadcast_in_dim3A_1429 {strides = array<i32>} : memref<8x80x128xf32, #tpu.memory_space<vmem>>, vector<16xf32>,
      %add3A_1479 = arith.constant 10 : i32
      %add3A_1480 = arith.addi %mul3A_690, %add3A_1479 : i32
      %swap3A_1481 = arith.constant 0 : i32
      %swap3A_1482 = arith.index_cast %swap3A_1481 : i32 to index
      %swap3A_1483 = arith.index_cast %add3A_1480 : i32 to index
      %swap3A_1484 = arith.constant 112 : index
      %swap3A_1485 = tpu.vector_load %arg8[%swap3A_1482, %swap3A_1483, %swap3A_1484] {strides = array<i32>} : memref<8x80x128xf32, #tpu.memory_space<vmem>>, vector<16xf32>,
      tpu.vector_store %arg8[%swap3A_1482, %swap3A_1483, %swap3A_1484], %broadcast_in_dim3A_1429 {strides = array<i32>} : memref<8x80x128xf32, #tpu.memory_space<vmem>>, vector<16xf32>,
      %eq3A_1486 = arith.constant 11 : i32
      %eq3A_1487 = vector.broadcast %eq3A_1486 : i32 to vector<16xi32>
      %eq3A_1488 = arith.cmpi eq, %iota3A_666, %eq3A_1487 : vector<16xi32>
      %convert_element_type3A_1489 = arith.extui %eq3A_1488 : vector<16xi1> to vector<16xi32>
      %convert_element_type3A_1490 = arith.sitofp %convert_element_type3A_1489 : vector<16xi32> to vector<16xf32>
      %mul3A_1491 = arith.mulf %get3A_749, %convert_element_type3A_1490 : vector<16xf32>
      %reduce_sum3A_1492 = arith.constant true
      %reduce_sum3A_1493 = vector.broadcast %reduce_sum3A_1492 : i1 to vector<16xi1>
      %reduce_sum3A_1494 = tpu.scan <sum>, %mul3A_1491 masked %reduce_sum3A_1493 : vector<16xf32>, vector<16xi1> -> vector<16xf32>
      %reduce_sum3A_1495 = vector.extract %reduce_sum3A_1494[15] : f32 from vector<16xf32>
      %broadcast_in_dim3A_1496 = vector.broadcast %reduce_sum3A_1495 : f32 to vector<16xf32>
      %add3A_1497 = arith.constant 11 : i32
      %add3A_1498 = arith.addi %mul3A_690, %add3A_1497 : i32
      %swap3A_1499 = arith.constant 0 : i32
      %swap3A_1500 = arith.index_cast %swap3A_1499 : i32 to index
      %swap3A_1501 = arith.index_cast %add3A_1498 : i32 to index
      %swap3A_1502 = arith.constant 0 : index
      %swap3A_1503 = tpu.vector_load %arg8[%swap3A_1500, %swap3A_1501, %swap3A_1502] {strides = array<i32>} : memref<8x80x128xf32, #tpu.memory_space<vmem>>, vector<16xf32>,
      tpu.vector_store %arg8[%swap3A_1500, %swap3A_1501, %swap3A_1502], %broadcast_in_dim3A_1496 {strides = array<i32>} : memref<8x80x128xf32, #tpu.memory_space<vmem>>, vector<16xf32>,
      %add3A_1504 = arith.constant 11 : i32
      %add3A_1505 = arith.addi %mul3A_690, %add3A_1504 : i32
      %swap3A_1506 = arith.constant 0 : i32
      %swap3A_1507 = arith.index_cast %swap3A_1506 : i32 to index
      %swap3A_1508 = arith.index_cast %add3A_1505 : i32 to index
      %swap3A_1509 = arith.constant 16 : index
      %swap3A_1510 = tpu.vector_load %arg8[%swap3A_1507, %swap3A_1508, %swap3A_1509] {strides = array<i32>} : memref<8x80x128xf32, #tpu.memory_space<vmem>>, vector<16xf32>,
      tpu.vector_store %arg8[%swap3A_1507, %swap3A_1508, %swap3A_1509], %broadcast_in_dim3A_1496 {strides = array<i32>} : memref<8x80x128xf32, #tpu.memory_space<vmem>>, vector<16xf32>,
      %add3A_1511 = arith.constant 11 : i32
      %add3A_1512 = arith.addi %mul3A_690, %add3A_1511 : i32
      %swap3A_1513 = arith.constant 0 : i32
      %swap3A_1514 = arith.index_cast %swap3A_1513 : i32 to index
      %swap3A_1515 = arith.index_cast %add3A_1512 : i32 to index
      %swap3A_1516 = arith.constant 32 : index
      %swap3A_1517 = tpu.vector_load %arg8[%swap3A_1514, %swap3A_1515, %swap3A_1516] {strides = array<i32>} : memref<8x80x128xf32, #tpu.memory_space<vmem>>, vector<16xf32>,
      tpu.vector_store %arg8[%swap3A_1514, %swap3A_1515, %swap3A_1516], %broadcast_in_dim3A_1496 {strides = array<i32>} : memref<8x80x128xf32, #tpu.memory_space<vmem>>, vector<16xf32>,
      %add3A_1518 = arith.constant 11 : i32
      %add3A_1519 = arith.addi %mul3A_690, %add3A_1518 : i32
      %swap3A_1520 = arith.constant 0 : i32
      %swap3A_1521 = arith.index_cast %swap3A_1520 : i32 to index
      %swap3A_1522 = arith.index_cast %add3A_1519 : i32 to index
      %swap3A_1523 = arith.constant 48 : index
      %swap3A_1524 = tpu.vector_load %arg8[%swap3A_1521, %swap3A_1522, %swap3A_1523] {strides = array<i32>} : memref<8x80x128xf32, #tpu.memory_space<vmem>>, vector<16xf32>,
      tpu.vector_store %arg8[%swap3A_1521, %swap3A_1522, %swap3A_1523], %broadcast_in_dim3A_1496 {strides = array<i32>} : memref<8x80x128xf32, #tpu.memory_space<vmem>>, vector<16xf32>,
      %add3A_1525 = arith.constant 11 : i32
      %add3A_1526 = arith.addi %mul3A_690, %add3A_1525 : i32
      %swap3A_1527 = arith.constant 0 : i32
      %swap3A_1528 = arith.index_cast %swap3A_1527 : i32 to index
      %swap3A_1529 = arith.index_cast %add3A_1526 : i32 to index
      %swap3A_1530 = arith.constant 64 : index
      %swap3A_1531 = tpu.vector_load %arg8[%swap3A_1528, %swap3A_1529, %swap3A_1530] {strides = array<i32>} : memref<8x80x128xf32, #tpu.memory_space<vmem>>, vector<16xf32>,
      tpu.vector_store %arg8[%swap3A_1528, %swap3A_1529, %swap3A_1530], %broadcast_in_dim3A_1496 {strides = array<i32>} : memref<8x80x128xf32, #tpu.memory_space<vmem>>, vector<16xf32>,
      %add3A_1532 = arith.constant 11 : i32
      %add3A_1533 = arith.addi %mul3A_690, %add3A_1532 : i32
      %swap3A_1534 = arith.constant 0 : i32
      %swap3A_1535 = arith.index_cast %swap3A_1534 : i32 to index
      %swap3A_1536 = arith.index_cast %add3A_1533 : i32 to index
      %swap3A_1537 = arith.constant 80 : index
      %swap3A_1538 = tpu.vector_load %arg8[%swap3A_1535, %swap3A_1536, %swap3A_1537] {strides = array<i32>} : memref<8x80x128xf32, #tpu.memory_space<vmem>>, vector<16xf32>,
      tpu.vector_store %arg8[%swap3A_1535, %swap3A_1536, %swap3A_1537], %broadcast_in_dim3A_1496 {strides = array<i32>} : memref<8x80x128xf32, #tpu.memory_space<vmem>>, vector<16xf32>,
      %add3A_1539 = arith.constant 11 : i32
      %add3A_1540 = arith.addi %mul3A_690, %add3A_1539 : i32
      %swap3A_1541 = arith.constant 0 : i32
      %swap3A_1542 = arith.index_cast %swap3A_1541 : i32 to index
      %swap3A_1543 = arith.index_cast %add3A_1540 : i32 to index
      %swap3A_1544 = arith.constant 96 : index
      %swap3A_1545 = tpu.vector_load %arg8[%swap3A_1542, %swap3A_1543, %swap3A_1544] {strides = array<i32>} : memref<8x80x128xf32, #tpu.memory_space<vmem>>, vector<16xf32>,
      tpu.vector_store %arg8[%swap3A_1542, %swap3A_1543, %swap3A_1544], %broadcast_in_dim3A_1496 {strides = array<i32>} : memref<8x80x128xf32, #tpu.memory_space<vmem>>, vector<16xf32>,
      %add3A_1546 = arith.constant 11 : i32
      %add3A_1547 = arith.addi %mul3A_690, %add3A_1546 : i32
      %swap3A_1548 = arith.constant 0 : i32
      %swap3A_1549 = arith.index_cast %swap3A_1548 : i32 to index
      %swap3A_1550 = arith.index_cast %add3A_1547 : i32 to index
      %swap3A_1551 = arith.constant 112 : index
      %swap3A_1552 = tpu.vector_load %arg8[%swap3A_1549, %swap3A_1550, %swap3A_1551] {strides = array<i32>} : memref<8x80x128xf32, #tpu.memory_space<vmem>>, vector<16xf32>,
      tpu.vector_store %arg8[%swap3A_1549, %swap3A_1550, %swap3A_1551], %broadcast_in_dim3A_1496 {strides = array<i32>} : memref<8x80x128xf32, #tpu.memory_space<vmem>>, vector<16xf32>,
      %eq3A_1553 = arith.constant 12 : i32
      %eq3A_1554 = vector.broadcast %eq3A_1553 : i32 to vector<16xi32>
      %eq3A_1555 = arith.cmpi eq, %iota3A_666, %eq3A_1554 : vector<16xi32>
      %convert_element_type3A_1556 = arith.extui %eq3A_1555 : vector<16xi1> to vector<16xi32>
      %convert_element_type3A_1557 = arith.sitofp %convert_element_type3A_1556 : vector<16xi32> to vector<16xf32>
      %mul3A_1558 = arith.mulf %get3A_749, %convert_element_type3A_1557 : vector<16xf32>
      %reduce_sum3A_1559 = arith.constant true
      %reduce_sum3A_1560 = vector.broadcast %reduce_sum3A_1559 : i1 to vector<16xi1>
      %reduce_sum3A_1561 = tpu.scan <sum>, %mul3A_1558 masked %reduce_sum3A_1560 : vector<16xf32>, vector<16xi1> -> vector<16xf32>
      %reduce_sum3A_1562 = vector.extract %reduce_sum3A_1561[15] : f32 from vector<16xf32>
      %broadcast_in_dim3A_1563 = vector.broadcast %reduce_sum3A_1562 : f32 to vector<16xf32>
      %add3A_1564 = arith.constant 12 : i32
      %add3A_1565 = arith.addi %mul3A_690, %add3A_1564 : i32
      %swap3A_1566 = arith.constant 0 : i32
      %swap3A_1567 = arith.index_cast %swap3A_1566 : i32 to index
      %swap3A_1568 = arith.index_cast %add3A_1565 : i32 to index
      %swap3A_1569 = arith.constant 0 : index
      %swap3A_1570 = tpu.vector_load %arg8[%swap3A_1567, %swap3A_1568, %swap3A_1569] {strides = array<i32>} : memref<8x80x128xf32, #tpu.memory_space<vmem>>, vector<16xf32>,
      tpu.vector_store %arg8[%swap3A_1567, %swap3A_1568, %swap3A_1569], %broadcast_in_dim3A_1563 {strides = array<i32>} : memref<8x80x128xf32, #tpu.memory_space<vmem>>, vector<16xf32>,
      %add3A_1571 = arith.constant 12 : i32
      %add3A_1572 = arith.addi %mul3A_690, %add3A_1571 : i32
      %swap3A_1573 = arith.constant 0 : i32
      %swap3A_1574 = arith.index_cast %swap3A_1573 : i32 to index
      %swap3A_1575 = arith.index_cast %add3A_1572 : i32 to index
      %swap3A_1576 = arith.constant 16 : index
      %swap3A_1577 = tpu.vector_load %arg8[%swap3A_1574, %swap3A_1575, %swap3A_1576] {strides = array<i32>} : memref<8x80x128xf32, #tpu.memory_space<vmem>>, vector<16xf32>,
      tpu.vector_store %arg8[%swap3A_1574, %swap3A_1575, %swap3A_1576], %broadcast_in_dim3A_1563 {strides = array<i32>} : memref<8x80x128xf32, #tpu.memory_space<vmem>>, vector<16xf32>,
      %add3A_1578 = arith.constant 12 : i32
      %add3A_1579 = arith.addi %mul3A_690, %add3A_1578 : i32
      %swap3A_1580 = arith.constant 0 : i32
      %swap3A_1581 = arith.index_cast %swap3A_1580 : i32 to index
      %swap3A_1582 = arith.index_cast %add3A_1579 : i32 to index
      %swap3A_1583 = arith.constant 32 : index
      %swap3A_1584 = tpu.vector_load %arg8[%swap3A_1581, %swap3A_1582, %swap3A_1583] {strides = array<i32>} : memref<8x80x128xf32, #tpu.memory_space<vmem>>, vector<16xf32>,
      tpu.vector_store %arg8[%swap3A_1581, %swap3A_1582, %swap3A_1583], %broadcast_in_dim3A_1563 {strides = array<i32>} : memref<8x80x128xf32, #tpu.memory_space<vmem>>, vector<16xf32>,
      %add3A_1585 = arith.constant 12 : i32
      %add3A_1586 = arith.addi %mul3A_690, %add3A_1585 : i32
      %swap3A_1587 = arith.constant 0 : i32
      %swap3A_1588 = arith.index_cast %swap3A_1587 : i32 to index
      %swap3A_1589 = arith.index_cast %add3A_1586 : i32 to index
      %swap3A_1590 = arith.constant 48 : index
      %swap3A_1591 = tpu.vector_load %arg8[%swap3A_1588, %swap3A_1589, %swap3A_1590] {strides = array<i32>} : memref<8x80x128xf32, #tpu.memory_space<vmem>>, vector<16xf32>,
      tpu.vector_store %arg8[%swap3A_1588, %swap3A_1589, %swap3A_1590], %broadcast_in_dim3A_1563 {strides = array<i32>} : memref<8x80x128xf32, #tpu.memory_space<vmem>>, vector<16xf32>,
      %add3A_1592 = arith.constant 12 : i32
      %add3A_1593 = arith.addi %mul3A_690, %add3A_1592 : i32
      %swap3A_1594 = arith.constant 0 : i32
      %swap3A_1595 = arith.index_cast %swap3A_1594 : i32 to index
      %swap3A_1596 = arith.index_cast %add3A_1593 : i32 to index
      %swap3A_1597 = arith.constant 64 : index
      %swap3A_1598 = tpu.vector_load %arg8[%swap3A_1595, %swap3A_1596, %swap3A_1597] {strides = array<i32>} : memref<8x80x128xf32, #tpu.memory_space<vmem>>, vector<16xf32>,
      tpu.vector_store %arg8[%swap3A_1595, %swap3A_1596, %swap3A_1597], %broadcast_in_dim3A_1563 {strides = array<i32>} : memref<8x80x128xf32, #tpu.memory_space<vmem>>, vector<16xf32>,
      %add3A_1599 = arith.constant 12 : i32
      %add3A_1600 = arith.addi %mul3A_690, %add3A_1599 : i32
      %swap3A_1601 = arith.constant 0 : i32
      %swap3A_1602 = arith.index_cast %swap3A_1601 : i32 to index
      %swap3A_1603 = arith.index_cast %add3A_1600 : i32 to index
      %swap3A_1604 = arith.constant 80 : index
      %swap3A_1605 = tpu.vector_load %arg8[%swap3A_1602, %swap3A_1603, %swap3A_1604] {strides = array<i32>} : memref<8x80x128xf32, #tpu.memory_space<vmem>>, vector<16xf32>,
      tpu.vector_store %arg8[%swap3A_1602, %swap3A_1603, %swap3A_1604], %broadcast_in_dim3A_1563 {strides = array<i32>} : memref<8x80x128xf32, #tpu.memory_space<vmem>>, vector<16xf32>,
      %add3A_1606 = arith.constant 12 : i32
      %add3A_1607 = arith.addi %mul3A_690, %add3A_1606 : i32
      %swap3A_1608 = arith.constant 0 : i32
      %swap3A_1609 = arith.index_cast %swap3A_1608 : i32 to index
      %swap3A_1610 = arith.index_cast %add3A_1607 : i32 to index
      %swap3A_1611 = arith.constant 96 : index
      %swap3A_1612 = tpu.vector_load %arg8[%swap3A_1609, %swap3A_1610, %swap3A_1611] {strides = array<i32>} : memref<8x80x128xf32, #tpu.memory_space<vmem>>, vector<16xf32>,
      tpu.vector_store %arg8[%swap3A_1609, %swap3A_1610, %swap3A_1611], %broadcast_in_dim3A_1563 {strides = array<i32>} : memref<8x80x128xf32, #tpu.memory_space<vmem>>, vector<16xf32>,
      %add3A_1613 = arith.constant 12 : i32
      %add3A_1614 = arith.addi %mul3A_690, %add3A_1613 : i32
      %swap3A_1615 = arith.constant 0 : i32
      %swap3A_1616 = arith.index_cast %swap3A_1615 : i32 to index
      %swap3A_1617 = arith.index_cast %add3A_1614 : i32 to index
      %swap3A_1618 = arith.constant 112 : index
      %swap3A_1619 = tpu.vector_load %arg8[%swap3A_1616, %swap3A_1617, %swap3A_1618] {strides = array<i32>} : memref<8x80x128xf32, #tpu.memory_space<vmem>>, vector<16xf32>,
      tpu.vector_store %arg8[%swap3A_1616, %swap3A_1617, %swap3A_1618], %broadcast_in_dim3A_1563 {strides = array<i32>} : memref<8x80x128xf32, #tpu.memory_space<vmem>>, vector<16xf32>,
      %eq3A_1620 = arith.constant 13 : i32
      %eq3A_1621 = vector.broadcast %eq3A_1620 : i32 to vector<16xi32>
      %eq3A_1622 = arith.cmpi eq, %iota3A_666, %eq3A_1621 : vector<16xi32>
      %convert_element_type3A_1623 = arith.extui %eq3A_1622 : vector<16xi1> to vector<16xi32>
      %convert_element_type3A_1624 = arith.sitofp %convert_element_type3A_1623 : vector<16xi32> to vector<16xf32>
      %mul3A_1625 = arith.mulf %get3A_749, %convert_element_type3A_1624 : vector<16xf32>
      %reduce_sum3A_1626 = arith.constant true
      %reduce_sum3A_1627 = vector.broadcast %reduce_sum3A_1626 : i1 to vector<16xi1>
      %reduce_sum3A_1628 = tpu.scan <sum>, %mul3A_1625 masked %reduce_sum3A_1627 : vector<16xf32>, vector<16xi1> -> vector<16xf32>
      %reduce_sum3A_1629 = vector.extract %reduce_sum3A_1628[15] : f32 from vector<16xf32>
      %broadcast_in_dim3A_1630 = vector.broadcast %reduce_sum3A_1629 : f32 to vector<16xf32>
      %add3A_1631 = arith.constant 13 : i32
      %add3A_1632 = arith.addi %mul3A_690, %add3A_1631 : i32
      %swap3A_1633 = arith.constant 0 : i32
      %swap3A_1634 = arith.index_cast %swap3A_1633 : i32 to index
      %swap3A_1635 = arith.index_cast %add3A_1632 : i32 to index
      %swap3A_1636 = arith.constant 0 : index
      %swap3A_1637 = tpu.vector_load %arg8[%swap3A_1634, %swap3A_1635, %swap3A_1636] {strides = array<i32>} : memref<8x80x128xf32, #tpu.memory_space<vmem>>, vector<16xf32>,
      tpu.vector_store %arg8[%swap3A_1634, %swap3A_1635, %swap3A_1636], %broadcast_in_dim3A_1630 {strides = array<i32>} : memref<8x80x128xf32, #tpu.memory_space<vmem>>, vector<16xf32>,
      %add3A_1638 = arith.constant 13 : i32
      %add3A_1639 = arith.addi %mul3A_690, %add3A_1638 : i32
      %swap3A_1640 = arith.constant 0 : i32
      %swap3A_1641 = arith.index_cast %swap3A_1640 : i32 to index
      %swap3A_1642 = arith.index_cast %add3A_1639 : i32 to index
      %swap3A_1643 = arith.constant 16 : index
      %swap3A_1644 = tpu.vector_load %arg8[%swap3A_1641, %swap3A_1642, %swap3A_1643] {strides = array<i32>} : memref<8x80x128xf32, #tpu.memory_space<vmem>>, vector<16xf32>,
      tpu.vector_store %arg8[%swap3A_1641, %swap3A_1642, %swap3A_1643], %broadcast_in_dim3A_1630 {strides = array<i32>} : memref<8x80x128xf32, #tpu.memory_space<vmem>>, vector<16xf32>,
      %add3A_1645 = arith.constant 13 : i32
      %add3A_1646 = arith.addi %mul3A_690, %add3A_1645 : i32
      %swap3A_1647 = arith.constant 0 : i32
      %swap3A_1648 = arith.index_cast %swap3A_1647 : i32 to index
      %swap3A_1649 = arith.index_cast %add3A_1646 : i32 to index
      %swap3A_1650 = arith.constant 32 : index
      %swap3A_1651 = tpu.vector_load %arg8[%swap3A_1648, %swap3A_1649, %swap3A_1650] {strides = array<i32>} : memref<8x80x128xf32, #tpu.memory_space<vmem>>, vector<16xf32>,
      tpu.vector_store %arg8[%swap3A_1648, %swap3A_1649, %swap3A_1650], %broadcast_in_dim3A_1630 {strides = array<i32>} : memref<8x80x128xf32, #tpu.memory_space<vmem>>, vector<16xf32>,
      %add3A_1652 = arith.constant 13 : i32
      %add3A_1653 = arith.addi %mul3A_690, %add3A_1652 : i32
      %swap3A_1654 = arith.constant 0 : i32
      %swap3A_1655 = arith.index_cast %swap3A_1654 : i32 to index
      %swap3A_1656 = arith.index_cast %add3A_1653 : i32 to index
      %swap3A_1657 = arith.constant 48 : index
      %swap3A_1658 = tpu.vector_load %arg8[%swap3A_1655, %swap3A_1656, %swap3A_1657] {strides = array<i32>} : memref<8x80x128xf32, #tpu.memory_space<vmem>>, vector<16xf32>,
      tpu.vector_store %arg8[%swap3A_1655, %swap3A_1656, %swap3A_1657], %broadcast_in_dim3A_1630 {strides = array<i32>} : memref<8x80x128xf32, #tpu.memory_space<vmem>>, vector<16xf32>,
      %add3A_1659 = arith.constant 13 : i32
      %add3A_1660 = arith.addi %mul3A_690, %add3A_1659 : i32
      %swap3A_1661 = arith.constant 0 : i32
      %swap3A_1662 = arith.index_cast %swap3A_1661 : i32 to index
      %swap3A_1663 = arith.index_cast %add3A_1660 : i32 to index
      %swap3A_1664 = arith.constant 64 : index
      %swap3A_1665 = tpu.vector_load %arg8[%swap3A_1662, %swap3A_1663, %swap3A_1664] {strides = array<i32>} : memref<8x80x128xf32, #tpu.memory_space<vmem>>, vector<16xf32>,
      tpu.vector_store %arg8[%swap3A_1662, %swap3A_1663, %swap3A_1664], %broadcast_in_dim3A_1630 {strides = array<i32>} : memref<8x80x128xf32, #tpu.memory_space<vmem>>, vector<16xf32>,
      %add3A_1666 = arith.constant 13 : i32
      %add3A_1667 = arith.addi %mul3A_690, %add3A_1666 : i32
      %swap3A_1668 = arith.constant 0 : i32
      %swap3A_1669 = arith.index_cast %swap3A_1668 : i32 to index
      %swap3A_1670 = arith.index_cast %add3A_1667 : i32 to index
      %swap3A_1671 = arith.constant 80 : index
      %swap3A_1672 = tpu.vector_load %arg8[%swap3A_1669, %swap3A_1670, %swap3A_1671] {strides = array<i32>} : memref<8x80x128xf32, #tpu.memory_space<vmem>>, vector<16xf32>,
      tpu.vector_store %arg8[%swap3A_1669, %swap3A_1670, %swap3A_1671], %broadcast_in_dim3A_1630 {strides = array<i32>} : memref<8x80x128xf32, #tpu.memory_space<vmem>>, vector<16xf32>,
      %add3A_1673 = arith.constant 13 : i32
      %add3A_1674 = arith.addi %mul3A_690, %add3A_1673 : i32
      %swap3A_1675 = arith.constant 0 : i32
      %swap3A_1676 = arith.index_cast %swap3A_1675 : i32 to index
      %swap3A_1677 = arith.index_cast %add3A_1674 : i32 to index
      %swap3A_1678 = arith.constant 96 : index
      %swap3A_1679 = tpu.vector_load %arg8[%swap3A_1676, %swap3A_1677, %swap3A_1678] {strides = array<i32>} : memref<8x80x128xf32, #tpu.memory_space<vmem>>, vector<16xf32>,
      tpu.vector_store %arg8[%swap3A_1676, %swap3A_1677, %swap3A_1678], %broadcast_in_dim3A_1630 {strides = array<i32>} : memref<8x80x128xf32, #tpu.memory_space<vmem>>, vector<16xf32>,
      %add3A_1680 = arith.constant 13 : i32
      %add3A_1681 = arith.addi %mul3A_690, %add3A_1680 : i32
      %swap3A_1682 = arith.constant 0 : i32
      %swap3A_1683 = arith.index_cast %swap3A_1682 : i32 to index
      %swap3A_1684 = arith.index_cast %add3A_1681 : i32 to index
      %swap3A_1685 = arith.constant 112 : index
      %swap3A_1686 = tpu.vector_load %arg8[%swap3A_1683, %swap3A_1684, %swap3A_1685] {strides = array<i32>} : memref<8x80x128xf32, #tpu.memory_space<vmem>>, vector<16xf32>,
      tpu.vector_store %arg8[%swap3A_1683, %swap3A_1684, %swap3A_1685], %broadcast_in_dim3A_1630 {strides = array<i32>} : memref<8x80x128xf32, #tpu.memory_space<vmem>>, vector<16xf32>,
      %eq3A_1687 = arith.constant 14 : i32
      %eq3A_1688 = vector.broadcast %eq3A_1687 : i32 to vector<16xi32>
      %eq3A_1689 = arith.cmpi eq, %iota3A_666, %eq3A_1688 : vector<16xi32>
      %convert_element_type3A_1690 = arith.extui %eq3A_1689 : vector<16xi1> to vector<16xi32>
      %convert_element_type3A_1691 = arith.sitofp %convert_element_type3A_1690 : vector<16xi32> to vector<16xf32>
      %mul3A_1692 = arith.mulf %get3A_749, %convert_element_type3A_1691 : vector<16xf32>
      %reduce_sum3A_1693 = arith.constant true
      %reduce_sum3A_1694 = vector.broadcast %reduce_sum3A_1693 : i1 to vector<16xi1>
      %reduce_sum3A_1695 = tpu.scan <sum>, %mul3A_1692 masked %reduce_sum3A_1694 : vector<16xf32>, vector<16xi1> -> vector<16xf32>
      %reduce_sum3A_1696 = vector.extract %reduce_sum3A_1695[15] : f32 from vector<16xf32>
      %broadcast_in_dim3A_1697 = vector.broadcast %reduce_sum3A_1696 : f32 to vector<16xf32>
      %add3A_1698 = arith.constant 14 : i32
      %add3A_1699 = arith.addi %mul3A_690, %add3A_1698 : i32
      %swap3A_1700 = arith.constant 0 : i32
      %swap3A_1701 = arith.index_cast %swap3A_1700 : i32 to index
      %swap3A_1702 = arith.index_cast %add3A_1699 : i32 to index
      %swap3A_1703 = arith.constant 0 : index
      %swap3A_1704 = tpu.vector_load %arg8[%swap3A_1701, %swap3A_1702, %swap3A_1703] {strides = array<i32>} : memref<8x80x128xf32, #tpu.memory_space<vmem>>, vector<16xf32>,
      tpu.vector_store %arg8[%swap3A_1701, %swap3A_1702, %swap3A_1703], %broadcast_in_dim3A_1697 {strides = array<i32>} : memref<8x80x128xf32, #tpu.memory_space<vmem>>, vector<16xf32>,
      %add3A_1705 = arith.constant 14 : i32
      %add3A_1706 = arith.addi %mul3A_690, %add3A_1705 : i32
      %swap3A_1707 = arith.constant 0 : i32
      %swap3A_1708 = arith.index_cast %swap3A_1707 : i32 to index
      %swap3A_1709 = arith.index_cast %add3A_1706 : i32 to index
      %swap3A_1710 = arith.constant 16 : index
      %swap3A_1711 = tpu.vector_load %arg8[%swap3A_1708, %swap3A_1709, %swap3A_1710] {strides = array<i32>} : memref<8x80x128xf32, #tpu.memory_space<vmem>>, vector<16xf32>,
      tpu.vector_store %arg8[%swap3A_1708, %swap3A_1709, %swap3A_1710], %broadcast_in_dim3A_1697 {strides = array<i32>} : memref<8x80x128xf32, #tpu.memory_space<vmem>>, vector<16xf32>,
      %add3A_1712 = arith.constant 14 : i32
      %add3A_1713 = arith.addi %mul3A_690, %add3A_1712 : i32
      %swap3A_1714 = arith.constant 0 : i32
      %swap3A_1715 = arith.index_cast %swap3A_1714 : i32 to index
      %swap3A_1716 = arith.index_cast %add3A_1713 : i32 to index
      %swap3A_1717 = arith.constant 32 : index
      %swap3A_1718 = tpu.vector_load %arg8[%swap3A_1715, %swap3A_1716, %swap3A_1717] {strides = array<i32>} : memref<8x80x128xf32, #tpu.memory_space<vmem>>, vector<16xf32>,
      tpu.vector_store %arg8[%swap3A_1715, %swap3A_1716, %swap3A_1717], %broadcast_in_dim3A_1697 {strides = array<i32>} : memref<8x80x128xf32, #tpu.memory_space<vmem>>, vector<16xf32>,
      %add3A_1719 = arith.constant 14 : i32
      %add3A_1720 = arith.addi %mul3A_690, %add3A_1719 : i32
      %swap3A_1721 = arith.constant 0 : i32
      %swap3A_1722 = arith.index_cast %swap3A_1721 : i32 to index
      %swap3A_1723 = arith.index_cast %add3A_1720 : i32 to index
      %swap3A_1724 = arith.constant 48 : index
      %swap3A_1725 = tpu.vector_load %arg8[%swap3A_1722, %swap3A_1723, %swap3A_1724] {strides = array<i32>} : memref<8x80x128xf32, #tpu.memory_space<vmem>>, vector<16xf32>,
      tpu.vector_store %arg8[%swap3A_1722, %swap3A_1723, %swap3A_1724], %broadcast_in_dim3A_1697 {strides = array<i32>} : memref<8x80x128xf32, #tpu.memory_space<vmem>>, vector<16xf32>,
      %add3A_1726 = arith.constant 14 : i32
      %add3A_1727 = arith.addi %mul3A_690, %add3A_1726 : i32
      %swap3A_1728 = arith.constant 0 : i32
      %swap3A_1729 = arith.index_cast %swap3A_1728 : i32 to index
      %swap3A_1730 = arith.index_cast %add3A_1727 : i32 to index
      %swap3A_1731 = arith.constant 64 : index
      %swap3A_1732 = tpu.vector_load %arg8[%swap3A_1729, %swap3A_1730, %swap3A_1731] {strides = array<i32>} : memref<8x80x128xf32, #tpu.memory_space<vmem>>, vector<16xf32>,
      tpu.vector_store %arg8[%swap3A_1729, %swap3A_1730, %swap3A_1731], %broadcast_in_dim3A_1697 {strides = array<i32>} : memref<8x80x128xf32, #tpu.memory_space<vmem>>, vector<16xf32>,
      %add3A_1733 = arith.constant 14 : i32
      %add3A_1734 = arith.addi %mul3A_690, %add3A_1733 : i32
      %swap3A_1735 = arith.constant 0 : i32
      %swap3A_1736 = arith.index_cast %swap3A_1735 : i32 to index
      %swap3A_1737 = arith.index_cast %add3A_1734 : i32 to index
      %swap3A_1738 = arith.constant 80 : index
      %swap3A_1739 = tpu.vector_load %arg8[%swap3A_1736, %swap3A_1737, %swap3A_1738] {strides = array<i32>} : memref<8x80x128xf32, #tpu.memory_space<vmem>>, vector<16xf32>,
      tpu.vector_store %arg8[%swap3A_1736, %swap3A_1737, %swap3A_1738], %broadcast_in_dim3A_1697 {strides = array<i32>} : memref<8x80x128xf32, #tpu.memory_space<vmem>>, vector<16xf32>,
      %add3A_1740 = arith.constant 14 : i32
      %add3A_1741 = arith.addi %mul3A_690, %add3A_1740 : i32
      %swap3A_1742 = arith.constant 0 : i32
      %swap3A_1743 = arith.index_cast %swap3A_1742 : i32 to index
      %swap3A_1744 = arith.index_cast %add3A_1741 : i32 to index
      %swap3A_1745 = arith.constant 96 : index
      %swap3A_1746 = tpu.vector_load %arg8[%swap3A_1743, %swap3A_1744, %swap3A_1745] {strides = array<i32>} : memref<8x80x128xf32, #tpu.memory_space<vmem>>, vector<16xf32>,
      tpu.vector_store %arg8[%swap3A_1743, %swap3A_1744, %swap3A_1745], %broadcast_in_dim3A_1697 {strides = array<i32>} : memref<8x80x128xf32, #tpu.memory_space<vmem>>, vector<16xf32>,
      %add3A_1747 = arith.constant 14 : i32
      %add3A_1748 = arith.addi %mul3A_690, %add3A_1747 : i32
      %swap3A_1749 = arith.constant 0 : i32
      %swap3A_1750 = arith.index_cast %swap3A_1749 : i32 to index
      %swap3A_1751 = arith.index_cast %add3A_1748 : i32 to index
      %swap3A_1752 = arith.constant 112 : index
      %swap3A_1753 = tpu.vector_load %arg8[%swap3A_1750, %swap3A_1751, %swap3A_1752] {strides = array<i32>} : memref<8x80x128xf32, #tpu.memory_space<vmem>>, vector<16xf32>,
      tpu.vector_store %arg8[%swap3A_1750, %swap3A_1751, %swap3A_1752], %broadcast_in_dim3A_1697 {strides = array<i32>} : memref<8x80x128xf32, #tpu.memory_space<vmem>>, vector<16xf32>,
      %eq3A_1754 = arith.constant 15 : i32
      %eq3A_1755 = vector.broadcast %eq3A_1754 : i32 to vector<16xi32>
      %eq3A_1756 = arith.cmpi eq, %iota3A_666, %eq3A_1755 : vector<16xi32>
      %convert_element_type3A_1757 = arith.extui %eq3A_1756 : vector<16xi1> to vector<16xi32>
      %convert_element_type3A_1758 = arith.sitofp %convert_element_type3A_1757 : vector<16xi32> to vector<16xf32>
      %mul3A_1759 = arith.mulf %get3A_749, %convert_element_type3A_1758 : vector<16xf32>
      %reduce_sum3A_1760 = arith.constant true
      %reduce_sum3A_1761 = vector.broadcast %reduce_sum3A_1760 : i1 to vector<16xi1>
      %reduce_sum3A_1762 = tpu.scan <sum>, %mul3A_1759 masked %reduce_sum3A_1761 : vector<16xf32>, vector<16xi1> -> vector<16xf32>
      %reduce_sum3A_1763 = vector.extract %reduce_sum3A_1762[15] : f32 from vector<16xf32>
      %broadcast_in_dim3A_1764 = vector.broadcast %reduce_sum3A_1763 : f32 to vector<16xf32>
      %add3A_1765 = arith.constant 15 : i32
      %add3A_1766 = arith.addi %mul3A_690, %add3A_1765 : i32
      %swap3A_1767 = arith.constant 0 : i32
      %swap3A_1768 = arith.index_cast %swap3A_1767 : i32 to index
      %swap3A_1769 = arith.index_cast %add3A_1766 : i32 to index
      %swap3A_1770 = arith.constant 0 : index
      %swap3A_1771 = tpu.vector_load %arg8[%swap3A_1768, %swap3A_1769, %swap3A_1770] {strides = array<i32>} : memref<8x80x128xf32, #tpu.memory_space<vmem>>, vector<16xf32>,
      tpu.vector_store %arg8[%swap3A_1768, %swap3A_1769, %swap3A_1770], %broadcast_in_dim3A_1764 {strides = array<i32>} : memref<8x80x128xf32, #tpu.memory_space<vmem>>, vector<16xf32>,
      %add3A_1772 = arith.constant 15 : i32
      %add3A_1773 = arith.addi %mul3A_690, %add3A_1772 : i32
      %swap3A_1774 = arith.constant 0 : i32
      %swap3A_1775 = arith.index_cast %swap3A_1774 : i32 to index
      %swap3A_1776 = arith.index_cast %add3A_1773 : i32 to index
      %swap3A_1777 = arith.constant 16 : index
      %swap3A_1778 = tpu.vector_load %arg8[%swap3A_1775, %swap3A_1776, %swap3A_1777] {strides = array<i32>} : memref<8x80x128xf32, #tpu.memory_space<vmem>>, vector<16xf32>,
      tpu.vector_store %arg8[%swap3A_1775, %swap3A_1776, %swap3A_1777], %broadcast_in_dim3A_1764 {strides = array<i32>} : memref<8x80x128xf32, #tpu.memory_space<vmem>>, vector<16xf32>,
      %add3A_1779 = arith.constant 15 : i32
      %add3A_1780 = arith.addi %mul3A_690, %add3A_1779 : i32
      %swap3A_1781 = arith.constant 0 : i32
      %swap3A_1782 = arith.index_cast %swap3A_1781 : i32 to index
      %swap3A_1783 = arith.index_cast %add3A_1780 : i32 to index
      %swap3A_1784 = arith.constant 32 : index
      %swap3A_1785 = tpu.vector_load %arg8[%swap3A_1782, %swap3A_1783, %swap3A_1784] {strides = array<i32>} : memref<8x80x128xf32, #tpu.memory_space<vmem>>, vector<16xf32>,
      tpu.vector_store %arg8[%swap3A_1782, %swap3A_1783, %swap3A_1784], %broadcast_in_dim3A_1764 {strides = array<i32>} : memref<8x80x128xf32, #tpu.memory_space<vmem>>, vector<16xf32>,
      %add3A_1786 = arith.constant 15 : i32
      %add3A_1787 = arith.addi %mul3A_690, %add3A_1786 : i32
      %swap3A_1788 = arith.constant 0 : i32
      %swap3A_1789 = arith.index_cast %swap3A_1788 : i32 to index
      %swap3A_1790 = arith.index_cast %add3A_1787 : i32 to index
      %swap3A_1791 = arith.constant 48 : index
      %swap3A_1792 = tpu.vector_load %arg8[%swap3A_1789, %swap3A_1790, %swap3A_1791] {strides = array<i32>} : memref<8x80x128xf32, #tpu.memory_space<vmem>>, vector<16xf32>,
      tpu.vector_store %arg8[%swap3A_1789, %swap3A_1790, %swap3A_1791], %broadcast_in_dim3A_1764 {strides = array<i32>} : memref<8x80x128xf32, #tpu.memory_space<vmem>>, vector<16xf32>,
      %add3A_1793 = arith.constant 15 : i32
      %add3A_1794 = arith.addi %mul3A_690, %add3A_1793 : i32
      %swap3A_1795 = arith.constant 0 : i32
      %swap3A_1796 = arith.index_cast %swap3A_1795 : i32 to index
      %swap3A_1797 = arith.index_cast %add3A_1794 : i32 to index
      %swap3A_1798 = arith.constant 64 : index
      %swap3A_1799 = tpu.vector_load %arg8[%swap3A_1796, %swap3A_1797, %swap3A_1798] {strides = array<i32>} : memref<8x80x128xf32, #tpu.memory_space<vmem>>, vector<16xf32>,
      tpu.vector_store %arg8[%swap3A_1796, %swap3A_1797, %swap3A_1798], %broadcast_in_dim3A_1764 {strides = array<i32>} : memref<8x80x128xf32, #tpu.memory_space<vmem>>, vector<16xf32>,
      %add3A_1800 = arith.constant 15 : i32
      %add3A_1801 = arith.addi %mul3A_690, %add3A_1800 : i32
      %swap3A_1802 = arith.constant 0 : i32
      %swap3A_1803 = arith.index_cast %swap3A_1802 : i32 to index
      %swap3A_1804 = arith.index_cast %add3A_1801 : i32 to index
      %swap3A_1805 = arith.constant 80 : index
      %swap3A_1806 = tpu.vector_load %arg8[%swap3A_1803, %swap3A_1804, %swap3A_1805] {strides = array<i32>} : memref<8x80x128xf32, #tpu.memory_space<vmem>>, vector<16xf32>,
      tpu.vector_store %arg8[%swap3A_1803, %swap3A_1804, %swap3A_1805], %broadcast_in_dim3A_1764 {strides = array<i32>} : memref<8x80x128xf32, #tpu.memory_space<vmem>>, vector<16xf32>,
      %add3A_1807 = arith.constant 15 : i32
      %add3A_1808 = arith.addi %mul3A_690, %add3A_1807 : i32
      %swap3A_1809 = arith.constant 0 : i32
      %swap3A_1810 = arith.index_cast %swap3A_1809 : i32 to index
      %swap3A_1811 = arith.index_cast %add3A_1808 : i32 to index
      %swap3A_1812 = arith.constant 96 : index
      %swap3A_1813 = tpu.vector_load %arg8[%swap3A_1810, %swap3A_1811, %swap3A_1812] {strides = array<i32>} : memref<8x80x128xf32, #tpu.memory_space<vmem>>, vector<16xf32>,
      tpu.vector_store %arg8[%swap3A_1810, %swap3A_1811, %swap3A_1812], %broadcast_in_dim3A_1764 {strides = array<i32>} : memref<8x80x128xf32, #tpu.memory_space<vmem>>, vector<16xf32>,
      %add3A_1814 = arith.constant 15 : i32
      %add3A_1815 = arith.addi %mul3A_690, %add3A_1814 : i32
      %swap3A_1816 = arith.constant 0 : i32
      %swap3A_1817 = arith.index_cast %swap3A_1816 : i32 to index
      %swap3A_1818 = arith.index_cast %add3A_1815 : i32 to index
      %swap3A_1819 = arith.constant 112 : index
      %swap3A_1820 = tpu.vector_load %arg8[%swap3A_1817, %swap3A_1818, %swap3A_1819] {strides = array<i32>} : memref<8x80x128xf32, #tpu.memory_space<vmem>>, vector<16xf32>,
      tpu.vector_store %arg8[%swap3A_1817, %swap3A_1818, %swap3A_1819], %broadcast_in_dim3A_1764 {strides = array<i32>} : memref<8x80x128xf32, #tpu.memory_space<vmem>>, vector<16xf32>,
    }
    %scan3A_673 = arith.constant 4 : i32
    %mul3A_674 = arith.constant 64 : i32
    %mul3A_675 = arith.muli %arg1, %mul3A_674 : i32
    %run_scoped3A = arith.constant 0 : i32
    "tpu.region"() ({
      %run_scoped3A_681 = tpu.sem_alloc : memref<!tpu.dma_semaphore, #tpu.memory_space<semaphore_mem>>
      %dma_start3A_682 = arith.constant 0 : i32
      %dma_start3A_683 = arith.constant 0 : i32
      %dma_start3A_684 = tpu.memref_slice %arg8[%run_scoped3A, %dma_start3A_682, %dma_start3A_683] : memref<8x80x128xf32, #tpu.memory_space<vmem>> -> memref<1x64x128xf32, #tpu.memory_space<vmem>>
      %dma_start3A_685 = tpu.memref_squeeze %dma_start3A_684 : memref<1x64x128xf32, #tpu.memory_space<vmem>> -> memref<64x128xf32, #tpu.memory_space<vmem>>
      %dma_start3A_686 = arith.constant 0 : i32
      %dma_start3A_687 = tpu.memref_slice %arg7[%arg0, %mul3A_675, %dma_start3A_686] : memref<2x1040x128xf32, #tpu.memory_space<hbm>> -> memref<1x64x128xf32, #tpu.memory_space<hbm>>
      %dma_start3A_688 = tpu.memref_squeeze %dma_start3A_687 : memref<1x64x128xf32, #tpu.memory_space<hbm>> -> memref<64x128xf32, #tpu.memory_space<hbm>>
      %dma_start3A_689 = arith.constant 0 : i32
      %dma_start3A_690 = tpu.memref_slice %arg7[%arg0, %mul3A_675, %dma_start3A_689] : memref<2x1040x128xf32, #tpu.memory_space<hbm>> -> memref<1x64x128xf32, #tpu.memory_space<hbm>>
      %dma_start3A_691 = tpu.memref_squeeze %dma_start3A_690 : memref<1x64x128xf32, #tpu.memory_space<hbm>> -> memref<64x128xf32, #tpu.memory_space<hbm>>
      %dma_start3A_692 = arith.constant 0 : i32
      %dma_start3A_693 = arith.constant 0 : i32
      %dma_start3A_694 = tpu.memref_slice %arg8[%run_scoped3A, %dma_start3A_692, %dma_start3A_693] : memref<8x80x128xf32, #tpu.memory_space<vmem>> -> memref<1x64x128xf32, #tpu.memory_space<vmem>>
      %dma_start3A_695 = tpu.memref_squeeze %dma_start3A_694 : memref<1x64x128xf32, #tpu.memory_space<vmem>> -> memref<64x128xf32, #tpu.memory_space<vmem>>
      tpu.enqueue_dma source(%dma_start3A_695 : memref<64x128xf32, #tpu.memory_space<vmem>>) target(%dma_start3A_691 : memref<64x128xf32, #tpu.memory_space<hbm>>) target_semaphore(%run_scoped3A_681 : memref<!tpu.dma_semaphore, #tpu.memory_space<semaphore_mem>>)
      %dma_wait3A_696 = arith.constant 0 : i32
      %dma_wait3A_697 = arith.constant 0 : i32
      %dma_wait3A_698 = tpu.memref_slice %arg8[%run_scoped3A, %dma_wait3A_696, %dma_wait3A_697] : memref<8x80x128xf32, #tpu.memory_space<vmem>> -> memref<1x64x128xf32, #tpu.memory_space<vmem>>
      %dma_wait3A_699 = tpu.memref_squeeze %dma_wait3A_698 : memref<1x64x128xf32, #tpu.memory_space<vmem>> -> memref<64x128xf32, #tpu.memory_space<vmem>>
      %dma_wait3A_700 = arith.constant 0 : i32
      %dma_wait3A_701 = tpu.memref_slice %arg7[%arg0, %mul3A_675, %dma_wait3A_700] : memref<2x1040x128xf32, #tpu.memory_space<hbm>> -> memref<1x64x128xf32, #tpu.memory_space<hbm>>
      %dma_wait3A_702 = tpu.memref_squeeze %dma_wait3A_701 : memref<1x64x128xf32, #tpu.memory_space<hbm>> -> memref<64x128xf32, #tpu.memory_space<hbm>>
      %dma_wait3A_703 = arith.constant 0 : i32
      %dma_wait3A_704 = tpu.memref_slice %arg7[%arg0, %mul3A_675, %dma_wait3A_703] : memref<2x1040x128xf32, #tpu.memory_space<hbm>> -> memref<1x64x128xf32, #tpu.memory_space<hbm>>
      %dma_wait3A_705 = tpu.memref_squeeze %dma_wait3A_704 : memref<1x64x128xf32, #tpu.memory_space<hbm>> -> memref<64x128xf32, #tpu.memory_space<hbm>>
      %dma_wait3A_706 = arith.constant 0 : i32
      %dma_wait3A_707 = arith.constant 0 : i32
      %dma_wait3A_708 = tpu.memref_slice %arg8[%run_scoped3A, %dma_wait3A_706, %dma_wait3A_707] : memref<8x80x128xf32, #tpu.memory_space<vmem>> -> memref<1x64x128xf32, #tpu.memory_space<vmem>>
      %dma_wait3A_709 = tpu.memref_squeeze %dma_wait3A_708 : memref<1x64x128xf32, #tpu.memory_space<vmem>> -> memref<64x128xf32, #tpu.memory_space<vmem>>
      tpu.wait_dma2 semaphore(%run_scoped3A_681 : memref<!tpu.dma_semaphore, #tpu.memory_space<semaphore_mem>>) src(%dma_wait3A_709 : memref<64x128xf32, #tpu.memory_space<vmem>>) dst(%dma_wait3A_705 : memref<64x128xf32, #tpu.memory_space<hbm>>)
      tpu.yield
    }) : () -> ()
    %eq3A_676 = arith.constant 0 : i32
    %eq3A_677 = arith.cmpi eq, %arg1, %eq3A_676 : i32
    %convert_element_type3A_678 = arith.extui %eq3A_677 : i1 to i32
    %cond3A_679 = arith.constant 0 : i32
    %cond3A_680 = arith.cmpi ne, %convert_element_type3A_678, %cond3A_679 : i32
    scf.if %cond3A_680 {
      %get3A = arith.constant 8 : i32
      %get3A_681 = arith.index_cast %get3A : i32 to index
      %get3A_682 = arith.constant 0 : index
      %get3A_683 = tpu.vector_load %arg12[%get3A_681, %get3A_682] {strides = array<i32>} : memref<16x128xf32, #tpu.memory_space<vmem>>, vector<16xf32>,
      %eq3A_684 = arith.constant 0 : i32
      %eq3A_685 = vector.broadcast %eq3A_684 : i32 to vector<16xi32>
      %eq3A_686 = arith.cmpi eq, %iota3A_666, %eq3A_685 : vector<16xi32>
      %convert_element_type3A_687 = arith.extui %eq3A_686 : vector<16xi1> to vector<16xi32>
      %convert_element_type3A_688 = arith.sitofp %convert_element_type3A_687 : vector<16xi32> to vector<16xf32>
      %mul3A_689 = arith.mulf %get3A_683, %convert_element_type3A_688 : vector<16xf32>
      %reduce_sum3A = arith.constant true
      %reduce_sum3A_690 = vector.broadcast %reduce_sum3A : i1 to vector<16xi1>
      %reduce_sum3A_691 = tpu.scan <sum>, %mul3A_689 masked %reduce_sum3A_690 : vector<16xf32>, vector<16xi1> -> vector<16xf32>
      %reduce_sum3A_692 = vector.extract %reduce_sum3A_691[15] : f32 from vector<16xf32>
      %broadcast_in_dim3A_693 = vector.broadcast %reduce_sum3A_692 : f32 to vector<16xf32>
      %swap3A_694 = arith.constant 0 : i32
      %swap3A_695 = arith.constant 0 : i32
      %swap3A_696 = arith.index_cast %swap3A_694 : i32 to index
      %swap3A_697 = arith.index_cast %swap3A_695 : i32 to index
      %swap3A_698 = arith.constant 0 : index
      %swap3A_699 = tpu.vector_load %arg8[%swap3A_696, %swap3A_697, %swap3A_698] {strides = array<i32>} : memref<8x80x128xf32, #tpu.memory_space<vmem>>, vector<16xf32>,
      tpu.vector_store %arg8[%swap3A_696, %swap3A_697, %swap3A_698], %broadcast_in_dim3A_693 {strides = array<i32>} : memref<8x80x128xf32, #tpu.memory_space<vmem>>, vector<16xf32>,
      %swap3A_700 = arith.constant 0 : i32
      %swap3A_701 = arith.constant 0 : i32
      %swap3A_702 = arith.index_cast %swap3A_700 : i32 to index
      %swap3A_703 = arith.index_cast %swap3A_701 : i32 to index
      %swap3A_704 = arith.constant 16 : index
      %swap3A_705 = tpu.vector_load %arg8[%swap3A_702, %swap3A_703, %swap3A_704] {strides = array<i32>} : memref<8x80x128xf32, #tpu.memory_space<vmem>>, vector<16xf32>,
      tpu.vector_store %arg8[%swap3A_702, %swap3A_703, %swap3A_704], %broadcast_in_dim3A_693 {strides = array<i32>} : memref<8x80x128xf32, #tpu.memory_space<vmem>>, vector<16xf32>,
      %swap3A_706 = arith.constant 0 : i32
      %swap3A_707 = arith.constant 0 : i32
      %swap3A_708 = arith.index_cast %swap3A_706 : i32 to index
      %swap3A_709 = arith.index_cast %swap3A_707 : i32 to index
      %swap3A_710 = arith.constant 32 : index
      %swap3A_711 = tpu.vector_load %arg8[%swap3A_708, %swap3A_709, %swap3A_710] {strides = array<i32>} : memref<8x80x128xf32, #tpu.memory_space<vmem>>, vector<16xf32>,
      tpu.vector_store %arg8[%swap3A_708, %swap3A_709, %swap3A_710], %broadcast_in_dim3A_693 {strides = array<i32>} : memref<8x80x128xf32, #tpu.memory_space<vmem>>, vector<16xf32>,
      %swap3A_712 = arith.constant 0 : i32
      %swap3A_713 = arith.constant 0 : i32
      %swap3A_714 = arith.index_cast %swap3A_712 : i32 to index
      %swap3A_715 = arith.index_cast %swap3A_713 : i32 to index
      %swap3A_716 = arith.constant 48 : index
      %swap3A_717 = tpu.vector_load %arg8[%swap3A_714, %swap3A_715, %swap3A_716] {strides = array<i32>} : memref<8x80x128xf32, #tpu.memory_space<vmem>>, vector<16xf32>,
      tpu.vector_store %arg8[%swap3A_714, %swap3A_715, %swap3A_716], %broadcast_in_dim3A_693 {strides = array<i32>} : memref<8x80x128xf32, #tpu.memory_space<vmem>>, vector<16xf32>,
      %swap3A_718 = arith.constant 0 : i32
      %swap3A_719 = arith.constant 0 : i32
      %swap3A_720 = arith.index_cast %swap3A_718 : i32 to index
      %swap3A_721 = arith.index_cast %swap3A_719 : i32 to index
      %swap3A_722 = arith.constant 64 : index
      %swap3A_723 = tpu.vector_load %arg8[%swap3A_720, %swap3A_721, %swap3A_722] {strides = array<i32>} : memref<8x80x128xf32, #tpu.memory_space<vmem>>, vector<16xf32>,
      tpu.vector_store %arg8[%swap3A_720, %swap3A_721, %swap3A_722], %broadcast_in_dim3A_693 {strides = array<i32>} : memref<8x80x128xf32, #tpu.memory_space<vmem>>, vector<16xf32>,
      %swap3A_724 = arith.constant 0 : i32
      %swap3A_725 = arith.constant 0 : i32
      %swap3A_726 = arith.index_cast %swap3A_724 : i32 to index
      %swap3A_727 = arith.index_cast %swap3A_725 : i32 to index
      %swap3A_728 = arith.constant 80 : index
      %swap3A_729 = tpu.vector_load %arg8[%swap3A_726, %swap3A_727, %swap3A_728] {strides = array<i32>} : memref<8x80x128xf32, #tpu.memory_space<vmem>>, vector<16xf32>,
      tpu.vector_store %arg8[%swap3A_726, %swap3A_727, %swap3A_728], %broadcast_in_dim3A_693 {strides = array<i32>} : memref<8x80x128xf32, #tpu.memory_space<vmem>>, vector<16xf32>,
      %swap3A_730 = arith.constant 0 : i32
      %swap3A_731 = arith.constant 0 : i32
      %swap3A_732 = arith.index_cast %swap3A_730 : i32 to index
      %swap3A_733 = arith.index_cast %swap3A_731 : i32 to index
      %swap3A_734 = arith.constant 96 : index
      %swap3A_735 = tpu.vector_load %arg8[%swap3A_732, %swap3A_733, %swap3A_734] {strides = array<i32>} : memref<8x80x128xf32, #tpu.memory_space<vmem>>, vector<16xf32>,
      tpu.vector_store %arg8[%swap3A_732, %swap3A_733, %swap3A_734], %broadcast_in_dim3A_693 {strides = array<i32>} : memref<8x80x128xf32, #tpu.memory_space<vmem>>, vector<16xf32>,
      %swap3A_736 = arith.constant 0 : i32
      %swap3A_737 = arith.constant 0 : i32
      %swap3A_738 = arith.index_cast %swap3A_736 : i32 to index
      %swap3A_739 = arith.index_cast %swap3A_737 : i32 to index
      %swap3A_740 = arith.constant 112 : index
      %swap3A_741 = tpu.vector_load %arg8[%swap3A_738, %swap3A_739, %swap3A_740] {strides = array<i32>} : memref<8x80x128xf32, #tpu.memory_space<vmem>>, vector<16xf32>,
      tpu.vector_store %arg8[%swap3A_738, %swap3A_739, %swap3A_740], %broadcast_in_dim3A_693 {strides = array<i32>} : memref<8x80x128xf32, #tpu.memory_space<vmem>>, vector<16xf32>,
      %eq3A_742 = arith.constant 1 : i32
      %eq3A_743 = vector.broadcast %eq3A_742 : i32 to vector<16xi32>
      %eq3A_744 = arith.cmpi eq, %iota3A_666, %eq3A_743 : vector<16xi32>
      %convert_element_type3A_745 = arith.extui %eq3A_744 : vector<16xi1> to vector<16xi32>
      %convert_element_type3A_746 = arith.sitofp %convert_element_type3A_745 : vector<16xi32> to vector<16xf32>
      %mul3A_747 = arith.mulf %get3A_683, %convert_element_type3A_746 : vector<16xf32>
      %reduce_sum3A_748 = arith.constant true
      %reduce_sum3A_749 = vector.broadcast %reduce_sum3A_748 : i1 to vector<16xi1>
      %reduce_sum3A_750 = tpu.scan <sum>, %mul3A_747 masked %reduce_sum3A_749 : vector<16xf32>, vector<16xi1> -> vector<16xf32>
      %reduce_sum3A_751 = vector.extract %reduce_sum3A_750[15] : f32 from vector<16xf32>
      %broadcast_in_dim3A_752 = vector.broadcast %reduce_sum3A_751 : f32 to vector<16xf32>
      %swap3A_753 = arith.constant 0 : i32
      %swap3A_754 = arith.constant 1 : i32
      %swap3A_755 = arith.index_cast %swap3A_753 : i32 to index
      %swap3A_756 = arith.index_cast %swap3A_754 : i32 to index
      %swap3A_757 = arith.constant 0 : index
      %swap3A_758 = tpu.vector_load %arg8[%swap3A_755, %swap3A_756, %swap3A_757] {strides = array<i32>} : memref<8x80x128xf32, #tpu.memory_space<vmem>>, vector<16xf32>,
      tpu.vector_store %arg8[%swap3A_755, %swap3A_756, %swap3A_757], %broadcast_in_dim3A_752 {strides = array<i32>} : memref<8x80x128xf32, #tpu.memory_space<vmem>>, vector<16xf32>,
      %swap3A_759 = arith.constant 0 : i32
      %swap3A_760 = arith.constant 1 : i32
      %swap3A_761 = arith.index_cast %swap3A_759 : i32 to index
      %swap3A_762 = arith.index_cast %swap3A_760 : i32 to index
      %swap3A_763 = arith.constant 16 : index
      %swap3A_764 = tpu.vector_load %arg8[%swap3A_761, %swap3A_762, %swap3A_763] {strides = array<i32>} : memref<8x80x128xf32, #tpu.memory_space<vmem>>, vector<16xf32>,
      tpu.vector_store %arg8[%swap3A_761, %swap3A_762, %swap3A_763], %broadcast_in_dim3A_752 {strides = array<i32>} : memref<8x80x128xf32, #tpu.memory_space<vmem>>, vector<16xf32>,
      %swap3A_765 = arith.constant 0 : i32
      %swap3A_766 = arith.constant 1 : i32
      %swap3A_767 = arith.index_cast %swap3A_765 : i32 to index
      %swap3A_768 = arith.index_cast %swap3A_766 : i32 to index
      %swap3A_769 = arith.constant 32 : index
      %swap3A_770 = tpu.vector_load %arg8[%swap3A_767, %swap3A_768, %swap3A_769] {strides = array<i32>} : memref<8x80x128xf32, #tpu.memory_space<vmem>>, vector<16xf32>,
      tpu.vector_store %arg8[%swap3A_767, %swap3A_768, %swap3A_769], %broadcast_in_dim3A_752 {strides = array<i32>} : memref<8x80x128xf32, #tpu.memory_space<vmem>>, vector<16xf32>,
      %swap3A_771 = arith.constant 0 : i32
      %swap3A_772 = arith.constant 1 : i32
      %swap3A_773 = arith.index_cast %swap3A_771 : i32 to index
      %swap3A_774 = arith.index_cast %swap3A_772 : i32 to index
      %swap3A_775 = arith.constant 48 : index
      %swap3A_776 = tpu.vector_load %arg8[%swap3A_773, %swap3A_774, %swap3A_775] {strides = array<i32>} : memref<8x80x128xf32, #tpu.memory_space<vmem>>, vector<16xf32>,
      tpu.vector_store %arg8[%swap3A_773, %swap3A_774, %swap3A_775], %broadcast_in_dim3A_752 {strides = array<i32>} : memref<8x80x128xf32, #tpu.memory_space<vmem>>, vector<16xf32>,
      %swap3A_777 = arith.constant 0 : i32
      %swap3A_778 = arith.constant 1 : i32
      %swap3A_779 = arith.index_cast %swap3A_777 : i32 to index
      %swap3A_780 = arith.index_cast %swap3A_778 : i32 to index
      %swap3A_781 = arith.constant 64 : index
      %swap3A_782 = tpu.vector_load %arg8[%swap3A_779, %swap3A_780, %swap3A_781] {strides = array<i32>} : memref<8x80x128xf32, #tpu.memory_space<vmem>>, vector<16xf32>,
      tpu.vector_store %arg8[%swap3A_779, %swap3A_780, %swap3A_781], %broadcast_in_dim3A_752 {strides = array<i32>} : memref<8x80x128xf32, #tpu.memory_space<vmem>>, vector<16xf32>,
      %swap3A_783 = arith.constant 0 : i32
      %swap3A_784 = arith.constant 1 : i32
      %swap3A_785 = arith.index_cast %swap3A_783 : i32 to index
      %swap3A_786 = arith.index_cast %swap3A_784 : i32 to index
      %swap3A_787 = arith.constant 80 : index
      %swap3A_788 = tpu.vector_load %arg8[%swap3A_785, %swap3A_786, %swap3A_787] {strides = array<i32>} : memref<8x80x128xf32, #tpu.memory_space<vmem>>, vector<16xf32>,
      tpu.vector_store %arg8[%swap3A_785, %swap3A_786, %swap3A_787], %broadcast_in_dim3A_752 {strides = array<i32>} : memref<8x80x128xf32, #tpu.memory_space<vmem>>, vector<16xf32>,
      %swap3A_789 = arith.constant 0 : i32
      %swap3A_790 = arith.constant 1 : i32
      %swap3A_791 = arith.index_cast %swap3A_789 : i32 to index
      %swap3A_792 = arith.index_cast %swap3A_790 : i32 to index
      %swap3A_793 = arith.constant 96 : index
      %swap3A_794 = tpu.vector_load %arg8[%swap3A_791, %swap3A_792, %swap3A_793] {strides = array<i32>} : memref<8x80x128xf32, #tpu.memory_space<vmem>>, vector<16xf32>,
      tpu.vector_store %arg8[%swap3A_791, %swap3A_792, %swap3A_793], %broadcast_in_dim3A_752 {strides = array<i32>} : memref<8x80x128xf32, #tpu.memory_space<vmem>>, vector<16xf32>,
      %swap3A_795 = arith.constant 0 : i32
      %swap3A_796 = arith.constant 1 : i32
      %swap3A_797 = arith.index_cast %swap3A_795 : i32 to index
      %swap3A_798 = arith.index_cast %swap3A_796 : i32 to index
      %swap3A_799 = arith.constant 112 : index
      %swap3A_800 = tpu.vector_load %arg8[%swap3A_797, %swap3A_798, %swap3A_799] {strides = array<i32>} : memref<8x80x128xf32, #tpu.memory_space<vmem>>, vector<16xf32>,
      tpu.vector_store %arg8[%swap3A_797, %swap3A_798, %swap3A_799], %broadcast_in_dim3A_752 {strides = array<i32>} : memref<8x80x128xf32, #tpu.memory_space<vmem>>, vector<16xf32>,
      %eq3A_801 = arith.constant 2 : i32
      %eq3A_802 = vector.broadcast %eq3A_801 : i32 to vector<16xi32>
      %eq3A_803 = arith.cmpi eq, %iota3A_666, %eq3A_802 : vector<16xi32>
      %convert_element_type3A_804 = arith.extui %eq3A_803 : vector<16xi1> to vector<16xi32>
      %convert_element_type3A_805 = arith.sitofp %convert_element_type3A_804 : vector<16xi32> to vector<16xf32>
      %mul3A_806 = arith.mulf %get3A_683, %convert_element_type3A_805 : vector<16xf32>
      %reduce_sum3A_807 = arith.constant true
      %reduce_sum3A_808 = vector.broadcast %reduce_sum3A_807 : i1 to vector<16xi1>
      %reduce_sum3A_809 = tpu.scan <sum>, %mul3A_806 masked %reduce_sum3A_808 : vector<16xf32>, vector<16xi1> -> vector<16xf32>
      %reduce_sum3A_810 = vector.extract %reduce_sum3A_809[15] : f32 from vector<16xf32>
      %broadcast_in_dim3A_811 = vector.broadcast %reduce_sum3A_810 : f32 to vector<16xf32>
      %swap3A_812 = arith.constant 0 : i32
      %swap3A_813 = arith.constant 2 : i32
      %swap3A_814 = arith.index_cast %swap3A_812 : i32 to index
      %swap3A_815 = arith.index_cast %swap3A_813 : i32 to index
      %swap3A_816 = arith.constant 0 : index
      %swap3A_817 = tpu.vector_load %arg8[%swap3A_814, %swap3A_815, %swap3A_816] {strides = array<i32>} : memref<8x80x128xf32, #tpu.memory_space<vmem>>, vector<16xf32>,
      tpu.vector_store %arg8[%swap3A_814, %swap3A_815, %swap3A_816], %broadcast_in_dim3A_811 {strides = array<i32>} : memref<8x80x128xf32, #tpu.memory_space<vmem>>, vector<16xf32>,
      %swap3A_818 = arith.constant 0 : i32
      %swap3A_819 = arith.constant 2 : i32
      %swap3A_820 = arith.index_cast %swap3A_818 : i32 to index
      %swap3A_821 = arith.index_cast %swap3A_819 : i32 to index
      %swap3A_822 = arith.constant 16 : index
      %swap3A_823 = tpu.vector_load %arg8[%swap3A_820, %swap3A_821, %swap3A_822] {strides = array<i32>} : memref<8x80x128xf32, #tpu.memory_space<vmem>>, vector<16xf32>,
      tpu.vector_store %arg8[%swap3A_820, %swap3A_821, %swap3A_822], %broadcast_in_dim3A_811 {strides = array<i32>} : memref<8x80x128xf32, #tpu.memory_space<vmem>>, vector<16xf32>,
      %swap3A_824 = arith.constant 0 : i32
      %swap3A_825 = arith.constant 2 : i32
      %swap3A_826 = arith.index_cast %swap3A_824 : i32 to index
      %swap3A_827 = arith.index_cast %swap3A_825 : i32 to index
      %swap3A_828 = arith.constant 32 : index
      %swap3A_829 = tpu.vector_load %arg8[%swap3A_826, %swap3A_827, %swap3A_828] {strides = array<i32>} : memref<8x80x128xf32, #tpu.memory_space<vmem>>, vector<16xf32>,
      tpu.vector_store %arg8[%swap3A_826, %swap3A_827, %swap3A_828], %broadcast_in_dim3A_811 {strides = array<i32>} : memref<8x80x128xf32, #tpu.memory_space<vmem>>, vector<16xf32>,
      %swap3A_830 = arith.constant 0 : i32
      %swap3A_831 = arith.constant 2 : i32
      %swap3A_832 = arith.index_cast %swap3A_830 : i32 to index
      %swap3A_833 = arith.index_cast %swap3A_831 : i32 to index
      %swap3A_834 = arith.constant 48 : index
      %swap3A_835 = tpu.vector_load %arg8[%swap3A_832, %swap3A_833, %swap3A_834] {strides = array<i32>} : memref<8x80x128xf32, #tpu.memory_space<vmem>>, vector<16xf32>,
      tpu.vector_store %arg8[%swap3A_832, %swap3A_833, %swap3A_834], %broadcast_in_dim3A_811 {strides = array<i32>} : memref<8x80x128xf32, #tpu.memory_space<vmem>>, vector<16xf32>,
      %swap3A_836 = arith.constant 0 : i32
      %swap3A_837 = arith.constant 2 : i32
      %swap3A_838 = arith.index_cast %swap3A_836 : i32 to index
      %swap3A_839 = arith.index_cast %swap3A_837 : i32 to index
      %swap3A_840 = arith.constant 64 : index
      %swap3A_841 = tpu.vector_load %arg8[%swap3A_838, %swap3A_839, %swap3A_840] {strides = array<i32>} : memref<8x80x128xf32, #tpu.memory_space<vmem>>, vector<16xf32>,
      tpu.vector_store %arg8[%swap3A_838, %swap3A_839, %swap3A_840], %broadcast_in_dim3A_811 {strides = array<i32>} : memref<8x80x128xf32, #tpu.memory_space<vmem>>, vector<16xf32>,
      %swap3A_842 = arith.constant 0 : i32
      %swap3A_843 = arith.constant 2 : i32
      %swap3A_844 = arith.index_cast %swap3A_842 : i32 to index
      %swap3A_845 = arith.index_cast %swap3A_843 : i32 to index
      %swap3A_846 = arith.constant 80 : index
      %swap3A_847 = tpu.vector_load %arg8[%swap3A_844, %swap3A_845, %swap3A_846] {strides = array<i32>} : memref<8x80x128xf32, #tpu.memory_space<vmem>>, vector<16xf32>,
      tpu.vector_store %arg8[%swap3A_844, %swap3A_845, %swap3A_846], %broadcast_in_dim3A_811 {strides = array<i32>} : memref<8x80x128xf32, #tpu.memory_space<vmem>>, vector<16xf32>,
      %swap3A_848 = arith.constant 0 : i32
      %swap3A_849 = arith.constant 2 : i32
      %swap3A_850 = arith.index_cast %swap3A_848 : i32 to index
      %swap3A_851 = arith.index_cast %swap3A_849 : i32 to index
      %swap3A_852 = arith.constant 96 : index
      %swap3A_853 = tpu.vector_load %arg8[%swap3A_850, %swap3A_851, %swap3A_852] {strides = array<i32>} : memref<8x80x128xf32, #tpu.memory_space<vmem>>, vector<16xf32>,
      tpu.vector_store %arg8[%swap3A_850, %swap3A_851, %swap3A_852], %broadcast_in_dim3A_811 {strides = array<i32>} : memref<8x80x128xf32, #tpu.memory_space<vmem>>, vector<16xf32>,
      %swap3A_854 = arith.constant 0 : i32
      %swap3A_855 = arith.constant 2 : i32
      %swap3A_856 = arith.index_cast %swap3A_854 : i32 to index
      %swap3A_857 = arith.index_cast %swap3A_855 : i32 to index
      %swap3A_858 = arith.constant 112 : index
      %swap3A_859 = tpu.vector_load %arg8[%swap3A_856, %swap3A_857, %swap3A_858] {strides = array<i32>} : memref<8x80x128xf32, #tpu.memory_space<vmem>>, vector<16xf32>,
      tpu.vector_store %arg8[%swap3A_856, %swap3A_857, %swap3A_858], %broadcast_in_dim3A_811 {strides = array<i32>} : memref<8x80x128xf32, #tpu.memory_space<vmem>>, vector<16xf32>,
      %eq3A_860 = arith.constant 3 : i32
      %eq3A_861 = vector.broadcast %eq3A_860 : i32 to vector<16xi32>
      %eq3A_862 = arith.cmpi eq, %iota3A_666, %eq3A_861 : vector<16xi32>
      %convert_element_type3A_863 = arith.extui %eq3A_862 : vector<16xi1> to vector<16xi32>
      %convert_element_type3A_864 = arith.sitofp %convert_element_type3A_863 : vector<16xi32> to vector<16xf32>
      %mul3A_865 = arith.mulf %get3A_683, %convert_element_type3A_864 : vector<16xf32>
      %reduce_sum3A_866 = arith.constant true
      %reduce_sum3A_867 = vector.broadcast %reduce_sum3A_866 : i1 to vector<16xi1>
      %reduce_sum3A_868 = tpu.scan <sum>, %mul3A_865 masked %reduce_sum3A_867 : vector<16xf32>, vector<16xi1> -> vector<16xf32>
      %reduce_sum3A_869 = vector.extract %reduce_sum3A_868[15] : f32 from vector<16xf32>
      %broadcast_in_dim3A_870 = vector.broadcast %reduce_sum3A_869 : f32 to vector<16xf32>
      %swap3A_871 = arith.constant 0 : i32
      %swap3A_872 = arith.constant 3 : i32
      %swap3A_873 = arith.index_cast %swap3A_871 : i32 to index
      %swap3A_874 = arith.index_cast %swap3A_872 : i32 to index
      %swap3A_875 = arith.constant 0 : index
      %swap3A_876 = tpu.vector_load %arg8[%swap3A_873, %swap3A_874, %swap3A_875] {strides = array<i32>} : memref<8x80x128xf32, #tpu.memory_space<vmem>>, vector<16xf32>,
      tpu.vector_store %arg8[%swap3A_873, %swap3A_874, %swap3A_875], %broadcast_in_dim3A_870 {strides = array<i32>} : memref<8x80x128xf32, #tpu.memory_space<vmem>>, vector<16xf32>,
      %swap3A_877 = arith.constant 0 : i32
      %swap3A_878 = arith.constant 3 : i32
      %swap3A_879 = arith.index_cast %swap3A_877 : i32 to index
      %swap3A_880 = arith.index_cast %swap3A_878 : i32 to index
      %swap3A_881 = arith.constant 16 : index
      %swap3A_882 = tpu.vector_load %arg8[%swap3A_879, %swap3A_880, %swap3A_881] {strides = array<i32>} : memref<8x80x128xf32, #tpu.memory_space<vmem>>, vector<16xf32>,
      tpu.vector_store %arg8[%swap3A_879, %swap3A_880, %swap3A_881], %broadcast_in_dim3A_870 {strides = array<i32>} : memref<8x80x128xf32, #tpu.memory_space<vmem>>, vector<16xf32>,
      %swap3A_883 = arith.constant 0 : i32
      %swap3A_884 = arith.constant 3 : i32
      %swap3A_885 = arith.index_cast %swap3A_883 : i32 to index
      %swap3A_886 = arith.index_cast %swap3A_884 : i32 to index
      %swap3A_887 = arith.constant 32 : index
      %swap3A_888 = tpu.vector_load %arg8[%swap3A_885, %swap3A_886, %swap3A_887] {strides = array<i32>} : memref<8x80x128xf32, #tpu.memory_space<vmem>>, vector<16xf32>,
      tpu.vector_store %arg8[%swap3A_885, %swap3A_886, %swap3A_887], %broadcast_in_dim3A_870 {strides = array<i32>} : memref<8x80x128xf32, #tpu.memory_space<vmem>>, vector<16xf32>,
      %swap3A_889 = arith.constant 0 : i32
      %swap3A_890 = arith.constant 3 : i32
      %swap3A_891 = arith.index_cast %swap3A_889 : i32 to index
      %swap3A_892 = arith.index_cast %swap3A_890 : i32 to index
      %swap3A_893 = arith.constant 48 : index
      %swap3A_894 = tpu.vector_load %arg8[%swap3A_891, %swap3A_892, %swap3A_893] {strides = array<i32>} : memref<8x80x128xf32, #tpu.memory_space<vmem>>, vector<16xf32>,
      tpu.vector_store %arg8[%swap3A_891, %swap3A_892, %swap3A_893], %broadcast_in_dim3A_870 {strides = array<i32>} : memref<8x80x128xf32, #tpu.memory_space<vmem>>, vector<16xf32>,
      %swap3A_895 = arith.constant 0 : i32
      %swap3A_896 = arith.constant 3 : i32
      %swap3A_897 = arith.index_cast %swap3A_895 : i32 to index
      %swap3A_898 = arith.index_cast %swap3A_896 : i32 to index
      %swap3A_899 = arith.constant 64 : index
      %swap3A_900 = tpu.vector_load %arg8[%swap3A_897, %swap3A_898, %swap3A_899] {strides = array<i32>} : memref<8x80x128xf32, #tpu.memory_space<vmem>>, vector<16xf32>,
      tpu.vector_store %arg8[%swap3A_897, %swap3A_898, %swap3A_899], %broadcast_in_dim3A_870 {strides = array<i32>} : memref<8x80x128xf32, #tpu.memory_space<vmem>>, vector<16xf32>,
      %swap3A_901 = arith.constant 0 : i32
      %swap3A_902 = arith.constant 3 : i32
      %swap3A_903 = arith.index_cast %swap3A_901 : i32 to index
      %swap3A_904 = arith.index_cast %swap3A_902 : i32 to index
      %swap3A_905 = arith.constant 80 : index
      %swap3A_906 = tpu.vector_load %arg8[%swap3A_903, %swap3A_904, %swap3A_905] {strides = array<i32>} : memref<8x80x128xf32, #tpu.memory_space<vmem>>, vector<16xf32>,
      tpu.vector_store %arg8[%swap3A_903, %swap3A_904, %swap3A_905], %broadcast_in_dim3A_870 {strides = array<i32>} : memref<8x80x128xf32, #tpu.memory_space<vmem>>, vector<16xf32>,
      %swap3A_907 = arith.constant 0 : i32
      %swap3A_908 = arith.constant 3 : i32
      %swap3A_909 = arith.index_cast %swap3A_907 : i32 to index
      %swap3A_910 = arith.index_cast %swap3A_908 : i32 to index
      %swap3A_911 = arith.constant 96 : index
      %swap3A_912 = tpu.vector_load %arg8[%swap3A_909, %swap3A_910, %swap3A_911] {strides = array<i32>} : memref<8x80x128xf32, #tpu.memory_space<vmem>>, vector<16xf32>,
      tpu.vector_store %arg8[%swap3A_909, %swap3A_910, %swap3A_911], %broadcast_in_dim3A_870 {strides = array<i32>} : memref<8x80x128xf32, #tpu.memory_space<vmem>>, vector<16xf32>,
      %swap3A_913 = arith.constant 0 : i32
      %swap3A_914 = arith.constant 3 : i32
      %swap3A_915 = arith.index_cast %swap3A_913 : i32 to index
      %swap3A_916 = arith.index_cast %swap3A_914 : i32 to index
      %swap3A_917 = arith.constant 112 : index
      %swap3A_918 = tpu.vector_load %arg8[%swap3A_915, %swap3A_916, %swap3A_917] {strides = array<i32>} : memref<8x80x128xf32, #tpu.memory_space<vmem>>, vector<16xf32>,
      tpu.vector_store %arg8[%swap3A_915, %swap3A_916, %swap3A_917], %broadcast_in_dim3A_870 {strides = array<i32>} : memref<8x80x128xf32, #tpu.memory_space<vmem>>, vector<16xf32>,
      %eq3A_919 = arith.constant 4 : i32
      %eq3A_920 = vector.broadcast %eq3A_919 : i32 to vector<16xi32>
      %eq3A_921 = arith.cmpi eq, %iota3A_666, %eq3A_920 : vector<16xi32>
      %convert_element_type3A_922 = arith.extui %eq3A_921 : vector<16xi1> to vector<16xi32>
      %convert_element_type3A_923 = arith.sitofp %convert_element_type3A_922 : vector<16xi32> to vector<16xf32>
      %mul3A_924 = arith.mulf %get3A_683, %convert_element_type3A_923 : vector<16xf32>
      %reduce_sum3A_925 = arith.constant true
      %reduce_sum3A_926 = vector.broadcast %reduce_sum3A_925 : i1 to vector<16xi1>
      %reduce_sum3A_927 = tpu.scan <sum>, %mul3A_924 masked %reduce_sum3A_926 : vector<16xf32>, vector<16xi1> -> vector<16xf32>
      %reduce_sum3A_928 = vector.extract %reduce_sum3A_927[15] : f32 from vector<16xf32>
      %broadcast_in_dim3A_929 = vector.broadcast %reduce_sum3A_928 : f32 to vector<16xf32>
      %swap3A_930 = arith.constant 0 : i32
      %swap3A_931 = arith.constant 4 : i32
      %swap3A_932 = arith.index_cast %swap3A_930 : i32 to index
      %swap3A_933 = arith.index_cast %swap3A_931 : i32 to index
      %swap3A_934 = arith.constant 0 : index
      %swap3A_935 = tpu.vector_load %arg8[%swap3A_932, %swap3A_933, %swap3A_934] {strides = array<i32>} : memref<8x80x128xf32, #tpu.memory_space<vmem>>, vector<16xf32>,
      tpu.vector_store %arg8[%swap3A_932, %swap3A_933, %swap3A_934], %broadcast_in_dim3A_929 {strides = array<i32>} : memref<8x80x128xf32, #tpu.memory_space<vmem>>, vector<16xf32>,
      %swap3A_936 = arith.constant 0 : i32
      %swap3A_937 = arith.constant 4 : i32
      %swap3A_938 = arith.index_cast %swap3A_936 : i32 to index
      %swap3A_939 = arith.index_cast %swap3A_937 : i32 to index
      %swap3A_940 = arith.constant 16 : index
      %swap3A_941 = tpu.vector_load %arg8[%swap3A_938, %swap3A_939, %swap3A_940] {strides = array<i32>} : memref<8x80x128xf32, #tpu.memory_space<vmem>>, vector<16xf32>,
      tpu.vector_store %arg8[%swap3A_938, %swap3A_939, %swap3A_940], %broadcast_in_dim3A_929 {strides = array<i32>} : memref<8x80x128xf32, #tpu.memory_space<vmem>>, vector<16xf32>,
      %swap3A_942 = arith.constant 0 : i32
      %swap3A_943 = arith.constant 4 : i32
      %swap3A_944 = arith.index_cast %swap3A_942 : i32 to index
      %swap3A_945 = arith.index_cast %swap3A_943 : i32 to index
      %swap3A_946 = arith.constant 32 : index
      %swap3A_947 = tpu.vector_load %arg8[%swap3A_944, %swap3A_945, %swap3A_946] {strides = array<i32>} : memref<8x80x128xf32, #tpu.memory_space<vmem>>, vector<16xf32>,
      tpu.vector_store %arg8[%swap3A_944, %swap3A_945, %swap3A_946], %broadcast_in_dim3A_929 {strides = array<i32>} : memref<8x80x128xf32, #tpu.memory_space<vmem>>, vector<16xf32>,
      %swap3A_948 = arith.constant 0 : i32
      %swap3A_949 = arith.constant 4 : i32
      %swap3A_950 = arith.index_cast %swap3A_948 : i32 to index
      %swap3A_951 = arith.index_cast %swap3A_949 : i32 to index
      %swap3A_952 = arith.constant 48 : index
      %swap3A_953 = tpu.vector_load %arg8[%swap3A_950, %swap3A_951, %swap3A_952] {strides = array<i32>} : memref<8x80x128xf32, #tpu.memory_space<vmem>>, vector<16xf32>,
      tpu.vector_store %arg8[%swap3A_950, %swap3A_951, %swap3A_952], %broadcast_in_dim3A_929 {strides = array<i32>} : memref<8x80x128xf32, #tpu.memory_space<vmem>>, vector<16xf32>,
      %swap3A_954 = arith.constant 0 : i32
      %swap3A_955 = arith.constant 4 : i32
      %swap3A_956 = arith.index_cast %swap3A_954 : i32 to index
      %swap3A_957 = arith.index_cast %swap3A_955 : i32 to index
      %swap3A_958 = arith.constant 64 : index
      %swap3A_959 = tpu.vector_load %arg8[%swap3A_956, %swap3A_957, %swap3A_958] {strides = array<i32>} : memref<8x80x128xf32, #tpu.memory_space<vmem>>, vector<16xf32>,
      tpu.vector_store %arg8[%swap3A_956, %swap3A_957, %swap3A_958], %broadcast_in_dim3A_929 {strides = array<i32>} : memref<8x80x128xf32, #tpu.memory_space<vmem>>, vector<16xf32>,
      %swap3A_960 = arith.constant 0 : i32
      %swap3A_961 = arith.constant 4 : i32
      %swap3A_962 = arith.index_cast %swap3A_960 : i32 to index
      %swap3A_963 = arith.index_cast %swap3A_961 : i32 to index
      %swap3A_964 = arith.constant 80 : index
      %swap3A_965 = tpu.vector_load %arg8[%swap3A_962, %swap3A_963, %swap3A_964] {strides = array<i32>} : memref<8x80x128xf32, #tpu.memory_space<vmem>>, vector<16xf32>,
      tpu.vector_store %arg8[%swap3A_962, %swap3A_963, %swap3A_964], %broadcast_in_dim3A_929 {strides = array<i32>} : memref<8x80x128xf32, #tpu.memory_space<vmem>>, vector<16xf32>,
      %swap3A_966 = arith.constant 0 : i32
      %swap3A_967 = arith.constant 4 : i32
      %swap3A_968 = arith.index_cast %swap3A_966 : i32 to index
      %swap3A_969 = arith.index_cast %swap3A_967 : i32 to index
      %swap3A_970 = arith.constant 96 : index
      %swap3A_971 = tpu.vector_load %arg8[%swap3A_968, %swap3A_969, %swap3A_970] {strides = array<i32>} : memref<8x80x128xf32, #tpu.memory_space<vmem>>, vector<16xf32>,
      tpu.vector_store %arg8[%swap3A_968, %swap3A_969, %swap3A_970], %broadcast_in_dim3A_929 {strides = array<i32>} : memref<8x80x128xf32, #tpu.memory_space<vmem>>, vector<16xf32>,
      %swap3A_972 = arith.constant 0 : i32
      %swap3A_973 = arith.constant 4 : i32
      %swap3A_974 = arith.index_cast %swap3A_972 : i32 to index
      %swap3A_975 = arith.index_cast %swap3A_973 : i32 to index
      %swap3A_976 = arith.constant 112 : index
      %swap3A_977 = tpu.vector_load %arg8[%swap3A_974, %swap3A_975, %swap3A_976] {strides = array<i32>} : memref<8x80x128xf32, #tpu.memory_space<vmem>>, vector<16xf32>,
      tpu.vector_store %arg8[%swap3A_974, %swap3A_975, %swap3A_976], %broadcast_in_dim3A_929 {strides = array<i32>} : memref<8x80x128xf32, #tpu.memory_space<vmem>>, vector<16xf32>,
      %eq3A_978 = arith.constant 5 : i32
      %eq3A_979 = vector.broadcast %eq3A_978 : i32 to vector<16xi32>
      %eq3A_980 = arith.cmpi eq, %iota3A_666, %eq3A_979 : vector<16xi32>
      %convert_element_type3A_981 = arith.extui %eq3A_980 : vector<16xi1> to vector<16xi32>
      %convert_element_type3A_982 = arith.sitofp %convert_element_type3A_981 : vector<16xi32> to vector<16xf32>
      %mul3A_983 = arith.mulf %get3A_683, %convert_element_type3A_982 : vector<16xf32>
      %reduce_sum3A_984 = arith.constant true
      %reduce_sum3A_985 = vector.broadcast %reduce_sum3A_984 : i1 to vector<16xi1>
      %reduce_sum3A_986 = tpu.scan <sum>, %mul3A_983 masked %reduce_sum3A_985 : vector<16xf32>, vector<16xi1> -> vector<16xf32>
      %reduce_sum3A_987 = vector.extract %reduce_sum3A_986[15] : f32 from vector<16xf32>
      %broadcast_in_dim3A_988 = vector.broadcast %reduce_sum3A_987 : f32 to vector<16xf32>
      %swap3A_989 = arith.constant 0 : i32
      %swap3A_990 = arith.constant 5 : i32
      %swap3A_991 = arith.index_cast %swap3A_989 : i32 to index
      %swap3A_992 = arith.index_cast %swap3A_990 : i32 to index
      %swap3A_993 = arith.constant 0 : index
      %swap3A_994 = tpu.vector_load %arg8[%swap3A_991, %swap3A_992, %swap3A_993] {strides = array<i32>} : memref<8x80x128xf32, #tpu.memory_space<vmem>>, vector<16xf32>,
      tpu.vector_store %arg8[%swap3A_991, %swap3A_992, %swap3A_993], %broadcast_in_dim3A_988 {strides = array<i32>} : memref<8x80x128xf32, #tpu.memory_space<vmem>>, vector<16xf32>,
      %swap3A_995 = arith.constant 0 : i32
      %swap3A_996 = arith.constant 5 : i32
      %swap3A_997 = arith.index_cast %swap3A_995 : i32 to index
      %swap3A_998 = arith.index_cast %swap3A_996 : i32 to index
      %swap3A_999 = arith.constant 16 : index
      %swap3A_1000 = tpu.vector_load %arg8[%swap3A_997, %swap3A_998, %swap3A_999] {strides = array<i32>} : memref<8x80x128xf32, #tpu.memory_space<vmem>>, vector<16xf32>,
      tpu.vector_store %arg8[%swap3A_997, %swap3A_998, %swap3A_999], %broadcast_in_dim3A_988 {strides = array<i32>} : memref<8x80x128xf32, #tpu.memory_space<vmem>>, vector<16xf32>,
      %swap3A_1001 = arith.constant 0 : i32
      %swap3A_1002 = arith.constant 5 : i32
      %swap3A_1003 = arith.index_cast %swap3A_1001 : i32 to index
      %swap3A_1004 = arith.index_cast %swap3A_1002 : i32 to index
      %swap3A_1005 = arith.constant 32 : index
      %swap3A_1006 = tpu.vector_load %arg8[%swap3A_1003, %swap3A_1004, %swap3A_1005] {strides = array<i32>} : memref<8x80x128xf32, #tpu.memory_space<vmem>>, vector<16xf32>,
      tpu.vector_store %arg8[%swap3A_1003, %swap3A_1004, %swap3A_1005], %broadcast_in_dim3A_988 {strides = array<i32>} : memref<8x80x128xf32, #tpu.memory_space<vmem>>, vector<16xf32>,
      %swap3A_1007 = arith.constant 0 : i32
      %swap3A_1008 = arith.constant 5 : i32
      %swap3A_1009 = arith.index_cast %swap3A_1007 : i32 to index
      %swap3A_1010 = arith.index_cast %swap3A_1008 : i32 to index
      %swap3A_1011 = arith.constant 48 : index
      %swap3A_1012 = tpu.vector_load %arg8[%swap3A_1009, %swap3A_1010, %swap3A_1011] {strides = array<i32>} : memref<8x80x128xf32, #tpu.memory_space<vmem>>, vector<16xf32>,
      tpu.vector_store %arg8[%swap3A_1009, %swap3A_1010, %swap3A_1011], %broadcast_in_dim3A_988 {strides = array<i32>} : memref<8x80x128xf32, #tpu.memory_space<vmem>>, vector<16xf32>,
      %swap3A_1013 = arith.constant 0 : i32
      %swap3A_1014 = arith.constant 5 : i32
      %swap3A_1015 = arith.index_cast %swap3A_1013 : i32 to index
      %swap3A_1016 = arith.index_cast %swap3A_1014 : i32 to index
      %swap3A_1017 = arith.constant 64 : index
      %swap3A_1018 = tpu.vector_load %arg8[%swap3A_1015, %swap3A_1016, %swap3A_1017] {strides = array<i32>} : memref<8x80x128xf32, #tpu.memory_space<vmem>>, vector<16xf32>,
      tpu.vector_store %arg8[%swap3A_1015, %swap3A_1016, %swap3A_1017], %broadcast_in_dim3A_988 {strides = array<i32>} : memref<8x80x128xf32, #tpu.memory_space<vmem>>, vector<16xf32>,
      %swap3A_1019 = arith.constant 0 : i32
      %swap3A_1020 = arith.constant 5 : i32
      %swap3A_1021 = arith.index_cast %swap3A_1019 : i32 to index
      %swap3A_1022 = arith.index_cast %swap3A_1020 : i32 to index
      %swap3A_1023 = arith.constant 80 : index
      %swap3A_1024 = tpu.vector_load %arg8[%swap3A_1021, %swap3A_1022, %swap3A_1023] {strides = array<i32>} : memref<8x80x128xf32, #tpu.memory_space<vmem>>, vector<16xf32>,
      tpu.vector_store %arg8[%swap3A_1021, %swap3A_1022, %swap3A_1023], %broadcast_in_dim3A_988 {strides = array<i32>} : memref<8x80x128xf32, #tpu.memory_space<vmem>>, vector<16xf32>,
      %swap3A_1025 = arith.constant 0 : i32
      %swap3A_1026 = arith.constant 5 : i32
      %swap3A_1027 = arith.index_cast %swap3A_1025 : i32 to index
      %swap3A_1028 = arith.index_cast %swap3A_1026 : i32 to index
      %swap3A_1029 = arith.constant 96 : index
      %swap3A_1030 = tpu.vector_load %arg8[%swap3A_1027, %swap3A_1028, %swap3A_1029] {strides = array<i32>} : memref<8x80x128xf32, #tpu.memory_space<vmem>>, vector<16xf32>,
      tpu.vector_store %arg8[%swap3A_1027, %swap3A_1028, %swap3A_1029], %broadcast_in_dim3A_988 {strides = array<i32>} : memref<8x80x128xf32, #tpu.memory_space<vmem>>, vector<16xf32>,
      %swap3A_1031 = arith.constant 0 : i32
      %swap3A_1032 = arith.constant 5 : i32
      %swap3A_1033 = arith.index_cast %swap3A_1031 : i32 to index
      %swap3A_1034 = arith.index_cast %swap3A_1032 : i32 to index
      %swap3A_1035 = arith.constant 112 : index
      %swap3A_1036 = tpu.vector_load %arg8[%swap3A_1033, %swap3A_1034, %swap3A_1035] {strides = array<i32>} : memref<8x80x128xf32, #tpu.memory_space<vmem>>, vector<16xf32>,
      tpu.vector_store %arg8[%swap3A_1033, %swap3A_1034, %swap3A_1035], %broadcast_in_dim3A_988 {strides = array<i32>} : memref<8x80x128xf32, #tpu.memory_space<vmem>>, vector<16xf32>,
      %eq3A_1037 = arith.constant 6 : i32
      %eq3A_1038 = vector.broadcast %eq3A_1037 : i32 to vector<16xi32>
      %eq3A_1039 = arith.cmpi eq, %iota3A_666, %eq3A_1038 : vector<16xi32>
      %convert_element_type3A_1040 = arith.extui %eq3A_1039 : vector<16xi1> to vector<16xi32>
      %convert_element_type3A_1041 = arith.sitofp %convert_element_type3A_1040 : vector<16xi32> to vector<16xf32>
      %mul3A_1042 = arith.mulf %get3A_683, %convert_element_type3A_1041 : vector<16xf32>
      %reduce_sum3A_1043 = arith.constant true
      %reduce_sum3A_1044 = vector.broadcast %reduce_sum3A_1043 : i1 to vector<16xi1>
      %reduce_sum3A_1045 = tpu.scan <sum>, %mul3A_1042 masked %reduce_sum3A_1044 : vector<16xf32>, vector<16xi1> -> vector<16xf32>
      %reduce_sum3A_1046 = vector.extract %reduce_sum3A_1045[15] : f32 from vector<16xf32>
      %broadcast_in_dim3A_1047 = vector.broadcast %reduce_sum3A_1046 : f32 to vector<16xf32>
      %swap3A_1048 = arith.constant 0 : i32
      %swap3A_1049 = arith.constant 6 : i32
      %swap3A_1050 = arith.index_cast %swap3A_1048 : i32 to index
      %swap3A_1051 = arith.index_cast %swap3A_1049 : i32 to index
      %swap3A_1052 = arith.constant 0 : index
      %swap3A_1053 = tpu.vector_load %arg8[%swap3A_1050, %swap3A_1051, %swap3A_1052] {strides = array<i32>} : memref<8x80x128xf32, #tpu.memory_space<vmem>>, vector<16xf32>,
      tpu.vector_store %arg8[%swap3A_1050, %swap3A_1051, %swap3A_1052], %broadcast_in_dim3A_1047 {strides = array<i32>} : memref<8x80x128xf32, #tpu.memory_space<vmem>>, vector<16xf32>,
      %swap3A_1054 = arith.constant 0 : i32
      %swap3A_1055 = arith.constant 6 : i32
      %swap3A_1056 = arith.index_cast %swap3A_1054 : i32 to index
      %swap3A_1057 = arith.index_cast %swap3A_1055 : i32 to index
      %swap3A_1058 = arith.constant 16 : index
      %swap3A_1059 = tpu.vector_load %arg8[%swap3A_1056, %swap3A_1057, %swap3A_1058] {strides = array<i32>} : memref<8x80x128xf32, #tpu.memory_space<vmem>>, vector<16xf32>,
      tpu.vector_store %arg8[%swap3A_1056, %swap3A_1057, %swap3A_1058], %broadcast_in_dim3A_1047 {strides = array<i32>} : memref<8x80x128xf32, #tpu.memory_space<vmem>>, vector<16xf32>,
      %swap3A_1060 = arith.constant 0 : i32
      %swap3A_1061 = arith.constant 6 : i32
      %swap3A_1062 = arith.index_cast %swap3A_1060 : i32 to index
      %swap3A_1063 = arith.index_cast %swap3A_1061 : i32 to index
      %swap3A_1064 = arith.constant 32 : index
      %swap3A_1065 = tpu.vector_load %arg8[%swap3A_1062, %swap3A_1063, %swap3A_1064] {strides = array<i32>} : memref<8x80x128xf32, #tpu.memory_space<vmem>>, vector<16xf32>,
      tpu.vector_store %arg8[%swap3A_1062, %swap3A_1063, %swap3A_1064], %broadcast_in_dim3A_1047 {strides = array<i32>} : memref<8x80x128xf32, #tpu.memory_space<vmem>>, vector<16xf32>,
      %swap3A_1066 = arith.constant 0 : i32
      %swap3A_1067 = arith.constant 6 : i32
      %swap3A_1068 = arith.index_cast %swap3A_1066 : i32 to index
      %swap3A_1069 = arith.index_cast %swap3A_1067 : i32 to index
      %swap3A_1070 = arith.constant 48 : index
      %swap3A_1071 = tpu.vector_load %arg8[%swap3A_1068, %swap3A_1069, %swap3A_1070] {strides = array<i32>} : memref<8x80x128xf32, #tpu.memory_space<vmem>>, vector<16xf32>,
      tpu.vector_store %arg8[%swap3A_1068, %swap3A_1069, %swap3A_1070], %broadcast_in_dim3A_1047 {strides = array<i32>} : memref<8x80x128xf32, #tpu.memory_space<vmem>>, vector<16xf32>,
      %swap3A_1072 = arith.constant 0 : i32
      %swap3A_1073 = arith.constant 6 : i32
      %swap3A_1074 = arith.index_cast %swap3A_1072 : i32 to index
      %swap3A_1075 = arith.index_cast %swap3A_1073 : i32 to index
      %swap3A_1076 = arith.constant 64 : index
      %swap3A_1077 = tpu.vector_load %arg8[%swap3A_1074, %swap3A_1075, %swap3A_1076] {strides = array<i32>} : memref<8x80x128xf32, #tpu.memory_space<vmem>>, vector<16xf32>,
      tpu.vector_store %arg8[%swap3A_1074, %swap3A_1075, %swap3A_1076], %broadcast_in_dim3A_1047 {strides = array<i32>} : memref<8x80x128xf32, #tpu.memory_space<vmem>>, vector<16xf32>,
      %swap3A_1078 = arith.constant 0 : i32
      %swap3A_1079 = arith.constant 6 : i32
      %swap3A_1080 = arith.index_cast %swap3A_1078 : i32 to index
      %swap3A_1081 = arith.index_cast %swap3A_1079 : i32 to index
      %swap3A_1082 = arith.constant 80 : index
      %swap3A_1083 = tpu.vector_load %arg8[%swap3A_1080, %swap3A_1081, %swap3A_1082] {strides = array<i32>} : memref<8x80x128xf32, #tpu.memory_space<vmem>>, vector<16xf32>,
      tpu.vector_store %arg8[%swap3A_1080, %swap3A_1081, %swap3A_1082], %broadcast_in_dim3A_1047 {strides = array<i32>} : memref<8x80x128xf32, #tpu.memory_space<vmem>>, vector<16xf32>,
      %swap3A_1084 = arith.constant 0 : i32
      %swap3A_1085 = arith.constant 6 : i32
      %swap3A_1086 = arith.index_cast %swap3A_1084 : i32 to index
      %swap3A_1087 = arith.index_cast %swap3A_1085 : i32 to index
      %swap3A_1088 = arith.constant 96 : index
      %swap3A_1089 = tpu.vector_load %arg8[%swap3A_1086, %swap3A_1087, %swap3A_1088] {strides = array<i32>} : memref<8x80x128xf32, #tpu.memory_space<vmem>>, vector<16xf32>,
      tpu.vector_store %arg8[%swap3A_1086, %swap3A_1087, %swap3A_1088], %broadcast_in_dim3A_1047 {strides = array<i32>} : memref<8x80x128xf32, #tpu.memory_space<vmem>>, vector<16xf32>,
      %swap3A_1090 = arith.constant 0 : i32
      %swap3A_1091 = arith.constant 6 : i32
      %swap3A_1092 = arith.index_cast %swap3A_1090 : i32 to index
      %swap3A_1093 = arith.index_cast %swap3A_1091 : i32 to index
      %swap3A_1094 = arith.constant 112 : index
      %swap3A_1095 = tpu.vector_load %arg8[%swap3A_1092, %swap3A_1093, %swap3A_1094] {strides = array<i32>} : memref<8x80x128xf32, #tpu.memory_space<vmem>>, vector<16xf32>,
      tpu.vector_store %arg8[%swap3A_1092, %swap3A_1093, %swap3A_1094], %broadcast_in_dim3A_1047 {strides = array<i32>} : memref<8x80x128xf32, #tpu.memory_space<vmem>>, vector<16xf32>,
      %eq3A_1096 = arith.constant 7 : i32
      %eq3A_1097 = vector.broadcast %eq3A_1096 : i32 to vector<16xi32>
      %eq3A_1098 = arith.cmpi eq, %iota3A_666, %eq3A_1097 : vector<16xi32>
      %convert_element_type3A_1099 = arith.extui %eq3A_1098 : vector<16xi1> to vector<16xi32>
      %convert_element_type3A_1100 = arith.sitofp %convert_element_type3A_1099 : vector<16xi32> to vector<16xf32>
      %mul3A_1101 = arith.mulf %get3A_683, %convert_element_type3A_1100 : vector<16xf32>
      %reduce_sum3A_1102 = arith.constant true
      %reduce_sum3A_1103 = vector.broadcast %reduce_sum3A_1102 : i1 to vector<16xi1>
      %reduce_sum3A_1104 = tpu.scan <sum>, %mul3A_1101 masked %reduce_sum3A_1103 : vector<16xf32>, vector<16xi1> -> vector<16xf32>
      %reduce_sum3A_1105 = vector.extract %reduce_sum3A_1104[15] : f32 from vector<16xf32>
      %broadcast_in_dim3A_1106 = vector.broadcast %reduce_sum3A_1105 : f32 to vector<16xf32>
      %swap3A_1107 = arith.constant 0 : i32
      %swap3A_1108 = arith.constant 7 : i32
      %swap3A_1109 = arith.index_cast %swap3A_1107 : i32 to index
      %swap3A_1110 = arith.index_cast %swap3A_1108 : i32 to index
      %swap3A_1111 = arith.constant 0 : index
      %swap3A_1112 = tpu.vector_load %arg8[%swap3A_1109, %swap3A_1110, %swap3A_1111] {strides = array<i32>} : memref<8x80x128xf32, #tpu.memory_space<vmem>>, vector<16xf32>,
      tpu.vector_store %arg8[%swap3A_1109, %swap3A_1110, %swap3A_1111], %broadcast_in_dim3A_1106 {strides = array<i32>} : memref<8x80x128xf32, #tpu.memory_space<vmem>>, vector<16xf32>,
      %swap3A_1113 = arith.constant 0 : i32
      %swap3A_1114 = arith.constant 7 : i32
      %swap3A_1115 = arith.index_cast %swap3A_1113 : i32 to index
      %swap3A_1116 = arith.index_cast %swap3A_1114 : i32 to index
      %swap3A_1117 = arith.constant 16 : index
      %swap3A_1118 = tpu.vector_load %arg8[%swap3A_1115, %swap3A_1116, %swap3A_1117] {strides = array<i32>} : memref<8x80x128xf32, #tpu.memory_space<vmem>>, vector<16xf32>,
      tpu.vector_store %arg8[%swap3A_1115, %swap3A_1116, %swap3A_1117], %broadcast_in_dim3A_1106 {strides = array<i32>} : memref<8x80x128xf32, #tpu.memory_space<vmem>>, vector<16xf32>,
      %swap3A_1119 = arith.constant 0 : i32
      %swap3A_1120 = arith.constant 7 : i32
      %swap3A_1121 = arith.index_cast %swap3A_1119 : i32 to index
      %swap3A_1122 = arith.index_cast %swap3A_1120 : i32 to index
      %swap3A_1123 = arith.constant 32 : index
      %swap3A_1124 = tpu.vector_load %arg8[%swap3A_1121, %swap3A_1122, %swap3A_1123] {strides = array<i32>} : memref<8x80x128xf32, #tpu.memory_space<vmem>>, vector<16xf32>,
      tpu.vector_store %arg8[%swap3A_1121, %swap3A_1122, %swap3A_1123], %broadcast_in_dim3A_1106 {strides = array<i32>} : memref<8x80x128xf32, #tpu.memory_space<vmem>>, vector<16xf32>,
      %swap3A_1125 = arith.constant 0 : i32
      %swap3A_1126 = arith.constant 7 : i32
      %swap3A_1127 = arith.index_cast %swap3A_1125 : i32 to index
      %swap3A_1128 = arith.index_cast %swap3A_1126 : i32 to index
      %swap3A_1129 = arith.constant 48 : index
      %swap3A_1130 = tpu.vector_load %arg8[%swap3A_1127, %swap3A_1128, %swap3A_1129] {strides = array<i32>} : memref<8x80x128xf32, #tpu.memory_space<vmem>>, vector<16xf32>,
      tpu.vector_store %arg8[%swap3A_1127, %swap3A_1128, %swap3A_1129], %broadcast_in_dim3A_1106 {strides = array<i32>} : memref<8x80x128xf32, #tpu.memory_space<vmem>>, vector<16xf32>,
      %swap3A_1131 = arith.constant 0 : i32
      %swap3A_1132 = arith.constant 7 : i32
      %swap3A_1133 = arith.index_cast %swap3A_1131 : i32 to index
      %swap3A_1134 = arith.index_cast %swap3A_1132 : i32 to index
      %swap3A_1135 = arith.constant 64 : index
      %swap3A_1136 = tpu.vector_load %arg8[%swap3A_1133, %swap3A_1134, %swap3A_1135] {strides = array<i32>} : memref<8x80x128xf32, #tpu.memory_space<vmem>>, vector<16xf32>,
      tpu.vector_store %arg8[%swap3A_1133, %swap3A_1134, %swap3A_1135], %broadcast_in_dim3A_1106 {strides = array<i32>} : memref<8x80x128xf32, #tpu.memory_space<vmem>>, vector<16xf32>,
      %swap3A_1137 = arith.constant 0 : i32
      %swap3A_1138 = arith.constant 7 : i32
      %swap3A_1139 = arith.index_cast %swap3A_1137 : i32 to index
      %swap3A_1140 = arith.index_cast %swap3A_1138 : i32 to index
      %swap3A_1141 = arith.constant 80 : index
      %swap3A_1142 = tpu.vector_load %arg8[%swap3A_1139, %swap3A_1140, %swap3A_1141] {strides = array<i32>} : memref<8x80x128xf32, #tpu.memory_space<vmem>>, vector<16xf32>,
      tpu.vector_store %arg8[%swap3A_1139, %swap3A_1140, %swap3A_1141], %broadcast_in_dim3A_1106 {strides = array<i32>} : memref<8x80x128xf32, #tpu.memory_space<vmem>>, vector<16xf32>,
      %swap3A_1143 = arith.constant 0 : i32
      %swap3A_1144 = arith.constant 7 : i32
      %swap3A_1145 = arith.index_cast %swap3A_1143 : i32 to index
      %swap3A_1146 = arith.index_cast %swap3A_1144 : i32 to index
      %swap3A_1147 = arith.constant 96 : index
      %swap3A_1148 = tpu.vector_load %arg8[%swap3A_1145, %swap3A_1146, %swap3A_1147] {strides = array<i32>} : memref<8x80x128xf32, #tpu.memory_space<vmem>>, vector<16xf32>,
      tpu.vector_store %arg8[%swap3A_1145, %swap3A_1146, %swap3A_1147], %broadcast_in_dim3A_1106 {strides = array<i32>} : memref<8x80x128xf32, #tpu.memory_space<vmem>>, vector<16xf32>,
      %swap3A_1149 = arith.constant 0 : i32
      %swap3A_1150 = arith.constant 7 : i32
      %swap3A_1151 = arith.index_cast %swap3A_1149 : i32 to index
      %swap3A_1152 = arith.index_cast %swap3A_1150 : i32 to index
      %swap3A_1153 = arith.constant 112 : index
      %swap3A_1154 = tpu.vector_load %arg8[%swap3A_1151, %swap3A_1152, %swap3A_1153] {strides = array<i32>} : memref<8x80x128xf32, #tpu.memory_space<vmem>>, vector<16xf32>,
      tpu.vector_store %arg8[%swap3A_1151, %swap3A_1152, %swap3A_1153], %broadcast_in_dim3A_1106 {strides = array<i32>} : memref<8x80x128xf32, #tpu.memory_space<vmem>>, vector<16xf32>,
      %eq3A_1155 = arith.constant 8 : i32
      %eq3A_1156 = vector.broadcast %eq3A_1155 : i32 to vector<16xi32>
      %eq3A_1157 = arith.cmpi eq, %iota3A_666, %eq3A_1156 : vector<16xi32>
      %convert_element_type3A_1158 = arith.extui %eq3A_1157 : vector<16xi1> to vector<16xi32>
      %convert_element_type3A_1159 = arith.sitofp %convert_element_type3A_1158 : vector<16xi32> to vector<16xf32>
      %mul3A_1160 = arith.mulf %get3A_683, %convert_element_type3A_1159 : vector<16xf32>
      %reduce_sum3A_1161 = arith.constant true
      %reduce_sum3A_1162 = vector.broadcast %reduce_sum3A_1161 : i1 to vector<16xi1>
      %reduce_sum3A_1163 = tpu.scan <sum>, %mul3A_1160 masked %reduce_sum3A_1162 : vector<16xf32>, vector<16xi1> -> vector<16xf32>
      %reduce_sum3A_1164 = vector.extract %reduce_sum3A_1163[15] : f32 from vector<16xf32>
      %broadcast_in_dim3A_1165 = vector.broadcast %reduce_sum3A_1164 : f32 to vector<16xf32>
      %swap3A_1166 = arith.constant 0 : i32
      %swap3A_1167 = arith.constant 8 : i32
      %swap3A_1168 = arith.index_cast %swap3A_1166 : i32 to index
      %swap3A_1169 = arith.index_cast %swap3A_1167 : i32 to index
      %swap3A_1170 = arith.constant 0 : index
      %swap3A_1171 = tpu.vector_load %arg8[%swap3A_1168, %swap3A_1169, %swap3A_1170] {strides = array<i32>} : memref<8x80x128xf32, #tpu.memory_space<vmem>>, vector<16xf32>,
      tpu.vector_store %arg8[%swap3A_1168, %swap3A_1169, %swap3A_1170], %broadcast_in_dim3A_1165 {strides = array<i32>} : memref<8x80x128xf32, #tpu.memory_space<vmem>>, vector<16xf32>,
      %swap3A_1172 = arith.constant 0 : i32
      %swap3A_1173 = arith.constant 8 : i32
      %swap3A_1174 = arith.index_cast %swap3A_1172 : i32 to index
      %swap3A_1175 = arith.index_cast %swap3A_1173 : i32 to index
      %swap3A_1176 = arith.constant 16 : index
      %swap3A_1177 = tpu.vector_load %arg8[%swap3A_1174, %swap3A_1175, %swap3A_1176] {strides = array<i32>} : memref<8x80x128xf32, #tpu.memory_space<vmem>>, vector<16xf32>,
      tpu.vector_store %arg8[%swap3A_1174, %swap3A_1175, %swap3A_1176], %broadcast_in_dim3A_1165 {strides = array<i32>} : memref<8x80x128xf32, #tpu.memory_space<vmem>>, vector<16xf32>,
      %swap3A_1178 = arith.constant 0 : i32
      %swap3A_1179 = arith.constant 8 : i32
      %swap3A_1180 = arith.index_cast %swap3A_1178 : i32 to index
      %swap3A_1181 = arith.index_cast %swap3A_1179 : i32 to index
      %swap3A_1182 = arith.constant 32 : index
      %swap3A_1183 = tpu.vector_load %arg8[%swap3A_1180, %swap3A_1181, %swap3A_1182] {strides = array<i32>} : memref<8x80x128xf32, #tpu.memory_space<vmem>>, vector<16xf32>,
      tpu.vector_store %arg8[%swap3A_1180, %swap3A_1181, %swap3A_1182], %broadcast_in_dim3A_1165 {strides = array<i32>} : memref<8x80x128xf32, #tpu.memory_space<vmem>>, vector<16xf32>,
      %swap3A_1184 = arith.constant 0 : i32
      %swap3A_1185 = arith.constant 8 : i32
      %swap3A_1186 = arith.index_cast %swap3A_1184 : i32 to index
      %swap3A_1187 = arith.index_cast %swap3A_1185 : i32 to index
      %swap3A_1188 = arith.constant 48 : index
      %swap3A_1189 = tpu.vector_load %arg8[%swap3A_1186, %swap3A_1187, %swap3A_1188] {strides = array<i32>} : memref<8x80x128xf32, #tpu.memory_space<vmem>>, vector<16xf32>,
      tpu.vector_store %arg8[%swap3A_1186, %swap3A_1187, %swap3A_1188], %broadcast_in_dim3A_1165 {strides = array<i32>} : memref<8x80x128xf32, #tpu.memory_space<vmem>>, vector<16xf32>,
      %swap3A_1190 = arith.constant 0 : i32
      %swap3A_1191 = arith.constant 8 : i32
      %swap3A_1192 = arith.index_cast %swap3A_1190 : i32 to index
      %swap3A_1193 = arith.index_cast %swap3A_1191 : i32 to index
      %swap3A_1194 = arith.constant 64 : index
      %swap3A_1195 = tpu.vector_load %arg8[%swap3A_1192, %swap3A_1193, %swap3A_1194] {strides = array<i32>} : memref<8x80x128xf32, #tpu.memory_space<vmem>>, vector<16xf32>,
      tpu.vector_store %arg8[%swap3A_1192, %swap3A_1193, %swap3A_1194], %broadcast_in_dim3A_1165 {strides = array<i32>} : memref<8x80x128xf32, #tpu.memory_space<vmem>>, vector<16xf32>,
      %swap3A_1196 = arith.constant 0 : i32
      %swap3A_1197 = arith.constant 8 : i32
      %swap3A_1198 = arith.index_cast %swap3A_1196 : i32 to index
      %swap3A_1199 = arith.index_cast %swap3A_1197 : i32 to index
      %swap3A_1200 = arith.constant 80 : index
      %swap3A_1201 = tpu.vector_load %arg8[%swap3A_1198, %swap3A_1199, %swap3A_1200] {strides = array<i32>} : memref<8x80x128xf32, #tpu.memory_space<vmem>>, vector<16xf32>,
      tpu.vector_store %arg8[%swap3A_1198, %swap3A_1199, %swap3A_1200], %broadcast_in_dim3A_1165 {strides = array<i32>} : memref<8x80x128xf32, #tpu.memory_space<vmem>>, vector<16xf32>,
      %swap3A_1202 = arith.constant 0 : i32
      %swap3A_1203 = arith.constant 8 : i32
      %swap3A_1204 = arith.index_cast %swap3A_1202 : i32 to index
      %swap3A_1205 = arith.index_cast %swap3A_1203 : i32 to index
      %swap3A_1206 = arith.constant 96 : index
      %swap3A_1207 = tpu.vector_load %arg8[%swap3A_1204, %swap3A_1205, %swap3A_1206] {strides = array<i32>} : memref<8x80x128xf32, #tpu.memory_space<vmem>>, vector<16xf32>,
      tpu.vector_store %arg8[%swap3A_1204, %swap3A_1205, %swap3A_1206], %broadcast_in_dim3A_1165 {strides = array<i32>} : memref<8x80x128xf32, #tpu.memory_space<vmem>>, vector<16xf32>,
      %swap3A_1208 = arith.constant 0 : i32
      %swap3A_1209 = arith.constant 8 : i32
      %swap3A_1210 = arith.index_cast %swap3A_1208 : i32 to index
      %swap3A_1211 = arith.index_cast %swap3A_1209 : i32 to index
      %swap3A_1212 = arith.constant 112 : index
      %swap3A_1213 = tpu.vector_load %arg8[%swap3A_1210, %swap3A_1211, %swap3A_1212] {strides = array<i32>} : memref<8x80x128xf32, #tpu.memory_space<vmem>>, vector<16xf32>,
      tpu.vector_store %arg8[%swap3A_1210, %swap3A_1211, %swap3A_1212], %broadcast_in_dim3A_1165 {strides = array<i32>} : memref<8x80x128xf32, #tpu.memory_space<vmem>>, vector<16xf32>,
      %eq3A_1214 = arith.constant 9 : i32
      %eq3A_1215 = vector.broadcast %eq3A_1214 : i32 to vector<16xi32>
      %eq3A_1216 = arith.cmpi eq, %iota3A_666, %eq3A_1215 : vector<16xi32>
      %convert_element_type3A_1217 = arith.extui %eq3A_1216 : vector<16xi1> to vector<16xi32>
      %convert_element_type3A_1218 = arith.sitofp %convert_element_type3A_1217 : vector<16xi32> to vector<16xf32>
      %mul3A_1219 = arith.mulf %get3A_683, %convert_element_type3A_1218 : vector<16xf32>
      %reduce_sum3A_1220 = arith.constant true
      %reduce_sum3A_1221 = vector.broadcast %reduce_sum3A_1220 : i1 to vector<16xi1>
      %reduce_sum3A_1222 = tpu.scan <sum>, %mul3A_1219 masked %reduce_sum3A_1221 : vector<16xf32>, vector<16xi1> -> vector<16xf32>
      %reduce_sum3A_1223 = vector.extract %reduce_sum3A_1222[15] : f32 from vector<16xf32>
      %broadcast_in_dim3A_1224 = vector.broadcast %reduce_sum3A_1223 : f32 to vector<16xf32>
      %swap3A_1225 = arith.constant 0 : i32
      %swap3A_1226 = arith.constant 9 : i32
      %swap3A_1227 = arith.index_cast %swap3A_1225 : i32 to index
      %swap3A_1228 = arith.index_cast %swap3A_1226 : i32 to index
      %swap3A_1229 = arith.constant 0 : index
      %swap3A_1230 = tpu.vector_load %arg8[%swap3A_1227, %swap3A_1228, %swap3A_1229] {strides = array<i32>} : memref<8x80x128xf32, #tpu.memory_space<vmem>>, vector<16xf32>,
      tpu.vector_store %arg8[%swap3A_1227, %swap3A_1228, %swap3A_1229], %broadcast_in_dim3A_1224 {strides = array<i32>} : memref<8x80x128xf32, #tpu.memory_space<vmem>>, vector<16xf32>,
      %swap3A_1231 = arith.constant 0 : i32
      %swap3A_1232 = arith.constant 9 : i32
      %swap3A_1233 = arith.index_cast %swap3A_1231 : i32 to index
      %swap3A_1234 = arith.index_cast %swap3A_1232 : i32 to index
      %swap3A_1235 = arith.constant 16 : index
      %swap3A_1236 = tpu.vector_load %arg8[%swap3A_1233, %swap3A_1234, %swap3A_1235] {strides = array<i32>} : memref<8x80x128xf32, #tpu.memory_space<vmem>>, vector<16xf32>,
      tpu.vector_store %arg8[%swap3A_1233, %swap3A_1234, %swap3A_1235], %broadcast_in_dim3A_1224 {strides = array<i32>} : memref<8x80x128xf32, #tpu.memory_space<vmem>>, vector<16xf32>,
      %swap3A_1237 = arith.constant 0 : i32
      %swap3A_1238 = arith.constant 9 : i32
      %swap3A_1239 = arith.index_cast %swap3A_1237 : i32 to index
      %swap3A_1240 = arith.index_cast %swap3A_1238 : i32 to index
      %swap3A_1241 = arith.constant 32 : index
      %swap3A_1242 = tpu.vector_load %arg8[%swap3A_1239, %swap3A_1240, %swap3A_1241] {strides = array<i32>} : memref<8x80x128xf32, #tpu.memory_space<vmem>>, vector<16xf32>,
      tpu.vector_store %arg8[%swap3A_1239, %swap3A_1240, %swap3A_1241], %broadcast_in_dim3A_1224 {strides = array<i32>} : memref<8x80x128xf32, #tpu.memory_space<vmem>>, vector<16xf32>,
      %swap3A_1243 = arith.constant 0 : i32
      %swap3A_1244 = arith.constant 9 : i32
      %swap3A_1245 = arith.index_cast %swap3A_1243 : i32 to index
      %swap3A_1246 = arith.index_cast %swap3A_1244 : i32 to index
      %swap3A_1247 = arith.constant 48 : index
      %swap3A_1248 = tpu.vector_load %arg8[%swap3A_1245, %swap3A_1246, %swap3A_1247] {strides = array<i32>} : memref<8x80x128xf32, #tpu.memory_space<vmem>>, vector<16xf32>,
      tpu.vector_store %arg8[%swap3A_1245, %swap3A_1246, %swap3A_1247], %broadcast_in_dim3A_1224 {strides = array<i32>} : memref<8x80x128xf32, #tpu.memory_space<vmem>>, vector<16xf32>,
      %swap3A_1249 = arith.constant 0 : i32
      %swap3A_1250 = arith.constant 9 : i32
      %swap3A_1251 = arith.index_cast %swap3A_1249 : i32 to index
      %swap3A_1252 = arith.index_cast %swap3A_1250 : i32 to index
      %swap3A_1253 = arith.constant 64 : index
      %swap3A_1254 = tpu.vector_load %arg8[%swap3A_1251, %swap3A_1252, %swap3A_1253] {strides = array<i32>} : memref<8x80x128xf32, #tpu.memory_space<vmem>>, vector<16xf32>,
      tpu.vector_store %arg8[%swap3A_1251, %swap3A_1252, %swap3A_1253], %broadcast_in_dim3A_1224 {strides = array<i32>} : memref<8x80x128xf32, #tpu.memory_space<vmem>>, vector<16xf32>,
      %swap3A_1255 = arith.constant 0 : i32
      %swap3A_1256 = arith.constant 9 : i32
      %swap3A_1257 = arith.index_cast %swap3A_1255 : i32 to index
      %swap3A_1258 = arith.index_cast %swap3A_1256 : i32 to index
      %swap3A_1259 = arith.constant 80 : index
      %swap3A_1260 = tpu.vector_load %arg8[%swap3A_1257, %swap3A_1258, %swap3A_1259] {strides = array<i32>} : memref<8x80x128xf32, #tpu.memory_space<vmem>>, vector<16xf32>,
      tpu.vector_store %arg8[%swap3A_1257, %swap3A_1258, %swap3A_1259], %broadcast_in_dim3A_1224 {strides = array<i32>} : memref<8x80x128xf32, #tpu.memory_space<vmem>>, vector<16xf32>,
      %swap3A_1261 = arith.constant 0 : i32
      %swap3A_1262 = arith.constant 9 : i32
      %swap3A_1263 = arith.index_cast %swap3A_1261 : i32 to index
      %swap3A_1264 = arith.index_cast %swap3A_1262 : i32 to index
      %swap3A_1265 = arith.constant 96 : index
      %swap3A_1266 = tpu.vector_load %arg8[%swap3A_1263, %swap3A_1264, %swap3A_1265] {strides = array<i32>} : memref<8x80x128xf32, #tpu.memory_space<vmem>>, vector<16xf32>,
      tpu.vector_store %arg8[%swap3A_1263, %swap3A_1264, %swap3A_1265], %broadcast_in_dim3A_1224 {strides = array<i32>} : memref<8x80x128xf32, #tpu.memory_space<vmem>>, vector<16xf32>,
      %swap3A_1267 = arith.constant 0 : i32
      %swap3A_1268 = arith.constant 9 : i32
      %swap3A_1269 = arith.index_cast %swap3A_1267 : i32 to index
      %swap3A_1270 = arith.index_cast %swap3A_1268 : i32 to index
      %swap3A_1271 = arith.constant 112 : index
      %swap3A_1272 = tpu.vector_load %arg8[%swap3A_1269, %swap3A_1270, %swap3A_1271] {strides = array<i32>} : memref<8x80x128xf32, #tpu.memory_space<vmem>>, vector<16xf32>,
      tpu.vector_store %arg8[%swap3A_1269, %swap3A_1270, %swap3A_1271], %broadcast_in_dim3A_1224 {strides = array<i32>} : memref<8x80x128xf32, #tpu.memory_space<vmem>>, vector<16xf32>,
      %eq3A_1273 = arith.constant 10 : i32
      %eq3A_1274 = vector.broadcast %eq3A_1273 : i32 to vector<16xi32>
      %eq3A_1275 = arith.cmpi eq, %iota3A_666, %eq3A_1274 : vector<16xi32>
      %convert_element_type3A_1276 = arith.extui %eq3A_1275 : vector<16xi1> to vector<16xi32>
      %convert_element_type3A_1277 = arith.sitofp %convert_element_type3A_1276 : vector<16xi32> to vector<16xf32>
      %mul3A_1278 = arith.mulf %get3A_683, %convert_element_type3A_1277 : vector<16xf32>
      %reduce_sum3A_1279 = arith.constant true
      %reduce_sum3A_1280 = vector.broadcast %reduce_sum3A_1279 : i1 to vector<16xi1>
      %reduce_sum3A_1281 = tpu.scan <sum>, %mul3A_1278 masked %reduce_sum3A_1280 : vector<16xf32>, vector<16xi1> -> vector<16xf32>
      %reduce_sum3A_1282 = vector.extract %reduce_sum3A_1281[15] : f32 from vector<16xf32>
      %broadcast_in_dim3A_1283 = vector.broadcast %reduce_sum3A_1282 : f32 to vector<16xf32>
      %swap3A_1284 = arith.constant 0 : i32
      %swap3A_1285 = arith.constant 10 : i32
      %swap3A_1286 = arith.index_cast %swap3A_1284 : i32 to index
      %swap3A_1287 = arith.index_cast %swap3A_1285 : i32 to index
      %swap3A_1288 = arith.constant 0 : index
      %swap3A_1289 = tpu.vector_load %arg8[%swap3A_1286, %swap3A_1287, %swap3A_1288] {strides = array<i32>} : memref<8x80x128xf32, #tpu.memory_space<vmem>>, vector<16xf32>,
      tpu.vector_store %arg8[%swap3A_1286, %swap3A_1287, %swap3A_1288], %broadcast_in_dim3A_1283 {strides = array<i32>} : memref<8x80x128xf32, #tpu.memory_space<vmem>>, vector<16xf32>,
      %swap3A_1290 = arith.constant 0 : i32
      %swap3A_1291 = arith.constant 10 : i32
      %swap3A_1292 = arith.index_cast %swap3A_1290 : i32 to index
      %swap3A_1293 = arith.index_cast %swap3A_1291 : i32 to index
      %swap3A_1294 = arith.constant 16 : index
      %swap3A_1295 = tpu.vector_load %arg8[%swap3A_1292, %swap3A_1293, %swap3A_1294] {strides = array<i32>} : memref<8x80x128xf32, #tpu.memory_space<vmem>>, vector<16xf32>,
      tpu.vector_store %arg8[%swap3A_1292, %swap3A_1293, %swap3A_1294], %broadcast_in_dim3A_1283 {strides = array<i32>} : memref<8x80x128xf32, #tpu.memory_space<vmem>>, vector<16xf32>,
      %swap3A_1296 = arith.constant 0 : i32
      %swap3A_1297 = arith.constant 10 : i32
      %swap3A_1298 = arith.index_cast %swap3A_1296 : i32 to index
      %swap3A_1299 = arith.index_cast %swap3A_1297 : i32 to index
      %swap3A_1300 = arith.constant 32 : index
      %swap3A_1301 = tpu.vector_load %arg8[%swap3A_1298, %swap3A_1299, %swap3A_1300] {strides = array<i32>} : memref<8x80x128xf32, #tpu.memory_space<vmem>>, vector<16xf32>,
      tpu.vector_store %arg8[%swap3A_1298, %swap3A_1299, %swap3A_1300], %broadcast_in_dim3A_1283 {strides = array<i32>} : memref<8x80x128xf32, #tpu.memory_space<vmem>>, vector<16xf32>,
      %swap3A_1302 = arith.constant 0 : i32
      %swap3A_1303 = arith.constant 10 : i32
      %swap3A_1304 = arith.index_cast %swap3A_1302 : i32 to index
      %swap3A_1305 = arith.index_cast %swap3A_1303 : i32 to index
      %swap3A_1306 = arith.constant 48 : index
      %swap3A_1307 = tpu.vector_load %arg8[%swap3A_1304, %swap3A_1305, %swap3A_1306] {strides = array<i32>} : memref<8x80x128xf32, #tpu.memory_space<vmem>>, vector<16xf32>,
      tpu.vector_store %arg8[%swap3A_1304, %swap3A_1305, %swap3A_1306], %broadcast_in_dim3A_1283 {strides = array<i32>} : memref<8x80x128xf32, #tpu.memory_space<vmem>>, vector<16xf32>,
      %swap3A_1308 = arith.constant 0 : i32
      %swap3A_1309 = arith.constant 10 : i32
      %swap3A_1310 = arith.index_cast %swap3A_1308 : i32 to index
      %swap3A_1311 = arith.index_cast %swap3A_1309 : i32 to index
      %swap3A_1312 = arith.constant 64 : index
      %swap3A_1313 = tpu.vector_load %arg8[%swap3A_1310, %swap3A_1311, %swap3A_1312] {strides = array<i32>} : memref<8x80x128xf32, #tpu.memory_space<vmem>>, vector<16xf32>,
      tpu.vector_store %arg8[%swap3A_1310, %swap3A_1311, %swap3A_1312], %broadcast_in_dim3A_1283 {strides = array<i32>} : memref<8x80x128xf32, #tpu.memory_space<vmem>>, vector<16xf32>,
      %swap3A_1314 = arith.constant 0 : i32
      %swap3A_1315 = arith.constant 10 : i32
      %swap3A_1316 = arith.index_cast %swap3A_1314 : i32 to index
      %swap3A_1317 = arith.index_cast %swap3A_1315 : i32 to index
      %swap3A_1318 = arith.constant 80 : index
      %swap3A_1319 = tpu.vector_load %arg8[%swap3A_1316, %swap3A_1317, %swap3A_1318] {strides = array<i32>} : memref<8x80x128xf32, #tpu.memory_space<vmem>>, vector<16xf32>,
      tpu.vector_store %arg8[%swap3A_1316, %swap3A_1317, %swap3A_1318], %broadcast_in_dim3A_1283 {strides = array<i32>} : memref<8x80x128xf32, #tpu.memory_space<vmem>>, vector<16xf32>,
      %swap3A_1320 = arith.constant 0 : i32
      %swap3A_1321 = arith.constant 10 : i32
      %swap3A_1322 = arith.index_cast %swap3A_1320 : i32 to index
      %swap3A_1323 = arith.index_cast %swap3A_1321 : i32 to index
      %swap3A_1324 = arith.constant 96 : index
      %swap3A_1325 = tpu.vector_load %arg8[%swap3A_1322, %swap3A_1323, %swap3A_1324] {strides = array<i32>} : memref<8x80x128xf32, #tpu.memory_space<vmem>>, vector<16xf32>,
      tpu.vector_store %arg8[%swap3A_1322, %swap3A_1323, %swap3A_1324], %broadcast_in_dim3A_1283 {strides = array<i32>} : memref<8x80x128xf32, #tpu.memory_space<vmem>>, vector<16xf32>,
      %swap3A_1326 = arith.constant 0 : i32
      %swap3A_1327 = arith.constant 10 : i32
      %swap3A_1328 = arith.index_cast %swap3A_1326 : i32 to index
      %swap3A_1329 = arith.index_cast %swap3A_1327 : i32 to index
      %swap3A_1330 = arith.constant 112 : index
      %swap3A_1331 = tpu.vector_load %arg8[%swap3A_1328, %swap3A_1329, %swap3A_1330] {strides = array<i32>} : memref<8x80x128xf32, #tpu.memory_space<vmem>>, vector<16xf32>,
      tpu.vector_store %arg8[%swap3A_1328, %swap3A_1329, %swap3A_1330], %broadcast_in_dim3A_1283 {strides = array<i32>} : memref<8x80x128xf32, #tpu.memory_space<vmem>>, vector<16xf32>,
      %eq3A_1332 = arith.constant 11 : i32
      %eq3A_1333 = vector.broadcast %eq3A_1332 : i32 to vector<16xi32>
      %eq3A_1334 = arith.cmpi eq, %iota3A_666, %eq3A_1333 : vector<16xi32>
      %convert_element_type3A_1335 = arith.extui %eq3A_1334 : vector<16xi1> to vector<16xi32>
      %convert_element_type3A_1336 = arith.sitofp %convert_element_type3A_1335 : vector<16xi32> to vector<16xf32>
      %mul3A_1337 = arith.mulf %get3A_683, %convert_element_type3A_1336 : vector<16xf32>
      %reduce_sum3A_1338 = arith.constant true
      %reduce_sum3A_1339 = vector.broadcast %reduce_sum3A_1338 : i1 to vector<16xi1>
      %reduce_sum3A_1340 = tpu.scan <sum>, %mul3A_1337 masked %reduce_sum3A_1339 : vector<16xf32>, vector<16xi1> -> vector<16xf32>
      %reduce_sum3A_1341 = vector.extract %reduce_sum3A_1340[15] : f32 from vector<16xf32>
      %broadcast_in_dim3A_1342 = vector.broadcast %reduce_sum3A_1341 : f32 to vector<16xf32>
      %swap3A_1343 = arith.constant 0 : i32
      %swap3A_1344 = arith.constant 11 : i32
      %swap3A_1345 = arith.index_cast %swap3A_1343 : i32 to index
      %swap3A_1346 = arith.index_cast %swap3A_1344 : i32 to index
      %swap3A_1347 = arith.constant 0 : index
      %swap3A_1348 = tpu.vector_load %arg8[%swap3A_1345, %swap3A_1346, %swap3A_1347] {strides = array<i32>} : memref<8x80x128xf32, #tpu.memory_space<vmem>>, vector<16xf32>,
      tpu.vector_store %arg8[%swap3A_1345, %swap3A_1346, %swap3A_1347], %broadcast_in_dim3A_1342 {strides = array<i32>} : memref<8x80x128xf32, #tpu.memory_space<vmem>>, vector<16xf32>,
      %swap3A_1349 = arith.constant 0 : i32
      %swap3A_1350 = arith.constant 11 : i32
      %swap3A_1351 = arith.index_cast %swap3A_1349 : i32 to index
      %swap3A_1352 = arith.index_cast %swap3A_1350 : i32 to index
      %swap3A_1353 = arith.constant 16 : index
      %swap3A_1354 = tpu.vector_load %arg8[%swap3A_1351, %swap3A_1352, %swap3A_1353] {strides = array<i32>} : memref<8x80x128xf32, #tpu.memory_space<vmem>>, vector<16xf32>,
      tpu.vector_store %arg8[%swap3A_1351, %swap3A_1352, %swap3A_1353], %broadcast_in_dim3A_1342 {strides = array<i32>} : memref<8x80x128xf32, #tpu.memory_space<vmem>>, vector<16xf32>,
      %swap3A_1355 = arith.constant 0 : i32
      %swap3A_1356 = arith.constant 11 : i32
      %swap3A_1357 = arith.index_cast %swap3A_1355 : i32 to index
      %swap3A_1358 = arith.index_cast %swap3A_1356 : i32 to index
      %swap3A_1359 = arith.constant 32 : index
      %swap3A_1360 = tpu.vector_load %arg8[%swap3A_1357, %swap3A_1358, %swap3A_1359] {strides = array<i32>} : memref<8x80x128xf32, #tpu.memory_space<vmem>>, vector<16xf32>,
      tpu.vector_store %arg8[%swap3A_1357, %swap3A_1358, %swap3A_1359], %broadcast_in_dim3A_1342 {strides = array<i32>} : memref<8x80x128xf32, #tpu.memory_space<vmem>>, vector<16xf32>,
      %swap3A_1361 = arith.constant 0 : i32
      %swap3A_1362 = arith.constant 11 : i32
      %swap3A_1363 = arith.index_cast %swap3A_1361 : i32 to index
      %swap3A_1364 = arith.index_cast %swap3A_1362 : i32 to index
      %swap3A_1365 = arith.constant 48 : index
      %swap3A_1366 = tpu.vector_load %arg8[%swap3A_1363, %swap3A_1364, %swap3A_1365] {strides = array<i32>} : memref<8x80x128xf32, #tpu.memory_space<vmem>>, vector<16xf32>,
      tpu.vector_store %arg8[%swap3A_1363, %swap3A_1364, %swap3A_1365], %broadcast_in_dim3A_1342 {strides = array<i32>} : memref<8x80x128xf32, #tpu.memory_space<vmem>>, vector<16xf32>,
      %swap3A_1367 = arith.constant 0 : i32
      %swap3A_1368 = arith.constant 11 : i32
      %swap3A_1369 = arith.index_cast %swap3A_1367 : i32 to index
      %swap3A_1370 = arith.index_cast %swap3A_1368 : i32 to index
      %swap3A_1371 = arith.constant 64 : index
      %swap3A_1372 = tpu.vector_load %arg8[%swap3A_1369, %swap3A_1370, %swap3A_1371] {strides = array<i32>} : memref<8x80x128xf32, #tpu.memory_space<vmem>>, vector<16xf32>,
      tpu.vector_store %arg8[%swap3A_1369, %swap3A_1370, %swap3A_1371], %broadcast_in_dim3A_1342 {strides = array<i32>} : memref<8x80x128xf32, #tpu.memory_space<vmem>>, vector<16xf32>,
      %swap3A_1373 = arith.constant 0 : i32
      %swap3A_1374 = arith.constant 11 : i32
      %swap3A_1375 = arith.index_cast %swap3A_1373 : i32 to index
      %swap3A_1376 = arith.index_cast %swap3A_1374 : i32 to index
      %swap3A_1377 = arith.constant 80 : index
      %swap3A_1378 = tpu.vector_load %arg8[%swap3A_1375, %swap3A_1376, %swap3A_1377] {strides = array<i32>} : memref<8x80x128xf32, #tpu.memory_space<vmem>>, vector<16xf32>,
      tpu.vector_store %arg8[%swap3A_1375, %swap3A_1376, %swap3A_1377], %broadcast_in_dim3A_1342 {strides = array<i32>} : memref<8x80x128xf32, #tpu.memory_space<vmem>>, vector<16xf32>,
      %swap3A_1379 = arith.constant 0 : i32
      %swap3A_1380 = arith.constant 11 : i32
      %swap3A_1381 = arith.index_cast %swap3A_1379 : i32 to index
      %swap3A_1382 = arith.index_cast %swap3A_1380 : i32 to index
      %swap3A_1383 = arith.constant 96 : index
      %swap3A_1384 = tpu.vector_load %arg8[%swap3A_1381, %swap3A_1382, %swap3A_1383] {strides = array<i32>} : memref<8x80x128xf32, #tpu.memory_space<vmem>>, vector<16xf32>,
      tpu.vector_store %arg8[%swap3A_1381, %swap3A_1382, %swap3A_1383], %broadcast_in_dim3A_1342 {strides = array<i32>} : memref<8x80x128xf32, #tpu.memory_space<vmem>>, vector<16xf32>,
      %swap3A_1385 = arith.constant 0 : i32
      %swap3A_1386 = arith.constant 11 : i32
      %swap3A_1387 = arith.index_cast %swap3A_1385 : i32 to index
      %swap3A_1388 = arith.index_cast %swap3A_1386 : i32 to index
      %swap3A_1389 = arith.constant 112 : index
      %swap3A_1390 = tpu.vector_load %arg8[%swap3A_1387, %swap3A_1388, %swap3A_1389] {strides = array<i32>} : memref<8x80x128xf32, #tpu.memory_space<vmem>>, vector<16xf32>,
      tpu.vector_store %arg8[%swap3A_1387, %swap3A_1388, %swap3A_1389], %broadcast_in_dim3A_1342 {strides = array<i32>} : memref<8x80x128xf32, #tpu.memory_space<vmem>>, vector<16xf32>,
      %eq3A_1391 = arith.constant 12 : i32
      %eq3A_1392 = vector.broadcast %eq3A_1391 : i32 to vector<16xi32>
      %eq3A_1393 = arith.cmpi eq, %iota3A_666, %eq3A_1392 : vector<16xi32>
      %convert_element_type3A_1394 = arith.extui %eq3A_1393 : vector<16xi1> to vector<16xi32>
      %convert_element_type3A_1395 = arith.sitofp %convert_element_type3A_1394 : vector<16xi32> to vector<16xf32>
      %mul3A_1396 = arith.mulf %get3A_683, %convert_element_type3A_1395 : vector<16xf32>
      %reduce_sum3A_1397 = arith.constant true
      %reduce_sum3A_1398 = vector.broadcast %reduce_sum3A_1397 : i1 to vector<16xi1>
      %reduce_sum3A_1399 = tpu.scan <sum>, %mul3A_1396 masked %reduce_sum3A_1398 : vector<16xf32>, vector<16xi1> -> vector<16xf32>
      %reduce_sum3A_1400 = vector.extract %reduce_sum3A_1399[15] : f32 from vector<16xf32>
      %broadcast_in_dim3A_1401 = vector.broadcast %reduce_sum3A_1400 : f32 to vector<16xf32>
      %swap3A_1402 = arith.constant 0 : i32
      %swap3A_1403 = arith.constant 12 : i32
      %swap3A_1404 = arith.index_cast %swap3A_1402 : i32 to index
      %swap3A_1405 = arith.index_cast %swap3A_1403 : i32 to index
      %swap3A_1406 = arith.constant 0 : index
      %swap3A_1407 = tpu.vector_load %arg8[%swap3A_1404, %swap3A_1405, %swap3A_1406] {strides = array<i32>} : memref<8x80x128xf32, #tpu.memory_space<vmem>>, vector<16xf32>,
      tpu.vector_store %arg8[%swap3A_1404, %swap3A_1405, %swap3A_1406], %broadcast_in_dim3A_1401 {strides = array<i32>} : memref<8x80x128xf32, #tpu.memory_space<vmem>>, vector<16xf32>,
      %swap3A_1408 = arith.constant 0 : i32
      %swap3A_1409 = arith.constant 12 : i32
      %swap3A_1410 = arith.index_cast %swap3A_1408 : i32 to index
      %swap3A_1411 = arith.index_cast %swap3A_1409 : i32 to index
      %swap3A_1412 = arith.constant 16 : index
      %swap3A_1413 = tpu.vector_load %arg8[%swap3A_1410, %swap3A_1411, %swap3A_1412] {strides = array<i32>} : memref<8x80x128xf32, #tpu.memory_space<vmem>>, vector<16xf32>,
      tpu.vector_store %arg8[%swap3A_1410, %swap3A_1411, %swap3A_1412], %broadcast_in_dim3A_1401 {strides = array<i32>} : memref<8x80x128xf32, #tpu.memory_space<vmem>>, vector<16xf32>,
      %swap3A_1414 = arith.constant 0 : i32
      %swap3A_1415 = arith.constant 12 : i32
      %swap3A_1416 = arith.index_cast %swap3A_1414 : i32 to index
      %swap3A_1417 = arith.index_cast %swap3A_1415 : i32 to index
      %swap3A_1418 = arith.constant 32 : index
      %swap3A_1419 = tpu.vector_load %arg8[%swap3A_1416, %swap3A_1417, %swap3A_1418] {strides = array<i32>} : memref<8x80x128xf32, #tpu.memory_space<vmem>>, vector<16xf32>,
      tpu.vector_store %arg8[%swap3A_1416, %swap3A_1417, %swap3A_1418], %broadcast_in_dim3A_1401 {strides = array<i32>} : memref<8x80x128xf32, #tpu.memory_space<vmem>>, vector<16xf32>,
      %swap3A_1420 = arith.constant 0 : i32
      %swap3A_1421 = arith.constant 12 : i32
      %swap3A_1422 = arith.index_cast %swap3A_1420 : i32 to index
      %swap3A_1423 = arith.index_cast %swap3A_1421 : i32 to index
      %swap3A_1424 = arith.constant 48 : index
      %swap3A_1425 = tpu.vector_load %arg8[%swap3A_1422, %swap3A_1423, %swap3A_1424] {strides = array<i32>} : memref<8x80x128xf32, #tpu.memory_space<vmem>>, vector<16xf32>,
      tpu.vector_store %arg8[%swap3A_1422, %swap3A_1423, %swap3A_1424], %broadcast_in_dim3A_1401 {strides = array<i32>} : memref<8x80x128xf32, #tpu.memory_space<vmem>>, vector<16xf32>,
      %swap3A_1426 = arith.constant 0 : i32
      %swap3A_1427 = arith.constant 12 : i32
      %swap3A_1428 = arith.index_cast %swap3A_1426 : i32 to index
      %swap3A_1429 = arith.index_cast %swap3A_1427 : i32 to index
      %swap3A_1430 = arith.constant 64 : index
      %swap3A_1431 = tpu.vector_load %arg8[%swap3A_1428, %swap3A_1429, %swap3A_1430] {strides = array<i32>} : memref<8x80x128xf32, #tpu.memory_space<vmem>>, vector<16xf32>,
      tpu.vector_store %arg8[%swap3A_1428, %swap3A_1429, %swap3A_1430], %broadcast_in_dim3A_1401 {strides = array<i32>} : memref<8x80x128xf32, #tpu.memory_space<vmem>>, vector<16xf32>,
      %swap3A_1432 = arith.constant 0 : i32
      %swap3A_1433 = arith.constant 12 : i32
      %swap3A_1434 = arith.index_cast %swap3A_1432 : i32 to index
      %swap3A_1435 = arith.index_cast %swap3A_1433 : i32 to index
      %swap3A_1436 = arith.constant 80 : index
      %swap3A_1437 = tpu.vector_load %arg8[%swap3A_1434, %swap3A_1435, %swap3A_1436] {strides = array<i32>} : memref<8x80x128xf32, #tpu.memory_space<vmem>>, vector<16xf32>,
      tpu.vector_store %arg8[%swap3A_1434, %swap3A_1435, %swap3A_1436], %broadcast_in_dim3A_1401 {strides = array<i32>} : memref<8x80x128xf32, #tpu.memory_space<vmem>>, vector<16xf32>,
      %swap3A_1438 = arith.constant 0 : i32
      %swap3A_1439 = arith.constant 12 : i32
      %swap3A_1440 = arith.index_cast %swap3A_1438 : i32 to index
      %swap3A_1441 = arith.index_cast %swap3A_1439 : i32 to index
      %swap3A_1442 = arith.constant 96 : index
      %swap3A_1443 = tpu.vector_load %arg8[%swap3A_1440, %swap3A_1441, %swap3A_1442] {strides = array<i32>} : memref<8x80x128xf32, #tpu.memory_space<vmem>>, vector<16xf32>,
      tpu.vector_store %arg8[%swap3A_1440, %swap3A_1441, %swap3A_1442], %broadcast_in_dim3A_1401 {strides = array<i32>} : memref<8x80x128xf32, #tpu.memory_space<vmem>>, vector<16xf32>,
      %swap3A_1444 = arith.constant 0 : i32
      %swap3A_1445 = arith.constant 12 : i32
      %swap3A_1446 = arith.index_cast %swap3A_1444 : i32 to index
      %swap3A_1447 = arith.index_cast %swap3A_1445 : i32 to index
      %swap3A_1448 = arith.constant 112 : index
      %swap3A_1449 = tpu.vector_load %arg8[%swap3A_1446, %swap3A_1447, %swap3A_1448] {strides = array<i32>} : memref<8x80x128xf32, #tpu.memory_space<vmem>>, vector<16xf32>,
      tpu.vector_store %arg8[%swap3A_1446, %swap3A_1447, %swap3A_1448], %broadcast_in_dim3A_1401 {strides = array<i32>} : memref<8x80x128xf32, #tpu.memory_space<vmem>>, vector<16xf32>,
      %eq3A_1450 = arith.constant 13 : i32
      %eq3A_1451 = vector.broadcast %eq3A_1450 : i32 to vector<16xi32>
      %eq3A_1452 = arith.cmpi eq, %iota3A_666, %eq3A_1451 : vector<16xi32>
      %convert_element_type3A_1453 = arith.extui %eq3A_1452 : vector<16xi1> to vector<16xi32>
      %convert_element_type3A_1454 = arith.sitofp %convert_element_type3A_1453 : vector<16xi32> to vector<16xf32>
      %mul3A_1455 = arith.mulf %get3A_683, %convert_element_type3A_1454 : vector<16xf32>
      %reduce_sum3A_1456 = arith.constant true
      %reduce_sum3A_1457 = vector.broadcast %reduce_sum3A_1456 : i1 to vector<16xi1>
      %reduce_sum3A_1458 = tpu.scan <sum>, %mul3A_1455 masked %reduce_sum3A_1457 : vector<16xf32>, vector<16xi1> -> vector<16xf32>
      %reduce_sum3A_1459 = vector.extract %reduce_sum3A_1458[15] : f32 from vector<16xf32>
      %broadcast_in_dim3A_1460 = vector.broadcast %reduce_sum3A_1459 : f32 to vector<16xf32>
      %swap3A_1461 = arith.constant 0 : i32
      %swap3A_1462 = arith.constant 13 : i32
      %swap3A_1463 = arith.index_cast %swap3A_1461 : i32 to index
      %swap3A_1464 = arith.index_cast %swap3A_1462 : i32 to index
      %swap3A_1465 = arith.constant 0 : index
      %swap3A_1466 = tpu.vector_load %arg8[%swap3A_1463, %swap3A_1464, %swap3A_1465] {strides = array<i32>} : memref<8x80x128xf32, #tpu.memory_space<vmem>>, vector<16xf32>,
      tpu.vector_store %arg8[%swap3A_1463, %swap3A_1464, %swap3A_1465], %broadcast_in_dim3A_1460 {strides = array<i32>} : memref<8x80x128xf32, #tpu.memory_space<vmem>>, vector<16xf32>,
      %swap3A_1467 = arith.constant 0 : i32
      %swap3A_1468 = arith.constant 13 : i32
      %swap3A_1469 = arith.index_cast %swap3A_1467 : i32 to index
      %swap3A_1470 = arith.index_cast %swap3A_1468 : i32 to index
      %swap3A_1471 = arith.constant 16 : index
      %swap3A_1472 = tpu.vector_load %arg8[%swap3A_1469, %swap3A_1470, %swap3A_1471] {strides = array<i32>} : memref<8x80x128xf32, #tpu.memory_space<vmem>>, vector<16xf32>,
      tpu.vector_store %arg8[%swap3A_1469, %swap3A_1470, %swap3A_1471], %broadcast_in_dim3A_1460 {strides = array<i32>} : memref<8x80x128xf32, #tpu.memory_space<vmem>>, vector<16xf32>,
      %swap3A_1473 = arith.constant 0 : i32
      %swap3A_1474 = arith.constant 13 : i32
      %swap3A_1475 = arith.index_cast %swap3A_1473 : i32 to index
      %swap3A_1476 = arith.index_cast %swap3A_1474 : i32 to index
      %swap3A_1477 = arith.constant 32 : index
      %swap3A_1478 = tpu.vector_load %arg8[%swap3A_1475, %swap3A_1476, %swap3A_1477] {strides = array<i32>} : memref<8x80x128xf32, #tpu.memory_space<vmem>>, vector<16xf32>,
      tpu.vector_store %arg8[%swap3A_1475, %swap3A_1476, %swap3A_1477], %broadcast_in_dim3A_1460 {strides = array<i32>} : memref<8x80x128xf32, #tpu.memory_space<vmem>>, vector<16xf32>,
      %swap3A_1479 = arith.constant 0 : i32
      %swap3A_1480 = arith.constant 13 : i32
      %swap3A_1481 = arith.index_cast %swap3A_1479 : i32 to index
      %swap3A_1482 = arith.index_cast %swap3A_1480 : i32 to index
      %swap3A_1483 = arith.constant 48 : index
      %swap3A_1484 = tpu.vector_load %arg8[%swap3A_1481, %swap3A_1482, %swap3A_1483] {strides = array<i32>} : memref<8x80x128xf32, #tpu.memory_space<vmem>>, vector<16xf32>,
      tpu.vector_store %arg8[%swap3A_1481, %swap3A_1482, %swap3A_1483], %broadcast_in_dim3A_1460 {strides = array<i32>} : memref<8x80x128xf32, #tpu.memory_space<vmem>>, vector<16xf32>,
      %swap3A_1485 = arith.constant 0 : i32
      %swap3A_1486 = arith.constant 13 : i32
      %swap3A_1487 = arith.index_cast %swap3A_1485 : i32 to index
      %swap3A_1488 = arith.index_cast %swap3A_1486 : i32 to index
      %swap3A_1489 = arith.constant 64 : index
      %swap3A_1490 = tpu.vector_load %arg8[%swap3A_1487, %swap3A_1488, %swap3A_1489] {strides = array<i32>} : memref<8x80x128xf32, #tpu.memory_space<vmem>>, vector<16xf32>,
      tpu.vector_store %arg8[%swap3A_1487, %swap3A_1488, %swap3A_1489], %broadcast_in_dim3A_1460 {strides = array<i32>} : memref<8x80x128xf32, #tpu.memory_space<vmem>>, vector<16xf32>,
      %swap3A_1491 = arith.constant 0 : i32
      %swap3A_1492 = arith.constant 13 : i32
      %swap3A_1493 = arith.index_cast %swap3A_1491 : i32 to index
      %swap3A_1494 = arith.index_cast %swap3A_1492 : i32 to index
      %swap3A_1495 = arith.constant 80 : index
      %swap3A_1496 = tpu.vector_load %arg8[%swap3A_1493, %swap3A_1494, %swap3A_1495] {strides = array<i32>} : memref<8x80x128xf32, #tpu.memory_space<vmem>>, vector<16xf32>,
      tpu.vector_store %arg8[%swap3A_1493, %swap3A_1494, %swap3A_1495], %broadcast_in_dim3A_1460 {strides = array<i32>} : memref<8x80x128xf32, #tpu.memory_space<vmem>>, vector<16xf32>,
      %swap3A_1497 = arith.constant 0 : i32
      %swap3A_1498 = arith.constant 13 : i32
      %swap3A_1499 = arith.index_cast %swap3A_1497 : i32 to index
      %swap3A_1500 = arith.index_cast %swap3A_1498 : i32 to index
      %swap3A_1501 = arith.constant 96 : index
      %swap3A_1502 = tpu.vector_load %arg8[%swap3A_1499, %swap3A_1500, %swap3A_1501] {strides = array<i32>} : memref<8x80x128xf32, #tpu.memory_space<vmem>>, vector<16xf32>,
      tpu.vector_store %arg8[%swap3A_1499, %swap3A_1500, %swap3A_1501], %broadcast_in_dim3A_1460 {strides = array<i32>} : memref<8x80x128xf32, #tpu.memory_space<vmem>>, vector<16xf32>,
      %swap3A_1503 = arith.constant 0 : i32
      %swap3A_1504 = arith.constant 13 : i32
      %swap3A_1505 = arith.index_cast %swap3A_1503 : i32 to index
      %swap3A_1506 = arith.index_cast %swap3A_1504 : i32 to index
      %swap3A_1507 = arith.constant 112 : index
      %swap3A_1508 = tpu.vector_load %arg8[%swap3A_1505, %swap3A_1506, %swap3A_1507] {strides = array<i32>} : memref<8x80x128xf32, #tpu.memory_space<vmem>>, vector<16xf32>,
      tpu.vector_store %arg8[%swap3A_1505, %swap3A_1506, %swap3A_1507], %broadcast_in_dim3A_1460 {strides = array<i32>} : memref<8x80x128xf32, #tpu.memory_space<vmem>>, vector<16xf32>,
      %eq3A_1509 = arith.constant 14 : i32
      %eq3A_1510 = vector.broadcast %eq3A_1509 : i32 to vector<16xi32>
      %eq3A_1511 = arith.cmpi eq, %iota3A_666, %eq3A_1510 : vector<16xi32>
      %convert_element_type3A_1512 = arith.extui %eq3A_1511 : vector<16xi1> to vector<16xi32>
      %convert_element_type3A_1513 = arith.sitofp %convert_element_type3A_1512 : vector<16xi32> to vector<16xf32>
      %mul3A_1514 = arith.mulf %get3A_683, %convert_element_type3A_1513 : vector<16xf32>
      %reduce_sum3A_1515 = arith.constant true
      %reduce_sum3A_1516 = vector.broadcast %reduce_sum3A_1515 : i1 to vector<16xi1>
      %reduce_sum3A_1517 = tpu.scan <sum>, %mul3A_1514 masked %reduce_sum3A_1516 : vector<16xf32>, vector<16xi1> -> vector<16xf32>
      %reduce_sum3A_1518 = vector.extract %reduce_sum3A_1517[15] : f32 from vector<16xf32>
      %broadcast_in_dim3A_1519 = vector.broadcast %reduce_sum3A_1518 : f32 to vector<16xf32>
      %swap3A_1520 = arith.constant 0 : i32
      %swap3A_1521 = arith.constant 14 : i32
      %swap3A_1522 = arith.index_cast %swap3A_1520 : i32 to index
      %swap3A_1523 = arith.index_cast %swap3A_1521 : i32 to index
      %swap3A_1524 = arith.constant 0 : index
      %swap3A_1525 = tpu.vector_load %arg8[%swap3A_1522, %swap3A_1523, %swap3A_1524] {strides = array<i32>} : memref<8x80x128xf32, #tpu.memory_space<vmem>>, vector<16xf32>,
      tpu.vector_store %arg8[%swap3A_1522, %swap3A_1523, %swap3A_1524], %broadcast_in_dim3A_1519 {strides = array<i32>} : memref<8x80x128xf32, #tpu.memory_space<vmem>>, vector<16xf32>,
      %swap3A_1526 = arith.constant 0 : i32
      %swap3A_1527 = arith.constant 14 : i32
      %swap3A_1528 = arith.index_cast %swap3A_1526 : i32 to index
      %swap3A_1529 = arith.index_cast %swap3A_1527 : i32 to index
      %swap3A_1530 = arith.constant 16 : index
      %swap3A_1531 = tpu.vector_load %arg8[%swap3A_1528, %swap3A_1529, %swap3A_1530] {strides = array<i32>} : memref<8x80x128xf32, #tpu.memory_space<vmem>>, vector<16xf32>,
      tpu.vector_store %arg8[%swap3A_1528, %swap3A_1529, %swap3A_1530], %broadcast_in_dim3A_1519 {strides = array<i32>} : memref<8x80x128xf32, #tpu.memory_space<vmem>>, vector<16xf32>,
      %swap3A_1532 = arith.constant 0 : i32
      %swap3A_1533 = arith.constant 14 : i32
      %swap3A_1534 = arith.index_cast %swap3A_1532 : i32 to index
      %swap3A_1535 = arith.index_cast %swap3A_1533 : i32 to index
      %swap3A_1536 = arith.constant 32 : index
      %swap3A_1537 = tpu.vector_load %arg8[%swap3A_1534, %swap3A_1535, %swap3A_1536] {strides = array<i32>} : memref<8x80x128xf32, #tpu.memory_space<vmem>>, vector<16xf32>,
      tpu.vector_store %arg8[%swap3A_1534, %swap3A_1535, %swap3A_1536], %broadcast_in_dim3A_1519 {strides = array<i32>} : memref<8x80x128xf32, #tpu.memory_space<vmem>>, vector<16xf32>,
      %swap3A_1538 = arith.constant 0 : i32
      %swap3A_1539 = arith.constant 14 : i32
      %swap3A_1540 = arith.index_cast %swap3A_1538 : i32 to index
      %swap3A_1541 = arith.index_cast %swap3A_1539 : i32 to index
      %swap3A_1542 = arith.constant 48 : index
      %swap3A_1543 = tpu.vector_load %arg8[%swap3A_1540, %swap3A_1541, %swap3A_1542] {strides = array<i32>} : memref<8x80x128xf32, #tpu.memory_space<vmem>>, vector<16xf32>,
      tpu.vector_store %arg8[%swap3A_1540, %swap3A_1541, %swap3A_1542], %broadcast_in_dim3A_1519 {strides = array<i32>} : memref<8x80x128xf32, #tpu.memory_space<vmem>>, vector<16xf32>,
      %swap3A_1544 = arith.constant 0 : i32
      %swap3A_1545 = arith.constant 14 : i32
      %swap3A_1546 = arith.index_cast %swap3A_1544 : i32 to index
      %swap3A_1547 = arith.index_cast %swap3A_1545 : i32 to index
      %swap3A_1548 = arith.constant 64 : index
      %swap3A_1549 = tpu.vector_load %arg8[%swap3A_1546, %swap3A_1547, %swap3A_1548] {strides = array<i32>} : memref<8x80x128xf32, #tpu.memory_space<vmem>>, vector<16xf32>,
      tpu.vector_store %arg8[%swap3A_1546, %swap3A_1547, %swap3A_1548], %broadcast_in_dim3A_1519 {strides = array<i32>} : memref<8x80x128xf32, #tpu.memory_space<vmem>>, vector<16xf32>,
      %swap3A_1550 = arith.constant 0 : i32
      %swap3A_1551 = arith.constant 14 : i32
      %swap3A_1552 = arith.index_cast %swap3A_1550 : i32 to index
      %swap3A_1553 = arith.index_cast %swap3A_1551 : i32 to index
      %swap3A_1554 = arith.constant 80 : index
      %swap3A_1555 = tpu.vector_load %arg8[%swap3A_1552, %swap3A_1553, %swap3A_1554] {strides = array<i32>} : memref<8x80x128xf32, #tpu.memory_space<vmem>>, vector<16xf32>,
      tpu.vector_store %arg8[%swap3A_1552, %swap3A_1553, %swap3A_1554], %broadcast_in_dim3A_1519 {strides = array<i32>} : memref<8x80x128xf32, #tpu.memory_space<vmem>>, vector<16xf32>,
      %swap3A_1556 = arith.constant 0 : i32
      %swap3A_1557 = arith.constant 14 : i32
      %swap3A_1558 = arith.index_cast %swap3A_1556 : i32 to index
      %swap3A_1559 = arith.index_cast %swap3A_1557 : i32 to index
      %swap3A_1560 = arith.constant 96 : index
      %swap3A_1561 = tpu.vector_load %arg8[%swap3A_1558, %swap3A_1559, %swap3A_1560] {strides = array<i32>} : memref<8x80x128xf32, #tpu.memory_space<vmem>>, vector<16xf32>,
      tpu.vector_store %arg8[%swap3A_1558, %swap3A_1559, %swap3A_1560], %broadcast_in_dim3A_1519 {strides = array<i32>} : memref<8x80x128xf32, #tpu.memory_space<vmem>>, vector<16xf32>,
      %swap3A_1562 = arith.constant 0 : i32
      %swap3A_1563 = arith.constant 14 : i32
      %swap3A_1564 = arith.index_cast %swap3A_1562 : i32 to index
      %swap3A_1565 = arith.index_cast %swap3A_1563 : i32 to index
      %swap3A_1566 = arith.constant 112 : index
      %swap3A_1567 = tpu.vector_load %arg8[%swap3A_1564, %swap3A_1565, %swap3A_1566] {strides = array<i32>} : memref<8x80x128xf32, #tpu.memory_space<vmem>>, vector<16xf32>,
      tpu.vector_store %arg8[%swap3A_1564, %swap3A_1565, %swap3A_1566], %broadcast_in_dim3A_1519 {strides = array<i32>} : memref<8x80x128xf32, #tpu.memory_space<vmem>>, vector<16xf32>,
      %eq3A_1568 = arith.constant 15 : i32
      %eq3A_1569 = vector.broadcast %eq3A_1568 : i32 to vector<16xi32>
      %eq3A_1570 = arith.cmpi eq, %iota3A_666, %eq3A_1569 : vector<16xi32>
      %convert_element_type3A_1571 = arith.extui %eq3A_1570 : vector<16xi1> to vector<16xi32>
      %convert_element_type3A_1572 = arith.sitofp %convert_element_type3A_1571 : vector<16xi32> to vector<16xf32>
      %mul3A_1573 = arith.mulf %get3A_683, %convert_element_type3A_1572 : vector<16xf32>
      %reduce_sum3A_1574 = arith.constant true
      %reduce_sum3A_1575 = vector.broadcast %reduce_sum3A_1574 : i1 to vector<16xi1>
      %reduce_sum3A_1576 = tpu.scan <sum>, %mul3A_1573 masked %reduce_sum3A_1575 : vector<16xf32>, vector<16xi1> -> vector<16xf32>
      %reduce_sum3A_1577 = vector.extract %reduce_sum3A_1576[15] : f32 from vector<16xf32>
      %broadcast_in_dim3A_1578 = vector.broadcast %reduce_sum3A_1577 : f32 to vector<16xf32>
      %swap3A_1579 = arith.constant 0 : i32
      %swap3A_1580 = arith.constant 15 : i32
      %swap3A_1581 = arith.index_cast %swap3A_1579 : i32 to index
      %swap3A_1582 = arith.index_cast %swap3A_1580 : i32 to index
      %swap3A_1583 = arith.constant 0 : index
      %swap3A_1584 = tpu.vector_load %arg8[%swap3A_1581, %swap3A_1582, %swap3A_1583] {strides = array<i32>} : memref<8x80x128xf32, #tpu.memory_space<vmem>>, vector<16xf32>,
      tpu.vector_store %arg8[%swap3A_1581, %swap3A_1582, %swap3A_1583], %broadcast_in_dim3A_1578 {strides = array<i32>} : memref<8x80x128xf32, #tpu.memory_space<vmem>>, vector<16xf32>,
      %swap3A_1585 = arith.constant 0 : i32
      %swap3A_1586 = arith.constant 15 : i32
      %swap3A_1587 = arith.index_cast %swap3A_1585 : i32 to index
      %swap3A_1588 = arith.index_cast %swap3A_1586 : i32 to index
      %swap3A_1589 = arith.constant 16 : index
      %swap3A_1590 = tpu.vector_load %arg8[%swap3A_1587, %swap3A_1588, %swap3A_1589] {strides = array<i32>} : memref<8x80x128xf32, #tpu.memory_space<vmem>>, vector<16xf32>,
      tpu.vector_store %arg8[%swap3A_1587, %swap3A_1588, %swap3A_1589], %broadcast_in_dim3A_1578 {strides = array<i32>} : memref<8x80x128xf32, #tpu.memory_space<vmem>>, vector<16xf32>,
      %swap3A_1591 = arith.constant 0 : i32
      %swap3A_1592 = arith.constant 15 : i32
      %swap3A_1593 = arith.index_cast %swap3A_1591 : i32 to index
      %swap3A_1594 = arith.index_cast %swap3A_1592 : i32 to index
      %swap3A_1595 = arith.constant 32 : index
      %swap3A_1596 = tpu.vector_load %arg8[%swap3A_1593, %swap3A_1594, %swap3A_1595] {strides = array<i32>} : memref<8x80x128xf32, #tpu.memory_space<vmem>>, vector<16xf32>,
      tpu.vector_store %arg8[%swap3A_1593, %swap3A_1594, %swap3A_1595], %broadcast_in_dim3A_1578 {strides = array<i32>} : memref<8x80x128xf32, #tpu.memory_space<vmem>>, vector<16xf32>,
      %swap3A_1597 = arith.constant 0 : i32
      %swap3A_1598 = arith.constant 15 : i32
      %swap3A_1599 = arith.index_cast %swap3A_1597 : i32 to index
      %swap3A_1600 = arith.index_cast %swap3A_1598 : i32 to index
      %swap3A_1601 = arith.constant 48 : index
      %swap3A_1602 = tpu.vector_load %arg8[%swap3A_1599, %swap3A_1600, %swap3A_1601] {strides = array<i32>} : memref<8x80x128xf32, #tpu.memory_space<vmem>>, vector<16xf32>,
      tpu.vector_store %arg8[%swap3A_1599, %swap3A_1600, %swap3A_1601], %broadcast_in_dim3A_1578 {strides = array<i32>} : memref<8x80x128xf32, #tpu.memory_space<vmem>>, vector<16xf32>,
      %swap3A_1603 = arith.constant 0 : i32
      %swap3A_1604 = arith.constant 15 : i32
      %swap3A_1605 = arith.index_cast %swap3A_1603 : i32 to index
      %swap3A_1606 = arith.index_cast %swap3A_1604 : i32 to index
      %swap3A_1607 = arith.constant 64 : index
      %swap3A_1608 = tpu.vector_load %arg8[%swap3A_1605, %swap3A_1606, %swap3A_1607] {strides = array<i32>} : memref<8x80x128xf32, #tpu.memory_space<vmem>>, vector<16xf32>,
      tpu.vector_store %arg8[%swap3A_1605, %swap3A_1606, %swap3A_1607], %broadcast_in_dim3A_1578 {strides = array<i32>} : memref<8x80x128xf32, #tpu.memory_space<vmem>>, vector<16xf32>,
      %swap3A_1609 = arith.constant 0 : i32
      %swap3A_1610 = arith.constant 15 : i32
      %swap3A_1611 = arith.index_cast %swap3A_1609 : i32 to index
      %swap3A_1612 = arith.index_cast %swap3A_1610 : i32 to index
      %swap3A_1613 = arith.constant 80 : index
      %swap3A_1614 = tpu.vector_load %arg8[%swap3A_1611, %swap3A_1612, %swap3A_1613] {strides = array<i32>} : memref<8x80x128xf32, #tpu.memory_space<vmem>>, vector<16xf32>,
      tpu.vector_store %arg8[%swap3A_1611, %swap3A_1612, %swap3A_1613], %broadcast_in_dim3A_1578 {strides = array<i32>} : memref<8x80x128xf32, #tpu.memory_space<vmem>>, vector<16xf32>,
      %swap3A_1615 = arith.constant 0 : i32
      %swap3A_1616 = arith.constant 15 : i32
      %swap3A_1617 = arith.index_cast %swap3A_1615 : i32 to index
      %swap3A_1618 = arith.index_cast %swap3A_1616 : i32 to index
      %swap3A_1619 = arith.constant 96 : index
      %swap3A_1620 = tpu.vector_load %arg8[%swap3A_1617, %swap3A_1618, %swap3A_1619] {strides = array<i32>} : memref<8x80x128xf32, #tpu.memory_space<vmem>>, vector<16xf32>,
      tpu.vector_store %arg8[%swap3A_1617, %swap3A_1618, %swap3A_1619], %broadcast_in_dim3A_1578 {strides = array<i32>} : memref<8x80x128xf32, #tpu.memory_space<vmem>>, vector<16xf32>,
      %swap3A_1621 = arith.constant 0 : i32
      %swap3A_1622 = arith.constant 15 : i32
      %swap3A_1623 = arith.index_cast %swap3A_1621 : i32 to index
      %swap3A_1624 = arith.index_cast %swap3A_1622 : i32 to index
      %swap3A_1625 = arith.constant 112 : index
      %swap3A_1626 = tpu.vector_load %arg8[%swap3A_1623, %swap3A_1624, %swap3A_1625] {strides = array<i32>} : memref<8x80x128xf32, #tpu.memory_space<vmem>>, vector<16xf32>,
      tpu.vector_store %arg8[%swap3A_1623, %swap3A_1624, %swap3A_1625], %broadcast_in_dim3A_1578 {strides = array<i32>} : memref<8x80x128xf32, #tpu.memory_space<vmem>>, vector<16xf32>,
      %run_scoped3A_1627 = arith.constant 0 : i32
      "tpu.region"() ({
        %run_scoped3A_1628 = tpu.sem_alloc : memref<!tpu.dma_semaphore, #tpu.memory_space<semaphore_mem>>
        %dma_start3A_1629 = arith.constant 0 : i32
        %dma_start3A_1630 = arith.constant 0 : i32
        %dma_start3A_1631 = tpu.memref_slice %arg8[%run_scoped3A_1627, %dma_start3A_1629, %dma_start3A_1630] : memref<8x80x128xf32, #tpu.memory_space<vmem>> -> memref<1x16x128xf32, #tpu.memory_space<vmem>>
        %dma_start3A_1632 = tpu.memref_squeeze %dma_start3A_1631 : memref<1x16x128xf32, #tpu.memory_space<vmem>> -> memref<16x128xf32, #tpu.memory_space<vmem>>
        %dma_start3A_1633 = arith.constant 1024 : i32
        %dma_start3A_1634 = arith.constant 0 : i32
        %dma_start3A_1635 = tpu.memref_slice %arg7[%arg0, %dma_start3A_1633, %dma_start3A_1634] : memref<2x1040x128xf32, #tpu.memory_space<hbm>> -> memref<1x16x128xf32, #tpu.memory_space<hbm>>
        %dma_start3A_1636 = tpu.memref_squeeze %dma_start3A_1635 : memref<1x16x128xf32, #tpu.memory_space<hbm>> -> memref<16x128xf32, #tpu.memory_space<hbm>>
        %dma_start3A_1637 = arith.constant 1024 : i32
        %dma_start3A_1638 = arith.constant 0 : i32
        %dma_start3A_1639 = tpu.memref_slice %arg7[%arg0, %dma_start3A_1637, %dma_start3A_1638] : memref<2x1040x128xf32, #tpu.memory_space<hbm>> -> memref<1x16x128xf32, #tpu.memory_space<hbm>>
        %dma_start3A_1640 = tpu.memref_squeeze %dma_start3A_1639 : memref<1x16x128xf32, #tpu.memory_space<hbm>> -> memref<16x128xf32, #tpu.memory_space<hbm>>
        %dma_start3A_1641 = arith.constant 0 : i32
        %dma_start3A_1642 = arith.constant 0 : i32
        %dma_start3A_1643 = tpu.memref_slice %arg8[%run_scoped3A_1627, %dma_start3A_1641, %dma_start3A_1642] : memref<8x80x128xf32, #tpu.memory_space<vmem>> -> memref<1x16x128xf32, #tpu.memory_space<vmem>>
        %dma_start3A_1644 = tpu.memref_squeeze %dma_start3A_1643 : memref<1x16x128xf32, #tpu.memory_space<vmem>> -> memref<16x128xf32, #tpu.memory_space<vmem>>
        tpu.enqueue_dma source(%dma_start3A_1644 : memref<16x128xf32, #tpu.memory_space<vmem>>) target(%dma_start3A_1640 : memref<16x128xf32, #tpu.memory_space<hbm>>) target_semaphore(%run_scoped3A_1628 : memref<!tpu.dma_semaphore, #tpu.memory_space<semaphore_mem>>)
        %dma_wait3A_1645 = arith.constant 0 : i32
        %dma_wait3A_1646 = arith.constant 0 : i32
        %dma_wait3A_1647 = tpu.memref_slice %arg8[%run_scoped3A_1627, %dma_wait3A_1645, %dma_wait3A_1646] : memref<8x80x128xf32, #tpu.memory_space<vmem>> -> memref<1x16x128xf32, #tpu.memory_space<vmem>>
        %dma_wait3A_1648 = tpu.memref_squeeze %dma_wait3A_1647 : memref<1x16x128xf32, #tpu.memory_space<vmem>> -> memref<16x128xf32, #tpu.memory_space<vmem>>
        %dma_wait3A_1649 = arith.constant 1024 : i32
        %dma_wait3A_1650 = arith.constant 0 : i32
        %dma_wait3A_1651 = tpu.memref_slice %arg7[%arg0, %dma_wait3A_1649, %dma_wait3A_1650] : memref<2x1040x128xf32, #tpu.memory_space<hbm>> -> memref<1x16x128xf32, #tpu.memory_space<hbm>>
        %dma_wait3A_1652 = tpu.memref_squeeze %dma_wait3A_1651 : memref<1x16x128xf32, #tpu.memory_space<hbm>> -> memref<16x128xf32, #tpu.memory_space<hbm>>
        %dma_wait3A_1653 = arith.constant 1024 : i32
        %dma_wait3A_1654 = arith.constant 0 : i32
        %dma_wait3A_1655 = tpu.memref_slice %arg7[%arg0, %dma_wait3A_1653, %dma_wait3A_1654] : memref<2x1040x128xf32, #tpu.memory_space<hbm>> -> memref<1x16x128xf32, #tpu.memory_space<hbm>>
        %dma_wait3A_1656 = tpu.memref_squeeze %dma_wait3A_1655 : memref<1x16x128xf32, #tpu.memory_space<hbm>> -> memref<16x128xf32, #tpu.memory_space<hbm>>
        %dma_wait3A_1657 = arith.constant 0 : i32
        %dma_wait3A_1658 = arith.constant 0 : i32
        %dma_wait3A_1659 = tpu.memref_slice %arg8[%run_scoped3A_1627, %dma_wait3A_1657, %dma_wait3A_1658] : memref<8x80x128xf32, #tpu.memory_space<vmem>> -> memref<1x16x128xf32, #tpu.memory_space<vmem>>
        %dma_wait3A_1660 = tpu.memref_squeeze %dma_wait3A_1659 : memref<1x16x128xf32, #tpu.memory_space<vmem>> -> memref<16x128xf32, #tpu.memory_space<vmem>>
        tpu.wait_dma2 semaphore(%run_scoped3A_1628 : memref<!tpu.dma_semaphore, #tpu.memory_space<semaphore_mem>>) src(%dma_wait3A_1660 : memref<16x128xf32, #tpu.memory_space<vmem>>) dst(%dma_wait3A_1656 : memref<16x128xf32, #tpu.memory_space<hbm>>)
        tpu.yield
      }) : () -> ()
    } else {
    }
    return
  }
}

module attributes {stable_mosaic.version = 14 : i64} {
  func.func @_score_kernel(%arg0: i32, %arg1: memref<3200x128xf32, #tpu.memory_space<vmem>>, %arg2: memref<128x64xf32, #tpu.memory_space<vmem>>, %arg3: memref<1x64xf32, #tpu.memory_space<vmem>>, %arg4: memref<1x64xf32, #tpu.memory_space<vmem>>, %arg5: memref<1x1xf32, #tpu.memory_space<vmem>>, %arg6: memref<3200x128xf32, #tpu.memory_space<vmem>>, %arg7: memref<1x1x3200xf32, #tpu.memory_space<vmem>>) attributes {dimension_semantics = [#tpu.dimension_semantics<arbitrary>], iteration_bounds = array<i64: 32>, scalar_prefetch = 0 : i64, scratch_operands = 0 : i64, tpu.core_type = #tpu.core_type<tc>, window_params = [{transform_indices = @transform_0, window_bounds = array<i64: 3200, 128>}, {pipeline_mode = #tpu.pipeline_mode<synchronous>, transform_indices = @transform_1, window_bounds = array<i64: 128, 64>}, {pipeline_mode = #tpu.pipeline_mode<synchronous>, transform_indices = @transform_2, window_bounds = array<i64: 1, 64>}, {pipeline_mode = #tpu.pipeline_mode<synchronous>, transform_indices = @transform_3, window_bounds = array<i64: 1, 64>}, {pipeline_mode = #tpu.pipeline_mode<synchronous>, transform_indices = @transform_4, window_bounds = array<i64: 1, 1>}, {transform_indices = @transform_5, window_bounds = array<i64: 3200, 128>}, {transform_indices = @transform_6, window_bounds = array<i64: 1, 1, 3200>}]} {
    %get3A = arith.constant 0 : index
    %get3A_0 = arith.constant 0 : index
    %get3A_1 = vector.load %arg1[%get3A, %get3A_0] : memref<3200x128xf32, #tpu.memory_space<vmem>>, vector<3200x128xf32>
    %get3A_2 = arith.constant 0 : index
    %get3A_3 = arith.constant 0 : index
    %get3A_4 = vector.load %arg4[%get3A_2, %get3A_3] : memref<1x64xf32, #tpu.memory_space<vmem>>, vector<1x64xf32>
    %get3A_5 = arith.constant 0 : index
    %get3A_6 = arith.constant 0 : index
    %get3A_7 = vector.load %arg5[%get3A_5, %get3A_6] : memref<1x1xf32, #tpu.memory_space<vmem>>, vector<1x1xf32>
    %get3A_8 = vector.extract %get3A_7[0, 0] : f32 from vector<1x1xf32>
    %abs3A = math.absf %get3A_4 : vector<1x64xf32>
    %reduce_sum3A = vector.shape_cast %abs3A : vector<1x64xf32> to vector<1x1x64xf32>
    %reduce_sum3A_9 = arith.constant dense<0.000000e+00> : vector<1xf32>
    %reduce_sum3A_10 = vector.multi_reduction <add>, %reduce_sum3A, %reduce_sum3A_9 [1, 2] : vector<1x1x64xf32> to vector<1xf32>
    %reduce_sum3A_11 = vector.shape_cast %reduce_sum3A_10 : vector<1xf32> to vector<1x1x1xf32>
    %reduce_sum3A_12 = vector.extract %reduce_sum3A_11[0, 0, 0] : f32 from vector<1x1x1xf32>
    %abs3A_13 = math.absf %get3A_8 : f32
    %add3A = arith.addf %reduce_sum3A_12, %abs3A_13 : f32
    %get3A_14 = arith.constant 0 : index
    %get3A_15 = arith.constant 0 : index
    %get3A_16 = vector.load %arg2[%get3A_14, %get3A_15] : memref<128x64xf32, #tpu.memory_space<vmem>>, vector<128x64xf32>
    %dot_general3A = arith.constant dense<0.000000e+00> : vector<3200x64xf32>
    %dot_general3A_17 = tpu.matmul %get3A_1, %get3A_16, %dot_general3A {dimension_numbers = #tpu.dot_dimension_numbers<[1], [0], [0], [1], [0, 0, 1, 1], [], []>, transpose_lhs_hint = false} : vector<3200x128xf32>, vector<128x64xf32>, vector<3200x64xf32> -> vector<3200x64xf32>
    %get3A_18 = arith.constant 0 : index
    %get3A_19 = arith.constant 0 : index
    %get3A_20 = vector.load %arg3[%get3A_18, %get3A_19] : memref<1x64xf32, #tpu.memory_space<vmem>>, vector<1x64xf32>
    %add3A_21 = vector.broadcast %get3A_20 : vector<1x64xf32> to vector<3200x64xf32>
    %add3A_22 = arith.addf %dot_general3A_17, %add3A_21 : vector<3200x64xf32>
    %tanh3A = math.tanh %add3A_22 : vector<3200x64xf32>
    %mul3A = vector.broadcast %get3A_4 : vector<1x64xf32> to vector<3200x64xf32>
    %mul3A_23 = arith.mulf %tanh3A, %mul3A : vector<3200x64xf32>
    %reduce_sum3A_24 = arith.constant dense<0.000000e+00> : vector<3200xf32>
    %reduce_sum3A_25 = vector.multi_reduction <add>, %mul3A_23, %reduce_sum3A_24 [1] : vector<3200x64xf32> to vector<3200xf32>
    %broadcast_in_dim3A = vector.shape_cast %reduce_sum3A_25 : vector<3200xf32> to vector<3200x1xf32>
    %add3A_26 = vector.broadcast %get3A_8 : f32 to vector<3200x1xf32>
    %add3A_27 = arith.addf %broadcast_in_dim3A, %add3A_26 : vector<3200x1xf32>
    %sub3A = vector.broadcast %add3A : f32 to vector<3200x1xf32>
    %sub3A_28 = arith.subf %add3A_27, %sub3A : vector<3200x1xf32>
    %exp3A = math.exp %sub3A_28 : vector<3200x1xf32>
    %mul3A_29 = vector.broadcast %exp3A : vector<3200x1xf32> to vector<3200x128xf32>
    %mul3A_30 = arith.mulf %get3A_1, %mul3A_29 : vector<3200x128xf32>
    %swap3A = arith.constant 0 : index
    %swap3A_31 = arith.constant 0 : index
    %swap3A_32 = vector.load %arg6[%swap3A, %swap3A_31] : memref<3200x128xf32, #tpu.memory_space<vmem>>, vector<3200x128xf32>
    tpu.vector_store %arg6[%swap3A, %swap3A_31], %mul3A_30 {strides = array<i32>} : memref<3200x128xf32, #tpu.memory_space<vmem>>, vector<3200x128xf32>,
    %dot_general3A_33 = arith.constant dense<0.000000e+00> : vector<1x3200xf32>
    %dot_general3A_34 = tpu.matmul %get3A_4, %tanh3A, %dot_general3A_33 {dimension_numbers = #tpu.dot_dimension_numbers<[1], [1], [0], [0], [0, 0, 1, 0], [], []>, transpose_lhs_hint = false} : vector<1x64xf32>, vector<3200x64xf32>, vector<1x3200xf32> -> vector<1x3200xf32>
    %add3A_35 = vector.broadcast %get3A_8 : f32 to vector<1x3200xf32>
    %add3A_36 = arith.addf %dot_general3A_34, %add3A_35 : vector<1x3200xf32>
    %sub3A_37 = vector.broadcast %add3A : f32 to vector<1x3200xf32>
    %sub3A_38 = arith.subf %add3A_36, %sub3A_37 : vector<1x3200xf32>
    %exp3A_39 = math.exp %sub3A_38 : vector<1x3200xf32>
    %reshape3A = vector.shape_cast %exp3A_39 : vector<1x3200xf32> to vector<1x1x3200xf32>
    %swap3A_40 = arith.constant 0 : index
    %swap3A_41 = arith.constant 0 : index
    %swap3A_42 = arith.constant 0 : index
    %swap3A_43 = vector.load %arg7[%swap3A_40, %swap3A_41, %swap3A_42] : memref<1x1x3200xf32, #tpu.memory_space<vmem>>, vector<1x1x3200xf32>
    tpu.vector_store %arg7[%swap3A_40, %swap3A_41, %swap3A_42], %reshape3A {strides = array<i32>} : memref<1x1x3200xf32, #tpu.memory_space<vmem>>, vector<1x1x3200xf32>,
    return
  }
  func.func @transform_0(%arg0: i32) -> (i32, i32) {
    %add3A = arith.constant 0 : i32
    %add3A_0 = arith.addi %arg0, %add3A : i32
    %c0_i32 = arith.constant 0 : i32
    %c0_i32_1 = arith.constant 0 : i32
    return %add3A_0, %c0_i32 : i32, i32
  }
  func.func @transform_1(%arg0: i32) -> (i32, i32) {
    %c0_i32 = arith.constant 0 : i32
    %c0_i32_0 = arith.constant 0 : i32
    %c0_i32_1 = arith.constant 0 : i32
    return %c0_i32, %c0_i32_0 : i32, i32
  }
  func.func @transform_2(%arg0: i32) -> (i32, i32) {
    %c0_i32 = arith.constant 0 : i32
    %c0_i32_0 = arith.constant 0 : i32
    %c0_i32_1 = arith.constant 0 : i32
    return %c0_i32, %c0_i32_0 : i32, i32
  }
  func.func @transform_3(%arg0: i32) -> (i32, i32) {
    %c0_i32 = arith.constant 0 : i32
    %c0_i32_0 = arith.constant 0 : i32
    %c0_i32_1 = arith.constant 0 : i32
    return %c0_i32, %c0_i32_0 : i32, i32
  }
  func.func @transform_4(%arg0: i32) -> (i32, i32) {
    %c0_i32 = arith.constant 0 : i32
    %c0_i32_0 = arith.constant 0 : i32
    %c0_i32_1 = arith.constant 0 : i32
    return %c0_i32, %c0_i32_0 : i32, i32
  }
  func.func @transform_5(%arg0: i32) -> (i32, i32) {
    %c0_i32 = arith.constant 0 : i32
    %c0_i32_0 = arith.constant 0 : i32
    return %arg0, %c0_i32 : i32, i32
  }
  func.func @transform_6(%arg0: i32) -> (i32, i32, i32) {
    %c0_i32 = arith.constant 0 : i32
    %c0_i32_0 = arith.constant 0 : i32
    %c0_i32_1 = arith.constant 0 : i32
    return %arg0, %c0_i32, %c0_i32_0 : i32, i32, i32
  }
}

module attributes {stable_mosaic.version = 14 : i64} {
  func.func @_final_kernel(%arg0: i32, %arg1: memref<2x1040x128xf32, #tpu.memory_space<vmem>>, %arg2: memref<2x1040x128xf32, #tpu.memory_space<vmem>>, %arg3: memref<1024x128xf32, #tpu.memory_space<vmem>>) attributes {dimension_semantics = [#tpu.dimension_semantics<arbitrary>], iteration_bounds = array<i64: 1>, scalar_prefetch = 0 : i64, scratch_operands = 0 : i64, tpu.core_type = #tpu.core_type<tc>, window_params = [{pipeline_mode = #tpu.pipeline_mode<synchronous>, transform_indices = @transform_0, window_bounds = array<i64: 2, 1040, 128>}, {pipeline_mode = #tpu.pipeline_mode<synchronous>, transform_indices = @transform_1, window_bounds = array<i64: 2, 1040, 128>}, {pipeline_mode = #tpu.pipeline_mode<synchronous>, transform_indices = @transform_2, window_bounds = array<i64: 1024, 128>}]} {
    %get3A = arith.constant 0 : index
    %get3A_0 = arith.constant 0 : index
    %get3A_1 = arith.constant 0 : index
    %get3A_2 = vector.load %arg1[%get3A, %get3A_0, %get3A_1] : memref<2x1040x128xf32, #tpu.memory_space<vmem>>, vector<1x1040x128xf32>
    %get3A_3 = vector.shape_cast %get3A_2 : vector<1x1040x128xf32> to vector<1040x128xf32>
    %get3A_4 = arith.constant 1 : index
    %get3A_5 = arith.constant 0 : index
    %get3A_6 = arith.constant 0 : index
    %get3A_7 = vector.load %arg1[%get3A_4, %get3A_5, %get3A_6] : memref<2x1040x128xf32, #tpu.memory_space<vmem>>, vector<1x1040x128xf32>
    %get3A_8 = vector.shape_cast %get3A_7 : vector<1x1040x128xf32> to vector<1040x128xf32>
    %add3A = arith.addf %get3A_3, %get3A_8 : vector<1040x128xf32>
    %add3A_9 = arith.constant 0.000000e+00 : f32
    %add3A_10 = vector.broadcast %add3A_9 : f32 to vector<1040x128xf32>
    %add3A_11 = arith.addf %add3A_10, %add3A : vector<1040x128xf32>
    %slice3A = vector.extract_strided_slice %add3A_11 {offsets = [0, 0], sizes = [1024, 128], strides = [1, 1]} : vector<1040x128xf32> to vector<1024x128xf32>
    %get3A_12 = arith.constant 0 : index
    %get3A_13 = arith.constant 0 : index
    %get3A_14 = arith.constant 0 : index
    %get3A_15 = vector.load %arg2[%get3A_12, %get3A_13, %get3A_14] : memref<2x1040x128xf32, #tpu.memory_space<vmem>>, vector<1x1040x128xf32>
    %get3A_16 = vector.shape_cast %get3A_15 : vector<1x1040x128xf32> to vector<1040x128xf32>
    %get3A_17 = arith.constant 1 : index
    %get3A_18 = arith.constant 0 : index
    %get3A_19 = arith.constant 0 : index
    %get3A_20 = vector.load %arg2[%get3A_17, %get3A_18, %get3A_19] : memref<2x1040x128xf32, #tpu.memory_space<vmem>>, vector<1x1040x128xf32>
    %get3A_21 = vector.shape_cast %get3A_20 : vector<1x1040x128xf32> to vector<1040x128xf32>
    %add3A_22 = arith.addf %get3A_16, %get3A_21 : vector<1040x128xf32>
    %add3A_23 = arith.constant 0.000000e+00 : f32
    %add3A_24 = vector.broadcast %add3A_23 : f32 to vector<1040x128xf32>
    %add3A_25 = arith.addf %add3A_24, %add3A_22 : vector<1040x128xf32>
    %slice3A_26 = vector.extract_strided_slice %add3A_25 {offsets = [0, 0], sizes = [1024, 128], strides = [1, 1]} : vector<1040x128xf32> to vector<1024x128xf32>
    %gt3A = arith.constant 0.000000e+00 : f32
    %gt3A_27 = vector.broadcast %gt3A : f32 to vector<1024x128xf32>
    %gt3A_28 = arith.cmpf ogt, %slice3A_26, %gt3A_27 : vector<1024x128xf32>
    %div3A = arith.divf %slice3A, %slice3A_26 : vector<1024x128xf32>
    %jit3A = arith.constant 0.000000e+00 : f32
    %broadcast_in_dim3A = vector.broadcast %jit3A : f32 to vector<1024x128xf32>
    %select_n3A = arith.select %gt3A_28, %div3A, %broadcast_in_dim3A : vector<1024x128xi1>, vector<1024x128xf32>
    %swap3A = arith.constant 0 : index
    %swap3A_29 = arith.constant 0 : index
    %swap3A_30 = vector.load %arg3[%swap3A, %swap3A_29] : memref<1024x128xf32, #tpu.memory_space<vmem>>, vector<1024x128xf32>
    tpu.vector_store %arg3[%swap3A, %swap3A_29], %select_n3A {strides = array<i32>} : memref<1024x128xf32, #tpu.memory_space<vmem>>, vector<1024x128xf32>,
    return
  }
  func.func @transform_0(%arg0: i32) -> (i32, i32, i32) {
    %c0_i32 = arith.constant 0 : i32
    %c0_i32_0 = arith.constant 0 : i32
    %c0_i32_1 = arith.constant 0 : i32
    %c0_i32_2 = arith.constant 0 : i32
    return %c0_i32, %c0_i32_0, %c0_i32_1 : i32, i32, i32
  }
  func.func @transform_1(%arg0: i32) -> (i32, i32, i32) {
    %c0_i32 = arith.constant 0 : i32
    %c0_i32_0 = arith.constant 0 : i32
    %c0_i32_1 = arith.constant 0 : i32
    %c0_i32_2 = arith.constant 0 : i32
    return %c0_i32, %c0_i32_0, %c0_i32_1 : i32, i32, i32
  }
  func.func @transform_2(%arg0: i32) -> (i32, i32) {
    %c0_i32 = arith.constant 0 : i32
    %c0_i32_0 = arith.constant 0 : i32
    %c0_i32_1 = arith.constant 0 : i32
    return %c0_i32, %c0_i32_0 : i32, i32
  }
}

</mosaic_0001>

<sc_bundles>
// kernel: kernel.5.cloned.1.call-start
scs
__scs_entry_jumppad:
0x0: {  	(pc) =	sbr.rel $0x88, $3  }
0x1: {  	(tag) =	ssettag $0x0;
	lr =	simm.s32 $0x1  }
0x2: {  	[smem:$0x3F9B] =	sst lr;
	_ =	strace $0xD0000000  }
0x3: {  	_ = 	snop  }
0x4: {  	_ = 	snop  }
0x5: {  	_ = 	snop  }
0x6: {  	_ = 	snop  }
0x7: {  	_ = 	snop  }
__scs_overlays_trampoline_lowered:
0x8: {  	[smem:$0x3FAA] =	sst s0  }
0x9: {  	[smem:$0x3FAB] =	sst s1  }
0xa: {  	[smem:$0x3FAC] =	sst s2  }
0xb: {  	[smem:$0x3FAD] =	sst s3  }
0xc: {  	[smem:$0x3FAE] =	sst s4  }
0xd: {  	[smem:$0x3FAF] =	sst s5  }
0xe: {  	[smem:$0x3FB0] =	sst s6  }
0xf: {  	[smem:$0x3FB1] =	sst s7  }
0x10: {  	[smem:$0x3FB2] =	sst s8  }
0x11: {  	[smem:$0x3FB3] =	sst s9;
	s0 =	simm.s32 @!p0 $0x0  }
0x12: {  	s1 =	sld [smem:$0x3F99];
	s0 =	simm.s32 @p0 $0x1  }
0x13: {  	[smem:$0x3FB4] =	sst s0;
	s0 =	simm.s32 @!p1 $0x0  }
0x14: {  	s2 =	sld [smem:$0x3F98];
	s0 =	simm.s32 @p1 $0x1  }
0x15: {  	[smem:$0x3FB5] =	sst s0;
	s0 =	simm.s32 @!p2 $0x0  }
0x16: {  	s3 =	sld [smem:$0x3FDB];
	s0 =	simm.s32 @p2 $0x1  }
0x17: {  	s4 =	simm.s32 $0x1BF5;
	[smem:$0x3FB7] =	sst s0  }
0x18: {  	s0 =	sld [smem:$0x3F9A];
	_ =	swait.ge [sflag:s4], $0x0  }
0x19: {  	s7 =	sld [smem:$0x3F9B]  }
0x1a: {  	s8 =	sadd.s32 $0xFFFFE003, lr  }
0x1b: {  	s9 =	sadd.s32 $0xFFFFFEF7, lr;
	s5 =	simm.s32 $0xFFFFFFFF;
	p2 =	slt.u32 s8, $0xFFFFF086  }
0x1c: {  	p1 =	slt.u32 s9, $0xF7A;
	s5 =	simm.s32 @!p2 $0x0  }
0x1d: {  	s5 =	simm.s32 @p1 $0x1;
	p0 =	seq.s32 s7, s2  }
0x1e: {  	s7 =	smul.u32 @!p0 $0xF7A, s2;
	p2 =	seq.s32 @!p0 s5, $0x0  }
0x1f: {  	s9 =	smul.u32 $0xF7A, s1;
	s8 =	simm.s32 @!p0 $0x1BF5;
	p2 =	por !p2, p0  }
0x20: {  	[sflag:s8] =	ssyncset.s32 @!p0 $0xFFFFF086;
	s6 =	sadd.s32 @!p0 s3, s7;
	s7 =	simm.s32 @!p0 $0x108  }
0x21: {  	s3 =	sadd.s32 s3, s9;
	s6 =	sadd.s32 @!p0 $0x88, s6;
	s7 =	simm.s32 @p2 $0x1082  }
0x22: {  	[simem:s7], [sflag:s8] =	dma.local @!p0 [hbm:s6], $0xF7A  }
0x23: {  	s9 =	sor.u32 $0xD0000000, s2;
	s6 =	simm.s32 $0x108;
	_ =	swait.ge @!p0 [sflag:s8], $0x0  }
0x24: {  	s3 =	sadd.s32 $0x88, s3;
	s6 =	simm.s32 @!p1 $0x1082;
	[sflag:s4] =	ssyncset.s32 $0xFFFFF086  }
0x25: {  	[simem:s6], [sflag:s4] =	dma.local [hbm:s3], $0xF7A  }
0x26: {  	[smem:$0x3F9B] =	sst s1;
	(tag) =	ssettag s2;
	_ =	strace s9  }
0x27: {  	s1 =	sld [smem:$0x3FAB]  }
0x28: {  	s2 =	sld [smem:$0x3FAC]  }
0x29: {  	s4 =	sld [smem:$0x3FAE]  }
0x2a: {  	p0 =	seq.s32 s5, $0x0;
	s5 =	sld [smem:$0x3FAF]  }
0x2b: {  	s6 =	sld [smem:$0x3FB0]  }
0x2c: {  	s7 =	sld [smem:$0x3FB1]  }
0x2d: {  	s3 =	simm.s32 $0x108;
	s8 =	sld [smem:$0x3FB2]  }
0x2e: {  	s3 =	simm.s32 @!p0 $0x1082;
	s9 =	sld [smem:$0x3FB3]  }
0x2f: {  	lr =	sadd.s32 s0, s3;
	s0 =	sld [smem:$0x3FAA]  }
0x30: {  	s3 =	sld [smem:$0x3FAD]  }
0x31: {  	[smem:$0x3FB6] =	sst s10  }
0x32: {  	s10 =	sld [smem:$0x3FB4];
	_ =	sdelay $0x3  }
0x33: {  	p0 =	seq.s32 s10, $0x1;
	s10 =	sld [smem:$0x3FB6];
	_ =	sdelay $0x3  }
0x34: {  	[smem:$0x3FB6] =	sst s10  }
0x35: {  	s10 =	sld [smem:$0x3FB5];
	_ =	sdelay $0x3  }
0x36: {  	p1 =	seq.s32 s10, $0x1;
	s10 =	sld [smem:$0x3FB6];
	_ =	sdelay $0x3  }
0x37: {  	[smem:$0x3FB6] =	sst s10  }
0x38: {  	s10 =	sld [smem:$0x3FB7]  }
0x39: {  	_ = 	snop;
	(pc) =	sbr.ind lr, $3  }
0x3a: {  	_ = 	snop  }
0x3b: {  	_ = 	snop  }
0x3c: {  	p2 =	seq.s32 s10, $0x1;
	s10 =	sld [smem:$0x3FB6]  }
0x3d: {  	_ =	shalt  }
0x3e: {  	_ =	shalt  }
0x3f: {  	_ =	shalt  }
0x40: {  	_ =	shalt  }
0x41: {  	_ =	shalt  }
0x42: {  	_ =	shalt  }
0x43: {  	_ =	shalt  }
0x44: {  	_ =	shalt  }
0x45: {  	_ =	shalt  }
0x46: {  	_ =	shalt  }
0x47: {  	_ =	shalt  }
0x48: {  	_ =	shalt  }
0x49: {  	_ =	shalt  }
0x4a: {  	_ =	shalt  }
0x4b: {  	_ =	shalt  }
0x4c: {  	_ =	shalt  }
0x4d: {  	_ =	shalt  }
0x4e: {  	_ =	shalt  }
0x4f: {  	_ =	shalt  }
0x50: {  	_ =	shalt  }
0x51: {  	_ =	shalt  }
0x52: {  	_ =	shalt  }
0x53: {  	_ =	shalt  }
0x54: {  	_ =	shalt  }
0x55: {  	_ =	shalt  }
0x56: {  	_ =	shalt  }
0x57: {  	_ =	shalt  }
0x58: {  	_ =	shalt  }
0x59: {  	_ =	shalt  }
0x5a: {  	_ =	shalt  }
0x5b: {  	_ =	shalt  }
0x5c: {  	_ =	shalt  }
0x5d: {  	_ =	shalt  }
0x5e: {  	_ =	shalt  }
0x5f: {  	_ =	shalt  }
0x60: {  	_ =	shalt  }
0x61: {  	_ =	shalt  }
0x62: {  	_ =	shalt  }
0x63: {  	_ =	shalt  }
0x64: {  	_ =	shalt  }
0x65: {  	_ =	shalt  }
0x66: {  	_ =	shalt  }
0x67: {  	_ =	shalt  }
0x68: {  	_ =	shalt  }
0x69: {  	_ =	shalt  }
0x6a: {  	_ =	shalt  }
0x6b: {  	_ =	shalt  }
0x6c: {  	_ =	shalt  }
0x6d: {  	_ =	shalt  }
0x6e: {  	_ =	shalt  }
0x6f: {  	_ =	shalt  }
0x70: {  	_ =	shalt  }
0x71: {  	_ =	shalt  }
0x72: {  	_ =	shalt  }
0x73: {  	_ =	shalt  }
0x74: {  	_ =	shalt  }
0x75: {  	_ =	shalt  }
0x76: {  	_ =	shalt  }
0x77: {  	_ =	shalt  }
0x78: {  	_ =	shalt  }
0x79: {  	_ =	shalt  }
0x7a: {  	_ =	shalt  }
0x7b: {  	_ =	shalt  }
0x7c: {  	_ =	shalt  }
0x7d: {  	_ =	shalt  }
0x7e: {  	_ =	shalt  }
0x7f: {  	_ =	shalt  }
0x80: {  	_ =	shalt  }
0x81: {  	_ =	shalt  }
0x82: {  	_ =	shalt  }
0x83: {  	_ =	shalt  }
0x84: {  	_ =	shalt  }
0x85: {  	_ =	shalt  }
0x86: {  	_ =	shalt  }
0x87: {  	_ =	shalt  }
.Lfunc_end0:
.L_simem_size_0:
called_computation_lowered:
.L_overlay_start_0:
0x88: {  	s2 =	sld [smem:$0x3FD9]  }
0x89: {  	s3 =	sld [smem:$0x3FFE];
	_ =	sdelay $0x1  }
0x8a: {  	s1 =	srdreg.scid  }
0x8b: {  	s0 =	sand.u32 $0x1, s1  }
0x8c: {  	s17 =	sshll.u32 s0, $0xA;
	s2 =	sadd.s32 s3, s2  }
0x8d: {  	s2 =	sadd.s32 s2, s17  }
0x8e: {  	[smem:$0x3FC2] =	sst s2  }
0x8f: {  	_ = 	snop  }
0x90: {  	s2 =	sld [smem:$0x3FD0];
	(tm) =	ssettm $0x1  }
0x91: {  	s18 =	sld [smem:$0x3FFB];
	_ =	sdelay $0x3  }
0x92: {  	_ =	strace s18  }
0x93: {  	s3 =	sld [smem:$0x3FFC];
	_ =	sdelay $0x3  }
0x94: {  	_ =	strace s3  }
0x95: {  	s3 =	sld [smem:$0x3FFD];
	_ =	sdelay $0x3  }
0x96: {  	_ =	strace s3  }
0x97: {  	_ =	strace $0x8FFFFFFF  }
0x98: {  	s19 =	sld [smem:$0x3FDB];
	_ =	sdelay $0x1  }
0x99: {  	s4 =	simm.s32 $_scs_section_size  }
0x9a: {  	s5 =	simm.s32 $_size__tile_overlayer_lowered;
	s6 =	simm.s32 $_tile_overlayer_lowered  }
0x9b: {  	s22 =	simm.s32 $0x1BFF;
	s21 =	sshll.u32 s6, $0x1;
	s3 =	sadd.s32 s4, s19  }
0x9c: {  	s7 =	simm.s32 $0x0;
	s20 =	sshll.u32 s5, $0x1;
	s5 =	sadd.s32 s21, s3  }
0x9d: {  	[timem:s7], [sflag:s22] =	dma.local [hbm:s5], s20  }
0x9e: {  	_ =	swait.ge [sflag:s22], s20  }
0x9f: {  	s4 =	ssub.s32 $0x0, s20;
	[sflag:s22] =	ssyncset.done $0x0  }
0xa0: {  	[sflag:s22] =	ssyncadd.s32 s4;
	_ =	sdelay $0x1  }
0xa1: {  	s23 =	simm.s32 $0x1B8B  }
0xa2: {  	_ =	swait.ge [sflag:s23], $0x1  }
0xa3: {  	[sflag:s23] =	ssyncset.done $0x0  }
0xa4: {  	s25 =	simm.s32 $0x1B8E;
	s24 =	sld [smem:$0x3FFE];
	[sflag:s23] =	ssyncadd.s32 $0xFFFFFFFF  }
0xa5: {  	s26 =	simm.s32 $execute0_lowered;
	[smem:$0x3FD2] =	sst s25  }
0xa6: {  	s5 =	sshll.u32 s26, $0x1;
	_ =	strace $0x80000046;
	[dreg:$0x1] =	wrdreg $0xFFFFFFFF  }
0xa7: {  	s28 =	simm.s32 $_size_execute0_lowered;
	s3 =	sadd.s32 s3, s5;
	[dreg:$0x0] =	wrdreg $0x0  }
0xa8: {  	s5 =	sshll.u32 s28, $0x1;
	[dreg:$0x2] =	wrdreg s3  }
0xa9: {  	[dreg:$0x3] =	wrdreg s5  }
0xaa: {  	[dreg:$0x4] =	wrdreg $0xC0  }
0xab: {  	_ =	task [dreg:s7], $0x5FFFF  }
0xac: {  	[dreg:$0x1] =	wrdreg $0xFFFFFFFF  }
0xad: {  	[dreg:$0x0] =	wrdreg $0x60  }
0xae: {  	[dreg:$0x2] =	wrdreg s24  }
0xaf: {  	[dreg:$0x3] =	wrdreg s2  }
0xb0: {  	[dreg:$0x4] =	wrdreg $0x170800  }
0xb1: {  	[dreg:$0x5] =	wrdreg $0x191000  }
0xb2: {  	[dreg:$0x6] =	wrdreg $0x9  }
0xb3: {  	_ =	task.clear_ibuf [dreg:s7], $0x7FFFF;
	_ =	strace $0x90000046  }
0xb4: {  	s29 =	simm.s32 $0x9;
	_ =	strace $0x80000048  }
0xb5: {  	_ =	swait.ge [sflag:s29], $0x1  }
0xb6: {  	[sflag:s29] =	ssyncadd.s32 $0xFFFFFFFF  }
0xb7: {  	_ =	strace $0x90000048  }
0xb8: {  	_ =	sfence  }
0xb9: {  	s30 =	sld [smem:$0x0];
	_ =	sdelay $0x2  }
0xba: {  	s31 =	sshll.u32 s1, $0xD;
	s1 =	sshrl.u32 s1, $0x2  }
0xbb: {  	s3 =	sand.u32 $0x4000, s31;
	s1 =	sadd.s32 s1, s30  }
0xbc: {  	s0 =	sor.u32 s3, s0;
	s1 =	sshll.u32 s1, $0x11  }
0xbd: {  	s0 =	sor.u32 s1, s0  }
0xbe: {  	s0 =	sadd.s32 $0x8F2B, s0  }
0xbf: {  	[sflag:s0] =	ssyncadd.remote.s32 $0x1  }
0xc0: {  	_ =	sfence.sel $0xFFFF  }
0xc1: {  	[dreg:$0x0] =	wrdreg $0xFFFFFFFF;
	(pc) =	sbr.abs _section_cstart, $3  }
0xc2: {  	[dreg:$0x1] =	wrdreg $0xFFFFFFFF  }
0xc3: {  	_ =	task.clear_ibuf [dreg:s7], $0x2FFFF;
	_ =	strace $0x9FFFFFFF  }
0xc4: {  	(tm) =	ssettm $0x7FFFFFFF  }
0xc5: {  	_ =	shalt  }
tec
execute0_lowered:
.L_overlay_start_1:
0x0: {  	(tag) =	ssettag $0x1  }
0x1: {  	s5 =	rddreg [dreg:$0x0]  }
0x2: {  	s6 =	rddreg [dreg:$0x1]  }
0x3: {  	s1 =	rddreg [dreg:$0x2]  }
0x4: {  	s0 =	srdreg.scid;
	s2 =	rddreg [dreg:$0x3]  }
0x5: {  	s28 =	simm.s32 $0x50;
	s29 =	simm.s32 $0x5;
	s30 =	simm.s32 $0x6  }
0x6: {  	s31 =	simm.s32 $0x7;
	s8 =	sand.u32 $0x1, s0;
	s0 =	stileid.u32  }
0x7: {  	s14 =	sadd.s32 $0x6200, s5;
	s13 =	sadd.s32 $0x19A400, s5;
	s16 =	smul.u32 $0x20800, s8  }
0x8: {  	s3 =	sshll.u32 s8, $0x4;
	s11 =	ssub.s32 $0x2, s8;
	s8 =	smul.u32 $0xC8000, s8  }
0x9: {  	s12 =	sshll.u32 s0, $0x7;
	s17 =	sshll.u32 s0, $0xD;
	s25 =	smul.u32 $0xC800, s0  }
0xa: {  	p0 =	sne.s32 s0, $0x0;
	s7 =	sor.u32 s0, s3;
	s3 =	simm.s32 $0x0  }
0xb: {  	s15 =	sshrl.u32 s11, $0x1;
	s12 =	sand.u32 $0x380, s12;
	s4 =	smul.u32 $0x280, s7  }
0xc: {  	[smem:$0x7FF] =	sst s3;
	s10 =	sshrl.u32 s7, $0x3;
	s18 =	smul.u32 $0x64000, s7  }
0xd: {  	s15 =	ssub.s32 s11, s15;
	s7 =	smul.u32 $0xC800, s7;
	s23 =	sadd.s32 s17, s16  }
0xe: {  	s11 =	sshll.u32 s0, $0x6;
	s16 =	sshrl.u32 s16, $0x3;
	s8 =	sadd.s32 s8, s14  }
0xf: {  	v0 =	vimm.f32 $0.0e+00;
	s0 =	simm.s32 $0x8;
	_ =	strace $0x80000047;
	s10 =	smul.u32 $0x6400, s10  }
0x10: {  	vm0 =	vcmask $0x300;
	vm1 =	vcmask $0xF0C;
	v16 =	vimm.f32 $1.000000000e+00;
	s24 =	sshrl.u32 s23, $0x3;
	s16 =	sadd.s32 $0x4000, s16;
	s26 =	sadd.s32 s25, s8  }
0x11: {  	vm2 =	vcmask $0x3B38;
	v17 =	vlaneseq.u32;
	v1 =	vsel vm0, $0x3F800000, v0;
	s9 =	sadd.s32 s4, s5;
	s4 =	sadd.s32 $0x196200, s5;
	s5 =	sadd.s32 $0x1A2600, s5  }
0x12: {  	vm0 =	vcmask $0x704;
	v4 =	vsel vm1, $0x3F800000, v0;
	vm1 =	vcmask $0x1B18;
	s20 =	sshrl.u32 s18, $0x3;
	s7 =	sadd.s32 s14, s7;
	s18 =	simm.s32 $0x9  }
0x13: {  	v18 =	vsel vm2, $0x3F800000, v0;
	v2 =	vsel vm0, $0x3F800000, v0;
	vm0 =	vcmask $0xB08;
	s10 =	sor.u32 s12, s10;
	s9 =	sadd.s32 $0x1200, s9;
	s21 =	sadd.s32 $0x500, s7  }
0x14: {  	v7 =	vsel vm1, $0x3F800000, v0;
	v3 =	vsel vm0, $0x3F800000, v0;
	vm0 =	vcmask $0x1310;
	s12 =	sadd.s32 s13, s24;
	s13 =	sadd.s32 s13, s16;
	[dreg:$0x5] =	wrdreg s9  }
0x15: {  	vm1 =	vcmask $0x2724;
	v5 =	vsel vm0, $0x3F800000, v0;
	vm0 =	vcmask $0x1714;
	s19 =	sshrl.u32 s10, $0x3;
	[dreg:$0x7] =	wrdreg s21;
	s21 =	sadd.s32 $0x16880, s11  }
0x16: {  	v10 =	vsel vm1, $0x3F800000, v0;
	v6 =	vsel vm0, $0x3F800000, v0;
	vm0 =	vcmask $0x1F1C;
	s6 =	sadd.s32 s6, s19;
	s19 =	sadd.s32 s17, s1;
	s17 =	sadd.s32 $0x1400, s26  }
.Ltmp0:
0x17: {  	v8 =	vsel vm0, $0x3F800000, v0;
	vm0 =	vcmask $0x2320;
	v12 =	vmov s21;
	[dreg:$0x6] =	wrdreg s6;
	s6 =	sadd.s32 s14, s20;
	(pc) =	sbr.rel .LBB2_1-.Ltmp0, $4  }
0x18: {  	vm1 =	vcmask $0x3330;
	v9 =	vsel vm0, $0x3F800000, v0;
	vm0 =	vcmask $0x2B28;
	s20 =	sadd.s32 $0x20000, s1;
	s14 =	sadd.s32 s5, s24;
	s5 =	sadd.s32 s5, s16  }
0x19: {  	v14 =	vsel vm1, $0x3F800000, v0;
	v11 =	vsel vm0, $0x3F800000, v0;
	vm0 =	vcmask $0x2F2C;
	s16 =	smax.u32 s15, $0x1;
	s24 =	sshrl.u32 s19, $0x3;
	s15 =	simm.s32 $0x16080  }
0x1a: {  	vm1 =	vcmask $0x3B00;
	v13 =	vsel vm0, $0x3F800000, v0;
	vm0 =	vcmask $0x3734;
	s22 =	sadd.s32 $0xA00, s6;
	s10 =	sadd.s32 $0xF00, s6;
	[dreg:$0x9] =	wrdreg s5  }
0x1b: {  	v16 =	vsel vm1, $0x0, v16;
	v15 =	vsel vm0, $0x3F800000, v0;
	vm0 =	vmmov $0xffff;
	s25 =	sshrl.u32 @!p0 s20, $0x3;
	s20 =	simm.s32 $0x0;
	[dreg:$0x8] =	wrdreg s22  }
.LBB2_13:
0x1c: {  	s20 =	sadd.s32 $0x1, s20  }
0x1d: {  	p1 =	sne.s32 s20, s16  }
.Ltmp1:
0x1e: {  	_ = 	snop;
	(pc) =	sbr.rel @!p1 .LBB2_14-.Ltmp1, $1  }
0x1f: {  	_ =	sdelay $0x3  }
.LBB2_1:
0x20: {  	s5 =	sshrl.u32 @!p0 s1, $0x3;
	s6 =	simm.s32 @!p0 $0x1C09  }
0x21: {  	[spmem:s5], [sflag:s6] =	dma.local @!p0 [hbm:s4], $0x4100  }
0x22: {  	s5 =	simm.s32 @!p0 $0x9  }
0x23: {  	_ =	swait.ge @!p0 [sflag:s5], $0x4100  }
0x24: {  	[sflag:s5] =	ssyncset.done @!p0 $0x0  }
0x25: {  	s8 =	sshrl.u32 @!p0 s2, $0x3;
	[sflag:s5] =	ssyncadd.s32 @!p0 $0xFFFFBF00  }
0x26: {  	[spmem:s8], [sflag:s6] =	dma.local @!p0 [hbm:s4], $0x100  }
0x27: {  	_ =	swait.ge @!p0 [sflag:s5], $0x100  }
0x28: {  	[sflag:s5] =	ssyncset.done @!p0 $0x0  }
0x29: {  	s21 =	simm.s32 $0x14000;
	s19 =	rddreg [dreg:$0x5];
	[sflag:s5] =	ssyncadd.s32 @!p0 $0xFFFFFF00  }
0x2a: {  	[tilespmem:s21], [sflag:$0x9] =	stream.linear.gather [hbm4b:s19+s3], $0x1400, $0x38;
	[tilespmem:$0x19180] =	vst v63  }
0x2b: {  	_ =	swait.ge [sflag:s18], $0x1400  }
0x2c: {  	s23 =	simm.s32 $0x80;
	s26 =	simm.s32 $0x400;
	[sflag:s18] =	ssyncset.done $0x0  }
0x2d: {  	s9 =	simm.s32 $0x15400;
	s22 =	rddreg [dreg:$0x6];
	[sflag:s18] =	ssyncadd.s32 $0xFFFFEC00  }
0x2e: {  	[tilespmem:s9], [sflag:$0x9] =	stream.strided.gather [hbm4b:s22+s23], $0xC80, s26, s23, $0x38;
	[tilespmem:$0x19180] =	vst v63  }
0x2f: {  	_ =	swait.ge [sflag:s18], $0xC80  }
0x30: {  	[sflag:s18] =	ssyncset.done $0x0  }
0x31: {  	[sflag:s18] =	ssyncadd.s32 $0xFFFFF380  }
0x32: {  	[tilespmem:$0x16080] =	vst v0  }
0x33: {  	[tilespmem:$0x16090] =	vst v0  }
0x34: {  	[tilespmem:$0x160A0] =	vst v0  }
0x35: {  	[tilespmem:$0x160B0] =	vst v0  }
0x36: {  	[tilespmem:$0x160C0] =	vst v0  }
0x37: {  	[tilespmem:$0x160D0] =	vst v0  }
0x38: {  	[tilespmem:$0x160E0] =	vst v0  }
0x39: {  	[tilespmem:$0x160F0] =	vst v0  }
0x3a: {  	[tilespmem:$0x16100] =	vst v0  }
0x3b: {  	[tilespmem:$0x16110] =	vst v0  }
0x3c: {  	[tilespmem:$0x16120] =	vst v0  }
0x3d: {  	[tilespmem:$0x16130] =	vst v0  }
0x3e: {  	[tilespmem:$0x16140] =	vst v0  }
0x3f: {  	[tilespmem:$0x16150] =	vst v0  }
0x40: {  	[tilespmem:$0x16160] =	vst v0  }
0x41: {  	[tilespmem:$0x16170] =	vst v0  }
0x42: {  	[tilespmem:$0x16180] =	vst v0  }
0x43: {  	[tilespmem:$0x16190] =	vst v0  }
0x44: {  	[tilespmem:$0x161A0] =	vst v0  }
0x45: {  	[tilespmem:$0x161B0] =	vst v0  }
0x46: {  	[tilespmem:$0x161C0] =	vst v0  }
0x47: {  	[tilespmem:$0x161D0] =	vst v0  }
0x48: {  	[tilespmem:$0x161E0] =	vst v0  }
0x49: {  	[tilespmem:$0x161F0] =	vst v0  }
0x4a: {  	[tilespmem:$0x16200] =	vst v0  }
0x4b: {  	[tilespmem:$0x16210] =	vst v0  }
0x4c: {  	[tilespmem:$0x16220] =	vst v0  }
0x4d: {  	[tilespmem:$0x16230] =	vst v0  }
0x4e: {  	[tilespmem:$0x16240] =	vst v0  }
0x4f: {  	[tilespmem:$0x16250] =	vst v0  }
0x50: {  	[tilespmem:$0x16260] =	vst v0  }
0x51: {  	[tilespmem:$0x16270] =	vst v0  }
0x52: {  	[tilespmem:$0x16280] =	vst v0  }
0x53: {  	[tilespmem:$0x16290] =	vst v0  }
0x54: {  	[tilespmem:$0x162A0] =	vst v0  }
0x55: {  	[tilespmem:$0x162B0] =	vst v0  }
0x56: {  	[tilespmem:$0x162C0] =	vst v0  }
0x57: {  	[tilespmem:$0x162D0] =	vst v0  }
0x58: {  	[tilespmem:$0x162E0] =	vst v0  }
0x59: {  	[tilespmem:$0x162F0] =	vst v0  }
0x5a: {  	[tilespmem:$0x16300] =	vst v0  }
0x5b: {  	[tilespmem:$0x16310] =	vst v0  }
0x5c: {  	[tilespmem:$0x16320] =	vst v0  }
0x5d: {  	[tilespmem:$0x16330] =	vst v0  }
0x5e: {  	[tilespmem:$0x16340] =	vst v0  }
0x5f: {  	[tilespmem:$0x16350] =	vst v0  }
0x60: {  	[tilespmem:$0x16360] =	vst v0  }
0x61: {  	[tilespmem:$0x16370] =	vst v0  }
0x62: {  	[tilespmem:$0x16380] =	vst v0  }
0x63: {  	[tilespmem:$0x16390] =	vst v0  }
0x64: {  	[tilespmem:$0x163A0] =	vst v0  }
0x65: {  	[tilespmem:$0x163B0] =	vst v0  }
0x66: {  	[tilespmem:$0x163C0] =	vst v0  }
0x67: {  	[tilespmem:$0x163D0] =	vst v0  }
0x68: {  	[tilespmem:$0x163E0] =	vst v0  }
0x69: {  	[tilespmem:$0x163F0] =	vst v0  }
0x6a: {  	[tilespmem:$0x16400] =	vst v0  }
0x6b: {  	[tilespmem:$0x16410] =	vst v0  }
0x6c: {  	[tilespmem:$0x16420] =	vst v0  }
0x6d: {  	[tilespmem:$0x16430] =	vst v0  }
0x6e: {  	[tilespmem:$0x16440] =	vst v0  }
0x6f: {  	[tilespmem:$0x16450] =	vst v0  }
0x70: {  	[tilespmem:$0x16460] =	vst v0  }
0x71: {  	[tilespmem:$0x16470] =	vst v0  }
0x72: {  	[tilespmem:$0x16480] =	vst v0  }
0x73: {  	[tilespmem:$0x16490] =	vst v0  }
0x74: {  	[tilespmem:$0x164A0] =	vst v0  }
0x75: {  	[tilespmem:$0x164B0] =	vst v0  }
0x76: {  	[tilespmem:$0x164C0] =	vst v0  }
0x77: {  	[tilespmem:$0x164D0] =	vst v0  }
0x78: {  	[tilespmem:$0x164E0] =	vst v0  }
0x79: {  	[tilespmem:$0x164F0] =	vst v0  }
0x7a: {  	[tilespmem:$0x16500] =	vst v0  }
0x7b: {  	[tilespmem:$0x16510] =	vst v0  }
0x7c: {  	[tilespmem:$0x16520] =	vst v0  }
0x7d: {  	[tilespmem:$0x16530] =	vst v0  }
0x7e: {  	[tilespmem:$0x16540] =	vst v0  }
0x7f: {  	[tilespmem:$0x16550] =	vst v0  }
0x80: {  	[tilespmem:$0x16560] =	vst v0  }
0x81: {  	[tilespmem:$0x16570] =	vst v0  }
0x82: {  	[tilespmem:$0x16580] =	vst v0  }
0x83: {  	[tilespmem:$0x16590] =	vst v0  }
0x84: {  	[tilespmem:$0x165A0] =	vst v0  }
0x85: {  	[tilespmem:$0x165B0] =	vst v0  }
0x86: {  	[tilespmem:$0x165C0] =	vst v0  }
0x87: {  	[tilespmem:$0x165D0] =	vst v0  }
0x88: {  	[tilespmem:$0x165E0] =	vst v0  }
0x89: {  	[tilespmem:$0x165F0] =	vst v0  }
0x8a: {  	[tilespmem:$0x16600] =	vst v0  }
0x8b: {  	[tilespmem:$0x16610] =	vst v0  }
0x8c: {  	[tilespmem:$0x16620] =	vst v0  }
0x8d: {  	[tilespmem:$0x16630] =	vst v0  }
0x8e: {  	[tilespmem:$0x16640] =	vst v0  }
0x8f: {  	[tilespmem:$0x16650] =	vst v0  }
0x90: {  	[tilespmem:$0x16660] =	vst v0  }
0x91: {  	[tilespmem:$0x16670] =	vst v0  }
0x92: {  	[tilespmem:$0x16680] =	vst v0  }
0x93: {  	[tilespmem:$0x16690] =	vst v0  }
0x94: {  	[tilespmem:$0x166A0] =	vst v0  }
0x95: {  	[tilespmem:$0x166B0] =	vst v0  }
0x96: {  	[tilespmem:$0x166C0] =	vst v0  }
0x97: {  	[tilespmem:$0x166D0] =	vst v0  }
0x98: {  	[tilespmem:$0x166E0] =	vst v0  }
0x99: {  	[tilespmem:$0x166F0] =	vst v0  }
0x9a: {  	[tilespmem:$0x16700] =	vst v0  }
0x9b: {  	[tilespmem:$0x16710] =	vst v0  }
0x9c: {  	[tilespmem:$0x16720] =	vst v0  }
0x9d: {  	[tilespmem:$0x16730] =	vst v0  }
0x9e: {  	[tilespmem:$0x16740] =	vst v0  }
0x9f: {  	[tilespmem:$0x16750] =	vst v0  }
0xa0: {  	[tilespmem:$0x16760] =	vst v0  }
0xa1: {  	[tilespmem:$0x16770] =	vst v0  }
0xa2: {  	[tilespmem:$0x16780] =	vst v0  }
0xa3: {  	[tilespmem:$0x16790] =	vst v0  }
0xa4: {  	[tilespmem:$0x167A0] =	vst v0  }
0xa5: {  	[tilespmem:$0x167B0] =	vst v0  }
0xa6: {  	[tilespmem:$0x167C0] =	vst v0  }
0xa7: {  	[tilespmem:$0x167D0] =	vst v0  }
0xa8: {  	[tilespmem:$0x167E0] =	vst v0  }
0xa9: {  	[tilespmem:$0x167F0] =	vst v0  }
0xaa: {  	[tilespmem:$0x16800] =	vst v0  }
0xab: {  	[tilespmem:$0x16810] =	vst v0  }
0xac: {  	[tilespmem:$0x16820] =	vst v0  }
0xad: {  	[tilespmem:$0x16830] =	vst v0  }
0xae: {  	[tilespmem:$0x16840] =	vst v0  }
0xaf: {  	[tilespmem:$0x16850] =	vst v0  }
0xb0: {  	[tilespmem:$0x16860] =	vst v0  }
0xb1: {  	[tilespmem:$0x16870] =	vst v0  }
0xb2: {  	[bflag:$0x0] =	sbarrier.arrive $0xFFFF  }
0xb3: {  	[tilespmem:s3], [sflag:$0x1] =	stream.linear.gather [hbm4b:s7+s3], $0x2800, $0x38;
	[tilespmem:$0x19180] =	vst v63  }
0xb4: {  	s19 =	simm.s32 $0x2800;
	s9 =	rddreg [dreg:$0x7]  }
0xb5: {  	[tilespmem:s19], [sflag:$0x2] =	stream.linear.gather [hbm4b:s9+s3], $0x2800, $0x38;
	[tilespmem:$0x19180] =	vst v63  }
.Ltmp2:
0xb6: {  	s23 =	simm.s32 $0x5000;
	s22 =	rddreg [dreg:$0x8];
	(pc) =	sbr.rel .LBB2_2-.Ltmp2, $4  }
0xb7: {  	[tilespmem:s23], [sflag:$0x3] =	stream.linear.gather [hbm4b:s22+s3], $0x2800, $0x38;
	[tilespmem:$0x19180] =	vst v63  }
0xb8: {  	s26 =	simm.s32 $0x7800  }
0xb9: {  	[tilespmem:s26], [sflag:$0x4] =	stream.linear.gather [hbm4b:s10+s3], $0x2800, $0x38;
	[tilespmem:$0x19180] =	vst v63  }
0xba: {  	s22 =	smov.u32 s17;
	s23 =	simm.s32 $0x0;
	s26 =	simm.s32 $0x0  }
.LBB2_3:
0xbb: {  	[spmem:s1] =	stream.indirect.scatter.add.f32 [tilespmem:s8], [sflag:s19], $0x80, s21, s28, $0xb8;
	[tilespmem:$0x19180] =	vst v63  }
.LBB2_5:
0xbc: {  	s6 =	sadd.s32 $0x4, s23  }
0xbd: {  	s6 =	sand.u32 $0x6, s6  }
0xbe: {  	s6 =	smul.u32 $0xA000, s6;
	_ =	sdelay $0x1  }
0xbf: {  	p1 =	por $0x1, $0x1;
	s6 =	sshrl.u32 s6, $0x2  }
0xc0: {  	[tilespmem:s6], [sflag:s5] =	stream.linear.gather [hbm4b:s22+s3], $0x2800, $0x38;
	[tilespmem:$0x19180] =	vst v63  }
.LBB2_6:
0xc1: {  	s5 =	sadd.s32 $0x1, s23  }
0xc2: {  	s6 =	sand.u32 $0x3, s5  }
0xc3: {  	s8 =	sadd.s32 $0x1, s6  }
0xc4: {  	_ =	swait.ge [sflag:s8], $0x2800  }
0xc5: {  	p2 =	slt.u32 s26, $0x2;
	[sflag:s8] =	ssyncset.done $0x0  }
0xc6: {  	[sflag:s8] =	ssyncadd.s32 $0xFFFFD800;
	s8 =	sadd.s32 @!p2 $0x1, s19  }
0xc7: {  	s5 =	sand.u32 $0x7, s5;
	_ =	swait.ge @!p2 [sflag:s8], $0x2800  }
0xc8: {  	s5 =	smul.u32 $0xA000, s5;
	s19 =	sadd.s32 @p1 $0x5, s23;
	[sflag:s8] =	ssyncset.done @!p2 $0x0  }
0xc9: {  	s9 =	sadd.s32 $0x80, s21;
	[sflag:s8] =	ssyncadd.s32 @!p2 $0xFFFFD800;
	s8 =	sand.u32 @p1 $0x7, s19  }
0xca: {  	s6 =	sadd.s32 $0x5, s6;
	s5 =	sshrl.u32 s5, $0x2;
	s8 =	smul.u32 @p1 $0xA000, s8  }
0xcb: {  	[spmem:s1] =	stream.indirect.scatter.add.f32 [tilespmem:s5], [sflag:s6], $0x80, s9, s28, $0xb8;
	[tilespmem:$0x19180] =	vst v63  }
0xcc: {  	s23 =	sadd.s32 $0x2, s23;
	s6 =	sand.u32 @p1 $0x3, s19;
	s9 =	simm.s32 @p1 $0x0  }
0xcd: {  	s6 =	sadd.s32 @p1 $0x1, s6;
	s5 =	sshrl.u32 @p1 s8, $0x2;
	s8 =	sadd.s32 @p1 $0x500, s22  }
0xce: {  	[tilespmem:s5], [sflag:s6] =	stream.linear.gather @p1 [hbm4b:s8+s9], $0x2800, $0x38;
	[tilespmem:$0x19180] =	vst v63  }
0xcf: {  	p1 =	sne.s32 s23, $0x28  }
.Ltmp3:
0xd0: {  	_ = 	snop;
	(pc) =	sbr.rel @!p1 .LBB2_7-.Ltmp3, $2  }
0xd1: {  	_ =	sdelay $0x2  }
0xd2: {  	s26 =	sadd.s32 $0x1, s26;
	s21 =	sadd.s32 $0x100, s21;
	s22 =	sadd.s32 $0xA00, s22  }
.LBB2_2:
0xd3: {  	p1 =	sgt.u32 s26, $0x1  }
.Ltmp4:
0xd4: {  	s6 =	sand.u32 $0x2, s23;
	(pc) =	sbr.rel @!p1 .LBB2_3-.Ltmp4, $4  }
0xd5: {  	s8 =	sand.u32 $0x6, s23;
	s5 =	sor.u32 $0x1, s6  }
0xd6: {  	s8 =	smul.u32 $0xA000, s8;
	_ =	swait.ge [sflag:s5], $0x2800  }
0xd7: {  	[sflag:s5] =	ssyncset.done $0x0  }
0xd8: {  	s19 =	sadd.s32 $0x5, s6;
	s8 =	sshrl.u32 s8, $0x2;
	[sflag:s5] =	ssyncadd.s32 $0xFFFFD800  }
0xd9: {  	p2 =	sgt.u32 s26, $0x11  }
.Ltmp5:
0xda: {  	s19 =	sadd.s32 $0x5, s6;
	(pc) =	sbr.rel @p2 .LBB2_6-.Ltmp5, $4  }
.Ltmp6:
0xdb: {  	_ =	swait.ge [sflag:s19], $0x2800;
	(pc) =	sbr.rel @!p2 .LBB2_5-.Ltmp6, $4  }
0xdc: {  	[sflag:s19] =	ssyncset.done $0x0  }
0xdd: {  	p1 =	por $0x0, $0x0;
	[sflag:s19] =	ssyncadd.s32 $0xFFFFD800  }
0xde: {  	[spmem:s1] =	stream.indirect.scatter.add.f32 [tilespmem:s8], [sflag:s19], $0x80, s21, s28, $0xb8;
	[tilespmem:$0x19180] =	vst v63  }
0xdf: {  	_ = 	snop  }
.LBB2_7:
0xe0: {  	_ =	swait.ge [sflag:s29], $0x2800  }
0xe1: {  	s5 =	simm.s32 $0x0;
	[sflag:s29] =	ssyncset.done $0x0  }
0xe2: {  	s5 =	smul.u32 $0xCD, s5;
	[sflag:s29] =	ssyncadd.s32 $0xFFFFD800  }
0xe3: {  	_ =	swait.ge [sflag:s30], $0x2800  }
0xe4: {  	s6 =	sshrl.u32 s5, $0xA;
	[sflag:s30] =	ssyncset.done $0x0  }
0xe5: {  	s6 =	sand.u32 $0x3F, s6;
	[sflag:s30] =	ssyncadd.s32 $0xFFFFD800  }
0xe6: {  	s6 =	smul.u32 $0x5, s6;
	_ =	swait.ge [sflag:s31], $0x2800  }
0xe7: {  	[sflag:s31] =	ssyncset.done $0x0  }
0xe8: {  	s8 =	simm.s32 $0x1;
	s6 =	ssub.s32 $0x0, s6;
	[sflag:s31] =	ssyncadd.s32 $0xFFFFD800  }
0xe9: {  	s5 =	sshrl.u32 s5, $0x3;
	s6 =	sand.u32 $0xFF, s6;
	_ =	swait.ge [sflag:s0], $0x2800  }
0xea: {  	s5 =	sand.u32 $0x1F80, s5;
	s6 =	sshll.u32 s6, $0x4;
	[sflag:s0] =	ssyncset.done $0x0  }
0xeb: {  	s8 =	smul.u32 $0xCD, s8;
	s5 =	sor.u32 s6, s5;
	[sflag:s0] =	ssyncadd.s32 $0xFFFFD800  }
0xec: {  	v19 =	vld [tilespmem:s5+$0x14000]  }
0xed: {  	s23 =	sshrl.u32 s8, $0xA  }
0xee: {  	s21 =	simm.s32 $0x15400;
	s5 =	sand.u32 $0x3F, s23  }
0xef: {  	v20 =	vld [tilespmem:s21+$0x0];
	s5 =	smul.u32 $0x5, s5;
	_ =	sdelay $0x1  }
0xf0: {  	s5 =	ssub.s32 $0x1, s5  }
0xf1: {  	s26 =	sshrl.u32 s8, $0x3;
	s5 =	sand.u32 $0xFF, s5  }
0xf2: {  	s22 =	simm.s32 $0x2;
	s6 =	sand.u32 $0x1F80, s26;
	s5 =	sshll.u32 s5, $0x4  }
0xf3: {  	s26 =	simm.s32 $0x3;
	s23 =	smul.u32 $0xCD, s22;
	s5 =	sor.u32 s5, s6;
	[tilespmem:v19+s15+$0x0] =	vst.idx.add.f32.msk $0xffff, v20  }
.LBB2_8:
0xf4: {  	p1 =	sne.s32 s26, $0xC7;
	v19 =	vld [tilespmem:s5+$0x14000]  }
0xf5: {  	s5 =	sshrl.u32 s23, $0xA  }
0xf6: {  	s21 =	sadd.s32 $0x10, s21;
	s5 =	sand.u32 $0x3F, s5  }
0xf7: {  	s5 =	smul.u32 $0x5, s5;
	v20 =	vld [tilespmem:s21+$0x0]  }
.Ltmp7:
0xf8: {  	(pc) =	sbr.rel @p1 .LBB2_8-.Ltmp7, $4  }
0xf9: {  	s5 =	ssub.s32 s22, s5;
	s22 =	smov.u32 s26  }
0xfa: {  	s6 =	sshrl.u32 s23, $0x3;
	s5 =	sand.u32 $0xFF, s5  }
0xfb: {  	s6 =	sand.u32 $0x1F80, s6;
	s5 =	sshll.u32 s5, $0x4  }
0xfc: {  	s26 =	sadd.s32 $0x1, s26;
	s23 =	smul.u32 $0xCD, s22;
	s5 =	sor.u32 s5, s6;
	[tilespmem:v19+s15+$0x0] =	vst.idx.add.f32.msk $0xffff, v20  }
0xfd: {  	v19 =	vld [tilespmem:s5+$0x14000]  }
0xfe: {  	s19 =	sshrl.u32 s23, $0xA  }
0xff: {  	s6 =	sadd.s32 $0x10, s21;
	s5 =	sand.u32 $0x3F, s19  }
0x100: {  	v20 =	vld [tilespmem:s6+$0x0];
	s5 =	smul.u32 $0x5, s5;
	_ =	sdelay $0x1  }
0x101: {  	s5 =	ssub.s32 s22, s5  }
0x102: {  	s8 =	sshrl.u32 s23, $0x3;
	s5 =	sand.u32 $0xFF, s5  }
0x103: {  	s8 =	sand.u32 $0x1F80, s8;
	s5 =	sshll.u32 s5, $0x4  }
0x104: {  	s5 =	sor.u32 s5, s8;
	[tilespmem:v19+s15+$0x0] =	vst.idx.add.f32.msk $0xffff, v20  }
0x105: {  	v19 =	vld [tilespmem:s5+$0x14000];
	_ =	sdelay $0x1  }
0x106: {  	s22 =	sadd.s32 $0x10, s6  }
0x107: {  	v20 =	vld [tilespmem:s22+$0x0];
	_ =	sdelay $0x4  }
0x108: {  	[tilespmem:v19+s15+$0x0] =	vst.idx.add.f32.msk $0xffff, v20  }
0x109: {  	[spmem:s2] =	stream.indirect_vreg.scatter.add.f32 [tilespmem:s15], [sflag:$0x9], $0x80, v17, vm0, $0xb8;
	[tilespmem:$0x19180] =	vst v63  }
0x10a: {  	_ =	swait.ge [sflag:s18], $0x800  }
0x10b: {  	[sflag:s18] =	ssyncset.done $0x0  }
0x10c: {  	[sflag:s18] =	ssyncadd.s32 $0xFFFFF800  }
0x10d: {  	s5 =	sor.u32 $0x1C09, s11;
	[bflag:$0x0] =	sbarrier.arrive $0xFFFF  }
0x10e: {  	[hbm:s12], [sflag:s5] =	dma.local [spmem:s24], $0x400  }
0x10f: {  	_ =	swait.ge [sflag:s18], $0x400  }
0x110: {  	[sflag:s18] =	ssyncset.done $0x0  }
0x111: {  	[sflag:s18] =	ssyncadd.s32 $0xFFFFFC00  }
0x112: {  	[hbm:s13], [sflag:s5] =	dma.local @!p0 [spmem:s25], $0x100  }
0x113: {  	s5 =	simm.s32 @!p0 $0x9  }
0x114: {  	_ =	swait.ge @!p0 [sflag:s5], $0x100  }
0x115: {  	[sflag:s5] =	ssyncset.done @!p0 $0x0  }
0x116: {  	s23 =	simm.s32 $0x16880;
	[sflag:s5] =	ssyncadd.s32 @!p0 $0xFFFFFF00  }
0x117: {  	[tilespmem:s23], [sflag:$0x9] =	stream.linear.gather [spmem:s2], $0x800, $0x38;
	[tilespmem:$0x19180] =	vst v63  }
0x118: {  	_ =	swait.ge [sflag:s18], $0x800  }
0x119: {  	[sflag:s18] =	ssyncset.done $0x0  }
0x11a: {  	s26 =	simm.s32 $0x0;
	[sflag:s18] =	ssyncadd.s32 $0xFFFFF800  }
0x11b: {  	v19 =	vld.idx.msk [tilespmem:v12+s26+$0x0 ss:$0x1], $0xffff;
	_ =	sdelay $0x4  }
0x11c: {  	v20 =	vmul.f32 v1, v19;
	_ =	sdelay $0x1  }
0x11d: {  	(xrf2) =	vadd.scan.msk.f32 $0xffff, v20;
	_ =	sdelay $0x5  }
0x11e: {  	v20 =	vmul.f32 v2, v19;
	_ =	sdelay $0x1  }
0x11f: {  	(xrf2) =	vadd.scan.msk.f32 $0xffff, v20;
	_ =	sdelay $0x1  }
0x120: {  	v20, _, _ =	vpop (xrf2)  }
0x121: {  	v20 =	vbroadcast v20, $0xF  }
0x122: {  	s21 =	simm.s32 $0x400  }
0x123: {  	[tilespmem:s21+$0xFFFFFC00] =	vst v20  }
0x124: {  	v21 =	vmul.f32 v3, v19;
	[tilespmem:s21+$0xFFFFFC10] =	vst v20  }
0x125: {  	[tilespmem:s21+$0xFFFFFC20] =	vst v20  }
0x126: {  	(xrf2) =	vadd.scan.msk.f32 $0xffff, v21;
	[tilespmem:s21+$0xFFFFFC30] =	vst v20  }
0x127: {  	[tilespmem:s21+$0xFFFFFC40] =	vst v20  }
0x128: {  	v51, _, _ =	vpop (xrf2);
	[tilespmem:s21+$0xFFFFFC50] =	vst v20  }
0x129: {  	v21 =	vbroadcast v51, $0xF;
	[tilespmem:s21+$0xFFFFFC60] =	vst v20  }
0x12a: {  	[tilespmem:s21+$0xFFFFFC70] =	vst v20  }
0x12b: {  	[tilespmem:s21+$0xFFFFFC80] =	vst v21  }
0x12c: {  	v20 =	vmul.f32 v4, v19;
	[tilespmem:s21+$0xFFFFFC90] =	vst v21  }
0x12d: {  	[tilespmem:s21+$0xFFFFFCA0] =	vst v21  }
0x12e: {  	(xrf2) =	vadd.scan.msk.f32 $0xffff, v20;
	[tilespmem:s21+$0xFFFFFCB0] =	vst v21  }
0x12f: {  	[tilespmem:s21+$0xFFFFFCC0] =	vst v21  }
0x130: {  	[tilespmem:s21+$0xFFFFFCD0] =	vst v21;
	v20, _, _ =	vpop (xrf2)  }
0x131: {  	[tilespmem:s21+$0xFFFFFCE0] =	vst v21;
	v20 =	vbroadcast v20, $0xF  }
0x132: {  	[tilespmem:s21+$0xFFFFFCF0] =	vst v21  }
0x133: {  	[tilespmem:s21+$0xFFFFFD00] =	vst v20  }
0x134: {  	v52 =	vmul.f32 v5, v19;
	[tilespmem:s21+$0xFFFFFD10] =	vst v20  }
0x135: {  	[tilespmem:s21+$0xFFFFFD20] =	vst v20  }
0x136: {  	(xrf2) =	vadd.scan.msk.f32 $0xffff, v52;
	[tilespmem:s21+$0xFFFFFD30] =	vst v20  }
0x137: {  	[tilespmem:s21+$0xFFFFFD40] =	vst v20  }
0x138: {  	[tilespmem:s21+$0xFFFFFD50] =	vst v20;
	v53, _, _ =	vpop (xrf2)  }
0x139: {  	[tilespmem:s21+$0xFFFFFD60] =	vst v20;
	v21 =	vbroadcast v53, $0xF  }
0x13a: {  	[tilespmem:s21+$0xFFFFFD70] =	vst v20  }
0x13b: {  	[tilespmem:s21+$0xFFFFFD80] =	vst v21  }
0x13c: {  	v20 =	vmul.f32 v6, v19;
	[tilespmem:s21+$0xFFFFFD90] =	vst v21  }
0x13d: {  	[tilespmem:s21+$0xFFFFFDA0] =	vst v21  }
0x13e: {  	(xrf2) =	vadd.scan.msk.f32 $0xffff, v20;
	[tilespmem:s21+$0xFFFFFDB0] =	vst v21  }
0x13f: {  	[tilespmem:s21+$0xFFFFFDC0] =	vst v21  }
0x140: {  	[tilespmem:s21+$0xFFFFFDD0] =	vst v21;
	v20, _, _ =	vpop (xrf2)  }
0x141: {  	[tilespmem:s21+$0xFFFFFDE0] =	vst v21;
	v20 =	vbroadcast v20, $0xF  }
0x142: {  	[tilespmem:s21+$0xFFFFFDF0] =	vst v21  }
0x143: {  	[tilespmem:s21+$0xFFFFFE00] =	vst v20  }
0x144: {  	v54 =	vmul.f32 v7, v19;
	[tilespmem:s21+$0xFFFFFE10] =	vst v20  }
0x145: {  	[tilespmem:s21+$0xFFFFFE20] =	vst v20  }
0x146: {  	(xrf2) =	vadd.scan.msk.f32 $0xffff, v54;
	[tilespmem:s21+$0xFFFFFE30] =	vst v20  }
0x147: {  	[tilespmem:s21+$0xFFFFFE40] =	vst v20  }
0x148: {  	[tilespmem:s21+$0xFFFFFE50] =	vst v20;
	v55, _, _ =	vpop (xrf2)  }
0x149: {  	[tilespmem:s21+$0xFFFFFE60] =	vst v20;
	v21 =	vbroadcast v55, $0xF  }
0x14a: {  	[tilespmem:s21+$0xFFFFFE70] =	vst v20  }
0x14b: {  	[tilespmem:s21+$0xFFFFFE80] =	vst v21  }
0x14c: {  	v20 =	vmul.f32 v8, v19;
	[tilespmem:s21+$0xFFFFFE90] =	vst v21  }
0x14d: {  	[tilespmem:s21+$0xFFFFFEA0] =	vst v21  }
0x14e: {  	(xrf2) =	vadd.scan.msk.f32 $0xffff, v20;
	[tilespmem:s21+$0xFFFFFEB0] =	vst v21  }
0x14f: {  	[tilespmem:s21+$0xFFFFFEC0] =	vst v21  }
0x150: {  	[tilespmem:s21+$0xFFFFFED0] =	vst v21;
	v20, _, _ =	vpop (xrf2)  }
0x151: {  	[tilespmem:s21+$0xFFFFFEE0] =	vst v21;
	v20 =	vbroadcast v20, $0xF  }
0x152: {  	[tilespmem:s21+$0xFFFFFEF0] =	vst v21  }
0x153: {  	[tilespmem:s21+$0xFFFFFF00] =	vst v20  }
0x154: {  	v56 =	vmul.f32 v9, v19;
	[tilespmem:s21+$0xFFFFFF10] =	vst v20  }
0x155: {  	[tilespmem:s21+$0xFFFFFF20] =	vst v20  }
0x156: {  	(xrf2) =	vadd.scan.msk.f32 $0xffff, v56;
	[tilespmem:s21+$0xFFFFFF30] =	vst v20  }
0x157: {  	[tilespmem:s21+$0xFFFFFF40] =	vst v20  }
0x158: {  	[tilespmem:s21+$0xFFFFFF50] =	vst v20;
	v57, _, _ =	vpop (xrf2)  }
0x159: {  	[tilespmem:s21+$0xFFFFFF60] =	vst v20;
	v21 =	vbroadcast v57, $0xF  }
0x15a: {  	[tilespmem:s21+$0xFFFFFF70] =	vst v20  }
0x15b: {  	[tilespmem:s21+$0xFFFFFF80] =	vst v21  }
0x15c: {  	v20 =	vmul.f32 v10, v19;
	[tilespmem:s21+$0xFFFFFF90] =	vst v21  }
0x15d: {  	[tilespmem:s21+$0xFFFFFFA0] =	vst v21  }
0x15e: {  	(xrf2) =	vadd.scan.msk.f32 $0xffff, v20;
	[tilespmem:s21+$0xFFFFFFB0] =	vst v21  }
0x15f: {  	[tilespmem:s21+$0xFFFFFFC0] =	vst v21  }
0x160: {  	[tilespmem:s21+$0xFFFFFFD0] =	vst v21;
	v20, _, _ =	vpop (xrf2)  }
0x161: {  	[tilespmem:s21+$0xFFFFFFE0] =	vst v21;
	v20 =	vbroadcast v20, $0xF  }
0x162: {  	[tilespmem:s21+$0xFFFFFFF0] =	vst v21  }
0x163: {  	[tilespmem:s21+$0x0] =	vst v20  }
0x164: {  	v58 =	vmul.f32 v11, v19;
	[tilespmem:s21+$0x10] =	vst v20  }
0x165: {  	[tilespmem:s21+$0x20] =	vst v20  }
0x166: {  	(xrf2) =	vadd.scan.msk.f32 $0xffff, v58;
	[tilespmem:s21+$0x30] =	vst v20  }
0x167: {  	[tilespmem:s21+$0x40] =	vst v20  }
0x168: {  	[tilespmem:s21+$0x50] =	vst v20;
	v59, _, _ =	vpop (xrf2)  }
0x169: {  	[tilespmem:s21+$0x60] =	vst v20;
	v21 =	vbroadcast v59, $0xF  }
0x16a: {  	[tilespmem:s21+$0x70] =	vst v20  }
0x16b: {  	[tilespmem:s21+$0x80] =	vst v21  }
0x16c: {  	v20 =	vmul.f32 v13, v19;
	[tilespmem:s21+$0x90] =	vst v21  }
0x16d: {  	[tilespmem:s21+$0xA0] =	vst v21  }
0x16e: {  	(xrf2) =	vadd.scan.msk.f32 $0xffff, v20;
	[tilespmem:s21+$0xB0] =	vst v21  }
0x16f: {  	[tilespmem:s21+$0xC0] =	vst v21  }
0x170: {  	[tilespmem:s21+$0xD0] =	vst v21;
	v20, _, _ =	vpop (xrf2)  }
0x171: {  	[tilespmem:s21+$0xE0] =	vst v21;
	v20 =	vbroadcast v20, $0xF  }
0x172: {  	[tilespmem:s21+$0xF0] =	vst v21  }
0x173: {  	[tilespmem:s21+$0x100] =	vst v20  }
0x174: {  	v60 =	vmul.f32 v14, v19;
	[tilespmem:s21+$0x110] =	vst v20  }
0x175: {  	[tilespmem:s21+$0x120] =	vst v20  }
0x176: {  	(xrf2) =	vadd.scan.msk.f32 $0xffff, v60;
	[tilespmem:s21+$0x130] =	vst v20  }
0x177: {  	[tilespmem:s21+$0x140] =	vst v20  }
0x178: {  	[tilespmem:s21+$0x150] =	vst v20;
	v61, _, _ =	vpop (xrf2)  }
0x179: {  	[tilespmem:s21+$0x160] =	vst v20;
	v21 =	vbroadcast v61, $0xF  }
0x17a: {  	[tilespmem:s21+$0x170] =	vst v20  }
0x17b: {  	[tilespmem:s21+$0x180] =	vst v21  }
0x17c: {  	v20 =	vmul.f32 v15, v19;
	[tilespmem:s21+$0x190] =	vst v21  }
0x17d: {  	[tilespmem:s21+$0x1A0] =	vst v21  }
0x17e: {  	(xrf2) =	vadd.scan.msk.f32 $0xffff, v20;
	[tilespmem:s21+$0x1B0] =	vst v21  }
0x17f: {  	[tilespmem:s21+$0x1C0] =	vst v21  }
0x180: {  	[tilespmem:s21+$0x1D0] =	vst v21;
	v20, _, _ =	vpop (xrf2)  }
0x181: {  	[tilespmem:s21+$0x1E0] =	vst v21;
	v20 =	vbroadcast v20, $0xF  }
0x182: {  	[tilespmem:s21+$0x1F0] =	vst v21  }
0x183: {  	[tilespmem:s21+$0x200] =	vst v20  }
0x184: {  	v62 =	vmul.f32 v18, v19;
	[tilespmem:s21+$0x210] =	vst v20  }
0x185: {  	[tilespmem:s21+$0x220] =	vst v20  }
0x186: {  	(xrf2) =	vadd.scan.msk.f32 $0xffff, v62;
	[tilespmem:s21+$0x230] =	vst v20  }
0x187: {  	[tilespmem:s21+$0x240] =	vst v20  }
0x188: {  	[tilespmem:s21+$0x250] =	vst v20;
	v63, _, _ =	vpop (xrf2)  }
0x189: {  	[tilespmem:s21+$0x260] =	vst v20;
	v21 =	vbroadcast v63, $0xF  }
0x18a: {  	[tilespmem:s21+$0x270] =	vst v20  }
0x18b: {  	[tilespmem:s21+$0x280] =	vst v21  }
0x18c: {  	v19 =	vmul.f32 v16, v19;
	[tilespmem:s21+$0x290] =	vst v21  }
0x18d: {  	[tilespmem:s21+$0x2A0] =	vst v21  }
0x18e: {  	(xrf2) =	vadd.scan.msk.f32 $0xffff, v19;
	[tilespmem:s21+$0x2B0] =	vst v21  }
0x18f: {  	[tilespmem:s21+$0x2C0] =	vst v21  }
0x190: {  	[tilespmem:s21+$0x2D0] =	vst v21;
	v19, _, _ =	vpop (xrf2)  }
0x191: {  	[tilespmem:s21+$0x2E0] =	vst v21;
	v19 =	vbroadcast v19, $0xF  }
0x192: {  	[tilespmem:s21+$0x2F0] =	vst v21  }
0x193: {  	[tilespmem:s21+$0x300] =	vst v19  }
0x194: {  	[tilespmem:s21+$0x310] =	vst v19  }
0x195: {  	[tilespmem:s21+$0x320] =	vst v19  }
0x196: {  	[tilespmem:s21+$0x330] =	vst v19  }
0x197: {  	[tilespmem:s21+$0x340] =	vst v19  }
0x198: {  	[tilespmem:s21+$0x350] =	vst v19;
	v20, _, _ =	vpop (xrf2)  }
0x199: {  	[tilespmem:s21+$0x360] =	vst v19;
	v20 =	vbroadcast v20, $0xF  }
0x19a: {  	[tilespmem:s21+$0x370] =	vst v19  }
0x19b: {  	[tilespmem:s21+$0x380] =	vst v20  }
0x19c: {  	[tilespmem:s21+$0x390] =	vst v20  }
0x19d: {  	[tilespmem:s21+$0x3A0] =	vst v20  }
0x19e: {  	[tilespmem:s21+$0x3B0] =	vst v20  }
0x19f: {  	[tilespmem:s21+$0x3C0] =	vst v20  }
0x1a0: {  	[tilespmem:s21+$0x3D0] =	vst v20  }
0x1a1: {  	[tilespmem:s21+$0x3E0] =	vst v20  }
0x1a2: {  	s22 =	simm.s32 $0x80;
	s5 =	simm.s32 $0x10;
	[tilespmem:s21+$0x3F0] =	vst v20  }
.LBB2_10:
0x1a3: {  	p1 =	sne.s32 s22, $0xC0;
	v19 =	vld.idx.msk [tilespmem:v12+s5+$0x0 ss:$0x1], $0xffff;
	_ =	sdelay $0x5  }
0x1a4: {  	v20 =	vmul.f32 v1, v19;
	v21 =	vmul.f32 v2, v19  }
0x1a5: {  	v22 =	vmul.f32 v3, v19;
	v23 =	vmul.f32 v4, v19  }
0x1a6: {  	v24 =	vmul.f32 v5, v19;
	v25 =	vmul.f32 v6, v19;
	(xrf2) =	vadd.scan.msk.f32 $0xffff, v20  }
0x1a7: {  	v26 =	vmul.f32 v8, v19;
	v20 =	vmul.f32 v7, v19  }
0x1a8: {  	v27 =	vmul.f32 v9, v19;
	v28 =	vmul.f32 v10, v19  }
0x1a9: {  	v29 =	vmul.f32 v11, v19;
	v30 =	vmul.f32 v13, v19;
	(xrf2) =	vadd.scan.msk.f32 $0xffff, v21  }
0x1aa: {  	v31 =	vmul.f32 v15, v19;
	v21 =	vmul.f32 v14, v19  }
0x1ab: {  	v32 =	vmul.f32 v18, v19;
	v19 =	vmul.f32 v16, v19  }
0x1ac: {  	(xrf2) =	vadd.scan.msk.f32 $0xffff, v22;
	_ =	sdelay $0x2  }
0x1ad: {  	(xrf2) =	vadd.scan.msk.f32 $0xffff, v23  }
0x1ae: {  	v22, _, _ =	vpop (xrf2)  }
0x1af: {  	v22 =	vbroadcast v22, $0xF  }
0x1b0: {  	s21 =	sadd.s32 $0x800, s21;
	(xrf2) =	vadd.scan.msk.f32 $0xffff, v24  }
0x1b1: {  	[tilespmem:s21+$0xFFFFFC00] =	vst v22;
	v23, _, _ =	vpop (xrf2)  }
0x1b2: {  	[tilespmem:s21+$0xFFFFFC10] =	vst v22;
	v23 =	vbroadcast v23, $0xF  }
0x1b3: {  	[tilespmem:s21+$0xFFFFFC20] =	vst v22;
	(xrf2) =	vadd.scan.msk.f32 $0xffff, v25  }
0x1b4: {  	[tilespmem:s21+$0xFFFFFC30] =	vst v22;
	v24, _, _ =	vpop (xrf2)  }
0x1b5: {  	[tilespmem:s21+$0xFFFFFC40] =	vst v22;
	v24 =	vbroadcast v24, $0xF  }
0x1b6: {  	[tilespmem:s21+$0xFFFFFC50] =	vst v22;
	(xrf2) =	vadd.scan.msk.f32 $0xffff, v20  }
0x1b7: {  	[tilespmem:s21+$0xFFFFFC60] =	vst v22;
	v20, _, _ =	vpop (xrf2)  }
0x1b8: {  	[tilespmem:s21+$0xFFFFFC70] =	vst v22;
	v20 =	vbroadcast v20, $0xF  }
0x1b9: {  	[tilespmem:s21+$0xFFFFFC80] =	vst v23;
	(xrf2) =	vadd.scan.msk.f32 $0xffff, v26  }
0x1ba: {  	[tilespmem:s21+$0xFFFFFC90] =	vst v23;
	v22, _, _ =	vpop (xrf2)  }
0x1bb: {  	[tilespmem:s21+$0xFFFFFCA0] =	vst v23;
	v25 =	vbroadcast v22, $0xF  }
0x1bc: {  	[tilespmem:s21+$0xFFFFFCB0] =	vst v23;
	(xrf2) =	vadd.scan.msk.f32 $0xffff, v27  }
0x1bd: {  	[tilespmem:s21+$0xFFFFFCC0] =	vst v23;
	v22, _, _ =	vpop (xrf2)  }
0x1be: {  	[tilespmem:s21+$0xFFFFFCD0] =	vst v23;
	v26 =	vbroadcast v22, $0xF  }
0x1bf: {  	[tilespmem:s21+$0xFFFFFCE0] =	vst v23;
	(xrf2) =	vadd.scan.msk.f32 $0xffff, v28  }
0x1c0: {  	[tilespmem:s21+$0xFFFFFCF0] =	vst v23;
	v22, _, _ =	vpop (xrf2)  }
0x1c1: {  	[tilespmem:s21+$0xFFFFFD00] =	vst v24;
	v27 =	vbroadcast v22, $0xF  }
0x1c2: {  	[tilespmem:s21+$0xFFFFFD10] =	vst v24;
	(xrf2) =	vadd.scan.msk.f32 $0xffff, v29  }
0x1c3: {  	[tilespmem:s21+$0xFFFFFD20] =	vst v24;
	v22, _, _ =	vpop (xrf2)  }
0x1c4: {  	[tilespmem:s21+$0xFFFFFD30] =	vst v24;
	v28 =	vbroadcast v22, $0xF  }
0x1c5: {  	[tilespmem:s21+$0xFFFFFD40] =	vst v24;
	(xrf2) =	vadd.scan.msk.f32 $0xffff, v30  }
0x1c6: {  	[tilespmem:s21+$0xFFFFFD50] =	vst v24;
	v22, _, _ =	vpop (xrf2)  }
0x1c7: {  	[tilespmem:s21+$0xFFFFFD60] =	vst v24;
	v29 =	vbroadcast v22, $0xF  }
0x1c8: {  	[tilespmem:s21+$0xFFFFFD70] =	vst v24;
	(xrf2) =	vadd.scan.msk.f32 $0xffff, v21  }
0x1c9: {  	[tilespmem:s21+$0xFFFFFD80] =	vst v20;
	v21, _, _ =	vpop (xrf2)  }
0x1ca: {  	[tilespmem:s21+$0xFFFFFD90] =	vst v20;
	v30 =	vbroadcast v21, $0xF  }
0x1cb: {  	[tilespmem:s21+$0xFFFFFDA0] =	vst v20;
	(xrf2) =	vadd.scan.msk.f32 $0xffff, v31  }
0x1cc: {  	[tilespmem:s21+$0xFFFFFDB0] =	vst v20;
	v21, _, _ =	vpop (xrf2)  }
0x1cd: {  	[tilespmem:s21+$0xFFFFFDC0] =	vst v20;
	v24 =	vbroadcast v21, $0xF  }
0x1ce: {  	[tilespmem:s21+$0xFFFFFDD0] =	vst v20;
	(xrf2) =	vadd.scan.msk.f32 $0xffff, v32  }
0x1cf: {  	[tilespmem:s21+$0xFFFFFDE0] =	vst v20;
	v21, _, _ =	vpop (xrf2)  }
0x1d0: {  	[tilespmem:s21+$0xFFFFFDF0] =	vst v20;
	v23 =	vbroadcast v21, $0xF  }
0x1d1: {  	[tilespmem:s21+$0xFFFFFE00] =	vst v25;
	(xrf2) =	vadd.scan.msk.f32 $0xffff, v19  }
0x1d2: {  	[tilespmem:s21+$0xFFFFFE10] =	vst v25;
	v19, _, _ =	vpop (xrf2)  }
0x1d3: {  	[tilespmem:s21+$0xFFFFFE20] =	vst v25;
	v22 =	vbroadcast v19, $0xF  }
0x1d4: {  	[tilespmem:s21+$0xFFFFFE30] =	vst v25  }
0x1d5: {  	[tilespmem:s21+$0xFFFFFE40] =	vst v25;
	v19, _, _ =	vpop (xrf2)  }
0x1d6: {  	[tilespmem:s21+$0xFFFFFE50] =	vst v25;
	v21 =	vbroadcast v19, $0xF  }
0x1d7: {  	[tilespmem:s21+$0xFFFFFE60] =	vst v25  }
0x1d8: {  	[tilespmem:s21+$0xFFFFFE70] =	vst v25;
	v19, _, _ =	vpop (xrf2)  }
0x1d9: {  	[tilespmem:s21+$0xFFFFFE80] =	vst v26;
	v20 =	vbroadcast v19, $0xF  }
0x1da: {  	[tilespmem:s21+$0xFFFFFE90] =	vst v26  }
0x1db: {  	[tilespmem:s21+$0xFFFFFEA0] =	vst v26;
	v19, _, _ =	vpop (xrf2)  }
0x1dc: {  	[tilespmem:s21+$0xFFFFFEB0] =	vst v26;
	v19 =	vbroadcast v19, $0xF  }
0x1dd: {  	[tilespmem:s21+$0xFFFFFEC0] =	vst v26  }
0x1de: {  	[tilespmem:s21+$0xFFFFFED0] =	vst v26  }
0x1df: {  	[tilespmem:s21+$0xFFFFFEE0] =	vst v26  }
0x1e0: {  	[tilespmem:s21+$0xFFFFFEF0] =	vst v26  }
0x1e1: {  	[tilespmem:s21+$0xFFFFFF00] =	vst v27  }
0x1e2: {  	[tilespmem:s21+$0xFFFFFF10] =	vst v27  }
0x1e3: {  	[tilespmem:s21+$0xFFFFFF20] =	vst v27  }
0x1e4: {  	[tilespmem:s21+$0xFFFFFF30] =	vst v27  }
0x1e5: {  	[tilespmem:s21+$0xFFFFFF40] =	vst v27  }
0x1e6: {  	[tilespmem:s21+$0xFFFFFF50] =	vst v27  }
0x1e7: {  	[tilespmem:s21+$0xFFFFFF60] =	vst v27  }
0x1e8: {  	[tilespmem:s21+$0xFFFFFF70] =	vst v27  }
0x1e9: {  	[tilespmem:s21+$0xFFFFFF80] =	vst v28  }
0x1ea: {  	[tilespmem:s21+$0xFFFFFF90] =	vst v28  }
0x1eb: {  	[tilespmem:s21+$0xFFFFFFA0] =	vst v28  }
0x1ec: {  	[tilespmem:s21+$0xFFFFFFB0] =	vst v28  }
0x1ed: {  	[tilespmem:s21+$0xFFFFFFC0] =	vst v28  }
0x1ee: {  	[tilespmem:s21+$0xFFFFFFD0] =	vst v28  }
0x1ef: {  	[tilespmem:s21+$0xFFFFFFE0] =	vst v28  }
0x1f0: {  	[tilespmem:s21+$0xFFFFFFF0] =	vst v28  }
0x1f1: {  	[tilespmem:s21+$0x0] =	vst v29  }
0x1f2: {  	[tilespmem:s21+$0x10] =	vst v29  }
0x1f3: {  	[tilespmem:s21+$0x20] =	vst v29  }
0x1f4: {  	[tilespmem:s21+$0x30] =	vst v29  }
0x1f5: {  	[tilespmem:s21+$0x40] =	vst v29  }
0x1f6: {  	[tilespmem:s21+$0x50] =	vst v29  }
0x1f7: {  	[tilespmem:s21+$0x60] =	vst v29  }
0x1f8: {  	[tilespmem:s21+$0x70] =	vst v29  }
0x1f9: {  	[tilespmem:s21+$0x80] =	vst v30  }
0x1fa: {  	[tilespmem:s21+$0x90] =	vst v30  }
0x1fb: {  	[tilespmem:s21+$0xA0] =	vst v30  }
0x1fc: {  	[tilespmem:s21+$0xB0] =	vst v30  }
0x1fd: {  	[tilespmem:s21+$0xC0] =	vst v30  }
0x1fe: {  	[tilespmem:s21+$0xD0] =	vst v30  }
0x1ff: {  	[tilespmem:s21+$0xE0] =	vst v30  }
0x200: {  	[tilespmem:s21+$0xF0] =	vst v30  }
0x201: {  	[tilespmem:s21+$0x100] =	vst v24  }
0x202: {  	[tilespmem:s21+$0x110] =	vst v24  }
0x203: {  	[tilespmem:s21+$0x120] =	vst v24  }
0x204: {  	[tilespmem:s21+$0x130] =	vst v24  }
0x205: {  	[tilespmem:s21+$0x140] =	vst v24  }
0x206: {  	[tilespmem:s21+$0x150] =	vst v24  }
0x207: {  	[tilespmem:s21+$0x160] =	vst v24  }
0x208: {  	[tilespmem:s21+$0x170] =	vst v24  }
0x209: {  	[tilespmem:s21+$0x180] =	vst v23  }
0x20a: {  	[tilespmem:s21+$0x190] =	vst v23  }
0x20b: {  	[tilespmem:s21+$0x1A0] =	vst v23  }
0x20c: {  	[tilespmem:s21+$0x1B0] =	vst v23  }
0x20d: {  	[tilespmem:s21+$0x1C0] =	vst v23  }
0x20e: {  	[tilespmem:s21+$0x1D0] =	vst v23  }
0x20f: {  	[tilespmem:s21+$0x1E0] =	vst v23  }
0x210: {  	[tilespmem:s21+$0x1F0] =	vst v23  }
0x211: {  	[tilespmem:s21+$0x200] =	vst v22  }
0x212: {  	[tilespmem:s21+$0x210] =	vst v22  }
0x213: {  	[tilespmem:s21+$0x220] =	vst v22  }
0x214: {  	[tilespmem:s21+$0x230] =	vst v22  }
0x215: {  	[tilespmem:s21+$0x240] =	vst v22  }
0x216: {  	[tilespmem:s21+$0x250] =	vst v22  }
0x217: {  	[tilespmem:s21+$0x260] =	vst v22  }
0x218: {  	[tilespmem:s21+$0x270] =	vst v22  }
0x219: {  	[tilespmem:s21+$0x280] =	vst v21  }
0x21a: {  	[tilespmem:s21+$0x290] =	vst v21  }
0x21b: {  	[tilespmem:s21+$0x2A0] =	vst v21  }
0x21c: {  	[tilespmem:s21+$0x2B0] =	vst v21  }
0x21d: {  	[tilespmem:s21+$0x2C0] =	vst v21  }
0x21e: {  	[tilespmem:s21+$0x2D0] =	vst v21  }
0x21f: {  	[tilespmem:s21+$0x2E0] =	vst v21  }
0x220: {  	[tilespmem:s21+$0x2F0] =	vst v21  }
0x221: {  	[tilespmem:s21+$0x300] =	vst v20  }
0x222: {  	[tilespmem:s21+$0x310] =	vst v20  }
0x223: {  	[tilespmem:s21+$0x320] =	vst v20  }
0x224: {  	[tilespmem:s21+$0x330] =	vst v20  }
0x225: {  	[tilespmem:s21+$0x340] =	vst v20  }
0x226: {  	[tilespmem:s21+$0x350] =	vst v20  }
0x227: {  	[tilespmem:s21+$0x360] =	vst v20  }
0x228: {  	[tilespmem:s21+$0x370] =	vst v20  }
0x229: {  	[tilespmem:s21+$0x380] =	vst v19  }
0x22a: {  	[tilespmem:s21+$0x390] =	vst v19  }
0x22b: {  	[tilespmem:s21+$0x3A0] =	vst v19  }
.Ltmp8:
0x22c: {  	[tilespmem:s21+$0x3B0] =	vst v19;
	(pc) =	sbr.rel @p1 .LBB2_10-.Ltmp8, $4  }
0x22d: {  	[tilespmem:s21+$0x3C0] =	vst v19  }
0x22e: {  	[tilespmem:s21+$0x3D0] =	vst v19  }
0x22f: {  	[tilespmem:s21+$0x3E0] =	vst v19  }
0x230: {  	s5 =	sshra.s32 s22, $0x2;
	s22 =	sadd.s32 $0x40, s22;
	[tilespmem:s21+$0x3F0] =	vst v19  }
0x231: {  	_ =	sdelay $0x3  }
0x232: {  	v19 =	vld.idx.msk [tilespmem:v12+s5+$0x0 ss:$0x1], $0xffff;
	_ =	sdelay $0x4  }
0x233: {  	v20 =	vmul.f32 v1, v19;
	_ =	sdelay $0x1  }
0x234: {  	(xrf2) =	vadd.scan.msk.f32 $0xffff, v20;
	_ =	sdelay $0x5  }
0x235: {  	v20 =	vmul.f32 v2, v19;
	_ =	sdelay $0x1  }
0x236: {  	(xrf2) =	vadd.scan.msk.f32 $0xffff, v20;
	_ =	sdelay $0x1  }
0x237: {  	v20, _, _ =	vpop (xrf2)  }
0x238: {  	v20 =	vbroadcast v20, $0xF  }
0x239: {  	s21 =	sadd.s32 $0x800, s21  }
0x23a: {  	[tilespmem:s21+$0xFFFFFC00] =	vst v20  }
0x23b: {  	v21 =	vmul.f32 v3, v19;
	[tilespmem:s21+$0xFFFFFC10] =	vst v20  }
0x23c: {  	[tilespmem:s21+$0xFFFFFC20] =	vst v20  }
0x23d: {  	(xrf2) =	vadd.scan.msk.f32 $0xffff, v21;
	[tilespmem:s21+$0xFFFFFC30] =	vst v20  }
0x23e: {  	[tilespmem:s21+$0xFFFFFC40] =	vst v20  }
0x23f: {  	v51, _, _ =	vpop (xrf2);
	[tilespmem:s21+$0xFFFFFC50] =	vst v20  }
0x240: {  	v21 =	vbroadcast v51, $0xF;
	[tilespmem:s21+$0xFFFFFC60] =	vst v20  }
0x241: {  	[tilespmem:s21+$0xFFFFFC70] =	vst v20  }
0x242: {  	[tilespmem:s21+$0xFFFFFC80] =	vst v21  }
0x243: {  	v20 =	vmul.f32 v4, v19;
	[tilespmem:s21+$0xFFFFFC90] =	vst v21  }
0x244: {  	[tilespmem:s21+$0xFFFFFCA0] =	vst v21  }
0x245: {  	(xrf2) =	vadd.scan.msk.f32 $0xffff, v20;
	[tilespmem:s21+$0xFFFFFCB0] =	vst v21  }
0x246: {  	[tilespmem:s21+$0xFFFFFCC0] =	vst v21  }
0x247: {  	[tilespmem:s21+$0xFFFFFCD0] =	vst v21;
	v20, _, _ =	vpop (xrf2)  }
0x248: {  	[tilespmem:s21+$0xFFFFFCE0] =	vst v21;
	v20 =	vbroadcast v20, $0xF  }
0x249: {  	[tilespmem:s21+$0xFFFFFCF0] =	vst v21  }
0x24a: {  	[tilespmem:s21+$0xFFFFFD00] =	vst v20  }
0x24b: {  	v52 =	vmul.f32 v5, v19;
	[tilespmem:s21+$0xFFFFFD10] =	vst v20  }
0x24c: {  	[tilespmem:s21+$0xFFFFFD20] =	vst v20  }
0x24d: {  	(xrf2) =	vadd.scan.msk.f32 $0xffff, v52;
	[tilespmem:s21+$0xFFFFFD30] =	vst v20  }
0x24e: {  	[tilespmem:s21+$0xFFFFFD40] =	vst v20  }
0x24f: {  	[tilespmem:s21+$0xFFFFFD50] =	vst v20;
	v53, _, _ =	vpop (xrf2)  }
0x250: {  	[tilespmem:s21+$0xFFFFFD60] =	vst v20;
	v21 =	vbroadcast v53, $0xF  }
0x251: {  	[tilespmem:s21+$0xFFFFFD70] =	vst v20  }
0x252: {  	[tilespmem:s21+$0xFFFFFD80] =	vst v21  }
0x253: {  	v20 =	vmul.f32 v6, v19;
	[tilespmem:s21+$0xFFFFFD90] =	vst v21  }
0x254: {  	[tilespmem:s21+$0xFFFFFDA0] =	vst v21  }
0x255: {  	(xrf2) =	vadd.scan.msk.f32 $0xffff, v20;
	[tilespmem:s21+$0xFFFFFDB0] =	vst v21  }
0x256: {  	[tilespmem:s21+$0xFFFFFDC0] =	vst v21  }
0x257: {  	[tilespmem:s21+$0xFFFFFDD0] =	vst v21;
	v20, _, _ =	vpop (xrf2)  }
0x258: {  	[tilespmem:s21+$0xFFFFFDE0] =	vst v21;
	v20 =	vbroadcast v20, $0xF  }
0x259: {  	[tilespmem:s21+$0xFFFFFDF0] =	vst v21  }
0x25a: {  	[tilespmem:s21+$0xFFFFFE00] =	vst v20  }
0x25b: {  	v54 =	vmul.f32 v7, v19;
	[tilespmem:s21+$0xFFFFFE10] =	vst v20  }
0x25c: {  	[tilespmem:s21+$0xFFFFFE20] =	vst v20  }
0x25d: {  	(xrf2) =	vadd.scan.msk.f32 $0xffff, v54;
	[tilespmem:s21+$0xFFFFFE30] =	vst v20  }
0x25e: {  	[tilespmem:s21+$0xFFFFFE40] =	vst v20  }
0x25f: {  	[tilespmem:s21+$0xFFFFFE50] =	vst v20;
	v55, _, _ =	vpop (xrf2)  }
0x260: {  	[tilespmem:s21+$0xFFFFFE60] =	vst v20;
	v21 =	vbroadcast v55, $0xF  }
0x261: {  	[tilespmem:s21+$0xFFFFFE70] =	vst v20  }
0x262: {  	[tilespmem:s21+$0xFFFFFE80] =	vst v21  }
0x263: {  	v20 =	vmul.f32 v8, v19;
	[tilespmem:s21+$0xFFFFFE90] =	vst v21  }
0x264: {  	[tilespmem:s21+$0xFFFFFEA0] =	vst v21  }
0x265: {  	(xrf2) =	vadd.scan.msk.f32 $0xffff, v20;
	[tilespmem:s21+$0xFFFFFEB0] =	vst v21  }
0x266: {  	[tilespmem:s21+$0xFFFFFEC0] =	vst v21  }
0x267: {  	[tilespmem:s21+$0xFFFFFED0] =	vst v21;
	v20, _, _ =	vpop (xrf2)  }
0x268: {  	[tilespmem:s21+$0xFFFFFEE0] =	vst v21;
	v20 =	vbroadcast v20, $0xF  }
0x269: {  	[tilespmem:s21+$0xFFFFFEF0] =	vst v21  }
0x26a: {  	[tilespmem:s21+$0xFFFFFF00] =	vst v20  }
0x26b: {  	v56 =	vmul.f32 v9, v19;
	[tilespmem:s21+$0xFFFFFF10] =	vst v20  }
0x26c: {  	[tilespmem:s21+$0xFFFFFF20] =	vst v20  }
0x26d: {  	(xrf2) =	vadd.scan.msk.f32 $0xffff, v56;
	[tilespmem:s21+$0xFFFFFF30] =	vst v20  }
0x26e: {  	[tilespmem:s21+$0xFFFFFF40] =	vst v20  }
0x26f: {  	[tilespmem:s21+$0xFFFFFF50] =	vst v20;
	v57, _, _ =	vpop (xrf2)  }
0x270: {  	[tilespmem:s21+$0xFFFFFF60] =	vst v20;
	v21 =	vbroadcast v57, $0xF  }
0x271: {  	[tilespmem:s21+$0xFFFFFF70] =	vst v20  }
0x272: {  	[tilespmem:s21+$0xFFFFFF80] =	vst v21  }
0x273: {  	v20 =	vmul.f32 v10, v19;
	[tilespmem:s21+$0xFFFFFF90] =	vst v21  }
0x274: {  	[tilespmem:s21+$0xFFFFFFA0] =	vst v21  }
0x275: {  	(xrf2) =	vadd.scan.msk.f32 $0xffff, v20;
	[tilespmem:s21+$0xFFFFFFB0] =	vst v21  }
0x276: {  	[tilespmem:s21+$0xFFFFFFC0] =	vst v21  }
0x277: {  	[tilespmem:s21+$0xFFFFFFD0] =	vst v21;
	v20, _, _ =	vpop (xrf2)  }
0x278: {  	[tilespmem:s21+$0xFFFFFFE0] =	vst v21;
	v20 =	vbroadcast v20, $0xF  }
0x279: {  	[tilespmem:s21+$0xFFFFFFF0] =	vst v21  }
0x27a: {  	[tilespmem:s21+$0x0] =	vst v20  }
0x27b: {  	v58 =	vmul.f32 v11, v19;
	[tilespmem:s21+$0x10] =	vst v20  }
0x27c: {  	[tilespmem:s21+$0x20] =	vst v20  }
0x27d: {  	(xrf2) =	vadd.scan.msk.f32 $0xffff, v58;
	[tilespmem:s21+$0x30] =	vst v20  }
0x27e: {  	[tilespmem:s21+$0x40] =	vst v20  }
0x27f: {  	[tilespmem:s21+$0x50] =	vst v20;
	v59, _, _ =	vpop (xrf2)  }
0x280: {  	[tilespmem:s21+$0x60] =	vst v20;
	v21 =	vbroadcast v59, $0xF  }
0x281: {  	[tilespmem:s21+$0x70] =	vst v20  }
0x282: {  	[tilespmem:s21+$0x80] =	vst v21  }
0x283: {  	v20 =	vmul.f32 v13, v19;
	[tilespmem:s21+$0x90] =	vst v21  }
0x284: {  	[tilespmem:s21+$0xA0] =	vst v21  }
0x285: {  	(xrf2) =	vadd.scan.msk.f32 $0xffff, v20;
	[tilespmem:s21+$0xB0] =	vst v21  }
0x286: {  	[tilespmem:s21+$0xC0] =	vst v21  }
0x287: {  	[tilespmem:s21+$0xD0] =	vst v21;
	v20, _, _ =	vpop (xrf2)  }
0x288: {  	[tilespmem:s21+$0xE0] =	vst v21;
	v20 =	vbroadcast v20, $0xF  }
0x289: {  	[tilespmem:s21+$0xF0] =	vst v21  }
0x28a: {  	[tilespmem:s21+$0x100] =	vst v20  }
0x28b: {  	v60 =	vmul.f32 v14, v19;
	[tilespmem:s21+$0x110] =	vst v20  }
0x28c: {  	[tilespmem:s21+$0x120] =	vst v20  }
0x28d: {  	(xrf2) =	vadd.scan.msk.f32 $0xffff, v60;
	[tilespmem:s21+$0x130] =	vst v20  }
0x28e: {  	[tilespmem:s21+$0x140] =	vst v20  }
0x28f: {  	[tilespmem:s21+$0x150] =	vst v20;
	v61, _, _ =	vpop (xrf2)  }
0x290: {  	[tilespmem:s21+$0x160] =	vst v20;
	v21 =	vbroadcast v61, $0xF  }
0x291: {  	[tilespmem:s21+$0x170] =	vst v20  }
0x292: {  	[tilespmem:s21+$0x180] =	vst v21  }
0x293: {  	v20 =	vmul.f32 v15, v19;
	[tilespmem:s21+$0x190] =	vst v21  }
0x294: {  	[tilespmem:s21+$0x1A0] =	vst v21  }
0x295: {  	(xrf2) =	vadd.scan.msk.f32 $0xffff, v20;
	[tilespmem:s21+$0x1B0] =	vst v21  }
0x296: {  	[tilespmem:s21+$0x1C0] =	vst v21  }
0x297: {  	[tilespmem:s21+$0x1D0] =	vst v21;
	v20, _, _ =	vpop (xrf2)  }
0x298: {  	[tilespmem:s21+$0x1E0] =	vst v21;
	v20 =	vbroadcast v20, $0xF  }
0x299: {  	[tilespmem:s21+$0x1F0] =	vst v21  }
0x29a: {  	[tilespmem:s21+$0x200] =	vst v20  }
0x29b: {  	v62 =	vmul.f32 v18, v19;
	[tilespmem:s21+$0x210] =	vst v20  }
0x29c: {  	[tilespmem:s21+$0x220] =	vst v20  }
0x29d: {  	(xrf2) =	vadd.scan.msk.f32 $0xffff, v62;
	[tilespmem:s21+$0x230] =	vst v20  }
0x29e: {  	[tilespmem:s21+$0x240] =	vst v20  }
0x29f: {  	[tilespmem:s21+$0x250] =	vst v20;
	v63, _, _ =	vpop (xrf2)  }
0x2a0: {  	[tilespmem:s21+$0x260] =	vst v20;
	v21 =	vbroadcast v63, $0xF  }
0x2a1: {  	[tilespmem:s21+$0x270] =	vst v20  }
0x2a2: {  	[tilespmem:s21+$0x280] =	vst v21  }
0x2a3: {  	v19 =	vmul.f32 v16, v19;
	[tilespmem:s21+$0x290] =	vst v21  }
0x2a4: {  	[tilespmem:s21+$0x2A0] =	vst v21  }
0x2a5: {  	(xrf2) =	vadd.scan.msk.f32 $0xffff, v19;
	[tilespmem:s21+$0x2B0] =	vst v21  }
0x2a6: {  	[tilespmem:s21+$0x2C0] =	vst v21  }
0x2a7: {  	[tilespmem:s21+$0x2D0] =	vst v21;
	v19, _, _ =	vpop (xrf2)  }
0x2a8: {  	[tilespmem:s21+$0x2E0] =	vst v21;
	v19 =	vbroadcast v19, $0xF  }
0x2a9: {  	[tilespmem:s21+$0x2F0] =	vst v21  }
0x2aa: {  	[tilespmem:s21+$0x300] =	vst v19  }
0x2ab: {  	[tilespmem:s21+$0x310] =	vst v19  }
0x2ac: {  	[tilespmem:s21+$0x320] =	vst v19  }
0x2ad: {  	[tilespmem:s21+$0x330] =	vst v19  }
0x2ae: {  	[tilespmem:s21+$0x340] =	vst v19  }
0x2af: {  	[tilespmem:s21+$0x350] =	vst v19;
	v20, _, _ =	vpop (xrf2)  }
0x2b0: {  	[tilespmem:s21+$0x360] =	vst v19;
	v20 =	vbroadcast v20, $0xF  }
0x2b1: {  	[tilespmem:s21+$0x370] =	vst v19  }
0x2b2: {  	[tilespmem:s21+$0x380] =	vst v20  }
0x2b3: {  	[tilespmem:s21+$0x390] =	vst v20  }
0x2b4: {  	[tilespmem:s21+$0x3A0] =	vst v20  }
0x2b5: {  	[tilespmem:s21+$0x3B0] =	vst v20  }
0x2b6: {  	[tilespmem:s21+$0x3C0] =	vst v20  }
0x2b7: {  	[tilespmem:s21+$0x3D0] =	vst v20  }
0x2b8: {  	[tilespmem:s21+$0x3E0] =	vst v20  }
.Ltmp9:
0x2b9: {  	[tilespmem:s21+$0x3F0] =	vst v20;
	(pc) =	sbr.rel @p0 .LBB2_13-.Ltmp9, $4  }
0x2ba: {  	[hbm4b:s14+s3] =	stream.linear.scatter [tilespmem:s3], [sflag:$0x9], $0x2000, $0x38;
	[tilespmem:$0x19180] =	vst v63  }
0x2bb: {  	_ =	swait.ge [sflag:s18], $0x2000  }
0x2bc: {  	[sflag:s18] =	ssyncset.done $0x0  }
0x2bd: {  	[sflag:s18] =	ssyncadd.s32 $0xFFFFE000  }
0x2be: {  	v19 =	vld [tilespmem:$0x16C80];
	_ =	sdelay $0x4  }
0x2bf: {  	v20 =	vmul.f32 v1, v19;
	_ =	sdelay $0x1  }
0x2c0: {  	(xrf2) =	vadd.scan.msk.f32 $0xffff, v20;
	_ =	sdelay $0x5  }
0x2c1: {  	v20 =	vmul.f32 v2, v19;
	_ =	sdelay $0x1  }
0x2c2: {  	(xrf2) =	vadd.scan.msk.f32 $0xffff, v20;
	_ =	sdelay $0x1  }
0x2c3: {  	v20, _, _ =	vpop (xrf2)  }
0x2c4: {  	v20 =	vbroadcast v20, $0xF;
	_ =	sdelay $0x1  }
0x2c5: {  	[tilespmem:$0x0] =	vst v20  }
0x2c6: {  	v21 =	vmul.f32 v3, v19;
	[tilespmem:$0x10] =	vst v20  }
0x2c7: {  	[tilespmem:$0x20] =	vst v20  }
0x2c8: {  	(xrf2) =	vadd.scan.msk.f32 $0xffff, v21;
	[tilespmem:$0x30] =	vst v20  }
0x2c9: {  	[tilespmem:$0x40] =	vst v20  }
0x2ca: {  	v51, _, _ =	vpop (xrf2);
	[tilespmem:$0x50] =	vst v20  }
0x2cb: {  	[tilespmem:$0x60] =	vst v20;
	v21 =	vbroadcast v51, $0xF  }
0x2cc: {  	[tilespmem:$0x70] =	vst v20  }
0x2cd: {  	[tilespmem:$0x80] =	vst v21  }
0x2ce: {  	v20 =	vmul.f32 v4, v19;
	[tilespmem:$0x90] =	vst v21  }
0x2cf: {  	[tilespmem:$0xA0] =	vst v21  }
0x2d0: {  	[tilespmem:$0xB0] =	vst v21;
	(xrf2) =	vadd.scan.msk.f32 $0xffff, v20  }
0x2d1: {  	[tilespmem:$0xC0] =	vst v21  }
0x2d2: {  	[tilespmem:$0xD0] =	vst v21;
	v20, _, _ =	vpop (xrf2)  }
0x2d3: {  	[tilespmem:$0xE0] =	vst v21;
	v20 =	vbroadcast v20, $0xF  }
0x2d4: {  	[tilespmem:$0xF0] =	vst v21  }
0x2d5: {  	[tilespmem:$0x100] =	vst v20  }
0x2d6: {  	v52 =	vmul.f32 v5, v19;
	[tilespmem:$0x110] =	vst v20  }
0x2d7: {  	[tilespmem:$0x120] =	vst v20  }
0x2d8: {  	(xrf2) =	vadd.scan.msk.f32 $0xffff, v52;
	[tilespmem:$0x130] =	vst v20  }
0x2d9: {  	[tilespmem:$0x140] =	vst v20  }
0x2da: {  	[tilespmem:$0x150] =	vst v20;
	v53, _, _ =	vpop (xrf2)  }
0x2db: {  	[tilespmem:$0x160] =	vst v20;
	v21 =	vbroadcast v53, $0xF  }
0x2dc: {  	[tilespmem:$0x170] =	vst v20  }
0x2dd: {  	[tilespmem:$0x180] =	vst v21  }
0x2de: {  	v20 =	vmul.f32 v6, v19;
	[tilespmem:$0x190] =	vst v21  }
0x2df: {  	[tilespmem:$0x1A0] =	vst v21  }
0x2e0: {  	(xrf2) =	vadd.scan.msk.f32 $0xffff, v20;
	[tilespmem:$0x1B0] =	vst v21  }
0x2e1: {  	[tilespmem:$0x1C0] =	vst v21  }
0x2e2: {  	[tilespmem:$0x1D0] =	vst v21;
	v20, _, _ =	vpop (xrf2)  }
0x2e3: {  	[tilespmem:$0x1E0] =	vst v21;
	v20 =	vbroadcast v20, $0xF  }
0x2e4: {  	[tilespmem:$0x1F0] =	vst v21  }
0x2e5: {  	[tilespmem:$0x200] =	vst v20  }
0x2e6: {  	v54 =	vmul.f32 v7, v19;
	[tilespmem:$0x210] =	vst v20  }
0x2e7: {  	[tilespmem:$0x220] =	vst v20  }
0x2e8: {  	(xrf2) =	vadd.scan.msk.f32 $0xffff, v54;
	[tilespmem:$0x230] =	vst v20  }
0x2e9: {  	[tilespmem:$0x240] =	vst v20  }
0x2ea: {  	[tilespmem:$0x250] =	vst v20;
	v55, _, _ =	vpop (xrf2)  }
0x2eb: {  	[tilespmem:$0x260] =	vst v20;
	v21 =	vbroadcast v55, $0xF  }
0x2ec: {  	[tilespmem:$0x270] =	vst v20  }
0x2ed: {  	[tilespmem:$0x280] =	vst v21  }
0x2ee: {  	v20 =	vmul.f32 v8, v19;
	[tilespmem:$0x290] =	vst v21  }
0x2ef: {  	[tilespmem:$0x2A0] =	vst v21  }
0x2f0: {  	(xrf2) =	vadd.scan.msk.f32 $0xffff, v20;
	[tilespmem:$0x2B0] =	vst v21  }
0x2f1: {  	[tilespmem:$0x2C0] =	vst v21  }
0x2f2: {  	[tilespmem:$0x2D0] =	vst v21;
	v20, _, _ =	vpop (xrf2)  }
0x2f3: {  	[tilespmem:$0x2E0] =	vst v21;
	v20 =	vbroadcast v20, $0xF  }
0x2f4: {  	[tilespmem:$0x2F0] =	vst v21  }
0x2f5: {  	[tilespmem:$0x300] =	vst v20  }
0x2f6: {  	v56 =	vmul.f32 v9, v19;
	[tilespmem:$0x310] =	vst v20  }
0x2f7: {  	[tilespmem:$0x320] =	vst v20  }
0x2f8: {  	(xrf2) =	vadd.scan.msk.f32 $0xffff, v56;
	[tilespmem:$0x330] =	vst v20  }
0x2f9: {  	[tilespmem:$0x340] =	vst v20  }
0x2fa: {  	[tilespmem:$0x350] =	vst v20;
	v57, _, _ =	vpop (xrf2)  }
0x2fb: {  	[tilespmem:$0x360] =	vst v20;
	v21 =	vbroadcast v57, $0xF  }
0x2fc: {  	[tilespmem:$0x370] =	vst v20  }
0x2fd: {  	[tilespmem:$0x380] =	vst v21  }
0x2fe: {  	v20 =	vmul.f32 v10, v19;
	[tilespmem:$0x390] =	vst v21  }
0x2ff: {  	[tilespmem:$0x3A0] =	vst v21  }
0x300: {  	(xrf2) =	vadd.scan.msk.f32 $0xffff, v20;
	[tilespmem:$0x3B0] =	vst v21  }
0x301: {  	[tilespmem:$0x3C0] =	vst v21  }
0x302: {  	[tilespmem:$0x3D0] =	vst v21;
	v20, _, _ =	vpop (xrf2)  }
0x303: {  	[tilespmem:$0x3E0] =	vst v21;
	v20 =	vbroadcast v20, $0xF  }
0x304: {  	[tilespmem:$0x3F0] =	vst v21  }
0x305: {  	[tilespmem:$0x400] =	vst v20  }
0x306: {  	v58 =	vmul.f32 v11, v19;
	[tilespmem:$0x410] =	vst v20  }
0x307: {  	[tilespmem:$0x420] =	vst v20  }
0x308: {  	(xrf2) =	vadd.scan.msk.f32 $0xffff, v58;
	[tilespmem:$0x430] =	vst v20  }
0x309: {  	[tilespmem:$0x440] =	vst v20  }
0x30a: {  	[tilespmem:$0x450] =	vst v20;
	v59, _, _ =	vpop (xrf2)  }
0x30b: {  	[tilespmem:$0x460] =	vst v20;
	v21 =	vbroadcast v59, $0xF  }
0x30c: {  	[tilespmem:$0x470] =	vst v20  }
0x30d: {  	[tilespmem:$0x480] =	vst v21  }
0x30e: {  	v20 =	vmul.f32 v13, v19;
	[tilespmem:$0x490] =	vst v21  }
0x30f: {  	[tilespmem:$0x4A0] =	vst v21  }
0x310: {  	(xrf2) =	vadd.scan.msk.f32 $0xffff, v20;
	[tilespmem:$0x4B0] =	vst v21  }
0x311: {  	[tilespmem:$0x4C0] =	vst v21  }
0x312: {  	[tilespmem:$0x4D0] =	vst v21;
	v20, _, _ =	vpop (xrf2)  }
0x313: {  	[tilespmem:$0x4E0] =	vst v21;
	v20 =	vbroadcast v20, $0xF  }
0x314: {  	[tilespmem:$0x4F0] =	vst v21  }
0x315: {  	[tilespmem:$0x500] =	vst v20  }
0x316: {  	v60 =	vmul.f32 v14, v19;
	[tilespmem:$0x510] =	vst v20  }
0x317: {  	[tilespmem:$0x520] =	vst v20  }
0x318: {  	(xrf2) =	vadd.scan.msk.f32 $0xffff, v60;
	[tilespmem:$0x530] =	vst v20  }
0x319: {  	[tilespmem:$0x540] =	vst v20  }
0x31a: {  	[tilespmem:$0x550] =	vst v20;
	v61, _, _ =	vpop (xrf2)  }
0x31b: {  	[tilespmem:$0x560] =	vst v20;
	v21 =	vbroadcast v61, $0xF  }
0x31c: {  	[tilespmem:$0x570] =	vst v20  }
0x31d: {  	[tilespmem:$0x580] =	vst v21  }
0x31e: {  	v20 =	vmul.f32 v15, v19;
	[tilespmem:$0x590] =	vst v21  }
0x31f: {  	[tilespmem:$0x5A0] =	vst v21  }
0x320: {  	(xrf2) =	vadd.scan.msk.f32 $0xffff, v20;
	[tilespmem:$0x5B0] =	vst v21  }
0x321: {  	[tilespmem:$0x5C0] =	vst v21  }
0x322: {  	[tilespmem:$0x5D0] =	vst v21;
	v20, _, _ =	vpop (xrf2)  }
0x323: {  	[tilespmem:$0x5E0] =	vst v21;
	v20 =	vbroadcast v20, $0xF  }
0x324: {  	[tilespmem:$0x5F0] =	vst v21  }
0x325: {  	[tilespmem:$0x600] =	vst v20  }
0x326: {  	v62 =	vmul.f32 v18, v19;
	[tilespmem:$0x610] =	vst v20  }
0x327: {  	[tilespmem:$0x620] =	vst v20  }
0x328: {  	(xrf2) =	vadd.scan.msk.f32 $0xffff, v62;
	[tilespmem:$0x630] =	vst v20  }
0x329: {  	[tilespmem:$0x640] =	vst v20  }
0x32a: {  	[tilespmem:$0x650] =	vst v20;
	v63, _, _ =	vpop (xrf2)  }
0x32b: {  	[tilespmem:$0x660] =	vst v20;
	v21 =	vbroadcast v63, $0xF  }
0x32c: {  	[tilespmem:$0x670] =	vst v20  }
0x32d: {  	[tilespmem:$0x680] =	vst v21  }
0x32e: {  	v19 =	vmul.f32 v16, v19;
	[tilespmem:$0x690] =	vst v21  }
0x32f: {  	[tilespmem:$0x6A0] =	vst v21  }
0x330: {  	(xrf2) =	vadd.scan.msk.f32 $0xffff, v19;
	[tilespmem:$0x6B0] =	vst v21  }
0x331: {  	[tilespmem:$0x6C0] =	vst v21  }
0x332: {  	[tilespmem:$0x6D0] =	vst v21;
	v19, _, _ =	vpop (xrf2)  }
0x333: {  	[tilespmem:$0x6E0] =	vst v21;
	v19 =	vbroadcast v19, $0xF  }
0x334: {  	[tilespmem:$0x6F0] =	vst v21  }
0x335: {  	[tilespmem:$0x700] =	vst v19  }
0x336: {  	[tilespmem:$0x710] =	vst v19  }
0x337: {  	[tilespmem:$0x720] =	vst v19  }
0x338: {  	[tilespmem:$0x730] =	vst v19  }
0x339: {  	[tilespmem:$0x740] =	vst v19  }
0x33a: {  	[tilespmem:$0x750] =	vst v19;
	v20, _, _ =	vpop (xrf2)  }
0x33b: {  	[tilespmem:$0x760] =	vst v19;
	v20 =	vbroadcast v20, $0xF  }
0x33c: {  	[tilespmem:$0x770] =	vst v19  }
0x33d: {  	[tilespmem:$0x780] =	vst v20  }
0x33e: {  	[tilespmem:$0x790] =	vst v20  }
0x33f: {  	[tilespmem:$0x7A0] =	vst v20  }
0x340: {  	[tilespmem:$0x7B0] =	vst v20  }
0x341: {  	[tilespmem:$0x7C0] =	vst v20  }
0x342: {  	[tilespmem:$0x7D0] =	vst v20  }
0x343: {  	[tilespmem:$0x7E0] =	vst v20  }
.Ltmp10:
0x344: {  	s5 =	rddreg [dreg:$0x9];
	[tilespmem:$0x7F0] =	vst v20;
	(pc) =	sbr.rel .LBB2_13-.Ltmp10, $4  }
0x345: {  	[hbm4b:s5+s3] =	stream.linear.scatter [tilespmem:s3], [sflag:$0x9], $0x800, $0x38;
	[tilespmem:$0x19180] =	vst v63  }
0x346: {  	_ =	swait.ge [sflag:s18], $0x800  }
0x347: {  	[sflag:s18] =	ssyncset.done $0x0  }
0x348: {  	[sflag:s18] =	ssyncadd.s32 $0xFFFFF800  }
.LBB2_14:
0x349: {  	_ =	sfence.sel $0x180000  }
0x34a: {  	[bflag:$0x0] =	sbarrier.arrive $0xFFFF  }
0x34b: {  	_ =	strace $0x90000047  }
0x34c: {  	[bflag:$0x2] =	sbarrier.arrive $0xFFFF  }
0x34d: {  	s0 =	rddreg [dreg:$0x4]  }
0x34e: {  	s0 =	sadd.s32 @!p0 $0x100000, s0  }
0x34f: {  	[sflag:s0] =	ssyncadd.tile.s32 @!p0 $0x1;
	_ =	shalt  }
.Lfunc_end2:
_tile_overlayer_lowered:
.L_overlay_start_2:
0x350: {  	(tag) =	ssettag $0x2  }
0x351: {  	s0 =	rddreg [dreg:$0x0];
	s2 =	stileid.u32  }
0x352: {  	s1 =	rddreg [dreg:$0x1];
	p0 =	sne.s32 s2, $0x0  }
0x353: {  	s3 =	rddreg [dreg:$0x2];
	[bflag:$0x3] =	sbarrier.arrive $0xFFFF;
	s2 =	simm.s32 @!p0 $0x1C09  }
0x354: {  	[timem:s3], [sflag:s2] =	dma.local @!p0 [hbm:s0], s1  }
0x355: {  	s0 =	simm.s32 @!p0 $0x9  }
0x356: {  	_ =	swait.ge @!p0 [sflag:s0], s1  }
0x357: {  	s1 =	ssub.s32 @!p0 $0x0, s1;
	[sflag:s0] =	ssyncset.done @!p0 $0x0  }
0x358: {  	[sflag:s0] =	ssyncadd.s32 @!p0 s1  }
0x359: {  	[bflag:$0x3] =	sbarrier.arrive $0xFFFF  }
0x35a: {  	_ =	shalt  }

</sc_bundles>
